<compile_context>
chip_gen: v7x
topology: tpu7x:2x2x1
jax: 0.10.2.dev20260603
libtpu: 0.0.44.dev20260713+nightly
codegen_flags: <defaults>
</compile_context>

<pallas_src>
import functools

import jax
import jax.numpy as jnp
from jax import lax
from jax.experimental import pallas as pl
from jax.experimental.pallas import tpu as pltpu
from jax.experimental.pallas import tpu_sc as plsc

B = 16384
D = 32
V = 100000
NU = 13
NI = 13
_NF = 1 + NU + NI

_info = plsc.get_sparse_core_info()
_NC, _NS = _info.num_cores, _info.num_subcores
_NW = _NC * _NS
_CHUNK = 2048
_NCHUNK = B // _CHUNK


def _make_feature_runner(idx_hbm, trow_v, idx_v, outc, wsem):
    def do_feature(row_ref, idx_off, out_hbm, obase, first):
        pltpu.sync_copy(row_ref, trow_v)
        pltpu.sync_copy(idx_hbm.at[pl.ds(idx_off, B)], idx_v)
        for c in range(_NCHUNK):
            b = c % 2
            if not first or c >= 2:
                pltpu.make_async_copy(
                    outc[b], out_hbm.at[pl.ds(obase, _CHUNK)],
                    wsem[b]).wait()

            @plsc.parallel_loop(0, _CHUNK // 16, unroll=8)
            def gather_chunk(i, _c=c, _b=b):
                iv = idx_v[pl.ds(_c * _CHUNK + i * 16, 16)]
                outc[_b][pl.ds(i * 16, 16)] = plsc.load_gather(
                    trow_v, [iv])

            pltpu.async_copy(
                outc[b], out_hbm.at[pl.ds(obase + c * _CHUNK, _CHUNK)],
                wsem[b])
    return do_feature


_SC_SCRATCH = [
    pltpu.VMEM((V,), jnp.float32),
    pltpu.VMEM((B,), jnp.int32),
    [pltpu.VMEM((_CHUNK,), jnp.float32) for _ in range(2)],
    [pltpu.SemaphoreType.DMA for _ in range(2)],
]
_SC_PARAMS = pltpu.CompilerParams(use_tc_tiling_on_sc=False,
                                  needs_layout_passes=False)


def _sc_gather_user(age_t, user_t, idx_flat):
    mesh = plsc.VectorSubcoreMesh(core_axis_name="c", subcore_axis_name="s")

    @functools.partial(
        pl.kernel, mesh=mesh, compiler_params=_SC_PARAMS,
        out_type=jax.ShapeDtypeStruct(((1 + NU) * D * B,), jnp.float32),
        scratch_types=_SC_SCRATCH,
    )
    def gather_kernel(age_hbm, u_hbm, idx_hbm, xu_hbm,
                      trow_v, idx_v, outc, wsem):
        d = lax.axis_index("s") * _NC + lax.axis_index("c")
        do_feature = _make_feature_runner(idx_hbm, trow_v, idx_v, outc, wsem)
        do_feature(age_hbm.at[d], 0, xu_hbm, d * B, True)

        def user_body(f, carry):
            do_feature(u_hbm.at[f * D + d], (1 + f) * B,
                       xu_hbm, ((1 + f) * D + d) * B, False)
            return carry

        lax.fori_loop(0, NU, user_body, 0)
        for b in range(2):
            pltpu.make_async_copy(
                outc[b], xu_hbm.at[pl.ds(0, _CHUNK)], wsem[b]).wait()

    return gather_kernel(age_t, user_t, idx_flat)


def _sc_gather_item(item_t, idx_flat):
    mesh = plsc.VectorSubcoreMesh(core_axis_name="c", subcore_axis_name="s")

    @functools.partial(
        pl.kernel, mesh=mesh, compiler_params=_SC_PARAMS,
        out_type=jax.ShapeDtypeStruct((NI * D * B,), jnp.float32),
        scratch_types=_SC_SCRATCH,
    )
    def gather_kernel(i_hbm, idx_hbm, xi_hbm, trow_v, idx_v, outc, wsem):
        d = lax.axis_index("s") * _NC + lax.axis_index("c")
        do_feature = _make_feature_runner(idx_hbm, trow_v, idx_v, outc, wsem)
        do_feature(i_hbm.at[d], (1 + NU) * B, xi_hbm, d * B, True)

        def item_body(f, carry):
            do_feature(i_hbm.at[f * D + d], (1 + NU + f) * B,
                       xi_hbm, (f * D + d) * B, False)
            return carry

        lax.fori_loop(1, NI, item_body, 0)
        for b in range(2):
            pltpu.make_async_copy(
                outc[b], xi_hbm.at[pl.ds(0, _CHUNK)], wsem[b]).wait()

    return gather_kernel(item_t, idx_flat)


_BI = 16


def _mlp_body(xu_ref, xi_ref, uW1t_ref, ub1_ref, uW2t_ref, ub2_ref,
              iW1t_ref, ib1_ref, iW2t_ref, ib2_ref, zu_ref, zi_ref):
    def tower(xs, W1t, b1, W2t, b2):
        h = jnp.maximum(
            jnp.dot(W1t, xs, preferred_element_type=jnp.float32) + b1, 0.0)
        z = jnp.dot(W2t, h, preferred_element_type=jnp.float32) + b2
        n = jnp.sqrt(jnp.sum(z * z, axis=0, keepdims=True))
        return z / jnp.maximum(n, 1e-12)

    for s in range(_BI):
        zu_ref[:, s, :] = tower(xu_ref[:, s, :], uW1t_ref[...],
                                ub1_ref[...], uW2t_ref[...], ub2_ref[...])
        zi_ref[:, s, :] = tower(xi_ref[:, s, :], iW1t_ref[...],
                                ib1_ref[...], iW2t_ref[...], ib2_ref[...])


def _tc_mlp_t(xu3, xi3, uW1t, ub1, uW2t, ub2, iW1t, ib1, iW2t, ib2):
    grid = (B // (128 * _BI),)
    full = lambda shape: pl.BlockSpec(shape, lambda i: (0, 0))
    zu3, zi3 = pl.pallas_call(
        _mlp_body,
        grid=grid,
        compiler_params=pltpu.CompilerParams(
            dimension_semantics=("arbitrary",),
            vmem_limit_bytes=100 * 1024 * 1024,
        ),
        in_specs=[
            pl.BlockSpec(((1 + NU) * D, _BI, 128), lambda i: (0, i, 0)),
            pl.BlockSpec((NI * D, _BI, 128), lambda i: (0, i, 0)),
            full((D, (1 + NU) * D)),
            full((D, 1)),
            full((D, D)),
            full((D, 1)),
            full((D, NI * D)),
            full((D, 1)),
            full((D, D)),
            full((D, 1)),
        ],
        out_specs=[
            pl.BlockSpec((D, _BI, 128), lambda i: (0, i, 0)),
            pl.BlockSpec((D, _BI, 128), lambda i: (0, i, 0)),
        ],
        out_shape=[
            jax.ShapeDtypeStruct((D, B // 128, 128), jnp.float32),
            jax.ShapeDtypeStruct((D, B // 128, 128), jnp.float32),
        ],
    )(xu3, xi3, uW1t, ub1.reshape(D, 1), uW2t, ub2.reshape(D, 1),
      iW1t, ib1.reshape(D, 1), iW2t, ib2.reshape(D, 1))
    return zu3.reshape(D, B).T, zi3.reshape(D, B).T


def kernel(user_feat_batch, item_feat_batch, age_table, user_tables,
           item_tables, uW1, ub1, uW2, ub2, iW1, ib1, iW2, ib2):
    idx_flat = jnp.concatenate(
        [user_feat_batch.T, item_feat_batch.T], axis=0).reshape(-1)
    age_t = age_table.T
    user_t = user_tables.transpose(0, 2, 1).reshape(NU * D, V)
    item_t = item_tables.transpose(0, 2, 1).reshape(NI * D, V)

    xu_flat = _sc_gather_user(age_t, user_t, idx_flat)
    xi_flat = _sc_gather_item(item_t, idx_flat)
    xu3 = xu_flat.reshape((1 + NU) * D, B // 128, 128)
    xi3 = xi_flat.reshape(NI * D, B // 128, 128)
    return _tc_mlp_t(xu3, xi3, uW1.T, ub1, uW2.T, ub2,
                     iW1.T, ib1, iW2.T, ib2)

# --- scband reference (transcript-rebuilt; emitter-appended) ---
"""Pipeline reference for scband-two-tower-39694087749851 (READ-ONLY COPY).

The authoritative reference and input builder live on the scoring server;
editing this copy changes nothing except your own understanding.
"""

import jax, jax.numpy as jnp
import numpy as np

B = 16384
D = 32
V = 100000
NU = 13
NI = 13


def setup_inputs(seed: int = 0):
    key = jax.random.key(seed)
    ks = jax.random.split(key, 12)
    user_feat_batch = jax.random.randint(ks[0], (B, 1 + NU), 0, V, dtype=jnp.int32)
    item_feat_batch = jax.random.randint(ks[1], (B, NI), 0, V, dtype=jnp.int32)
    age_table = jax.random.normal(ks[2], (V, D), dtype=jnp.float32) * 0.02
    user_tables = jax.random.normal(ks[3], (NU, V, D), dtype=jnp.float32) * 0.02
    item_tables = jax.random.normal(ks[4], (NI, V, D), dtype=jnp.float32) * 0.02
    uW1 = jax.random.normal(ks[5], ((1 + NU) * D, D), dtype=jnp.float32) * 0.05
    ub1 = jnp.zeros((D,), dtype=jnp.float32)
    uW2 = jax.random.normal(ks[6], (D, D), dtype=jnp.float32) * 0.05
    ub2 = jnp.zeros((D,), dtype=jnp.float32)
    iW1 = jax.random.normal(ks[7], (NI * D, D), dtype=jnp.float32) * 0.05
    ib1 = jnp.zeros((D,), dtype=jnp.float32)
    iW2 = jax.random.normal(ks[8], (D, D), dtype=jnp.float32) * 0.05
    ib2 = jnp.zeros((D,), dtype=jnp.float32)
    return {"user_feat_batch": user_feat_batch, "item_feat_batch": item_feat_batch, "age_table": age_table, "user_tables": user_tables, "item_tables": item_tables, "uW1": uW1, "ub1": ub1, "uW2": uW2, "ub2": ub2, "iW1": iW1, "ib1": ib1, "iW2": iW2, "ib2": ib2}


def _l2norm(z):
    n = jnp.sqrt(jnp.sum(z * z, axis=1, keepdims=True))
    return z / jnp.maximum(n, 1e-12)


def reference(user_feat_batch, item_feat_batch, age_table, user_tables, item_tables, uW1, ub1, uW2, ub2, iW1, ib1, iW2, ib2):
    parts = [jnp.take(age_table, user_feat_batch[:, 0], axis=0)]
    for j in range(NU):
        parts.append(jnp.take(user_tables[j], user_feat_batch[:, j + 1], axis=0))
    xu = jnp.concatenate(parts, axis=1)
    hu = jnp.maximum(xu @ uW1 + ub1, 0.0)
    zu = _l2norm(hu @ uW2 + ub2)
    parts_i = [jnp.take(item_tables[j], item_feat_batch[:, j], axis=0) for j in range(NI)]
    xi = jnp.concatenate(parts_i, axis=1)
    hi = jnp.maximum(xi @ iW1 + ib1, 0.0)
    zi = _l2norm(hi @ iW2 + ib2)
    return (zu, zi)

if __name__ == "__main__":
    import jax
    _d = setup_inputs()
    print(jax.jit(kernel)(*tuple(_d.values())))

</pallas_src>

<mosaic_0001>
#map = affine_map<(d0, d1) -> (0, 0)>
#map1 = affine_map<(d0, d1) -> (0)>
module attributes {stable_mosaic.version = 14 : i64} {
  func.func @gather_kernel(%arg0: i32, %arg1: i32, %arg2: memref<416x100000xf32, #tpu.memory_space<hbm>>, %arg3: memref<442368xi32, #tpu.memory_space<hbm>>, %arg4: memref<6815744xf32, #tpu.memory_space<hbm>>, %arg5: memref<100000xf32, #tpu.memory_space<vmem>>, %arg6: memref<16384xi32, #tpu.memory_space<vmem>>, %arg7: memref<2048xf32, #tpu.memory_space<vmem>>, %arg8: memref<2048xf32, #tpu.memory_space<vmem>>, %arg9: memref<!tpu.dma_semaphore, #tpu.memory_space<semaphore_mem>>, %arg10: memref<!tpu.dma_semaphore, #tpu.memory_space<semaphore_mem>>) attributes {dimension_semantics = [#tpu.dimension_semantics<core_parallel>, #tpu.dimension_semantics<subcore_parallel>], iteration_bounds = array<i64: 2, 16>, scalar_prefetch = 0 : i64, scratch_operands = 6 : i64, tpu.core_type = #tpu.core_type<sc_vector_subcore>, window_params = [{transform_indices = #map}, {transform_indices = #map1}, {transform_indices = #map1}]} {
    %mul3A = arith.constant 2 : i32
    %mul3A_0 = arith.muli %arg1, %mul3A : i32
    %add3A = arith.addi %mul3A_0, %arg0 : i32
    %mul3A_1 = arith.constant 16384 : i32
    %mul3A_2 = arith.muli %add3A, %mul3A_1 : i32
    "tpu.region"() ({
      %run_scoped3A = tpu.sem_alloc : memref<!tpu.dma_semaphore, #tpu.memory_space<semaphore_mem>>
      %dma_start3A_81 = arith.constant 0 : i32
      %dma_start3A_82 = tpu.memref_slice %arg2[%add3A, %dma_start3A_81] : memref<416x100000xf32, #tpu.memory_space<hbm>> -> memref<1x100000xf32, #tpu.memory_space<hbm>>
      %dma_start3A_83 = tpu.memref_squeeze %dma_start3A_82 : memref<1x100000xf32, #tpu.memory_space<hbm>> -> memref<100000xf32, #tpu.memory_space<hbm>>
      %dma_start3A_84 = arith.constant 0 : i32
      %dma_start3A_85 = tpu.memref_slice %arg2[%add3A, %dma_start3A_84] : memref<416x100000xf32, #tpu.memory_space<hbm>> -> memref<1x100000xf32, #tpu.memory_space<hbm>>
      %dma_start3A_86 = tpu.memref_squeeze %dma_start3A_85 : memref<1x100000xf32, #tpu.memory_space<hbm>> -> memref<100000xf32, #tpu.memory_space<hbm>>
      tpu.enqueue_dma source(%dma_start3A_86 : memref<100000xf32, #tpu.memory_space<hbm>>) target(%arg5 : memref<100000xf32, #tpu.memory_space<vmem>>) target_semaphore(%run_scoped3A : memref<!tpu.dma_semaphore, #tpu.memory_space<semaphore_mem>>)
      %dma_wait3A_87 = arith.constant 0 : i32
      %dma_wait3A_88 = tpu.memref_slice %arg2[%add3A, %dma_wait3A_87] : memref<416x100000xf32, #tpu.memory_space<hbm>> -> memref<1x100000xf32, #tpu.memory_space<hbm>>
      %dma_wait3A_89 = tpu.memref_squeeze %dma_wait3A_88 : memref<1x100000xf32, #tpu.memory_space<hbm>> -> memref<100000xf32, #tpu.memory_space<hbm>>
      %dma_wait3A_90 = arith.constant 0 : i32
      %dma_wait3A_91 = tpu.memref_slice %arg2[%add3A, %dma_wait3A_90] : memref<416x100000xf32, #tpu.memory_space<hbm>> -> memref<1x100000xf32, #tpu.memory_space<hbm>>
      %dma_wait3A_92 = tpu.memref_squeeze %dma_wait3A_91 : memref<1x100000xf32, #tpu.memory_space<hbm>> -> memref<100000xf32, #tpu.memory_space<hbm>>
      tpu.wait_dma2 semaphore(%run_scoped3A : memref<!tpu.dma_semaphore, #tpu.memory_space<semaphore_mem>>) src(%dma_wait3A_92 : memref<100000xf32, #tpu.memory_space<hbm>>) dst(%arg5 : memref<100000xf32, #tpu.memory_space<vmem>>)
      tpu.yield
    }) : () -> ()
    "tpu.region"() ({
      %run_scoped3A = tpu.sem_alloc : memref<!tpu.dma_semaphore, #tpu.memory_space<semaphore_mem>>
      %dma_start3A_81 = arith.constant 229376 : i32
      %dma_start3A_82 = tpu.memref_slice %arg3[%dma_start3A_81] : memref<442368xi32, #tpu.memory_space<hbm>> -> memref<16384xi32, #tpu.memory_space<hbm>>
      %dma_start3A_83 = arith.constant 229376 : i32
      %dma_start3A_84 = tpu.memref_slice %arg3[%dma_start3A_83] : memref<442368xi32, #tpu.memory_space<hbm>> -> memref<16384xi32, #tpu.memory_space<hbm>>
      tpu.enqueue_dma source(%dma_start3A_84 : memref<16384xi32, #tpu.memory_space<hbm>>) target(%arg6 : memref<16384xi32, #tpu.memory_space<vmem>>) target_semaphore(%run_scoped3A : memref<!tpu.dma_semaphore, #tpu.memory_space<semaphore_mem>>)
      %dma_wait3A_85 = arith.constant 229376 : i32
      %dma_wait3A_86 = tpu.memref_slice %arg3[%dma_wait3A_85] : memref<442368xi32, #tpu.memory_space<hbm>> -> memref<16384xi32, #tpu.memory_space<hbm>>
      %dma_wait3A_87 = arith.constant 229376 : i32
      %dma_wait3A_88 = tpu.memref_slice %arg3[%dma_wait3A_87] : memref<442368xi32, #tpu.memory_space<hbm>> -> memref<16384xi32, #tpu.memory_space<hbm>>
      tpu.wait_dma2 semaphore(%run_scoped3A : memref<!tpu.dma_semaphore, #tpu.memory_space<semaphore_mem>>) src(%dma_wait3A_88 : memref<16384xi32, #tpu.memory_space<hbm>>) dst(%arg6 : memref<16384xi32, #tpu.memory_space<vmem>>)
      tpu.yield
    }) : () -> ()
    %parallel_loop3A = arith.constant 0 : i32
    %parallel_loop3A_3 = arith.constant 128 : i32
    %parallel_loop3A_4 = arith.constant 1 : i32
    scf.for %parallel_loop3A_81 = %parallel_loop3A to %parallel_loop3A_3 step %parallel_loop3A_4  : i32 {
      %parallel_loop3A_82 = arith.constant 16 : i32
      %parallel_loop3A_83 = arith.muli %parallel_loop3A_81, %parallel_loop3A_82 : i32
      %parallel_loop3A_84 = arith.constant 0 : i32
      %parallel_loop3A_85 = arith.addi %parallel_loop3A_84, %parallel_loop3A_83 : i32
      %parallel_loop3A_86 = arith.index_cast %parallel_loop3A_85 : i32 to index
      %parallel_loop3A_87 = tpu.vector_load %arg6[%parallel_loop3A_86] {strides = array<i32>} : memref<16384xi32, #tpu.memory_space<vmem>>, vector<16xi32>,
      %parallel_loop3A_88 = tpu.vector_load_idx %arg5[%parallel_loop3A_87] : memref<100000xf32, #tpu.memory_space<vmem>>[vector<16xi32>], vector<16xf32>,
      %parallel_loop3A_89 = arith.constant 16 : i32
      %parallel_loop3A_90 = arith.muli %parallel_loop3A_81, %parallel_loop3A_89 : i32
      %parallel_loop3A_91 = arith.index_cast %parallel_loop3A_90 : i32 to index
      %parallel_loop3A_92 = tpu.vector_load %arg7[%parallel_loop3A_91] {strides = array<i32>} : memref<2048xf32, #tpu.memory_space<vmem>>, vector<16xf32>,
      tpu.vector_store %arg7[%parallel_loop3A_91], %parallel_loop3A_88 {strides = array<i32>} : memref<2048xf32, #tpu.memory_space<vmem>>, vector<16xf32>,
    } {sc.loop_unroll_factor = 8 : i64, sc.parallel_access}
    %add3A_5 = arith.constant 0 : i32
    %add3A_6 = arith.addi %mul3A_2, %add3A_5 : i32
    %dma_start3A = tpu.memref_slice %arg4[%add3A_6] : memref<6815744xf32, #tpu.memory_space<hbm>> -> memref<2048xf32, #tpu.memory_space<hbm>>
    %dma_start3A_7 = tpu.memref_slice %arg4[%add3A_6] : memref<6815744xf32, #tpu.memory_space<hbm>> -> memref<2048xf32, #tpu.memory_space<hbm>>
    tpu.enqueue_dma source(%arg7 : memref<2048xf32, #tpu.memory_space<vmem>>) target(%dma_start3A_7 : memref<2048xf32, #tpu.memory_space<hbm>>) target_semaphore(%arg9 : memref<!tpu.dma_semaphore, #tpu.memory_space<semaphore_mem>>)
    %parallel_loop3A_8 = arith.constant 0 : i32
    %parallel_loop3A_9 = arith.constant 128 : i32
    %parallel_loop3A_10 = arith.constant 1 : i32
    scf.for %parallel_loop3A_81 = %parallel_loop3A_8 to %parallel_loop3A_9 step %parallel_loop3A_10  : i32 {
      %parallel_loop3A_82 = arith.constant 16 : i32
      %parallel_loop3A_83 = arith.muli %parallel_loop3A_81, %parallel_loop3A_82 : i32
      %parallel_loop3A_84 = arith.constant 2048 : i32
      %parallel_loop3A_85 = arith.addi %parallel_loop3A_84, %parallel_loop3A_83 : i32
      %parallel_loop3A_86 = arith.index_cast %parallel_loop3A_85 : i32 to index
      %parallel_loop3A_87 = tpu.vector_load %arg6[%parallel_loop3A_86] {strides = array<i32>} : memref<16384xi32, #tpu.memory_space<vmem>>, vector<16xi32>,
      %parallel_loop3A_88 = tpu.vector_load_idx %arg5[%parallel_loop3A_87] : memref<100000xf32, #tpu.memory_space<vmem>>[vector<16xi32>], vector<16xf32>,
      %parallel_loop3A_89 = arith.constant 16 : i32
      %parallel_loop3A_90 = arith.muli %parallel_loop3A_81, %parallel_loop3A_89 : i32
      %parallel_loop3A_91 = arith.index_cast %parallel_loop3A_90 : i32 to index
      %parallel_loop3A_92 = tpu.vector_load %arg8[%parallel_loop3A_91] {strides = array<i32>} : memref<2048xf32, #tpu.memory_space<vmem>>, vector<16xf32>,
      tpu.vector_store %arg8[%parallel_loop3A_91], %parallel_loop3A_88 {strides = array<i32>} : memref<2048xf32, #tpu.memory_space<vmem>>, vector<16xf32>,
    } {sc.loop_unroll_factor = 8 : i64, sc.parallel_access}
    %add3A_11 = arith.constant 2048 : i32
    %add3A_12 = arith.addi %mul3A_2, %add3A_11 : i32
    %dma_start3A_13 = tpu.memref_slice %arg4[%add3A_12] : memref<6815744xf32, #tpu.memory_space<hbm>> -> memref<2048xf32, #tpu.memory_space<hbm>>
    %dma_start3A_14 = tpu.memref_slice %arg4[%add3A_12] : memref<6815744xf32, #tpu.memory_space<hbm>> -> memref<2048xf32, #tpu.memory_space<hbm>>
    tpu.enqueue_dma source(%arg8 : memref<2048xf32, #tpu.memory_space<vmem>>) target(%dma_start3A_14 : memref<2048xf32, #tpu.memory_space<hbm>>) target_semaphore(%arg10 : memref<!tpu.dma_semaphore, #tpu.memory_space<semaphore_mem>>)
    %dma_wait3A = tpu.memref_slice %arg4[%mul3A_2] : memref<6815744xf32, #tpu.memory_space<hbm>> -> memref<2048xf32, #tpu.memory_space<hbm>>
    %dma_wait3A_15 = tpu.memref_slice %arg4[%mul3A_2] : memref<6815744xf32, #tpu.memory_space<hbm>> -> memref<2048xf32, #tpu.memory_space<hbm>>
    tpu.wait_dma2 semaphore(%arg9 : memref<!tpu.dma_semaphore, #tpu.memory_space<semaphore_mem>>) src(%arg7 : memref<2048xf32, #tpu.memory_space<vmem>>) dst(%dma_wait3A_15 : memref<2048xf32, #tpu.memory_space<hbm>>)
    %parallel_loop3A_16 = arith.constant 0 : i32
    %parallel_loop3A_17 = arith.constant 128 : i32
    %parallel_loop3A_18 = arith.constant 1 : i32
    scf.for %parallel_loop3A_81 = %parallel_loop3A_16 to %parallel_loop3A_17 step %parallel_loop3A_18  : i32 {
      %parallel_loop3A_82 = arith.constant 16 : i32
      %parallel_loop3A_83 = arith.muli %parallel_loop3A_81, %parallel_loop3A_82 : i32
      %parallel_loop3A_84 = arith.constant 4096 : i32
      %parallel_loop3A_85 = arith.addi %parallel_loop3A_84, %parallel_loop3A_83 : i32
      %parallel_loop3A_86 = arith.index_cast %parallel_loop3A_85 : i32 to index
      %parallel_loop3A_87 = tpu.vector_load %arg6[%parallel_loop3A_86] {strides = array<i32>} : memref<16384xi32, #tpu.memory_space<vmem>>, vector<16xi32>,
      %parallel_loop3A_88 = tpu.vector_load_idx %arg5[%parallel_loop3A_87] : memref<100000xf32, #tpu.memory_space<vmem>>[vector<16xi32>], vector<16xf32>,
      %parallel_loop3A_89 = arith.constant 16 : i32
      %parallel_loop3A_90 = arith.muli %parallel_loop3A_81, %parallel_loop3A_89 : i32
      %parallel_loop3A_91 = arith.index_cast %parallel_loop3A_90 : i32 to index
      %parallel_loop3A_92 = tpu.vector_load %arg7[%parallel_loop3A_91] {strides = array<i32>} : memref<2048xf32, #tpu.memory_space<vmem>>, vector<16xf32>,
      tpu.vector_store %arg7[%parallel_loop3A_91], %parallel_loop3A_88 {strides = array<i32>} : memref<2048xf32, #tpu.memory_space<vmem>>, vector<16xf32>,
    } {sc.loop_unroll_factor = 8 : i64, sc.parallel_access}
    %add3A_19 = arith.constant 4096 : i32
    %add3A_20 = arith.addi %mul3A_2, %add3A_19 : i32
    %dma_start3A_21 = tpu.memref_slice %arg4[%add3A_20] : memref<6815744xf32, #tpu.memory_space<hbm>> -> memref<2048xf32, #tpu.memory_space<hbm>>
    %dma_start3A_22 = tpu.memref_slice %arg4[%add3A_20] : memref<6815744xf32, #tpu.memory_space<hbm>> -> memref<2048xf32, #tpu.memory_space<hbm>>
    tpu.enqueue_dma source(%arg7 : memref<2048xf32, #tpu.memory_space<vmem>>) target(%dma_start3A_22 : memref<2048xf32, #tpu.memory_space<hbm>>) target_semaphore(%arg9 : memref<!tpu.dma_semaphore, #tpu.memory_space<semaphore_mem>>)
    %dma_wait3A_23 = tpu.memref_slice %arg4[%mul3A_2] : memref<6815744xf32, #tpu.memory_space<hbm>> -> memref<2048xf32, #tpu.memory_space<hbm>>
    %dma_wait3A_24 = tpu.memref_slice %arg4[%mul3A_2] : memref<6815744xf32, #tpu.memory_space<hbm>> -> memref<2048xf32, #tpu.memory_space<hbm>>
    tpu.wait_dma2 semaphore(%arg10 : memref<!tpu.dma_semaphore, #tpu.memory_space<semaphore_mem>>) src(%arg8 : memref<2048xf32, #tpu.memory_space<vmem>>) dst(%dma_wait3A_24 : memref<2048xf32, #tpu.memory_space<hbm>>)
    %parallel_loop3A_25 = arith.constant 0 : i32
    %parallel_loop3A_26 = arith.constant 128 : i32
    %parallel_loop3A_27 = arith.constant 1 : i32
    scf.for %parallel_loop3A_81 = %parallel_loop3A_25 to %parallel_loop3A_26 step %parallel_loop3A_27  : i32 {
      %parallel_loop3A_82 = arith.constant 16 : i32
      %parallel_loop3A_83 = arith.muli %parallel_loop3A_81, %parallel_loop3A_82 : i32
      %parallel_loop3A_84 = arith.constant 6144 : i32
      %parallel_loop3A_85 = arith.addi %parallel_loop3A_84, %parallel_loop3A_83 : i32
      %parallel_loop3A_86 = arith.index_cast %parallel_loop3A_85 : i32 to index
      %parallel_loop3A_87 = tpu.vector_load %arg6[%parallel_loop3A_86] {strides = array<i32>} : memref<16384xi32, #tpu.memory_space<vmem>>, vector<16xi32>,
      %parallel_loop3A_88 = tpu.vector_load_idx %arg5[%parallel_loop3A_87] : memref<100000xf32, #tpu.memory_space<vmem>>[vector<16xi32>], vector<16xf32>,
      %parallel_loop3A_89 = arith.constant 16 : i32
      %parallel_loop3A_90 = arith.muli %parallel_loop3A_81, %parallel_loop3A_89 : i32
      %parallel_loop3A_91 = arith.index_cast %parallel_loop3A_90 : i32 to index
      %parallel_loop3A_92 = tpu.vector_load %arg8[%parallel_loop3A_91] {strides = array<i32>} : memref<2048xf32, #tpu.memory_space<vmem>>, vector<16xf32>,
      tpu.vector_store %arg8[%parallel_loop3A_91], %parallel_loop3A_88 {strides = array<i32>} : memref<2048xf32, #tpu.memory_space<vmem>>, vector<16xf32>,
    } {sc.loop_unroll_factor = 8 : i64, sc.parallel_access}
    %add3A_28 = arith.constant 6144 : i32
    %add3A_29 = arith.addi %mul3A_2, %add3A_28 : i32
    %dma_start3A_30 = tpu.memref_slice %arg4[%add3A_29] : memref<6815744xf32, #tpu.memory_space<hbm>> -> memref<2048xf32, #tpu.memory_space<hbm>>
    %dma_start3A_31 = tpu.memref_slice %arg4[%add3A_29] : memref<6815744xf32, #tpu.memory_space<hbm>> -> memref<2048xf32, #tpu.memory_space<hbm>>
    tpu.enqueue_dma source(%arg8 : memref<2048xf32, #tpu.memory_space<vmem>>) target(%dma_start3A_31 : memref<2048xf32, #tpu.memory_space<hbm>>) target_semaphore(%arg10 : memref<!tpu.dma_semaphore, #tpu.memory_space<semaphore_mem>>)
    %dma_wait3A_32 = tpu.memref_slice %arg4[%mul3A_2] : memref<6815744xf32, #tpu.memory_space<hbm>> -> memref<2048xf32, #tpu.memory_space<hbm>>
    %dma_wait3A_33 = tpu.memref_slice %arg4[%mul3A_2] : memref<6815744xf32, #tpu.memory_space<hbm>> -> memref<2048xf32, #tpu.memory_space<hbm>>
    tpu.wait_dma2 semaphore(%arg9 : memref<!tpu.dma_semaphore, #tpu.memory_space<semaphore_mem>>) src(%arg7 : memref<2048xf32, #tpu.memory_space<vmem>>) dst(%dma_wait3A_33 : memref<2048xf32, #tpu.memory_space<hbm>>)
    %parallel_loop3A_34 = arith.constant 0 : i32
    %parallel_loop3A_35 = arith.constant 128 : i32
    %parallel_loop3A_36 = arith.constant 1 : i32
    scf.for %parallel_loop3A_81 = %parallel_loop3A_34 to %parallel_loop3A_35 step %parallel_loop3A_36  : i32 {
      %parallel_loop3A_82 = arith.constant 16 : i32
      %parallel_loop3A_83 = arith.muli %parallel_loop3A_81, %parallel_loop3A_82 : i32
      %parallel_loop3A_84 = arith.constant 8192 : i32
      %parallel_loop3A_85 = arith.addi %parallel_loop3A_84, %parallel_loop3A_83 : i32
      %parallel_loop3A_86 = arith.index_cast %parallel_loop3A_85 : i32 to index
      %parallel_loop3A_87 = tpu.vector_load %arg6[%parallel_loop3A_86] {strides = array<i32>} : memref<16384xi32, #tpu.memory_space<vmem>>, vector<16xi32>,
      %parallel_loop3A_88 = tpu.vector_load_idx %arg5[%parallel_loop3A_87] : memref<100000xf32, #tpu.memory_space<vmem>>[vector<16xi32>], vector<16xf32>,
      %parallel_loop3A_89 = arith.constant 16 : i32
      %parallel_loop3A_90 = arith.muli %parallel_loop3A_81, %parallel_loop3A_89 : i32
      %parallel_loop3A_91 = arith.index_cast %parallel_loop3A_90 : i32 to index
      %parallel_loop3A_92 = tpu.vector_load %arg7[%parallel_loop3A_91] {strides = array<i32>} : memref<2048xf32, #tpu.memory_space<vmem>>, vector<16xf32>,
      tpu.vector_store %arg7[%parallel_loop3A_91], %parallel_loop3A_88 {strides = array<i32>} : memref<2048xf32, #tpu.memory_space<vmem>>, vector<16xf32>,
    } {sc.loop_unroll_factor = 8 : i64, sc.parallel_access}
    %add3A_37 = arith.constant 8192 : i32
    %add3A_38 = arith.addi %mul3A_2, %add3A_37 : i32
    %dma_start3A_39 = tpu.memref_slice %arg4[%add3A_38] : memref<6815744xf32, #tpu.memory_space<hbm>> -> memref<2048xf32, #tpu.memory_space<hbm>>
    %dma_start3A_40 = tpu.memref_slice %arg4[%add3A_38] : memref<6815744xf32, #tpu.memory_space<hbm>> -> memref<2048xf32, #tpu.memory_space<hbm>>
    tpu.enqueue_dma source(%arg7 : memref<2048xf32, #tpu.memory_space<vmem>>) target(%dma_start3A_40 : memref<2048xf32, #tpu.memory_space<hbm>>) target_semaphore(%arg9 : memref<!tpu.dma_semaphore, #tpu.memory_space<semaphore_mem>>)
    %dma_wait3A_41 = tpu.memref_slice %arg4[%mul3A_2] : memref<6815744xf32, #tpu.memory_space<hbm>> -> memref<2048xf32, #tpu.memory_space<hbm>>
    %dma_wait3A_42 = tpu.memref_slice %arg4[%mul3A_2] : memref<6815744xf32, #tpu.memory_space<hbm>> -> memref<2048xf32, #tpu.memory_space<hbm>>
    tpu.wait_dma2 semaphore(%arg10 : memref<!tpu.dma_semaphore, #tpu.memory_space<semaphore_mem>>) src(%arg8 : memref<2048xf32, #tpu.memory_space<vmem>>) dst(%dma_wait3A_42 : memref<2048xf32, #tpu.memory_space<hbm>>)
    %parallel_loop3A_43 = arith.constant 0 : i32
    %parallel_loop3A_44 = arith.constant 128 : i32
    %parallel_loop3A_45 = arith.constant 1 : i32
    scf.for %parallel_loop3A_81 = %parallel_loop3A_43 to %parallel_loop3A_44 step %parallel_loop3A_45  : i32 {
      %parallel_loop3A_82 = arith.constant 16 : i32
      %parallel_loop3A_83 = arith.muli %parallel_loop3A_81, %parallel_loop3A_82 : i32
      %parallel_loop3A_84 = arith.constant 10240 : i32
      %parallel_loop3A_85 = arith.addi %parallel_loop3A_84, %parallel_loop3A_83 : i32
      %parallel_loop3A_86 = arith.index_cast %parallel_loop3A_85 : i32 to index
      %parallel_loop3A_87 = tpu.vector_load %arg6[%parallel_loop3A_86] {strides = array<i32>} : memref<16384xi32, #tpu.memory_space<vmem>>, vector<16xi32>,
      %parallel_loop3A_88 = tpu.vector_load_idx %arg5[%parallel_loop3A_87] : memref<100000xf32, #tpu.memory_space<vmem>>[vector<16xi32>], vector<16xf32>,
      %parallel_loop3A_89 = arith.constant 16 : i32
      %parallel_loop3A_90 = arith.muli %parallel_loop3A_81, %parallel_loop3A_89 : i32
      %parallel_loop3A_91 = arith.index_cast %parallel_loop3A_90 : i32 to index
      %parallel_loop3A_92 = tpu.vector_load %arg8[%parallel_loop3A_91] {strides = array<i32>} : memref<2048xf32, #tpu.memory_space<vmem>>, vector<16xf32>,
      tpu.vector_store %arg8[%parallel_loop3A_91], %parallel_loop3A_88 {strides = array<i32>} : memref<2048xf32, #tpu.memory_space<vmem>>, vector<16xf32>,
    } {sc.loop_unroll_factor = 8 : i64, sc.parallel_access}
    %add3A_46 = arith.constant 10240 : i32
    %add3A_47 = arith.addi %mul3A_2, %add3A_46 : i32
    %dma_start3A_48 = tpu.memref_slice %arg4[%add3A_47] : memref<6815744xf32, #tpu.memory_space<hbm>> -> memref<2048xf32, #tpu.memory_space<hbm>>
    %dma_start3A_49 = tpu.memref_slice %arg4[%add3A_47] : memref<6815744xf32, #tpu.memory_space<hbm>> -> memref<2048xf32, #tpu.memory_space<hbm>>
    tpu.enqueue_dma source(%arg8 : memref<2048xf32, #tpu.memory_space<vmem>>) target(%dma_start3A_49 : memref<2048xf32, #tpu.memory_space<hbm>>) target_semaphore(%arg10 : memref<!tpu.dma_semaphore, #tpu.memory_space<semaphore_mem>>)
    %dma_wait3A_50 = tpu.memref_slice %arg4[%mul3A_2] : memref<6815744xf32, #tpu.memory_space<hbm>> -> memref<2048xf32, #tpu.memory_space<hbm>>
    %dma_wait3A_51 = tpu.memref_slice %arg4[%mul3A_2] : memref<6815744xf32, #tpu.memory_space<hbm>> -> memref<2048xf32, #tpu.memory_space<hbm>>
    tpu.wait_dma2 semaphore(%arg9 : memref<!tpu.dma_semaphore, #tpu.memory_space<semaphore_mem>>) src(%arg7 : memref<2048xf32, #tpu.memory_space<vmem>>) dst(%dma_wait3A_51 : memref<2048xf32, #tpu.memory_space<hbm>>)
    %parallel_loop3A_52 = arith.constant 0 : i32
    %parallel_loop3A_53 = arith.constant 128 : i32
    %parallel_loop3A_54 = arith.constant 1 : i32
    scf.for %parallel_loop3A_81 = %parallel_loop3A_52 to %parallel_loop3A_53 step %parallel_loop3A_54  : i32 {
      %parallel_loop3A_82 = arith.constant 16 : i32
      %parallel_loop3A_83 = arith.muli %parallel_loop3A_81, %parallel_loop3A_82 : i32
      %parallel_loop3A_84 = arith.constant 12288 : i32
      %parallel_loop3A_85 = arith.addi %parallel_loop3A_84, %parallel_loop3A_83 : i32
      %parallel_loop3A_86 = arith.index_cast %parallel_loop3A_85 : i32 to index
      %parallel_loop3A_87 = tpu.vector_load %arg6[%parallel_loop3A_86] {strides = array<i32>} : memref<16384xi32, #tpu.memory_space<vmem>>, vector<16xi32>,
      %parallel_loop3A_88 = tpu.vector_load_idx %arg5[%parallel_loop3A_87] : memref<100000xf32, #tpu.memory_space<vmem>>[vector<16xi32>], vector<16xf32>,
      %parallel_loop3A_89 = arith.constant 16 : i32
      %parallel_loop3A_90 = arith.muli %parallel_loop3A_81, %parallel_loop3A_89 : i32
      %parallel_loop3A_91 = arith.index_cast %parallel_loop3A_90 : i32 to index
      %parallel_loop3A_92 = tpu.vector_load %arg7[%parallel_loop3A_91] {strides = array<i32>} : memref<2048xf32, #tpu.memory_space<vmem>>, vector<16xf32>,
      tpu.vector_store %arg7[%parallel_loop3A_91], %parallel_loop3A_88 {strides = array<i32>} : memref<2048xf32, #tpu.memory_space<vmem>>, vector<16xf32>,
    } {sc.loop_unroll_factor = 8 : i64, sc.parallel_access}
    %add3A_55 = arith.constant 12288 : i32
    %add3A_56 = arith.addi %mul3A_2, %add3A_55 : i32
    %dma_start3A_57 = tpu.memref_slice %arg4[%add3A_56] : memref<6815744xf32, #tpu.memory_space<hbm>> -> memref<2048xf32, #tpu.memory_space<hbm>>
    %dma_start3A_58 = tpu.memref_slice %arg4[%add3A_56] : memref<6815744xf32, #tpu.memory_space<hbm>> -> memref<2048xf32, #tpu.memory_space<hbm>>
    tpu.enqueue_dma source(%arg7 : memref<2048xf32, #tpu.memory_space<vmem>>) target(%dma_start3A_58 : memref<2048xf32, #tpu.memory_space<hbm>>) target_semaphore(%arg9 : memref<!tpu.dma_semaphore, #tpu.memory_space<semaphore_mem>>)
    %dma_wait3A_59 = tpu.memref_slice %arg4[%mul3A_2] : memref<6815744xf32, #tpu.memory_space<hbm>> -> memref<2048xf32, #tpu.memory_space<hbm>>
    %dma_wait3A_60 = tpu.memref_slice %arg4[%mul3A_2] : memref<6815744xf32, #tpu.memory_space<hbm>> -> memref<2048xf32, #tpu.memory_space<hbm>>
    tpu.wait_dma2 semaphore(%arg10 : memref<!tpu.dma_semaphore, #tpu.memory_space<semaphore_mem>>) src(%arg8 : memref<2048xf32, #tpu.memory_space<vmem>>) dst(%dma_wait3A_60 : memref<2048xf32, #tpu.memory_space<hbm>>)
    %parallel_loop3A_61 = arith.constant 0 : i32
    %parallel_loop3A_62 = arith.constant 128 : i32
    %parallel_loop3A_63 = arith.constant 1 : i32
    scf.for %parallel_loop3A_81 = %parallel_loop3A_61 to %parallel_loop3A_62 step %parallel_loop3A_63  : i32 {
      %parallel_loop3A_82 = arith.constant 16 : i32
      %parallel_loop3A_83 = arith.muli %parallel_loop3A_81, %parallel_loop3A_82 : i32
      %parallel_loop3A_84 = arith.constant 14336 : i32
      %parallel_loop3A_85 = arith.addi %parallel_loop3A_84, %parallel_loop3A_83 : i32
      %parallel_loop3A_86 = arith.index_cast %parallel_loop3A_85 : i32 to index
      %parallel_loop3A_87 = tpu.vector_load %arg6[%parallel_loop3A_86] {strides = array<i32>} : memref<16384xi32, #tpu.memory_space<vmem>>, vector<16xi32>,
      %parallel_loop3A_88 = tpu.vector_load_idx %arg5[%parallel_loop3A_87] : memref<100000xf32, #tpu.memory_space<vmem>>[vector<16xi32>], vector<16xf32>,
      %parallel_loop3A_89 = arith.constant 16 : i32
      %parallel_loop3A_90 = arith.muli %parallel_loop3A_81, %parallel_loop3A_89 : i32
      %parallel_loop3A_91 = arith.index_cast %parallel_loop3A_90 : i32 to index
      %parallel_loop3A_92 = tpu.vector_load %arg8[%parallel_loop3A_91] {strides = array<i32>} : memref<2048xf32, #tpu.memory_space<vmem>>, vector<16xf32>,
      tpu.vector_store %arg8[%parallel_loop3A_91], %parallel_loop3A_88 {strides = array<i32>} : memref<2048xf32, #tpu.memory_space<vmem>>, vector<16xf32>,
    } {sc.loop_unroll_factor = 8 : i64, sc.parallel_access}
    %add3A_64 = arith.constant 14336 : i32
    %add3A_65 = arith.addi %mul3A_2, %add3A_64 : i32
    %dma_start3A_66 = tpu.memref_slice %arg4[%add3A_65] : memref<6815744xf32, #tpu.memory_space<hbm>> -> memref<2048xf32, #tpu.memory_space<hbm>>
    %dma_start3A_67 = tpu.memref_slice %arg4[%add3A_65] : memref<6815744xf32, #tpu.memory_space<hbm>> -> memref<2048xf32, #tpu.memory_space<hbm>>
    tpu.enqueue_dma source(%arg8 : memref<2048xf32, #tpu.memory_space<vmem>>) target(%dma_start3A_67 : memref<2048xf32, #tpu.memory_space<hbm>>) target_semaphore(%arg10 : memref<!tpu.dma_semaphore, #tpu.memory_space<semaphore_mem>>)
    %scan3A = arith.constant 0 : i32
    %scan3A_68 = arith.constant 1 : i32
    %scan3A_69 = arith.constant 12 : i32
    %scan3A_70 = arith.addi %scan3A_68, %scan3A_69 : i32
    %scan3A_71 = arith.constant 1 : i32
    scf.for %scan3A_81 = %scan3A_68 to %scan3A_70 step %scan3A_71  : i32 {
      %mul3A_82 = arith.constant 32 : i32
      %mul3A_83 = arith.muli %scan3A_81, %mul3A_82 : i32
      %add3A_84 = arith.addi %mul3A_83, %add3A : i32
      %add3A_85 = arith.constant 14 : i32
      %add3A_86 = arith.addi %add3A_85, %scan3A_81 : i32
      %mul3A_87 = arith.constant 16384 : i32
      %mul3A_88 = arith.muli %add3A_86, %mul3A_87 : i32
      %mul3A_89 = arith.constant 32 : i32
      %mul3A_90 = arith.muli %scan3A_81, %mul3A_89 : i32
      %add3A_91 = arith.addi %mul3A_90, %add3A : i32
      %mul3A_92 = arith.constant 16384 : i32
      %mul3A_93 = arith.muli %add3A_91, %mul3A_92 : i32
      "tpu.region"() ({
        %run_scoped3A = tpu.sem_alloc : memref<!tpu.dma_semaphore, #tpu.memory_space<semaphore_mem>>
        %dma_start3A_166 = arith.constant 0 : i32
        %dma_start3A_167 = tpu.memref_slice %arg2[%add3A_84, %dma_start3A_166] : memref<416x100000xf32, #tpu.memory_space<hbm>> -> memref<1x100000xf32, #tpu.memory_space<hbm>>
        %dma_start3A_168 = tpu.memref_squeeze %dma_start3A_167 : memref<1x100000xf32, #tpu.memory_space<hbm>> -> memref<100000xf32, #tpu.memory_space<hbm>>
        %dma_start3A_169 = arith.constant 0 : i32
        %dma_start3A_170 = tpu.memref_slice %arg2[%add3A_84, %dma_start3A_169] : memref<416x100000xf32, #tpu.memory_space<hbm>> -> memref<1x100000xf32, #tpu.memory_space<hbm>>
        %dma_start3A_171 = tpu.memref_squeeze %dma_start3A_170 : memref<1x100000xf32, #tpu.memory_space<hbm>> -> memref<100000xf32, #tpu.memory_space<hbm>>
        tpu.enqueue_dma source(%dma_start3A_171 : memref<100000xf32, #tpu.memory_space<hbm>>) target(%arg5 : memref<100000xf32, #tpu.memory_space<vmem>>) target_semaphore(%run_scoped3A : memref<!tpu.dma_semaphore, #tpu.memory_space<semaphore_mem>>)
        %dma_wait3A_172 = arith.constant 0 : i32
        %dma_wait3A_173 = tpu.memref_slice %arg2[%add3A_84, %dma_wait3A_172] : memref<416x100000xf32, #tpu.memory_space<hbm>> -> memref<1x100000xf32, #tpu.memory_space<hbm>>
        %dma_wait3A_174 = tpu.memref_squeeze %dma_wait3A_173 : memref<1x100000xf32, #tpu.memory_space<hbm>> -> memref<100000xf32, #tpu.memory_space<hbm>>
        %dma_wait3A_175 = arith.constant 0 : i32
        %dma_wait3A_176 = tpu.memref_slice %arg2[%add3A_84, %dma_wait3A_175] : memref<416x100000xf32, #tpu.memory_space<hbm>> -> memref<1x100000xf32, #tpu.memory_space<hbm>>
        %dma_wait3A_177 = tpu.memref_squeeze %dma_wait3A_176 : memref<1x100000xf32, #tpu.memory_space<hbm>> -> memref<100000xf32, #tpu.memory_space<hbm>>
        tpu.wait_dma2 semaphore(%run_scoped3A : memref<!tpu.dma_semaphore, #tpu.memory_space<semaphore_mem>>) src(%dma_wait3A_177 : memref<100000xf32, #tpu.memory_space<hbm>>) dst(%arg5 : memref<100000xf32, #tpu.memory_space<vmem>>)
        tpu.yield
      }) : () -> ()
      "tpu.region"() ({
        %run_scoped3A = tpu.sem_alloc : memref<!tpu.dma_semaphore, #tpu.memory_space<semaphore_mem>>
        %dma_start3A_166 = tpu.memref_slice %arg3[%mul3A_88] : memref<442368xi32, #tpu.memory_space<hbm>> -> memref<16384xi32, #tpu.memory_space<hbm>>
        %dma_start3A_167 = tpu.memref_slice %arg3[%mul3A_88] : memref<442368xi32, #tpu.memory_space<hbm>> -> memref<16384xi32, #tpu.memory_space<hbm>>
        tpu.enqueue_dma source(%dma_start3A_167 : memref<16384xi32, #tpu.memory_space<hbm>>) target(%arg6 : memref<16384xi32, #tpu.memory_space<vmem>>) target_semaphore(%run_scoped3A : memref<!tpu.dma_semaphore, #tpu.memory_space<semaphore_mem>>)
        %dma_wait3A_168 = tpu.memref_slice %arg3[%mul3A_88] : memref<442368xi32, #tpu.memory_space<hbm>> -> memref<16384xi32, #tpu.memory_space<hbm>>
        %dma_wait3A_169 = tpu.memref_slice %arg3[%mul3A_88] : memref<442368xi32, #tpu.memory_space<hbm>> -> memref<16384xi32, #tpu.memory_space<hbm>>
        tpu.wait_dma2 semaphore(%run_scoped3A : memref<!tpu.dma_semaphore, #tpu.memory_space<semaphore_mem>>) src(%dma_wait3A_169 : memref<16384xi32, #tpu.memory_space<hbm>>) dst(%arg6 : memref<16384xi32, #tpu.memory_space<vmem>>)
        tpu.yield
      }) : () -> ()
      %dma_wait3A_94 = tpu.memref_slice %arg4[%mul3A_93] : memref<6815744xf32, #tpu.memory_space<hbm>> -> memref<2048xf32, #tpu.memory_space<hbm>>
      %dma_wait3A_95 = tpu.memref_slice %arg4[%mul3A_93] : memref<6815744xf32, #tpu.memory_space<hbm>> -> memref<2048xf32, #tpu.memory_space<hbm>>
      tpu.wait_dma2 semaphore(%arg9 : memref<!tpu.dma_semaphore, #tpu.memory_space<semaphore_mem>>) src(%arg7 : memref<2048xf32, #tpu.memory_space<vmem>>) dst(%dma_wait3A_95 : memref<2048xf32, #tpu.memory_space<hbm>>)
      %parallel_loop3A_96 = arith.constant 0 : i32
      %parallel_loop3A_97 = arith.constant 128 : i32
      %parallel_loop3A_98 = arith.constant 1 : i32
      scf.for %parallel_loop3A_166 = %parallel_loop3A_96 to %parallel_loop3A_97 step %parallel_loop3A_98  : i32 {
        %parallel_loop3A_167 = arith.constant 16 : i32
        %parallel_loop3A_168 = arith.muli %parallel_loop3A_166, %parallel_loop3A_167 : i32
        %parallel_loop3A_169 = arith.constant 0 : i32
        %parallel_loop3A_170 = arith.addi %parallel_loop3A_169, %parallel_loop3A_168 : i32
        %parallel_loop3A_171 = arith.index_cast %parallel_loop3A_170 : i32 to index
        %parallel_loop3A_172 = tpu.vector_load %arg6[%parallel_loop3A_171] {strides = array<i32>} : memref<16384xi32, #tpu.memory_space<vmem>>, vector<16xi32>,
        %parallel_loop3A_173 = tpu.vector_load_idx %arg5[%parallel_loop3A_172] : memref<100000xf32, #tpu.memory_space<vmem>>[vector<16xi32>], vector<16xf32>,
        %parallel_loop3A_174 = arith.constant 16 : i32
        %parallel_loop3A_175 = arith.muli %parallel_loop3A_166, %parallel_loop3A_174 : i32
        %parallel_loop3A_176 = arith.index_cast %parallel_loop3A_175 : i32 to index
        %parallel_loop3A_177 = tpu.vector_load %arg7[%parallel_loop3A_176] {strides = array<i32>} : memref<2048xf32, #tpu.memory_space<vmem>>, vector<16xf32>,
        tpu.vector_store %arg7[%parallel_loop3A_176], %parallel_loop3A_173 {strides = array<i32>} : memref<2048xf32, #tpu.memory_space<vmem>>, vector<16xf32>,
      } {sc.loop_unroll_factor = 8 : i64, sc.parallel_access}
      %add3A_99 = arith.constant 0 : i32
      %add3A_100 = arith.addi %mul3A_93, %add3A_99 : i32
      %dma_start3A_101 = tpu.memref_slice %arg4[%add3A_100] : memref<6815744xf32, #tpu.memory_space<hbm>> -> memref<2048xf32, #tpu.memory_space<hbm>>
      %dma_start3A_102 = tpu.memref_slice %arg4[%add3A_100] : memref<6815744xf32, #tpu.memory_space<hbm>> -> memref<2048xf32, #tpu.memory_space<hbm>>
      tpu.enqueue_dma source(%arg7 : memref<2048xf32, #tpu.memory_space<vmem>>) target(%dma_start3A_102 : memref<2048xf32, #tpu.memory_space<hbm>>) target_semaphore(%arg9 : memref<!tpu.dma_semaphore, #tpu.memory_space<semaphore_mem>>)
      %dma_wait3A_103 = tpu.memref_slice %arg4[%mul3A_93] : memref<6815744xf32, #tpu.memory_space<hbm>> -> memref<2048xf32, #tpu.memory_space<hbm>>
      %dma_wait3A_104 = tpu.memref_slice %arg4[%mul3A_93] : memref<6815744xf32, #tpu.memory_space<hbm>> -> memref<2048xf32, #tpu.memory_space<hbm>>
      tpu.wait_dma2 semaphore(%arg10 : memref<!tpu.dma_semaphore, #tpu.memory_space<semaphore_mem>>) src(%arg8 : memref<2048xf32, #tpu.memory_space<vmem>>) dst(%dma_wait3A_104 : memref<2048xf32, #tpu.memory_space<hbm>>)
      %parallel_loop3A_105 = arith.constant 0 : i32
      %parallel_loop3A_106 = arith.constant 128 : i32
      %parallel_loop3A_107 = arith.constant 1 : i32
      scf.for %parallel_loop3A_166 = %parallel_loop3A_105 to %parallel_loop3A_106 step %parallel_loop3A_107  : i32 {
        %parallel_loop3A_167 = arith.constant 16 : i32
        %parallel_loop3A_168 = arith.muli %parallel_loop3A_166, %parallel_loop3A_167 : i32
        %parallel_loop3A_169 = arith.constant 2048 : i32
        %parallel_loop3A_170 = arith.addi %parallel_loop3A_169, %parallel_loop3A_168 : i32
        %parallel_loop3A_171 = arith.index_cast %parallel_loop3A_170 : i32 to index
        %parallel_loop3A_172 = tpu.vector_load %arg6[%parallel_loop3A_171] {strides = array<i32>} : memref<16384xi32, #tpu.memory_space<vmem>>, vector<16xi32>,
        %parallel_loop3A_173 = tpu.vector_load_idx %arg5[%parallel_loop3A_172] : memref<100000xf32, #tpu.memory_space<vmem>>[vector<16xi32>], vector<16xf32>,
        %parallel_loop3A_174 = arith.constant 16 : i32
        %parallel_loop3A_175 = arith.muli %parallel_loop3A_166, %parallel_loop3A_174 : i32
        %parallel_loop3A_176 = arith.index_cast %parallel_loop3A_175 : i32 to index
        %parallel_loop3A_177 = tpu.vector_load %arg8[%parallel_loop3A_176] {strides = array<i32>} : memref<2048xf32, #tpu.memory_space<vmem>>, vector<16xf32>,
        tpu.vector_store %arg8[%parallel_loop3A_176], %parallel_loop3A_173 {strides = array<i32>} : memref<2048xf32, #tpu.memory_space<vmem>>, vector<16xf32>,
      } {sc.loop_unroll_factor = 8 : i64, sc.parallel_access}
      %add3A_108 = arith.constant 2048 : i32
      %add3A_109 = arith.addi %mul3A_93, %add3A_108 : i32
      %dma_start3A_110 = tpu.memref_slice %arg4[%add3A_109] : memref<6815744xf32, #tpu.memory_space<hbm>> -> memref<2048xf32, #tpu.memory_space<hbm>>
      %dma_start3A_111 = tpu.memref_slice %arg4[%add3A_109] : memref<6815744xf32, #tpu.memory_space<hbm>> -> memref<2048xf32, #tpu.memory_space<hbm>>
      tpu.enqueue_dma source(%arg8 : memref<2048xf32, #tpu.memory_space<vmem>>) target(%dma_start3A_111 : memref<2048xf32, #tpu.memory_space<hbm>>) target_semaphore(%arg10 : memref<!tpu.dma_semaphore, #tpu.memory_space<semaphore_mem>>)
      %dma_wait3A_112 = tpu.memref_slice %arg4[%mul3A_93] : memref<6815744xf32, #tpu.memory_space<hbm>> -> memref<2048xf32, #tpu.memory_space<hbm>>
      %dma_wait3A_113 = tpu.memref_slice %arg4[%mul3A_93] : memref<6815744xf32, #tpu.memory_space<hbm>> -> memref<2048xf32, #tpu.memory_space<hbm>>
      tpu.wait_dma2 semaphore(%arg9 : memref<!tpu.dma_semaphore, #tpu.memory_space<semaphore_mem>>) src(%arg7 : memref<2048xf32, #tpu.memory_space<vmem>>) dst(%dma_wait3A_113 : memref<2048xf32, #tpu.memory_space<hbm>>)
      %parallel_loop3A_114 = arith.constant 0 : i32
      %parallel_loop3A_115 = arith.constant 128 : i32
      %parallel_loop3A_116 = arith.constant 1 : i32
      scf.for %parallel_loop3A_166 = %parallel_loop3A_114 to %parallel_loop3A_115 step %parallel_loop3A_116  : i32 {
        %parallel_loop3A_167 = arith.constant 16 : i32
        %parallel_loop3A_168 = arith.muli %parallel_loop3A_166, %parallel_loop3A_167 : i32
        %parallel_loop3A_169 = arith.constant 4096 : i32
        %parallel_loop3A_170 = arith.addi %parallel_loop3A_169, %parallel_loop3A_168 : i32
        %parallel_loop3A_171 = arith.index_cast %parallel_loop3A_170 : i32 to index
        %parallel_loop3A_172 = tpu.vector_load %arg6[%parallel_loop3A_171] {strides = array<i32>} : memref<16384xi32, #tpu.memory_space<vmem>>, vector<16xi32>,
        %parallel_loop3A_173 = tpu.vector_load_idx %arg5[%parallel_loop3A_172] : memref<100000xf32, #tpu.memory_space<vmem>>[vector<16xi32>], vector<16xf32>,
        %parallel_loop3A_174 = arith.constant 16 : i32
        %parallel_loop3A_175 = arith.muli %parallel_loop3A_166, %parallel_loop3A_174 : i32
        %parallel_loop3A_176 = arith.index_cast %parallel_loop3A_175 : i32 to index
        %parallel_loop3A_177 = tpu.vector_load %arg7[%parallel_loop3A_176] {strides = array<i32>} : memref<2048xf32, #tpu.memory_space<vmem>>, vector<16xf32>,
        tpu.vector_store %arg7[%parallel_loop3A_176], %parallel_loop3A_173 {strides = array<i32>} : memref<2048xf32, #tpu.memory_space<vmem>>, vector<16xf32>,
      } {sc.loop_unroll_factor = 8 : i64, sc.parallel_access}
      %add3A_117 = arith.constant 4096 : i32
      %add3A_118 = arith.addi %mul3A_93, %add3A_117 : i32
      %dma_start3A_119 = tpu.memref_slice %arg4[%add3A_118] : memref<6815744xf32, #tpu.memory_space<hbm>> -> memref<2048xf32, #tpu.memory_space<hbm>>
      %dma_start3A_120 = tpu.memref_slice %arg4[%add3A_118] : memref<6815744xf32, #tpu.memory_space<hbm>> -> memref<2048xf32, #tpu.memory_space<hbm>>
      tpu.enqueue_dma source(%arg7 : memref<2048xf32, #tpu.memory_space<vmem>>) target(%dma_start3A_120 : memref<2048xf32, #tpu.memory_space<hbm>>) target_semaphore(%arg9 : memref<!tpu.dma_semaphore, #tpu.memory_space<semaphore_mem>>)
      %dma_wait3A_121 = tpu.memref_slice %arg4[%mul3A_93] : memref<6815744xf32, #tpu.memory_space<hbm>> -> memref<2048xf32, #tpu.memory_space<hbm>>
      %dma_wait3A_122 = tpu.memref_slice %arg4[%mul3A_93] : memref<6815744xf32, #tpu.memory_space<hbm>> -> memref<2048xf32, #tpu.memory_space<hbm>>
      tpu.wait_dma2 semaphore(%arg10 : memref<!tpu.dma_semaphore, #tpu.memory_space<semaphore_mem>>) src(%arg8 : memref<2048xf32, #tpu.memory_space<vmem>>) dst(%dma_wait3A_122 : memref<2048xf32, #tpu.memory_space<hbm>>)
      %parallel_loop3A_123 = arith.constant 0 : i32
      %parallel_loop3A_124 = arith.constant 128 : i32
      %parallel_loop3A_125 = arith.constant 1 : i32
      scf.for %parallel_loop3A_166 = %parallel_loop3A_123 to %parallel_loop3A_124 step %parallel_loop3A_125  : i32 {
        %parallel_loop3A_167 = arith.constant 16 : i32
        %parallel_loop3A_168 = arith.muli %parallel_loop3A_166, %parallel_loop3A_167 : i32
        %parallel_loop3A_169 = arith.constant 6144 : i32
        %parallel_loop3A_170 = arith.addi %parallel_loop3A_169, %parallel_loop3A_168 : i32
        %parallel_loop3A_171 = arith.index_cast %parallel_loop3A_170 : i32 to index
        %parallel_loop3A_172 = tpu.vector_load %arg6[%parallel_loop3A_171] {strides = array<i32>} : memref<16384xi32, #tpu.memory_space<vmem>>, vector<16xi32>,
        %parallel_loop3A_173 = tpu.vector_load_idx %arg5[%parallel_loop3A_172] : memref<100000xf32, #tpu.memory_space<vmem>>[vector<16xi32>], vector<16xf32>,
        %parallel_loop3A_174 = arith.constant 16 : i32
        %parallel_loop3A_175 = arith.muli %parallel_loop3A_166, %parallel_loop3A_174 : i32
        %parallel_loop3A_176 = arith.index_cast %parallel_loop3A_175 : i32 to index
        %parallel_loop3A_177 = tpu.vector_load %arg8[%parallel_loop3A_176] {strides = array<i32>} : memref<2048xf32, #tpu.memory_space<vmem>>, vector<16xf32>,
        tpu.vector_store %arg8[%parallel_loop3A_176], %parallel_loop3A_173 {strides = array<i32>} : memref<2048xf32, #tpu.memory_space<vmem>>, vector<16xf32>,
      } {sc.loop_unroll_factor = 8 : i64, sc.parallel_access}
      %add3A_126 = arith.constant 6144 : i32
      %add3A_127 = arith.addi %mul3A_93, %add3A_126 : i32
      %dma_start3A_128 = tpu.memref_slice %arg4[%add3A_127] : memref<6815744xf32, #tpu.memory_space<hbm>> -> memref<2048xf32, #tpu.memory_space<hbm>>
      %dma_start3A_129 = tpu.memref_slice %arg4[%add3A_127] : memref<6815744xf32, #tpu.memory_space<hbm>> -> memref<2048xf32, #tpu.memory_space<hbm>>
      tpu.enqueue_dma source(%arg8 : memref<2048xf32, #tpu.memory_space<vmem>>) target(%dma_start3A_129 : memref<2048xf32, #tpu.memory_space<hbm>>) target_semaphore(%arg10 : memref<!tpu.dma_semaphore, #tpu.memory_space<semaphore_mem>>)
      %dma_wait3A_130 = tpu.memref_slice %arg4[%mul3A_93] : memref<6815744xf32, #tpu.memory_space<hbm>> -> memref<2048xf32, #tpu.memory_space<hbm>>
      %dma_wait3A_131 = tpu.memref_slice %arg4[%mul3A_93] : memref<6815744xf32, #tpu.memory_space<hbm>> -> memref<2048xf32, #tpu.memory_space<hbm>>
      tpu.wait_dma2 semaphore(%arg9 : memref<!tpu.dma_semaphore, #tpu.memory_space<semaphore_mem>>) src(%arg7 : memref<2048xf32, #tpu.memory_space<vmem>>) dst(%dma_wait3A_131 : memref<2048xf32, #tpu.memory_space<hbm>>)
      %parallel_loop3A_132 = arith.constant 0 : i32
      %parallel_loop3A_133 = arith.constant 128 : i32
      %parallel_loop3A_134 = arith.constant 1 : i32
      scf.for %parallel_loop3A_166 = %parallel_loop3A_132 to %parallel_loop3A_133 step %parallel_loop3A_134  : i32 {
        %parallel_loop3A_167 = arith.constant 16 : i32
        %parallel_loop3A_168 = arith.muli %parallel_loop3A_166, %parallel_loop3A_167 : i32
        %parallel_loop3A_169 = arith.constant 8192 : i32
        %parallel_loop3A_170 = arith.addi %parallel_loop3A_169, %parallel_loop3A_168 : i32
        %parallel_loop3A_171 = arith.index_cast %parallel_loop3A_170 : i32 to index
        %parallel_loop3A_172 = tpu.vector_load %arg6[%parallel_loop3A_171] {strides = array<i32>} : memref<16384xi32, #tpu.memory_space<vmem>>, vector<16xi32>,
        %parallel_loop3A_173 = tpu.vector_load_idx %arg5[%parallel_loop3A_172] : memref<100000xf32, #tpu.memory_space<vmem>>[vector<16xi32>], vector<16xf32>,
        %parallel_loop3A_174 = arith.constant 16 : i32
        %parallel_loop3A_175 = arith.muli %parallel_loop3A_166, %parallel_loop3A_174 : i32
        %parallel_loop3A_176 = arith.index_cast %parallel_loop3A_175 : i32 to index
        %parallel_loop3A_177 = tpu.vector_load %arg7[%parallel_loop3A_176] {strides = array<i32>} : memref<2048xf32, #tpu.memory_space<vmem>>, vector<16xf32>,
        tpu.vector_store %arg7[%parallel_loop3A_176], %parallel_loop3A_173 {strides = array<i32>} : memref<2048xf32, #tpu.memory_space<vmem>>, vector<16xf32>,
      } {sc.loop_unroll_factor = 8 : i64, sc.parallel_access}
      %add3A_135 = arith.constant 8192 : i32
      %add3A_136 = arith.addi %mul3A_93, %add3A_135 : i32
      %dma_start3A_137 = tpu.memref_slice %arg4[%add3A_136] : memref<6815744xf32, #tpu.memory_space<hbm>> -> memref<2048xf32, #tpu.memory_space<hbm>>
      %dma_start3A_138 = tpu.memref_slice %arg4[%add3A_136] : memref<6815744xf32, #tpu.memory_space<hbm>> -> memref<2048xf32, #tpu.memory_space<hbm>>
      tpu.enqueue_dma source(%arg7 : memref<2048xf32, #tpu.memory_space<vmem>>) target(%dma_start3A_138 : memref<2048xf32, #tpu.memory_space<hbm>>) target_semaphore(%arg9 : memref<!tpu.dma_semaphore, #tpu.memory_space<semaphore_mem>>)
      %dma_wait3A_139 = tpu.memref_slice %arg4[%mul3A_93] : memref<6815744xf32, #tpu.memory_space<hbm>> -> memref<2048xf32, #tpu.memory_space<hbm>>
      %dma_wait3A_140 = tpu.memref_slice %arg4[%mul3A_93] : memref<6815744xf32, #tpu.memory_space<hbm>> -> memref<2048xf32, #tpu.memory_space<hbm>>
      tpu.wait_dma2 semaphore(%arg10 : memref<!tpu.dma_semaphore, #tpu.memory_space<semaphore_mem>>) src(%arg8 : memref<2048xf32, #tpu.memory_space<vmem>>) dst(%dma_wait3A_140 : memref<2048xf32, #tpu.memory_space<hbm>>)
      %parallel_loop3A_141 = arith.constant 0 : i32
      %parallel_loop3A_142 = arith.constant 128 : i32
      %parallel_loop3A_143 = arith.constant 1 : i32
      scf.for %parallel_loop3A_166 = %parallel_loop3A_141 to %parallel_loop3A_142 step %parallel_loop3A_143  : i32 {
        %parallel_loop3A_167 = arith.constant 16 : i32
        %parallel_loop3A_168 = arith.muli %parallel_loop3A_166, %parallel_loop3A_167 : i32
        %parallel_loop3A_169 = arith.constant 10240 : i32
        %parallel_loop3A_170 = arith.addi %parallel_loop3A_169, %parallel_loop3A_168 : i32
        %parallel_loop3A_171 = arith.index_cast %parallel_loop3A_170 : i32 to index
        %parallel_loop3A_172 = tpu.vector_load %arg6[%parallel_loop3A_171] {strides = array<i32>} : memref<16384xi32, #tpu.memory_space<vmem>>, vector<16xi32>,
        %parallel_loop3A_173 = tpu.vector_load_idx %arg5[%parallel_loop3A_172] : memref<100000xf32, #tpu.memory_space<vmem>>[vector<16xi32>], vector<16xf32>,
        %parallel_loop3A_174 = arith.constant 16 : i32
        %parallel_loop3A_175 = arith.muli %parallel_loop3A_166, %parallel_loop3A_174 : i32
        %parallel_loop3A_176 = arith.index_cast %parallel_loop3A_175 : i32 to index
        %parallel_loop3A_177 = tpu.vector_load %arg8[%parallel_loop3A_176] {strides = array<i32>} : memref<2048xf32, #tpu.memory_space<vmem>>, vector<16xf32>,
        tpu.vector_store %arg8[%parallel_loop3A_176], %parallel_loop3A_173 {strides = array<i32>} : memref<2048xf32, #tpu.memory_space<vmem>>, vector<16xf32>,
      } {sc.loop_unroll_factor = 8 : i64, sc.parallel_access}
      %add3A_144 = arith.constant 10240 : i32
      %add3A_145 = arith.addi %mul3A_93, %add3A_144 : i32
      %dma_start3A_146 = tpu.memref_slice %arg4[%add3A_145] : memref<6815744xf32, #tpu.memory_space<hbm>> -> memref<2048xf32, #tpu.memory_space<hbm>>
      %dma_start3A_147 = tpu.memref_slice %arg4[%add3A_145] : memref<6815744xf32, #tpu.memory_space<hbm>> -> memref<2048xf32, #tpu.memory_space<hbm>>
      tpu.enqueue_dma source(%arg8 : memref<2048xf32, #tpu.memory_space<vmem>>) target(%dma_start3A_147 : memref<2048xf32, #tpu.memory_space<hbm>>) target_semaphore(%arg10 : memref<!tpu.dma_semaphore, #tpu.memory_space<semaphore_mem>>)
      %dma_wait3A_148 = tpu.memref_slice %arg4[%mul3A_93] : memref<6815744xf32, #tpu.memory_space<hbm>> -> memref<2048xf32, #tpu.memory_space<hbm>>
      %dma_wait3A_149 = tpu.memref_slice %arg4[%mul3A_93] : memref<6815744xf32, #tpu.memory_space<hbm>> -> memref<2048xf32, #tpu.memory_space<hbm>>
      tpu.wait_dma2 semaphore(%arg9 : memref<!tpu.dma_semaphore, #tpu.memory_space<semaphore_mem>>) src(%arg7 : memref<2048xf32, #tpu.memory_space<vmem>>) dst(%dma_wait3A_149 : memref<2048xf32, #tpu.memory_space<hbm>>)
      %parallel_loop3A_150 = arith.constant 0 : i32
      %parallel_loop3A_151 = arith.constant 128 : i32
      %parallel_loop3A_152 = arith.constant 1 : i32
      scf.for %parallel_loop3A_166 = %parallel_loop3A_150 to %parallel_loop3A_151 step %parallel_loop3A_152  : i32 {
        %parallel_loop3A_167 = arith.constant 16 : i32
        %parallel_loop3A_168 = arith.muli %parallel_loop3A_166, %parallel_loop3A_167 : i32
        %parallel_loop3A_169 = arith.constant 12288 : i32
        %parallel_loop3A_170 = arith.addi %parallel_loop3A_169, %parallel_loop3A_168 : i32
        %parallel_loop3A_171 = arith.index_cast %parallel_loop3A_170 : i32 to index
        %parallel_loop3A_172 = tpu.vector_load %arg6[%parallel_loop3A_171] {strides = array<i32>} : memref<16384xi32, #tpu.memory_space<vmem>>, vector<16xi32>,
        %parallel_loop3A_173 = tpu.vector_load_idx %arg5[%parallel_loop3A_172] : memref<100000xf32, #tpu.memory_space<vmem>>[vector<16xi32>], vector<16xf32>,
        %parallel_loop3A_174 = arith.constant 16 : i32
        %parallel_loop3A_175 = arith.muli %parallel_loop3A_166, %parallel_loop3A_174 : i32
        %parallel_loop3A_176 = arith.index_cast %parallel_loop3A_175 : i32 to index
        %parallel_loop3A_177 = tpu.vector_load %arg7[%parallel_loop3A_176] {strides = array<i32>} : memref<2048xf32, #tpu.memory_space<vmem>>, vector<16xf32>,
        tpu.vector_store %arg7[%parallel_loop3A_176], %parallel_loop3A_173 {strides = array<i32>} : memref<2048xf32, #tpu.memory_space<vmem>>, vector<16xf32>,
      } {sc.loop_unroll_factor = 8 : i64, sc.parallel_access}
      %add3A_153 = arith.constant 12288 : i32
      %add3A_154 = arith.addi %mul3A_93, %add3A_153 : i32
      %dma_start3A_155 = tpu.memref_slice %arg4[%add3A_154] : memref<6815744xf32, #tpu.memory_space<hbm>> -> memref<2048xf32, #tpu.memory_space<hbm>>
      %dma_start3A_156 = tpu.memref_slice %arg4[%add3A_154] : memref<6815744xf32, #tpu.memory_space<hbm>> -> memref<2048xf32, #tpu.memory_space<hbm>>
      tpu.enqueue_dma source(%arg7 : memref<2048xf32, #tpu.memory_space<vmem>>) target(%dma_start3A_156 : memref<2048xf32, #tpu.memory_space<hbm>>) target_semaphore(%arg9 : memref<!tpu.dma_semaphore, #tpu.memory_space<semaphore_mem>>)
      %dma_wait3A_157 = tpu.memref_slice %arg4[%mul3A_93] : memref<6815744xf32, #tpu.memory_space<hbm>> -> memref<2048xf32, #tpu.memory_space<hbm>>
      %dma_wait3A_158 = tpu.memref_slice %arg4[%mul3A_93] : memref<6815744xf32, #tpu.memory_space<hbm>> -> memref<2048xf32, #tpu.memory_space<hbm>>
      tpu.wait_dma2 semaphore(%arg10 : memref<!tpu.dma_semaphore, #tpu.memory_space<semaphore_mem>>) src(%arg8 : memref<2048xf32, #tpu.memory_space<vmem>>) dst(%dma_wait3A_158 : memref<2048xf32, #tpu.memory_space<hbm>>)
      %parallel_loop3A_159 = arith.constant 0 : i32
      %parallel_loop3A_160 = arith.constant 128 : i32
      %parallel_loop3A_161 = arith.constant 1 : i32
      scf.for %parallel_loop3A_166 = %parallel_loop3A_159 to %parallel_loop3A_160 step %parallel_loop3A_161  : i32 {
        %parallel_loop3A_167 = arith.constant 16 : i32
        %parallel_loop3A_168 = arith.muli %parallel_loop3A_166, %parallel_loop3A_167 : i32
        %parallel_loop3A_169 = arith.constant 14336 : i32
        %parallel_loop3A_170 = arith.addi %parallel_loop3A_169, %parallel_loop3A_168 : i32
        %parallel_loop3A_171 = arith.index_cast %parallel_loop3A_170 : i32 to index
        %parallel_loop3A_172 = tpu.vector_load %arg6[%parallel_loop3A_171] {strides = array<i32>} : memref<16384xi32, #tpu.memory_space<vmem>>, vector<16xi32>,
        %parallel_loop3A_173 = tpu.vector_load_idx %arg5[%parallel_loop3A_172] : memref<100000xf32, #tpu.memory_space<vmem>>[vector<16xi32>], vector<16xf32>,
        %parallel_loop3A_174 = arith.constant 16 : i32
        %parallel_loop3A_175 = arith.muli %parallel_loop3A_166, %parallel_loop3A_174 : i32
        %parallel_loop3A_176 = arith.index_cast %parallel_loop3A_175 : i32 to index
        %parallel_loop3A_177 = tpu.vector_load %arg8[%parallel_loop3A_176] {strides = array<i32>} : memref<2048xf32, #tpu.memory_space<vmem>>, vector<16xf32>,
        tpu.vector_store %arg8[%parallel_loop3A_176], %parallel_loop3A_173 {strides = array<i32>} : memref<2048xf32, #tpu.memory_space<vmem>>, vector<16xf32>,
      } {sc.loop_unroll_factor = 8 : i64, sc.parallel_access}
      %add3A_162 = arith.constant 14336 : i32
      %add3A_163 = arith.addi %mul3A_93, %add3A_162 : i32
      %dma_start3A_164 = tpu.memref_slice %arg4[%add3A_163] : memref<6815744xf32, #tpu.memory_space<hbm>> -> memref<2048xf32, #tpu.memory_space<hbm>>
      %dma_start3A_165 = tpu.memref_slice %arg4[%add3A_163] : memref<6815744xf32, #tpu.memory_space<hbm>> -> memref<2048xf32, #tpu.memory_space<hbm>>
      tpu.enqueue_dma source(%arg8 : memref<2048xf32, #tpu.memory_space<vmem>>) target(%dma_start3A_165 : memref<2048xf32, #tpu.memory_space<hbm>>) target_semaphore(%arg10 : memref<!tpu.dma_semaphore, #tpu.memory_space<semaphore_mem>>)
    }
    %scan3A_72 = arith.constant 12 : i32
    %dma_wait3A_73 = arith.constant 0 : i32
    %dma_wait3A_74 = tpu.memref_slice %arg4[%dma_wait3A_73] : memref<6815744xf32, #tpu.memory_space<hbm>> -> memref<2048xf32, #tpu.memory_space<hbm>>
    %dma_wait3A_75 = arith.constant 0 : i32
    %dma_wait3A_76 = tpu.memref_slice %arg4[%dma_wait3A_75] : memref<6815744xf32, #tpu.memory_space<hbm>> -> memref<2048xf32, #tpu.memory_space<hbm>>
    tpu.wait_dma2 semaphore(%arg9 : memref<!tpu.dma_semaphore, #tpu.memory_space<semaphore_mem>>) src(%arg7 : memref<2048xf32, #tpu.memory_space<vmem>>) dst(%dma_wait3A_76 : memref<2048xf32, #tpu.memory_space<hbm>>)
    %dma_wait3A_77 = arith.constant 0 : i32
    %dma_wait3A_78 = tpu.memref_slice %arg4[%dma_wait3A_77] : memref<6815744xf32, #tpu.memory_space<hbm>> -> memref<2048xf32, #tpu.memory_space<hbm>>
    %dma_wait3A_79 = arith.constant 0 : i32
    %dma_wait3A_80 = tpu.memref_slice %arg4[%dma_wait3A_79] : memref<6815744xf32, #tpu.memory_space<hbm>> -> memref<2048xf32, #tpu.memory_space<hbm>>
    tpu.wait_dma2 semaphore(%arg10 : memref<!tpu.dma_semaphore, #tpu.memory_space<semaphore_mem>>) src(%arg8 : memref<2048xf32, #tpu.memory_space<vmem>>) dst(%dma_wait3A_80 : memref<2048xf32, #tpu.memory_space<hbm>>)
    return
  }
}

#map = affine_map<(d0, d1) -> (0, 0)>
#map1 = affine_map<(d0, d1) -> (0)>
module attributes {stable_mosaic.version = 14 : i64} {
  func.func @gather_kernel(%arg0: i32, %arg1: i32, %arg2: memref<32x100000xf32, #tpu.memory_space<hbm>>, %arg3: memref<416x100000xf32, #tpu.memory_space<hbm>>, %arg4: memref<442368xi32, #tpu.memory_space<hbm>>, %arg5: memref<7340032xf32, #tpu.memory_space<hbm>>, %arg6: memref<100000xf32, #tpu.memory_space<vmem>>, %arg7: memref<16384xi32, #tpu.memory_space<vmem>>, %arg8: memref<2048xf32, #tpu.memory_space<vmem>>, %arg9: memref<2048xf32, #tpu.memory_space<vmem>>, %arg10: memref<!tpu.dma_semaphore, #tpu.memory_space<semaphore_mem>>, %arg11: memref<!tpu.dma_semaphore, #tpu.memory_space<semaphore_mem>>) attributes {dimension_semantics = [#tpu.dimension_semantics<core_parallel>, #tpu.dimension_semantics<subcore_parallel>], iteration_bounds = array<i64: 2, 16>, scalar_prefetch = 0 : i64, scratch_operands = 6 : i64, tpu.core_type = #tpu.core_type<sc_vector_subcore>, window_params = [{transform_indices = #map}, {transform_indices = #map}, {transform_indices = #map1}, {transform_indices = #map1}]} {
    %mul3A = arith.constant 2 : i32
    %mul3A_0 = arith.muli %arg1, %mul3A : i32
    %add3A = arith.addi %mul3A_0, %arg0 : i32
    %mul3A_1 = arith.constant 16384 : i32
    %mul3A_2 = arith.muli %add3A, %mul3A_1 : i32
    "tpu.region"() ({
      %run_scoped3A = tpu.sem_alloc : memref<!tpu.dma_semaphore, #tpu.memory_space<semaphore_mem>>
      %dma_start3A_81 = arith.constant 0 : i32
      %dma_start3A_82 = tpu.memref_slice %arg2[%add3A, %dma_start3A_81] : memref<32x100000xf32, #tpu.memory_space<hbm>> -> memref<1x100000xf32, #tpu.memory_space<hbm>>
      %dma_start3A_83 = tpu.memref_squeeze %dma_start3A_82 : memref<1x100000xf32, #tpu.memory_space<hbm>> -> memref<100000xf32, #tpu.memory_space<hbm>>
      %dma_start3A_84 = arith.constant 0 : i32
      %dma_start3A_85 = tpu.memref_slice %arg2[%add3A, %dma_start3A_84] : memref<32x100000xf32, #tpu.memory_space<hbm>> -> memref<1x100000xf32, #tpu.memory_space<hbm>>
      %dma_start3A_86 = tpu.memref_squeeze %dma_start3A_85 : memref<1x100000xf32, #tpu.memory_space<hbm>> -> memref<100000xf32, #tpu.memory_space<hbm>>
      tpu.enqueue_dma source(%dma_start3A_86 : memref<100000xf32, #tpu.memory_space<hbm>>) target(%arg6 : memref<100000xf32, #tpu.memory_space<vmem>>) target_semaphore(%run_scoped3A : memref<!tpu.dma_semaphore, #tpu.memory_space<semaphore_mem>>)
      %dma_wait3A_87 = arith.constant 0 : i32
      %dma_wait3A_88 = tpu.memref_slice %arg2[%add3A, %dma_wait3A_87] : memref<32x100000xf32, #tpu.memory_space<hbm>> -> memref<1x100000xf32, #tpu.memory_space<hbm>>
      %dma_wait3A_89 = tpu.memref_squeeze %dma_wait3A_88 : memref<1x100000xf32, #tpu.memory_space<hbm>> -> memref<100000xf32, #tpu.memory_space<hbm>>
      %dma_wait3A_90 = arith.constant 0 : i32
      %dma_wait3A_91 = tpu.memref_slice %arg2[%add3A, %dma_wait3A_90] : memref<32x100000xf32, #tpu.memory_space<hbm>> -> memref<1x100000xf32, #tpu.memory_space<hbm>>
      %dma_wait3A_92 = tpu.memref_squeeze %dma_wait3A_91 : memref<1x100000xf32, #tpu.memory_space<hbm>> -> memref<100000xf32, #tpu.memory_space<hbm>>
      tpu.wait_dma2 semaphore(%run_scoped3A : memref<!tpu.dma_semaphore, #tpu.memory_space<semaphore_mem>>) src(%dma_wait3A_92 : memref<100000xf32, #tpu.memory_space<hbm>>) dst(%arg6 : memref<100000xf32, #tpu.memory_space<vmem>>)
      tpu.yield
    }) : () -> ()
    "tpu.region"() ({
      %run_scoped3A = tpu.sem_alloc : memref<!tpu.dma_semaphore, #tpu.memory_space<semaphore_mem>>
      %dma_start3A_81 = arith.constant 0 : i32
      %dma_start3A_82 = tpu.memref_slice %arg4[%dma_start3A_81] : memref<442368xi32, #tpu.memory_space<hbm>> -> memref<16384xi32, #tpu.memory_space<hbm>>
      %dma_start3A_83 = arith.constant 0 : i32
      %dma_start3A_84 = tpu.memref_slice %arg4[%dma_start3A_83] : memref<442368xi32, #tpu.memory_space<hbm>> -> memref<16384xi32, #tpu.memory_space<hbm>>
      tpu.enqueue_dma source(%dma_start3A_84 : memref<16384xi32, #tpu.memory_space<hbm>>) target(%arg7 : memref<16384xi32, #tpu.memory_space<vmem>>) target_semaphore(%run_scoped3A : memref<!tpu.dma_semaphore, #tpu.memory_space<semaphore_mem>>)
      %dma_wait3A_85 = arith.constant 0 : i32
      %dma_wait3A_86 = tpu.memref_slice %arg4[%dma_wait3A_85] : memref<442368xi32, #tpu.memory_space<hbm>> -> memref<16384xi32, #tpu.memory_space<hbm>>
      %dma_wait3A_87 = arith.constant 0 : i32
      %dma_wait3A_88 = tpu.memref_slice %arg4[%dma_wait3A_87] : memref<442368xi32, #tpu.memory_space<hbm>> -> memref<16384xi32, #tpu.memory_space<hbm>>
      tpu.wait_dma2 semaphore(%run_scoped3A : memref<!tpu.dma_semaphore, #tpu.memory_space<semaphore_mem>>) src(%dma_wait3A_88 : memref<16384xi32, #tpu.memory_space<hbm>>) dst(%arg7 : memref<16384xi32, #tpu.memory_space<vmem>>)
      tpu.yield
    }) : () -> ()
    %parallel_loop3A = arith.constant 0 : i32
    %parallel_loop3A_3 = arith.constant 128 : i32
    %parallel_loop3A_4 = arith.constant 1 : i32
    scf.for %parallel_loop3A_81 = %parallel_loop3A to %parallel_loop3A_3 step %parallel_loop3A_4  : i32 {
      %parallel_loop3A_82 = arith.constant 16 : i32
      %parallel_loop3A_83 = arith.muli %parallel_loop3A_81, %parallel_loop3A_82 : i32
      %parallel_loop3A_84 = arith.constant 0 : i32
      %parallel_loop3A_85 = arith.addi %parallel_loop3A_84, %parallel_loop3A_83 : i32
      %parallel_loop3A_86 = arith.index_cast %parallel_loop3A_85 : i32 to index
      %parallel_loop3A_87 = tpu.vector_load %arg7[%parallel_loop3A_86] {strides = array<i32>} : memref<16384xi32, #tpu.memory_space<vmem>>, vector<16xi32>,
      %parallel_loop3A_88 = tpu.vector_load_idx %arg6[%parallel_loop3A_87] : memref<100000xf32, #tpu.memory_space<vmem>>[vector<16xi32>], vector<16xf32>,
      %parallel_loop3A_89 = arith.constant 16 : i32
      %parallel_loop3A_90 = arith.muli %parallel_loop3A_81, %parallel_loop3A_89 : i32
      %parallel_loop3A_91 = arith.index_cast %parallel_loop3A_90 : i32 to index
      %parallel_loop3A_92 = tpu.vector_load %arg8[%parallel_loop3A_91] {strides = array<i32>} : memref<2048xf32, #tpu.memory_space<vmem>>, vector<16xf32>,
      tpu.vector_store %arg8[%parallel_loop3A_91], %parallel_loop3A_88 {strides = array<i32>} : memref<2048xf32, #tpu.memory_space<vmem>>, vector<16xf32>,
    } {sc.loop_unroll_factor = 8 : i64, sc.parallel_access}
    %add3A_5 = arith.constant 0 : i32
    %add3A_6 = arith.addi %mul3A_2, %add3A_5 : i32
    %dma_start3A = tpu.memref_slice %arg5[%add3A_6] : memref<7340032xf32, #tpu.memory_space<hbm>> -> memref<2048xf32, #tpu.memory_space<hbm>>
    %dma_start3A_7 = tpu.memref_slice %arg5[%add3A_6] : memref<7340032xf32, #tpu.memory_space<hbm>> -> memref<2048xf32, #tpu.memory_space<hbm>>
    tpu.enqueue_dma source(%arg8 : memref<2048xf32, #tpu.memory_space<vmem>>) target(%dma_start3A_7 : memref<2048xf32, #tpu.memory_space<hbm>>) target_semaphore(%arg10 : memref<!tpu.dma_semaphore, #tpu.memory_space<semaphore_mem>>)
    %parallel_loop3A_8 = arith.constant 0 : i32
    %parallel_loop3A_9 = arith.constant 128 : i32
    %parallel_loop3A_10 = arith.constant 1 : i32
    scf.for %parallel_loop3A_81 = %parallel_loop3A_8 to %parallel_loop3A_9 step %parallel_loop3A_10  : i32 {
      %parallel_loop3A_82 = arith.constant 16 : i32
      %parallel_loop3A_83 = arith.muli %parallel_loop3A_81, %parallel_loop3A_82 : i32
      %parallel_loop3A_84 = arith.constant 2048 : i32
      %parallel_loop3A_85 = arith.addi %parallel_loop3A_84, %parallel_loop3A_83 : i32
      %parallel_loop3A_86 = arith.index_cast %parallel_loop3A_85 : i32 to index
      %parallel_loop3A_87 = tpu.vector_load %arg7[%parallel_loop3A_86] {strides = array<i32>} : memref<16384xi32, #tpu.memory_space<vmem>>, vector<16xi32>,
      %parallel_loop3A_88 = tpu.vector_load_idx %arg6[%parallel_loop3A_87] : memref<100000xf32, #tpu.memory_space<vmem>>[vector<16xi32>], vector<16xf32>,
      %parallel_loop3A_89 = arith.constant 16 : i32
      %parallel_loop3A_90 = arith.muli %parallel_loop3A_81, %parallel_loop3A_89 : i32
      %parallel_loop3A_91 = arith.index_cast %parallel_loop3A_90 : i32 to index
      %parallel_loop3A_92 = tpu.vector_load %arg9[%parallel_loop3A_91] {strides = array<i32>} : memref<2048xf32, #tpu.memory_space<vmem>>, vector<16xf32>,
      tpu.vector_store %arg9[%parallel_loop3A_91], %parallel_loop3A_88 {strides = array<i32>} : memref<2048xf32, #tpu.memory_space<vmem>>, vector<16xf32>,
    } {sc.loop_unroll_factor = 8 : i64, sc.parallel_access}
    %add3A_11 = arith.constant 2048 : i32
    %add3A_12 = arith.addi %mul3A_2, %add3A_11 : i32
    %dma_start3A_13 = tpu.memref_slice %arg5[%add3A_12] : memref<7340032xf32, #tpu.memory_space<hbm>> -> memref<2048xf32, #tpu.memory_space<hbm>>
    %dma_start3A_14 = tpu.memref_slice %arg5[%add3A_12] : memref<7340032xf32, #tpu.memory_space<hbm>> -> memref<2048xf32, #tpu.memory_space<hbm>>
    tpu.enqueue_dma source(%arg9 : memref<2048xf32, #tpu.memory_space<vmem>>) target(%dma_start3A_14 : memref<2048xf32, #tpu.memory_space<hbm>>) target_semaphore(%arg11 : memref<!tpu.dma_semaphore, #tpu.memory_space<semaphore_mem>>)
    %dma_wait3A = tpu.memref_slice %arg5[%mul3A_2] : memref<7340032xf32, #tpu.memory_space<hbm>> -> memref<2048xf32, #tpu.memory_space<hbm>>
    %dma_wait3A_15 = tpu.memref_slice %arg5[%mul3A_2] : memref<7340032xf32, #tpu.memory_space<hbm>> -> memref<2048xf32, #tpu.memory_space<hbm>>
    tpu.wait_dma2 semaphore(%arg10 : memref<!tpu.dma_semaphore, #tpu.memory_space<semaphore_mem>>) src(%arg8 : memref<2048xf32, #tpu.memory_space<vmem>>) dst(%dma_wait3A_15 : memref<2048xf32, #tpu.memory_space<hbm>>)
    %parallel_loop3A_16 = arith.constant 0 : i32
    %parallel_loop3A_17 = arith.constant 128 : i32
    %parallel_loop3A_18 = arith.constant 1 : i32
    scf.for %parallel_loop3A_81 = %parallel_loop3A_16 to %parallel_loop3A_17 step %parallel_loop3A_18  : i32 {
      %parallel_loop3A_82 = arith.constant 16 : i32
      %parallel_loop3A_83 = arith.muli %parallel_loop3A_81, %parallel_loop3A_82 : i32
      %parallel_loop3A_84 = arith.constant 4096 : i32
      %parallel_loop3A_85 = arith.addi %parallel_loop3A_84, %parallel_loop3A_83 : i32
      %parallel_loop3A_86 = arith.index_cast %parallel_loop3A_85 : i32 to index
      %parallel_loop3A_87 = tpu.vector_load %arg7[%parallel_loop3A_86] {strides = array<i32>} : memref<16384xi32, #tpu.memory_space<vmem>>, vector<16xi32>,
      %parallel_loop3A_88 = tpu.vector_load_idx %arg6[%parallel_loop3A_87] : memref<100000xf32, #tpu.memory_space<vmem>>[vector<16xi32>], vector<16xf32>,
      %parallel_loop3A_89 = arith.constant 16 : i32
      %parallel_loop3A_90 = arith.muli %parallel_loop3A_81, %parallel_loop3A_89 : i32
      %parallel_loop3A_91 = arith.index_cast %parallel_loop3A_90 : i32 to index
      %parallel_loop3A_92 = tpu.vector_load %arg8[%parallel_loop3A_91] {strides = array<i32>} : memref<2048xf32, #tpu.memory_space<vmem>>, vector<16xf32>,
      tpu.vector_store %arg8[%parallel_loop3A_91], %parallel_loop3A_88 {strides = array<i32>} : memref<2048xf32, #tpu.memory_space<vmem>>, vector<16xf32>,
    } {sc.loop_unroll_factor = 8 : i64, sc.parallel_access}
    %add3A_19 = arith.constant 4096 : i32
    %add3A_20 = arith.addi %mul3A_2, %add3A_19 : i32
    %dma_start3A_21 = tpu.memref_slice %arg5[%add3A_20] : memref<7340032xf32, #tpu.memory_space<hbm>> -> memref<2048xf32, #tpu.memory_space<hbm>>
    %dma_start3A_22 = tpu.memref_slice %arg5[%add3A_20] : memref<7340032xf32, #tpu.memory_space<hbm>> -> memref<2048xf32, #tpu.memory_space<hbm>>
    tpu.enqueue_dma source(%arg8 : memref<2048xf32, #tpu.memory_space<vmem>>) target(%dma_start3A_22 : memref<2048xf32, #tpu.memory_space<hbm>>) target_semaphore(%arg10 : memref<!tpu.dma_semaphore, #tpu.memory_space<semaphore_mem>>)
    %dma_wait3A_23 = tpu.memref_slice %arg5[%mul3A_2] : memref<7340032xf32, #tpu.memory_space<hbm>> -> memref<2048xf32, #tpu.memory_space<hbm>>
    %dma_wait3A_24 = tpu.memref_slice %arg5[%mul3A_2] : memref<7340032xf32, #tpu.memory_space<hbm>> -> memref<2048xf32, #tpu.memory_space<hbm>>
    tpu.wait_dma2 semaphore(%arg11 : memref<!tpu.dma_semaphore, #tpu.memory_space<semaphore_mem>>) src(%arg9 : memref<2048xf32, #tpu.memory_space<vmem>>) dst(%dma_wait3A_24 : memref<2048xf32, #tpu.memory_space<hbm>>)
    %parallel_loop3A_25 = arith.constant 0 : i32
    %parallel_loop3A_26 = arith.constant 128 : i32
    %parallel_loop3A_27 = arith.constant 1 : i32
    scf.for %parallel_loop3A_81 = %parallel_loop3A_25 to %parallel_loop3A_26 step %parallel_loop3A_27  : i32 {
      %parallel_loop3A_82 = arith.constant 16 : i32
      %parallel_loop3A_83 = arith.muli %parallel_loop3A_81, %parallel_loop3A_82 : i32
      %parallel_loop3A_84 = arith.constant 6144 : i32
      %parallel_loop3A_85 = arith.addi %parallel_loop3A_84, %parallel_loop3A_83 : i32
      %parallel_loop3A_86 = arith.index_cast %parallel_loop3A_85 : i32 to index
      %parallel_loop3A_87 = tpu.vector_load %arg7[%parallel_loop3A_86] {strides = array<i32>} : memref<16384xi32, #tpu.memory_space<vmem>>, vector<16xi32>,
      %parallel_loop3A_88 = tpu.vector_load_idx %arg6[%parallel_loop3A_87] : memref<100000xf32, #tpu.memory_space<vmem>>[vector<16xi32>], vector<16xf32>,
      %parallel_loop3A_89 = arith.constant 16 : i32
      %parallel_loop3A_90 = arith.muli %parallel_loop3A_81, %parallel_loop3A_89 : i32
      %parallel_loop3A_91 = arith.index_cast %parallel_loop3A_90 : i32 to index
      %parallel_loop3A_92 = tpu.vector_load %arg9[%parallel_loop3A_91] {strides = array<i32>} : memref<2048xf32, #tpu.memory_space<vmem>>, vector<16xf32>,
      tpu.vector_store %arg9[%parallel_loop3A_91], %parallel_loop3A_88 {strides = array<i32>} : memref<2048xf32, #tpu.memory_space<vmem>>, vector<16xf32>,
    } {sc.loop_unroll_factor = 8 : i64, sc.parallel_access}
    %add3A_28 = arith.constant 6144 : i32
    %add3A_29 = arith.addi %mul3A_2, %add3A_28 : i32
    %dma_start3A_30 = tpu.memref_slice %arg5[%add3A_29] : memref<7340032xf32, #tpu.memory_space<hbm>> -> memref<2048xf32, #tpu.memory_space<hbm>>
    %dma_start3A_31 = tpu.memref_slice %arg5[%add3A_29] : memref<7340032xf32, #tpu.memory_space<hbm>> -> memref<2048xf32, #tpu.memory_space<hbm>>
    tpu.enqueue_dma source(%arg9 : memref<2048xf32, #tpu.memory_space<vmem>>) target(%dma_start3A_31 : memref<2048xf32, #tpu.memory_space<hbm>>) target_semaphore(%arg11 : memref<!tpu.dma_semaphore, #tpu.memory_space<semaphore_mem>>)
    %dma_wait3A_32 = tpu.memref_slice %arg5[%mul3A_2] : memref<7340032xf32, #tpu.memory_space<hbm>> -> memref<2048xf32, #tpu.memory_space<hbm>>
    %dma_wait3A_33 = tpu.memref_slice %arg5[%mul3A_2] : memref<7340032xf32, #tpu.memory_space<hbm>> -> memref<2048xf32, #tpu.memory_space<hbm>>
    tpu.wait_dma2 semaphore(%arg10 : memref<!tpu.dma_semaphore, #tpu.memory_space<semaphore_mem>>) src(%arg8 : memref<2048xf32, #tpu.memory_space<vmem>>) dst(%dma_wait3A_33 : memref<2048xf32, #tpu.memory_space<hbm>>)
    %parallel_loop3A_34 = arith.constant 0 : i32
    %parallel_loop3A_35 = arith.constant 128 : i32
    %parallel_loop3A_36 = arith.constant 1 : i32
    scf.for %parallel_loop3A_81 = %parallel_loop3A_34 to %parallel_loop3A_35 step %parallel_loop3A_36  : i32 {
      %parallel_loop3A_82 = arith.constant 16 : i32
      %parallel_loop3A_83 = arith.muli %parallel_loop3A_81, %parallel_loop3A_82 : i32
      %parallel_loop3A_84 = arith.constant 8192 : i32
      %parallel_loop3A_85 = arith.addi %parallel_loop3A_84, %parallel_loop3A_83 : i32
      %parallel_loop3A_86 = arith.index_cast %parallel_loop3A_85 : i32 to index
      %parallel_loop3A_87 = tpu.vector_load %arg7[%parallel_loop3A_86] {strides = array<i32>} : memref<16384xi32, #tpu.memory_space<vmem>>, vector<16xi32>,
      %parallel_loop3A_88 = tpu.vector_load_idx %arg6[%parallel_loop3A_87] : memref<100000xf32, #tpu.memory_space<vmem>>[vector<16xi32>], vector<16xf32>,
      %parallel_loop3A_89 = arith.constant 16 : i32
      %parallel_loop3A_90 = arith.muli %parallel_loop3A_81, %parallel_loop3A_89 : i32
      %parallel_loop3A_91 = arith.index_cast %parallel_loop3A_90 : i32 to index
      %parallel_loop3A_92 = tpu.vector_load %arg8[%parallel_loop3A_91] {strides = array<i32>} : memref<2048xf32, #tpu.memory_space<vmem>>, vector<16xf32>,
      tpu.vector_store %arg8[%parallel_loop3A_91], %parallel_loop3A_88 {strides = array<i32>} : memref<2048xf32, #tpu.memory_space<vmem>>, vector<16xf32>,
    } {sc.loop_unroll_factor = 8 : i64, sc.parallel_access}
    %add3A_37 = arith.constant 8192 : i32
    %add3A_38 = arith.addi %mul3A_2, %add3A_37 : i32
    %dma_start3A_39 = tpu.memref_slice %arg5[%add3A_38] : memref<7340032xf32, #tpu.memory_space<hbm>> -> memref<2048xf32, #tpu.memory_space<hbm>>
    %dma_start3A_40 = tpu.memref_slice %arg5[%add3A_38] : memref<7340032xf32, #tpu.memory_space<hbm>> -> memref<2048xf32, #tpu.memory_space<hbm>>
    tpu.enqueue_dma source(%arg8 : memref<2048xf32, #tpu.memory_space<vmem>>) target(%dma_start3A_40 : memref<2048xf32, #tpu.memory_space<hbm>>) target_semaphore(%arg10 : memref<!tpu.dma_semaphore, #tpu.memory_space<semaphore_mem>>)
    %dma_wait3A_41 = tpu.memref_slice %arg5[%mul3A_2] : memref<7340032xf32, #tpu.memory_space<hbm>> -> memref<2048xf32, #tpu.memory_space<hbm>>
    %dma_wait3A_42 = tpu.memref_slice %arg5[%mul3A_2] : memref<7340032xf32, #tpu.memory_space<hbm>> -> memref<2048xf32, #tpu.memory_space<hbm>>
    tpu.wait_dma2 semaphore(%arg11 : memref<!tpu.dma_semaphore, #tpu.memory_space<semaphore_mem>>) src(%arg9 : memref<2048xf32, #tpu.memory_space<vmem>>) dst(%dma_wait3A_42 : memref<2048xf32, #tpu.memory_space<hbm>>)
    %parallel_loop3A_43 = arith.constant 0 : i32
    %parallel_loop3A_44 = arith.constant 128 : i32
    %parallel_loop3A_45 = arith.constant 1 : i32
    scf.for %parallel_loop3A_81 = %parallel_loop3A_43 to %parallel_loop3A_44 step %parallel_loop3A_45  : i32 {
      %parallel_loop3A_82 = arith.constant 16 : i32
      %parallel_loop3A_83 = arith.muli %parallel_loop3A_81, %parallel_loop3A_82 : i32
      %parallel_loop3A_84 = arith.constant 10240 : i32
      %parallel_loop3A_85 = arith.addi %parallel_loop3A_84, %parallel_loop3A_83 : i32
      %parallel_loop3A_86 = arith.index_cast %parallel_loop3A_85 : i32 to index
      %parallel_loop3A_87 = tpu.vector_load %arg7[%parallel_loop3A_86] {strides = array<i32>} : memref<16384xi32, #tpu.memory_space<vmem>>, vector<16xi32>,
      %parallel_loop3A_88 = tpu.vector_load_idx %arg6[%parallel_loop3A_87] : memref<100000xf32, #tpu.memory_space<vmem>>[vector<16xi32>], vector<16xf32>,
      %parallel_loop3A_89 = arith.constant 16 : i32
      %parallel_loop3A_90 = arith.muli %parallel_loop3A_81, %parallel_loop3A_89 : i32
      %parallel_loop3A_91 = arith.index_cast %parallel_loop3A_90 : i32 to index
      %parallel_loop3A_92 = tpu.vector_load %arg9[%parallel_loop3A_91] {strides = array<i32>} : memref<2048xf32, #tpu.memory_space<vmem>>, vector<16xf32>,
      tpu.vector_store %arg9[%parallel_loop3A_91], %parallel_loop3A_88 {strides = array<i32>} : memref<2048xf32, #tpu.memory_space<vmem>>, vector<16xf32>,
    } {sc.loop_unroll_factor = 8 : i64, sc.parallel_access}
    %add3A_46 = arith.constant 10240 : i32
    %add3A_47 = arith.addi %mul3A_2, %add3A_46 : i32
    %dma_start3A_48 = tpu.memref_slice %arg5[%add3A_47] : memref<7340032xf32, #tpu.memory_space<hbm>> -> memref<2048xf32, #tpu.memory_space<hbm>>
    %dma_start3A_49 = tpu.memref_slice %arg5[%add3A_47] : memref<7340032xf32, #tpu.memory_space<hbm>> -> memref<2048xf32, #tpu.memory_space<hbm>>
    tpu.enqueue_dma source(%arg9 : memref<2048xf32, #tpu.memory_space<vmem>>) target(%dma_start3A_49 : memref<2048xf32, #tpu.memory_space<hbm>>) target_semaphore(%arg11 : memref<!tpu.dma_semaphore, #tpu.memory_space<semaphore_mem>>)
    %dma_wait3A_50 = tpu.memref_slice %arg5[%mul3A_2] : memref<7340032xf32, #tpu.memory_space<hbm>> -> memref<2048xf32, #tpu.memory_space<hbm>>
    %dma_wait3A_51 = tpu.memref_slice %arg5[%mul3A_2] : memref<7340032xf32, #tpu.memory_space<hbm>> -> memref<2048xf32, #tpu.memory_space<hbm>>
    tpu.wait_dma2 semaphore(%arg10 : memref<!tpu.dma_semaphore, #tpu.memory_space<semaphore_mem>>) src(%arg8 : memref<2048xf32, #tpu.memory_space<vmem>>) dst(%dma_wait3A_51 : memref<2048xf32, #tpu.memory_space<hbm>>)
    %parallel_loop3A_52 = arith.constant 0 : i32
    %parallel_loop3A_53 = arith.constant 128 : i32
    %parallel_loop3A_54 = arith.constant 1 : i32
    scf.for %parallel_loop3A_81 = %parallel_loop3A_52 to %parallel_loop3A_53 step %parallel_loop3A_54  : i32 {
      %parallel_loop3A_82 = arith.constant 16 : i32
      %parallel_loop3A_83 = arith.muli %parallel_loop3A_81, %parallel_loop3A_82 : i32
      %parallel_loop3A_84 = arith.constant 12288 : i32
      %parallel_loop3A_85 = arith.addi %parallel_loop3A_84, %parallel_loop3A_83 : i32
      %parallel_loop3A_86 = arith.index_cast %parallel_loop3A_85 : i32 to index
      %parallel_loop3A_87 = tpu.vector_load %arg7[%parallel_loop3A_86] {strides = array<i32>} : memref<16384xi32, #tpu.memory_space<vmem>>, vector<16xi32>,
      %parallel_loop3A_88 = tpu.vector_load_idx %arg6[%parallel_loop3A_87] : memref<100000xf32, #tpu.memory_space<vmem>>[vector<16xi32>], vector<16xf32>,
      %parallel_loop3A_89 = arith.constant 16 : i32
      %parallel_loop3A_90 = arith.muli %parallel_loop3A_81, %parallel_loop3A_89 : i32
      %parallel_loop3A_91 = arith.index_cast %parallel_loop3A_90 : i32 to index
      %parallel_loop3A_92 = tpu.vector_load %arg8[%parallel_loop3A_91] {strides = array<i32>} : memref<2048xf32, #tpu.memory_space<vmem>>, vector<16xf32>,
      tpu.vector_store %arg8[%parallel_loop3A_91], %parallel_loop3A_88 {strides = array<i32>} : memref<2048xf32, #tpu.memory_space<vmem>>, vector<16xf32>,
    } {sc.loop_unroll_factor = 8 : i64, sc.parallel_access}
    %add3A_55 = arith.constant 12288 : i32
    %add3A_56 = arith.addi %mul3A_2, %add3A_55 : i32
    %dma_start3A_57 = tpu.memref_slice %arg5[%add3A_56] : memref<7340032xf32, #tpu.memory_space<hbm>> -> memref<2048xf32, #tpu.memory_space<hbm>>
    %dma_start3A_58 = tpu.memref_slice %arg5[%add3A_56] : memref<7340032xf32, #tpu.memory_space<hbm>> -> memref<2048xf32, #tpu.memory_space<hbm>>
    tpu.enqueue_dma source(%arg8 : memref<2048xf32, #tpu.memory_space<vmem>>) target(%dma_start3A_58 : memref<2048xf32, #tpu.memory_space<hbm>>) target_semaphore(%arg10 : memref<!tpu.dma_semaphore, #tpu.memory_space<semaphore_mem>>)
    %dma_wait3A_59 = tpu.memref_slice %arg5[%mul3A_2] : memref<7340032xf32, #tpu.memory_space<hbm>> -> memref<2048xf32, #tpu.memory_space<hbm>>
    %dma_wait3A_60 = tpu.memref_slice %arg5[%mul3A_2] : memref<7340032xf32, #tpu.memory_space<hbm>> -> memref<2048xf32, #tpu.memory_space<hbm>>
    tpu.wait_dma2 semaphore(%arg11 : memref<!tpu.dma_semaphore, #tpu.memory_space<semaphore_mem>>) src(%arg9 : memref<2048xf32, #tpu.memory_space<vmem>>) dst(%dma_wait3A_60 : memref<2048xf32, #tpu.memory_space<hbm>>)
    %parallel_loop3A_61 = arith.constant 0 : i32
    %parallel_loop3A_62 = arith.constant 128 : i32
    %parallel_loop3A_63 = arith.constant 1 : i32
    scf.for %parallel_loop3A_81 = %parallel_loop3A_61 to %parallel_loop3A_62 step %parallel_loop3A_63  : i32 {
      %parallel_loop3A_82 = arith.constant 16 : i32
      %parallel_loop3A_83 = arith.muli %parallel_loop3A_81, %parallel_loop3A_82 : i32
      %parallel_loop3A_84 = arith.constant 14336 : i32
      %parallel_loop3A_85 = arith.addi %parallel_loop3A_84, %parallel_loop3A_83 : i32
      %parallel_loop3A_86 = arith.index_cast %parallel_loop3A_85 : i32 to index
      %parallel_loop3A_87 = tpu.vector_load %arg7[%parallel_loop3A_86] {strides = array<i32>} : memref<16384xi32, #tpu.memory_space<vmem>>, vector<16xi32>,
      %parallel_loop3A_88 = tpu.vector_load_idx %arg6[%parallel_loop3A_87] : memref<100000xf32, #tpu.memory_space<vmem>>[vector<16xi32>], vector<16xf32>,
      %parallel_loop3A_89 = arith.constant 16 : i32
      %parallel_loop3A_90 = arith.muli %parallel_loop3A_81, %parallel_loop3A_89 : i32
      %parallel_loop3A_91 = arith.index_cast %parallel_loop3A_90 : i32 to index
      %parallel_loop3A_92 = tpu.vector_load %arg9[%parallel_loop3A_91] {strides = array<i32>} : memref<2048xf32, #tpu.memory_space<vmem>>, vector<16xf32>,
      tpu.vector_store %arg9[%parallel_loop3A_91], %parallel_loop3A_88 {strides = array<i32>} : memref<2048xf32, #tpu.memory_space<vmem>>, vector<16xf32>,
    } {sc.loop_unroll_factor = 8 : i64, sc.parallel_access}
    %add3A_64 = arith.constant 14336 : i32
    %add3A_65 = arith.addi %mul3A_2, %add3A_64 : i32
    %dma_start3A_66 = tpu.memref_slice %arg5[%add3A_65] : memref<7340032xf32, #tpu.memory_space<hbm>> -> memref<2048xf32, #tpu.memory_space<hbm>>
    %dma_start3A_67 = tpu.memref_slice %arg5[%add3A_65] : memref<7340032xf32, #tpu.memory_space<hbm>> -> memref<2048xf32, #tpu.memory_space<hbm>>
    tpu.enqueue_dma source(%arg9 : memref<2048xf32, #tpu.memory_space<vmem>>) target(%dma_start3A_67 : memref<2048xf32, #tpu.memory_space<hbm>>) target_semaphore(%arg11 : memref<!tpu.dma_semaphore, #tpu.memory_space<semaphore_mem>>)
    %scan3A = arith.constant 0 : i32
    %scan3A_68 = arith.constant 0 : i32
    %scan3A_69 = arith.constant 13 : i32
    %scan3A_70 = arith.addi %scan3A_68, %scan3A_69 : i32
    %scan3A_71 = arith.constant 1 : i32
    scf.for %scan3A_81 = %scan3A_68 to %scan3A_70 step %scan3A_71  : i32 {
      %mul3A_82 = arith.constant 32 : i32
      %mul3A_83 = arith.muli %scan3A_81, %mul3A_82 : i32
      %add3A_84 = arith.addi %mul3A_83, %add3A : i32
      %add3A_85 = arith.constant 1 : i32
      %add3A_86 = arith.addi %add3A_85, %scan3A_81 : i32
      %mul3A_87 = arith.constant 16384 : i32
      %mul3A_88 = arith.muli %add3A_86, %mul3A_87 : i32
      %add3A_89 = arith.constant 1 : i32
      %add3A_90 = arith.addi %add3A_89, %scan3A_81 : i32
      %mul3A_91 = arith.constant 32 : i32
      %mul3A_92 = arith.muli %add3A_90, %mul3A_91 : i32
      %add3A_93 = arith.addi %mul3A_92, %add3A : i32
      %mul3A_94 = arith.constant 16384 : i32
      %mul3A_95 = arith.muli %add3A_93, %mul3A_94 : i32
      "tpu.region"() ({
        %run_scoped3A = tpu.sem_alloc : memref<!tpu.dma_semaphore, #tpu.memory_space<semaphore_mem>>
        %dma_start3A_168 = arith.constant 0 : i32
        %dma_start3A_169 = tpu.memref_slice %arg3[%add3A_84, %dma_start3A_168] : memref<416x100000xf32, #tpu.memory_space<hbm>> -> memref<1x100000xf32, #tpu.memory_space<hbm>>
        %dma_start3A_170 = tpu.memref_squeeze %dma_start3A_169 : memref<1x100000xf32, #tpu.memory_space<hbm>> -> memref<100000xf32, #tpu.memory_space<hbm>>
        %dma_start3A_171 = arith.constant 0 : i32
        %dma_start3A_172 = tpu.memref_slice %arg3[%add3A_84, %dma_start3A_171] : memref<416x100000xf32, #tpu.memory_space<hbm>> -> memref<1x100000xf32, #tpu.memory_space<hbm>>
        %dma_start3A_173 = tpu.memref_squeeze %dma_start3A_172 : memref<1x100000xf32, #tpu.memory_space<hbm>> -> memref<100000xf32, #tpu.memory_space<hbm>>
        tpu.enqueue_dma source(%dma_start3A_173 : memref<100000xf32, #tpu.memory_space<hbm>>) target(%arg6 : memref<100000xf32, #tpu.memory_space<vmem>>) target_semaphore(%run_scoped3A : memref<!tpu.dma_semaphore, #tpu.memory_space<semaphore_mem>>)
        %dma_wait3A_174 = arith.constant 0 : i32
        %dma_wait3A_175 = tpu.memref_slice %arg3[%add3A_84, %dma_wait3A_174] : memref<416x100000xf32, #tpu.memory_space<hbm>> -> memref<1x100000xf32, #tpu.memory_space<hbm>>
        %dma_wait3A_176 = tpu.memref_squeeze %dma_wait3A_175 : memref<1x100000xf32, #tpu.memory_space<hbm>> -> memref<100000xf32, #tpu.memory_space<hbm>>
        %dma_wait3A_177 = arith.constant 0 : i32
        %dma_wait3A_178 = tpu.memref_slice %arg3[%add3A_84, %dma_wait3A_177] : memref<416x100000xf32, #tpu.memory_space<hbm>> -> memref<1x100000xf32, #tpu.memory_space<hbm>>
        %dma_wait3A_179 = tpu.memref_squeeze %dma_wait3A_178 : memref<1x100000xf32, #tpu.memory_space<hbm>> -> memref<100000xf32, #tpu.memory_space<hbm>>
        tpu.wait_dma2 semaphore(%run_scoped3A : memref<!tpu.dma_semaphore, #tpu.memory_space<semaphore_mem>>) src(%dma_wait3A_179 : memref<100000xf32, #tpu.memory_space<hbm>>) dst(%arg6 : memref<100000xf32, #tpu.memory_space<vmem>>)
        tpu.yield
      }) : () -> ()
      "tpu.region"() ({
        %run_scoped3A = tpu.sem_alloc : memref<!tpu.dma_semaphore, #tpu.memory_space<semaphore_mem>>
        %dma_start3A_168 = tpu.memref_slice %arg4[%mul3A_88] : memref<442368xi32, #tpu.memory_space<hbm>> -> memref<16384xi32, #tpu.memory_space<hbm>>
        %dma_start3A_169 = tpu.memref_slice %arg4[%mul3A_88] : memref<442368xi32, #tpu.memory_space<hbm>> -> memref<16384xi32, #tpu.memory_space<hbm>>
        tpu.enqueue_dma source(%dma_start3A_169 : memref<16384xi32, #tpu.memory_space<hbm>>) target(%arg7 : memref<16384xi32, #tpu.memory_space<vmem>>) target_semaphore(%run_scoped3A : memref<!tpu.dma_semaphore, #tpu.memory_space<semaphore_mem>>)
        %dma_wait3A_170 = tpu.memref_slice %arg4[%mul3A_88] : memref<442368xi32, #tpu.memory_space<hbm>> -> memref<16384xi32, #tpu.memory_space<hbm>>
        %dma_wait3A_171 = tpu.memref_slice %arg4[%mul3A_88] : memref<442368xi32, #tpu.memory_space<hbm>> -> memref<16384xi32, #tpu.memory_space<hbm>>
        tpu.wait_dma2 semaphore(%run_scoped3A : memref<!tpu.dma_semaphore, #tpu.memory_space<semaphore_mem>>) src(%dma_wait3A_171 : memref<16384xi32, #tpu.memory_space<hbm>>) dst(%arg7 : memref<16384xi32, #tpu.memory_space<vmem>>)
        tpu.yield
      }) : () -> ()
      %dma_wait3A_96 = tpu.memref_slice %arg5[%mul3A_95] : memref<7340032xf32, #tpu.memory_space<hbm>> -> memref<2048xf32, #tpu.memory_space<hbm>>
      %dma_wait3A_97 = tpu.memref_slice %arg5[%mul3A_95] : memref<7340032xf32, #tpu.memory_space<hbm>> -> memref<2048xf32, #tpu.memory_space<hbm>>
      tpu.wait_dma2 semaphore(%arg10 : memref<!tpu.dma_semaphore, #tpu.memory_space<semaphore_mem>>) src(%arg8 : memref<2048xf32, #tpu.memory_space<vmem>>) dst(%dma_wait3A_97 : memref<2048xf32, #tpu.memory_space<hbm>>)
      %parallel_loop3A_98 = arith.constant 0 : i32
      %parallel_loop3A_99 = arith.constant 128 : i32
      %parallel_loop3A_100 = arith.constant 1 : i32
      scf.for %parallel_loop3A_168 = %parallel_loop3A_98 to %parallel_loop3A_99 step %parallel_loop3A_100  : i32 {
        %parallel_loop3A_169 = arith.constant 16 : i32
        %parallel_loop3A_170 = arith.muli %parallel_loop3A_168, %parallel_loop3A_169 : i32
        %parallel_loop3A_171 = arith.constant 0 : i32
        %parallel_loop3A_172 = arith.addi %parallel_loop3A_171, %parallel_loop3A_170 : i32
        %parallel_loop3A_173 = arith.index_cast %parallel_loop3A_172 : i32 to index
        %parallel_loop3A_174 = tpu.vector_load %arg7[%parallel_loop3A_173] {strides = array<i32>} : memref<16384xi32, #tpu.memory_space<vmem>>, vector<16xi32>,
        %parallel_loop3A_175 = tpu.vector_load_idx %arg6[%parallel_loop3A_174] : memref<100000xf32, #tpu.memory_space<vmem>>[vector<16xi32>], vector<16xf32>,
        %parallel_loop3A_176 = arith.constant 16 : i32
        %parallel_loop3A_177 = arith.muli %parallel_loop3A_168, %parallel_loop3A_176 : i32
        %parallel_loop3A_178 = arith.index_cast %parallel_loop3A_177 : i32 to index
        %parallel_loop3A_179 = tpu.vector_load %arg8[%parallel_loop3A_178] {strides = array<i32>} : memref<2048xf32, #tpu.memory_space<vmem>>, vector<16xf32>,
        tpu.vector_store %arg8[%parallel_loop3A_178], %parallel_loop3A_175 {strides = array<i32>} : memref<2048xf32, #tpu.memory_space<vmem>>, vector<16xf32>,
      } {sc.loop_unroll_factor = 8 : i64, sc.parallel_access}
      %add3A_101 = arith.constant 0 : i32
      %add3A_102 = arith.addi %mul3A_95, %add3A_101 : i32
      %dma_start3A_103 = tpu.memref_slice %arg5[%add3A_102] : memref<7340032xf32, #tpu.memory_space<hbm>> -> memref<2048xf32, #tpu.memory_space<hbm>>
      %dma_start3A_104 = tpu.memref_slice %arg5[%add3A_102] : memref<7340032xf32, #tpu.memory_space<hbm>> -> memref<2048xf32, #tpu.memory_space<hbm>>
      tpu.enqueue_dma source(%arg8 : memref<2048xf32, #tpu.memory_space<vmem>>) target(%dma_start3A_104 : memref<2048xf32, #tpu.memory_space<hbm>>) target_semaphore(%arg10 : memref<!tpu.dma_semaphore, #tpu.memory_space<semaphore_mem>>)
      %dma_wait3A_105 = tpu.memref_slice %arg5[%mul3A_95] : memref<7340032xf32, #tpu.memory_space<hbm>> -> memref<2048xf32, #tpu.memory_space<hbm>>
      %dma_wait3A_106 = tpu.memref_slice %arg5[%mul3A_95] : memref<7340032xf32, #tpu.memory_space<hbm>> -> memref<2048xf32, #tpu.memory_space<hbm>>
      tpu.wait_dma2 semaphore(%arg11 : memref<!tpu.dma_semaphore, #tpu.memory_space<semaphore_mem>>) src(%arg9 : memref<2048xf32, #tpu.memory_space<vmem>>) dst(%dma_wait3A_106 : memref<2048xf32, #tpu.memory_space<hbm>>)
      %parallel_loop3A_107 = arith.constant 0 : i32
      %parallel_loop3A_108 = arith.constant 128 : i32
      %parallel_loop3A_109 = arith.constant 1 : i32
      scf.for %parallel_loop3A_168 = %parallel_loop3A_107 to %parallel_loop3A_108 step %parallel_loop3A_109  : i32 {
        %parallel_loop3A_169 = arith.constant 16 : i32
        %parallel_loop3A_170 = arith.muli %parallel_loop3A_168, %parallel_loop3A_169 : i32
        %parallel_loop3A_171 = arith.constant 2048 : i32
        %parallel_loop3A_172 = arith.addi %parallel_loop3A_171, %parallel_loop3A_170 : i32
        %parallel_loop3A_173 = arith.index_cast %parallel_loop3A_172 : i32 to index
        %parallel_loop3A_174 = tpu.vector_load %arg7[%parallel_loop3A_173] {strides = array<i32>} : memref<16384xi32, #tpu.memory_space<vmem>>, vector<16xi32>,
        %parallel_loop3A_175 = tpu.vector_load_idx %arg6[%parallel_loop3A_174] : memref<100000xf32, #tpu.memory_space<vmem>>[vector<16xi32>], vector<16xf32>,
        %parallel_loop3A_176 = arith.constant 16 : i32
        %parallel_loop3A_177 = arith.muli %parallel_loop3A_168, %parallel_loop3A_176 : i32
        %parallel_loop3A_178 = arith.index_cast %parallel_loop3A_177 : i32 to index
        %parallel_loop3A_179 = tpu.vector_load %arg9[%parallel_loop3A_178] {strides = array<i32>} : memref<2048xf32, #tpu.memory_space<vmem>>, vector<16xf32>,
        tpu.vector_store %arg9[%parallel_loop3A_178], %parallel_loop3A_175 {strides = array<i32>} : memref<2048xf32, #tpu.memory_space<vmem>>, vector<16xf32>,
      } {sc.loop_unroll_factor = 8 : i64, sc.parallel_access}
      %add3A_110 = arith.constant 2048 : i32
      %add3A_111 = arith.addi %mul3A_95, %add3A_110 : i32
      %dma_start3A_112 = tpu.memref_slice %arg5[%add3A_111] : memref<7340032xf32, #tpu.memory_space<hbm>> -> memref<2048xf32, #tpu.memory_space<hbm>>
      %dma_start3A_113 = tpu.memref_slice %arg5[%add3A_111] : memref<7340032xf32, #tpu.memory_space<hbm>> -> memref<2048xf32, #tpu.memory_space<hbm>>
      tpu.enqueue_dma source(%arg9 : memref<2048xf32, #tpu.memory_space<vmem>>) target(%dma_start3A_113 : memref<2048xf32, #tpu.memory_space<hbm>>) target_semaphore(%arg11 : memref<!tpu.dma_semaphore, #tpu.memory_space<semaphore_mem>>)
      %dma_wait3A_114 = tpu.memref_slice %arg5[%mul3A_95] : memref<7340032xf32, #tpu.memory_space<hbm>> -> memref<2048xf32, #tpu.memory_space<hbm>>
      %dma_wait3A_115 = tpu.memref_slice %arg5[%mul3A_95] : memref<7340032xf32, #tpu.memory_space<hbm>> -> memref<2048xf32, #tpu.memory_space<hbm>>
      tpu.wait_dma2 semaphore(%arg10 : memref<!tpu.dma_semaphore, #tpu.memory_space<semaphore_mem>>) src(%arg8 : memref<2048xf32, #tpu.memory_space<vmem>>) dst(%dma_wait3A_115 : memref<2048xf32, #tpu.memory_space<hbm>>)
      %parallel_loop3A_116 = arith.constant 0 : i32
      %parallel_loop3A_117 = arith.constant 128 : i32
      %parallel_loop3A_118 = arith.constant 1 : i32
      scf.for %parallel_loop3A_168 = %parallel_loop3A_116 to %parallel_loop3A_117 step %parallel_loop3A_118  : i32 {
        %parallel_loop3A_169 = arith.constant 16 : i32
        %parallel_loop3A_170 = arith.muli %parallel_loop3A_168, %parallel_loop3A_169 : i32
        %parallel_loop3A_171 = arith.constant 4096 : i32
        %parallel_loop3A_172 = arith.addi %parallel_loop3A_171, %parallel_loop3A_170 : i32
        %parallel_loop3A_173 = arith.index_cast %parallel_loop3A_172 : i32 to index
        %parallel_loop3A_174 = tpu.vector_load %arg7[%parallel_loop3A_173] {strides = array<i32>} : memref<16384xi32, #tpu.memory_space<vmem>>, vector<16xi32>,
        %parallel_loop3A_175 = tpu.vector_load_idx %arg6[%parallel_loop3A_174] : memref<100000xf32, #tpu.memory_space<vmem>>[vector<16xi32>], vector<16xf32>,
        %parallel_loop3A_176 = arith.constant 16 : i32
        %parallel_loop3A_177 = arith.muli %parallel_loop3A_168, %parallel_loop3A_176 : i32
        %parallel_loop3A_178 = arith.index_cast %parallel_loop3A_177 : i32 to index
        %parallel_loop3A_179 = tpu.vector_load %arg8[%parallel_loop3A_178] {strides = array<i32>} : memref<2048xf32, #tpu.memory_space<vmem>>, vector<16xf32>,
        tpu.vector_store %arg8[%parallel_loop3A_178], %parallel_loop3A_175 {strides = array<i32>} : memref<2048xf32, #tpu.memory_space<vmem>>, vector<16xf32>,
      } {sc.loop_unroll_factor = 8 : i64, sc.parallel_access}
      %add3A_119 = arith.constant 4096 : i32
      %add3A_120 = arith.addi %mul3A_95, %add3A_119 : i32
      %dma_start3A_121 = tpu.memref_slice %arg5[%add3A_120] : memref<7340032xf32, #tpu.memory_space<hbm>> -> memref<2048xf32, #tpu.memory_space<hbm>>
      %dma_start3A_122 = tpu.memref_slice %arg5[%add3A_120] : memref<7340032xf32, #tpu.memory_space<hbm>> -> memref<2048xf32, #tpu.memory_space<hbm>>
      tpu.enqueue_dma source(%arg8 : memref<2048xf32, #tpu.memory_space<vmem>>) target(%dma_start3A_122 : memref<2048xf32, #tpu.memory_space<hbm>>) target_semaphore(%arg10 : memref<!tpu.dma_semaphore, #tpu.memory_space<semaphore_mem>>)
      %dma_wait3A_123 = tpu.memref_slice %arg5[%mul3A_95] : memref<7340032xf32, #tpu.memory_space<hbm>> -> memref<2048xf32, #tpu.memory_space<hbm>>
      %dma_wait3A_124 = tpu.memref_slice %arg5[%mul3A_95] : memref<7340032xf32, #tpu.memory_space<hbm>> -> memref<2048xf32, #tpu.memory_space<hbm>>
      tpu.wait_dma2 semaphore(%arg11 : memref<!tpu.dma_semaphore, #tpu.memory_space<semaphore_mem>>) src(%arg9 : memref<2048xf32, #tpu.memory_space<vmem>>) dst(%dma_wait3A_124 : memref<2048xf32, #tpu.memory_space<hbm>>)
      %parallel_loop3A_125 = arith.constant 0 : i32
      %parallel_loop3A_126 = arith.constant 128 : i32
      %parallel_loop3A_127 = arith.constant 1 : i32
      scf.for %parallel_loop3A_168 = %parallel_loop3A_125 to %parallel_loop3A_126 step %parallel_loop3A_127  : i32 {
        %parallel_loop3A_169 = arith.constant 16 : i32
        %parallel_loop3A_170 = arith.muli %parallel_loop3A_168, %parallel_loop3A_169 : i32
        %parallel_loop3A_171 = arith.constant 6144 : i32
        %parallel_loop3A_172 = arith.addi %parallel_loop3A_171, %parallel_loop3A_170 : i32
        %parallel_loop3A_173 = arith.index_cast %parallel_loop3A_172 : i32 to index
        %parallel_loop3A_174 = tpu.vector_load %arg7[%parallel_loop3A_173] {strides = array<i32>} : memref<16384xi32, #tpu.memory_space<vmem>>, vector<16xi32>,
        %parallel_loop3A_175 = tpu.vector_load_idx %arg6[%parallel_loop3A_174] : memref<100000xf32, #tpu.memory_space<vmem>>[vector<16xi32>], vector<16xf32>,
        %parallel_loop3A_176 = arith.constant 16 : i32
        %parallel_loop3A_177 = arith.muli %parallel_loop3A_168, %parallel_loop3A_176 : i32
        %parallel_loop3A_178 = arith.index_cast %parallel_loop3A_177 : i32 to index
        %parallel_loop3A_179 = tpu.vector_load %arg9[%parallel_loop3A_178] {strides = array<i32>} : memref<2048xf32, #tpu.memory_space<vmem>>, vector<16xf32>,
        tpu.vector_store %arg9[%parallel_loop3A_178], %parallel_loop3A_175 {strides = array<i32>} : memref<2048xf32, #tpu.memory_space<vmem>>, vector<16xf32>,
      } {sc.loop_unroll_factor = 8 : i64, sc.parallel_access}
      %add3A_128 = arith.constant 6144 : i32
      %add3A_129 = arith.addi %mul3A_95, %add3A_128 : i32
      %dma_start3A_130 = tpu.memref_slice %arg5[%add3A_129] : memref<7340032xf32, #tpu.memory_space<hbm>> -> memref<2048xf32, #tpu.memory_space<hbm>>
      %dma_start3A_131 = tpu.memref_slice %arg5[%add3A_129] : memref<7340032xf32, #tpu.memory_space<hbm>> -> memref<2048xf32, #tpu.memory_space<hbm>>
      tpu.enqueue_dma source(%arg9 : memref<2048xf32, #tpu.memory_space<vmem>>) target(%dma_start3A_131 : memref<2048xf32, #tpu.memory_space<hbm>>) target_semaphore(%arg11 : memref<!tpu.dma_semaphore, #tpu.memory_space<semaphore_mem>>)
      %dma_wait3A_132 = tpu.memref_slice %arg5[%mul3A_95] : memref<7340032xf32, #tpu.memory_space<hbm>> -> memref<2048xf32, #tpu.memory_space<hbm>>
      %dma_wait3A_133 = tpu.memref_slice %arg5[%mul3A_95] : memref<7340032xf32, #tpu.memory_space<hbm>> -> memref<2048xf32, #tpu.memory_space<hbm>>
      tpu.wait_dma2 semaphore(%arg10 : memref<!tpu.dma_semaphore, #tpu.memory_space<semaphore_mem>>) src(%arg8 : memref<2048xf32, #tpu.memory_space<vmem>>) dst(%dma_wait3A_133 : memref<2048xf32, #tpu.memory_space<hbm>>)
      %parallel_loop3A_134 = arith.constant 0 : i32
      %parallel_loop3A_135 = arith.constant 128 : i32
      %parallel_loop3A_136 = arith.constant 1 : i32
      scf.for %parallel_loop3A_168 = %parallel_loop3A_134 to %parallel_loop3A_135 step %parallel_loop3A_136  : i32 {
        %parallel_loop3A_169 = arith.constant 16 : i32
        %parallel_loop3A_170 = arith.muli %parallel_loop3A_168, %parallel_loop3A_169 : i32
        %parallel_loop3A_171 = arith.constant 8192 : i32
        %parallel_loop3A_172 = arith.addi %parallel_loop3A_171, %parallel_loop3A_170 : i32
        %parallel_loop3A_173 = arith.index_cast %parallel_loop3A_172 : i32 to index
        %parallel_loop3A_174 = tpu.vector_load %arg7[%parallel_loop3A_173] {strides = array<i32>} : memref<16384xi32, #tpu.memory_space<vmem>>, vector<16xi32>,
        %parallel_loop3A_175 = tpu.vector_load_idx %arg6[%parallel_loop3A_174] : memref<100000xf32, #tpu.memory_space<vmem>>[vector<16xi32>], vector<16xf32>,
        %parallel_loop3A_176 = arith.constant 16 : i32
        %parallel_loop3A_177 = arith.muli %parallel_loop3A_168, %parallel_loop3A_176 : i32
        %parallel_loop3A_178 = arith.index_cast %parallel_loop3A_177 : i32 to index
        %parallel_loop3A_179 = tpu.vector_load %arg8[%parallel_loop3A_178] {strides = array<i32>} : memref<2048xf32, #tpu.memory_space<vmem>>, vector<16xf32>,
        tpu.vector_store %arg8[%parallel_loop3A_178], %parallel_loop3A_175 {strides = array<i32>} : memref<2048xf32, #tpu.memory_space<vmem>>, vector<16xf32>,
      } {sc.loop_unroll_factor = 8 : i64, sc.parallel_access}
      %add3A_137 = arith.constant 8192 : i32
      %add3A_138 = arith.addi %mul3A_95, %add3A_137 : i32
      %dma_start3A_139 = tpu.memref_slice %arg5[%add3A_138] : memref<7340032xf32, #tpu.memory_space<hbm>> -> memref<2048xf32, #tpu.memory_space<hbm>>
      %dma_start3A_140 = tpu.memref_slice %arg5[%add3A_138] : memref<7340032xf32, #tpu.memory_space<hbm>> -> memref<2048xf32, #tpu.memory_space<hbm>>
      tpu.enqueue_dma source(%arg8 : memref<2048xf32, #tpu.memory_space<vmem>>) target(%dma_start3A_140 : memref<2048xf32, #tpu.memory_space<hbm>>) target_semaphore(%arg10 : memref<!tpu.dma_semaphore, #tpu.memory_space<semaphore_mem>>)
      %dma_wait3A_141 = tpu.memref_slice %arg5[%mul3A_95] : memref<7340032xf32, #tpu.memory_space<hbm>> -> memref<2048xf32, #tpu.memory_space<hbm>>
      %dma_wait3A_142 = tpu.memref_slice %arg5[%mul3A_95] : memref<7340032xf32, #tpu.memory_space<hbm>> -> memref<2048xf32, #tpu.memory_space<hbm>>
      tpu.wait_dma2 semaphore(%arg11 : memref<!tpu.dma_semaphore, #tpu.memory_space<semaphore_mem>>) src(%arg9 : memref<2048xf32, #tpu.memory_space<vmem>>) dst(%dma_wait3A_142 : memref<2048xf32, #tpu.memory_space<hbm>>)
      %parallel_loop3A_143 = arith.constant 0 : i32
      %parallel_loop3A_144 = arith.constant 128 : i32
      %parallel_loop3A_145 = arith.constant 1 : i32
      scf.for %parallel_loop3A_168 = %parallel_loop3A_143 to %parallel_loop3A_144 step %parallel_loop3A_145  : i32 {
        %parallel_loop3A_169 = arith.constant 16 : i32
        %parallel_loop3A_170 = arith.muli %parallel_loop3A_168, %parallel_loop3A_169 : i32
        %parallel_loop3A_171 = arith.constant 10240 : i32
        %parallel_loop3A_172 = arith.addi %parallel_loop3A_171, %parallel_loop3A_170 : i32
        %parallel_loop3A_173 = arith.index_cast %parallel_loop3A_172 : i32 to index
        %parallel_loop3A_174 = tpu.vector_load %arg7[%parallel_loop3A_173] {strides = array<i32>} : memref<16384xi32, #tpu.memory_space<vmem>>, vector<16xi32>,
        %parallel_loop3A_175 = tpu.vector_load_idx %arg6[%parallel_loop3A_174] : memref<100000xf32, #tpu.memory_space<vmem>>[vector<16xi32>], vector<16xf32>,
        %parallel_loop3A_176 = arith.constant 16 : i32
        %parallel_loop3A_177 = arith.muli %parallel_loop3A_168, %parallel_loop3A_176 : i32
        %parallel_loop3A_178 = arith.index_cast %parallel_loop3A_177 : i32 to index
        %parallel_loop3A_179 = tpu.vector_load %arg9[%parallel_loop3A_178] {strides = array<i32>} : memref<2048xf32, #tpu.memory_space<vmem>>, vector<16xf32>,
        tpu.vector_store %arg9[%parallel_loop3A_178], %parallel_loop3A_175 {strides = array<i32>} : memref<2048xf32, #tpu.memory_space<vmem>>, vector<16xf32>,
      } {sc.loop_unroll_factor = 8 : i64, sc.parallel_access}
      %add3A_146 = arith.constant 10240 : i32
      %add3A_147 = arith.addi %mul3A_95, %add3A_146 : i32
      %dma_start3A_148 = tpu.memref_slice %arg5[%add3A_147] : memref<7340032xf32, #tpu.memory_space<hbm>> -> memref<2048xf32, #tpu.memory_space<hbm>>
      %dma_start3A_149 = tpu.memref_slice %arg5[%add3A_147] : memref<7340032xf32, #tpu.memory_space<hbm>> -> memref<2048xf32, #tpu.memory_space<hbm>>
      tpu.enqueue_dma source(%arg9 : memref<2048xf32, #tpu.memory_space<vmem>>) target(%dma_start3A_149 : memref<2048xf32, #tpu.memory_space<hbm>>) target_semaphore(%arg11 : memref<!tpu.dma_semaphore, #tpu.memory_space<semaphore_mem>>)
      %dma_wait3A_150 = tpu.memref_slice %arg5[%mul3A_95] : memref<7340032xf32, #tpu.memory_space<hbm>> -> memref<2048xf32, #tpu.memory_space<hbm>>
      %dma_wait3A_151 = tpu.memref_slice %arg5[%mul3A_95] : memref<7340032xf32, #tpu.memory_space<hbm>> -> memref<2048xf32, #tpu.memory_space<hbm>>
      tpu.wait_dma2 semaphore(%arg10 : memref<!tpu.dma_semaphore, #tpu.memory_space<semaphore_mem>>) src(%arg8 : memref<2048xf32, #tpu.memory_space<vmem>>) dst(%dma_wait3A_151 : memref<2048xf32, #tpu.memory_space<hbm>>)
      %parallel_loop3A_152 = arith.constant 0 : i32
      %parallel_loop3A_153 = arith.constant 128 : i32
      %parallel_loop3A_154 = arith.constant 1 : i32
      scf.for %parallel_loop3A_168 = %parallel_loop3A_152 to %parallel_loop3A_153 step %parallel_loop3A_154  : i32 {
        %parallel_loop3A_169 = arith.constant 16 : i32
        %parallel_loop3A_170 = arith.muli %parallel_loop3A_168, %parallel_loop3A_169 : i32
        %parallel_loop3A_171 = arith.constant 12288 : i32
        %parallel_loop3A_172 = arith.addi %parallel_loop3A_171, %parallel_loop3A_170 : i32
        %parallel_loop3A_173 = arith.index_cast %parallel_loop3A_172 : i32 to index
        %parallel_loop3A_174 = tpu.vector_load %arg7[%parallel_loop3A_173] {strides = array<i32>} : memref<16384xi32, #tpu.memory_space<vmem>>, vector<16xi32>,
        %parallel_loop3A_175 = tpu.vector_load_idx %arg6[%parallel_loop3A_174] : memref<100000xf32, #tpu.memory_space<vmem>>[vector<16xi32>], vector<16xf32>,
        %parallel_loop3A_176 = arith.constant 16 : i32
        %parallel_loop3A_177 = arith.muli %parallel_loop3A_168, %parallel_loop3A_176 : i32
        %parallel_loop3A_178 = arith.index_cast %parallel_loop3A_177 : i32 to index
        %parallel_loop3A_179 = tpu.vector_load %arg8[%parallel_loop3A_178] {strides = array<i32>} : memref<2048xf32, #tpu.memory_space<vmem>>, vector<16xf32>,
        tpu.vector_store %arg8[%parallel_loop3A_178], %parallel_loop3A_175 {strides = array<i32>} : memref<2048xf32, #tpu.memory_space<vmem>>, vector<16xf32>,
      } {sc.loop_unroll_factor = 8 : i64, sc.parallel_access}
      %add3A_155 = arith.constant 12288 : i32
      %add3A_156 = arith.addi %mul3A_95, %add3A_155 : i32
      %dma_start3A_157 = tpu.memref_slice %arg5[%add3A_156] : memref<7340032xf32, #tpu.memory_space<hbm>> -> memref<2048xf32, #tpu.memory_space<hbm>>
      %dma_start3A_158 = tpu.memref_slice %arg5[%add3A_156] : memref<7340032xf32, #tpu.memory_space<hbm>> -> memref<2048xf32, #tpu.memory_space<hbm>>
      tpu.enqueue_dma source(%arg8 : memref<2048xf32, #tpu.memory_space<vmem>>) target(%dma_start3A_158 : memref<2048xf32, #tpu.memory_space<hbm>>) target_semaphore(%arg10 : memref<!tpu.dma_semaphore, #tpu.memory_space<semaphore_mem>>)
      %dma_wait3A_159 = tpu.memref_slice %arg5[%mul3A_95] : memref<7340032xf32, #tpu.memory_space<hbm>> -> memref<2048xf32, #tpu.memory_space<hbm>>
      %dma_wait3A_160 = tpu.memref_slice %arg5[%mul3A_95] : memref<7340032xf32, #tpu.memory_space<hbm>> -> memref<2048xf32, #tpu.memory_space<hbm>>
      tpu.wait_dma2 semaphore(%arg11 : memref<!tpu.dma_semaphore, #tpu.memory_space<semaphore_mem>>) src(%arg9 : memref<2048xf32, #tpu.memory_space<vmem>>) dst(%dma_wait3A_160 : memref<2048xf32, #tpu.memory_space<hbm>>)
      %parallel_loop3A_161 = arith.constant 0 : i32
      %parallel_loop3A_162 = arith.constant 128 : i32
      %parallel_loop3A_163 = arith.constant 1 : i32
      scf.for %parallel_loop3A_168 = %parallel_loop3A_161 to %parallel_loop3A_162 step %parallel_loop3A_163  : i32 {
        %parallel_loop3A_169 = arith.constant 16 : i32
        %parallel_loop3A_170 = arith.muli %parallel_loop3A_168, %parallel_loop3A_169 : i32
        %parallel_loop3A_171 = arith.constant 14336 : i32
        %parallel_loop3A_172 = arith.addi %parallel_loop3A_171, %parallel_loop3A_170 : i32
        %parallel_loop3A_173 = arith.index_cast %parallel_loop3A_172 : i32 to index
        %parallel_loop3A_174 = tpu.vector_load %arg7[%parallel_loop3A_173] {strides = array<i32>} : memref<16384xi32, #tpu.memory_space<vmem>>, vector<16xi32>,
        %parallel_loop3A_175 = tpu.vector_load_idx %arg6[%parallel_loop3A_174] : memref<100000xf32, #tpu.memory_space<vmem>>[vector<16xi32>], vector<16xf32>,
        %parallel_loop3A_176 = arith.constant 16 : i32
        %parallel_loop3A_177 = arith.muli %parallel_loop3A_168, %parallel_loop3A_176 : i32
        %parallel_loop3A_178 = arith.index_cast %parallel_loop3A_177 : i32 to index
        %parallel_loop3A_179 = tpu.vector_load %arg9[%parallel_loop3A_178] {strides = array<i32>} : memref<2048xf32, #tpu.memory_space<vmem>>, vector<16xf32>,
        tpu.vector_store %arg9[%parallel_loop3A_178], %parallel_loop3A_175 {strides = array<i32>} : memref<2048xf32, #tpu.memory_space<vmem>>, vector<16xf32>,
      } {sc.loop_unroll_factor = 8 : i64, sc.parallel_access}
      %add3A_164 = arith.constant 14336 : i32
      %add3A_165 = arith.addi %mul3A_95, %add3A_164 : i32
      %dma_start3A_166 = tpu.memref_slice %arg5[%add3A_165] : memref<7340032xf32, #tpu.memory_space<hbm>> -> memref<2048xf32, #tpu.memory_space<hbm>>
      %dma_start3A_167 = tpu.memref_slice %arg5[%add3A_165] : memref<7340032xf32, #tpu.memory_space<hbm>> -> memref<2048xf32, #tpu.memory_space<hbm>>
      tpu.enqueue_dma source(%arg9 : memref<2048xf32, #tpu.memory_space<vmem>>) target(%dma_start3A_167 : memref<2048xf32, #tpu.memory_space<hbm>>) target_semaphore(%arg11 : memref<!tpu.dma_semaphore, #tpu.memory_space<semaphore_mem>>)
    }
    %scan3A_72 = arith.constant 13 : i32
    %dma_wait3A_73 = arith.constant 0 : i32
    %dma_wait3A_74 = tpu.memref_slice %arg5[%dma_wait3A_73] : memref<7340032xf32, #tpu.memory_space<hbm>> -> memref<2048xf32, #tpu.memory_space<hbm>>
    %dma_wait3A_75 = arith.constant 0 : i32
    %dma_wait3A_76 = tpu.memref_slice %arg5[%dma_wait3A_75] : memref<7340032xf32, #tpu.memory_space<hbm>> -> memref<2048xf32, #tpu.memory_space<hbm>>
    tpu.wait_dma2 semaphore(%arg10 : memref<!tpu.dma_semaphore, #tpu.memory_space<semaphore_mem>>) src(%arg8 : memref<2048xf32, #tpu.memory_space<vmem>>) dst(%dma_wait3A_76 : memref<2048xf32, #tpu.memory_space<hbm>>)
    %dma_wait3A_77 = arith.constant 0 : i32
    %dma_wait3A_78 = tpu.memref_slice %arg5[%dma_wait3A_77] : memref<7340032xf32, #tpu.memory_space<hbm>> -> memref<2048xf32, #tpu.memory_space<hbm>>
    %dma_wait3A_79 = arith.constant 0 : i32
    %dma_wait3A_80 = tpu.memref_slice %arg5[%dma_wait3A_79] : memref<7340032xf32, #tpu.memory_space<hbm>> -> memref<2048xf32, #tpu.memory_space<hbm>>
    tpu.wait_dma2 semaphore(%arg11 : memref<!tpu.dma_semaphore, #tpu.memory_space<semaphore_mem>>) src(%arg9 : memref<2048xf32, #tpu.memory_space<vmem>>) dst(%dma_wait3A_80 : memref<2048xf32, #tpu.memory_space<hbm>>)
    return
  }
}

module attributes {stable_mosaic.version = 14 : i64} {
  func.func @_mlp_body(%arg0: i32, %arg1: memref<448x16x128xf32, #tpu.memory_space<vmem>>, %arg2: memref<416x16x128xf32, #tpu.memory_space<vmem>>, %arg3: memref<32x448xf32, #tpu.memory_space<vmem>>, %arg4: memref<32x1xf32, #tpu.memory_space<vmem>>, %arg5: memref<32x32xf32, #tpu.memory_space<vmem>>, %arg6: memref<32x1xf32, #tpu.memory_space<vmem>>, %arg7: memref<32x416xf32, #tpu.memory_space<vmem>>, %arg8: memref<32x1xf32, #tpu.memory_space<vmem>>, %arg9: memref<32x32xf32, #tpu.memory_space<vmem>>, %arg10: memref<32x1xf32, #tpu.memory_space<vmem>>, %arg11: memref<32x16x128xf32, #tpu.memory_space<vmem>>, %arg12: memref<32x16x128xf32, #tpu.memory_space<vmem>>) attributes {dimension_semantics = [#tpu.dimension_semantics<arbitrary>], iteration_bounds = array<i64: 8>, scalar_prefetch = 0 : i64, scratch_operands = 0 : i64, tpu.core_type = #tpu.core_type<tc>, window_params = [{transform_indices = @transform_0, window_bounds = array<i64: 448, 16, 128>}, {transform_indices = @transform_1, window_bounds = array<i64: 416, 16, 128>}, {pipeline_mode = #tpu.pipeline_mode<synchronous>, transform_indices = @transform_2, window_bounds = array<i64: 32, 448>}, {pipeline_mode = #tpu.pipeline_mode<synchronous>, transform_indices = @transform_3, window_bounds = array<i64: 32, 1>}, {pipeline_mode = #tpu.pipeline_mode<synchronous>, transform_indices = @transform_4, window_bounds = array<i64: 32, 32>}, {pipeline_mode = #tpu.pipeline_mode<synchronous>, transform_indices = @transform_5, window_bounds = array<i64: 32, 1>}, {pipeline_mode = #tpu.pipeline_mode<synchronous>, transform_indices = @transform_6, window_bounds = array<i64: 32, 416>}, {pipeline_mode = #tpu.pipeline_mode<synchronous>, transform_indices = @transform_7, window_bounds = array<i64: 32, 1>}, {pipeline_mode = #tpu.pipeline_mode<synchronous>, transform_indices = @transform_8, window_bounds = array<i64: 32, 32>}, {pipeline_mode = #tpu.pipeline_mode<synchronous>, transform_indices = @transform_9, window_bounds = array<i64: 32, 1>}, {transform_indices = @transform_10, window_bounds = array<i64: 32, 16, 128>}, {transform_indices = @transform_11, window_bounds = array<i64: 32, 16, 128>}]} {
    %get3A = arith.constant 0 : index
    %get3A_0 = arith.constant 0 : index
    %get3A_1 = arith.constant 0 : index
    %get3A_2 = vector.load %arg1[%get3A, %get3A_0, %get3A_1] : memref<448x16x128xf32, #tpu.memory_space<vmem>>, vector<448x1x128xf32>
    %get3A_3 = vector.shape_cast %get3A_2 : vector<448x1x128xf32> to vector<448x128xf32>
    %get3A_4 = arith.constant 0 : index
    %get3A_5 = arith.constant 0 : index
    %get3A_6 = vector.load %arg3[%get3A_4, %get3A_5] : memref<32x448xf32, #tpu.memory_space<vmem>>, vector<32x448xf32>
    %get3A_7 = arith.constant 0 : index
    %get3A_8 = arith.constant 0 : index
    %get3A_9 = vector.load %arg4[%get3A_7, %get3A_8] : memref<32x1xf32, #tpu.memory_space<vmem>>, vector<32x1xf32>
    %get3A_10 = arith.constant 0 : index
    %get3A_11 = arith.constant 0 : index
    %get3A_12 = vector.load %arg5[%get3A_10, %get3A_11] : memref<32x32xf32, #tpu.memory_space<vmem>>, vector<32x32xf32>
    %get3A_13 = arith.constant 0 : index
    %get3A_14 = arith.constant 0 : index
    %get3A_15 = vector.load %arg6[%get3A_13, %get3A_14] : memref<32x1xf32, #tpu.memory_space<vmem>>, vector<32x1xf32>
    %dot_general3A = arith.constant dense<0.000000e+00> : vector<32x128xf32>
    %dot_general3A_16 = tpu.matmul %get3A_6, %get3A_3, %dot_general3A {dimension_numbers = #tpu.dot_dimension_numbers<[1], [0], [0], [1], [0, 0, 1, 1], [], []>, transpose_lhs_hint = false} : vector<32x448xf32>, vector<448x128xf32>, vector<32x128xf32> -> vector<32x128xf32>
    %add3A = vector.broadcast %get3A_9 : vector<32x1xf32> to vector<32x128xf32>
    %add3A_17 = arith.addf %dot_general3A_16, %add3A : vector<32x128xf32>
    %max3A = arith.constant 0.000000e+00 : f32
    %max3A_18 = vector.broadcast %max3A : f32 to vector<32x128xf32>
    %max3A_19 = arith.maximumf %add3A_17, %max3A_18 : vector<32x128xf32>
    %dot_general3A_20 = arith.constant dense<0.000000e+00> : vector<32x128xf32>
    %dot_general3A_21 = tpu.matmul %get3A_12, %max3A_19, %dot_general3A_20 {dimension_numbers = #tpu.dot_dimension_numbers<[1], [0], [0], [1], [0, 0, 1, 1], [], []>, transpose_lhs_hint = false} : vector<32x32xf32>, vector<32x128xf32>, vector<32x128xf32> -> vector<32x128xf32>
    %add3A_22 = vector.broadcast %get3A_15 : vector<32x1xf32> to vector<32x128xf32>
    %add3A_23 = arith.addf %dot_general3A_21, %add3A_22 : vector<32x128xf32>
    %mul3A = arith.mulf %add3A_23, %add3A_23 : vector<32x128xf32>
    %reduce_sum3A = arith.constant dense<0.000000e+00> : vector<128xf32>
    %reduce_sum3A_24 = vector.multi_reduction <add>, %mul3A, %reduce_sum3A [0] : vector<32x128xf32> to vector<128xf32>
    %broadcast_in_dim3A = vector.shape_cast %reduce_sum3A_24 : vector<128xf32> to vector<1x128xf32>
    %sqrt3A = math.sqrt %broadcast_in_dim3A : vector<1x128xf32>
    %max3A_25 = arith.constant 9.99999996E-13 : f32
    %max3A_26 = vector.broadcast %max3A_25 : f32 to vector<1x128xf32>
    %max3A_27 = arith.maximumf %sqrt3A, %max3A_26 : vector<1x128xf32>
    %div3A = vector.broadcast %max3A_27 : vector<1x128xf32> to vector<32x128xf32>
    %div3A_28 = arith.divf %add3A_23, %div3A : vector<32x128xf32>
    %swap3A = arith.constant 0 : index
    %swap3A_29 = arith.constant 0 : index
    %swap3A_30 = arith.constant 0 : index
    %swap3A_31 = vector.load %arg11[%swap3A, %swap3A_29, %swap3A_30] : memref<32x16x128xf32, #tpu.memory_space<vmem>>, vector<32x1x128xf32>
    %swap3A_32 = vector.shape_cast %swap3A_31 : vector<32x1x128xf32> to vector<32x128xf32>
    %swap3A_33 = vector.shape_cast %div3A_28 : vector<32x128xf32> to vector<32x1x128xf32>
    tpu.vector_store %arg11[%swap3A, %swap3A_29, %swap3A_30], %swap3A_33 {strides = array<i32>} : memref<32x16x128xf32, #tpu.memory_space<vmem>>, vector<32x1x128xf32>,
    %get3A_34 = arith.constant 0 : index
    %get3A_35 = arith.constant 0 : index
    %get3A_36 = arith.constant 0 : index
    %get3A_37 = vector.load %arg2[%get3A_34, %get3A_35, %get3A_36] : memref<416x16x128xf32, #tpu.memory_space<vmem>>, vector<416x1x128xf32>
    %get3A_38 = vector.shape_cast %get3A_37 : vector<416x1x128xf32> to vector<416x128xf32>
    %get3A_39 = arith.constant 0 : index
    %get3A_40 = arith.constant 0 : index
    %get3A_41 = vector.load %arg7[%get3A_39, %get3A_40] : memref<32x416xf32, #tpu.memory_space<vmem>>, vector<32x416xf32>
    %get3A_42 = arith.constant 0 : index
    %get3A_43 = arith.constant 0 : index
    %get3A_44 = vector.load %arg8[%get3A_42, %get3A_43] : memref<32x1xf32, #tpu.memory_space<vmem>>, vector<32x1xf32>
    %get3A_45 = arith.constant 0 : index
    %get3A_46 = arith.constant 0 : index
    %get3A_47 = vector.load %arg9[%get3A_45, %get3A_46] : memref<32x32xf32, #tpu.memory_space<vmem>>, vector<32x32xf32>
    %get3A_48 = arith.constant 0 : index
    %get3A_49 = arith.constant 0 : index
    %get3A_50 = vector.load %arg10[%get3A_48, %get3A_49] : memref<32x1xf32, #tpu.memory_space<vmem>>, vector<32x1xf32>
    %dot_general3A_51 = arith.constant dense<0.000000e+00> : vector<32x128xf32>
    %dot_general3A_52 = tpu.matmul %get3A_41, %get3A_38, %dot_general3A_51 {dimension_numbers = #tpu.dot_dimension_numbers<[1], [0], [0], [1], [0, 0, 1, 1], [], []>, transpose_lhs_hint = false} : vector<32x416xf32>, vector<416x128xf32>, vector<32x128xf32> -> vector<32x128xf32>
    %add3A_53 = vector.broadcast %get3A_44 : vector<32x1xf32> to vector<32x128xf32>
    %add3A_54 = arith.addf %dot_general3A_52, %add3A_53 : vector<32x128xf32>
    %max3A_55 = arith.constant 0.000000e+00 : f32
    %max3A_56 = vector.broadcast %max3A_55 : f32 to vector<32x128xf32>
    %max3A_57 = arith.maximumf %add3A_54, %max3A_56 : vector<32x128xf32>
    %dot_general3A_58 = arith.constant dense<0.000000e+00> : vector<32x128xf32>
    %dot_general3A_59 = tpu.matmul %get3A_47, %max3A_57, %dot_general3A_58 {dimension_numbers = #tpu.dot_dimension_numbers<[1], [0], [0], [1], [0, 0, 1, 1], [], []>, transpose_lhs_hint = false} : vector<32x32xf32>, vector<32x128xf32>, vector<32x128xf32> -> vector<32x128xf32>
    %add3A_60 = vector.broadcast %get3A_50 : vector<32x1xf32> to vector<32x128xf32>
    %add3A_61 = arith.addf %dot_general3A_59, %add3A_60 : vector<32x128xf32>
    %mul3A_62 = arith.mulf %add3A_61, %add3A_61 : vector<32x128xf32>
    %reduce_sum3A_63 = arith.constant dense<0.000000e+00> : vector<128xf32>
    %reduce_sum3A_64 = vector.multi_reduction <add>, %mul3A_62, %reduce_sum3A_63 [0] : vector<32x128xf32> to vector<128xf32>
    %broadcast_in_dim3A_65 = vector.shape_cast %reduce_sum3A_64 : vector<128xf32> to vector<1x128xf32>
    %sqrt3A_66 = math.sqrt %broadcast_in_dim3A_65 : vector<1x128xf32>
    %max3A_67 = arith.constant 9.99999996E-13 : f32
    %max3A_68 = vector.broadcast %max3A_67 : f32 to vector<1x128xf32>
    %max3A_69 = arith.maximumf %sqrt3A_66, %max3A_68 : vector<1x128xf32>
    %div3A_70 = vector.broadcast %max3A_69 : vector<1x128xf32> to vector<32x128xf32>
    %div3A_71 = arith.divf %add3A_61, %div3A_70 : vector<32x128xf32>
    %swap3A_72 = arith.constant 0 : index
    %swap3A_73 = arith.constant 0 : index
    %swap3A_74 = arith.constant 0 : index
    %swap3A_75 = vector.load %arg12[%swap3A_72, %swap3A_73, %swap3A_74] : memref<32x16x128xf32, #tpu.memory_space<vmem>>, vector<32x1x128xf32>
    %swap3A_76 = vector.shape_cast %swap3A_75 : vector<32x1x128xf32> to vector<32x128xf32>
    %swap3A_77 = vector.shape_cast %div3A_71 : vector<32x128xf32> to vector<32x1x128xf32>
    tpu.vector_store %arg12[%swap3A_72, %swap3A_73, %swap3A_74], %swap3A_77 {strides = array<i32>} : memref<32x16x128xf32, #tpu.memory_space<vmem>>, vector<32x1x128xf32>,
    %get3A_78 = arith.constant 0 : index
    %get3A_79 = arith.constant 1 : index
    %get3A_80 = arith.constant 0 : index
    %get3A_81 = vector.load %arg1[%get3A_78, %get3A_79, %get3A_80] : memref<448x16x128xf32, #tpu.memory_space<vmem>>, vector<448x1x128xf32>
    %get3A_82 = vector.shape_cast %get3A_81 : vector<448x1x128xf32> to vector<448x128xf32>
    %get3A_83 = arith.constant 0 : index
    %get3A_84 = arith.constant 0 : index
    %get3A_85 = vector.load %arg3[%get3A_83, %get3A_84] : memref<32x448xf32, #tpu.memory_space<vmem>>, vector<32x448xf32>
    %get3A_86 = arith.constant 0 : index
    %get3A_87 = arith.constant 0 : index
    %get3A_88 = vector.load %arg4[%get3A_86, %get3A_87] : memref<32x1xf32, #tpu.memory_space<vmem>>, vector<32x1xf32>
    %get3A_89 = arith.constant 0 : index
    %get3A_90 = arith.constant 0 : index
    %get3A_91 = vector.load %arg5[%get3A_89, %get3A_90] : memref<32x32xf32, #tpu.memory_space<vmem>>, vector<32x32xf32>
    %get3A_92 = arith.constant 0 : index
    %get3A_93 = arith.constant 0 : index
    %get3A_94 = vector.load %arg6[%get3A_92, %get3A_93] : memref<32x1xf32, #tpu.memory_space<vmem>>, vector<32x1xf32>
    %dot_general3A_95 = arith.constant dense<0.000000e+00> : vector<32x128xf32>
    %dot_general3A_96 = tpu.matmul %get3A_85, %get3A_82, %dot_general3A_95 {dimension_numbers = #tpu.dot_dimension_numbers<[1], [0], [0], [1], [0, 0, 1, 1], [], []>, transpose_lhs_hint = false} : vector<32x448xf32>, vector<448x128xf32>, vector<32x128xf32> -> vector<32x128xf32>
    %add3A_97 = vector.broadcast %get3A_88 : vector<32x1xf32> to vector<32x128xf32>
    %add3A_98 = arith.addf %dot_general3A_96, %add3A_97 : vector<32x128xf32>
    %max3A_99 = arith.constant 0.000000e+00 : f32
    %max3A_100 = vector.broadcast %max3A_99 : f32 to vector<32x128xf32>
    %max3A_101 = arith.maximumf %add3A_98, %max3A_100 : vector<32x128xf32>
    %dot_general3A_102 = arith.constant dense<0.000000e+00> : vector<32x128xf32>
    %dot_general3A_103 = tpu.matmul %get3A_91, %max3A_101, %dot_general3A_102 {dimension_numbers = #tpu.dot_dimension_numbers<[1], [0], [0], [1], [0, 0, 1, 1], [], []>, transpose_lhs_hint = false} : vector<32x32xf32>, vector<32x128xf32>, vector<32x128xf32> -> vector<32x128xf32>
    %add3A_104 = vector.broadcast %get3A_94 : vector<32x1xf32> to vector<32x128xf32>
    %add3A_105 = arith.addf %dot_general3A_103, %add3A_104 : vector<32x128xf32>
    %mul3A_106 = arith.mulf %add3A_105, %add3A_105 : vector<32x128xf32>
    %reduce_sum3A_107 = arith.constant dense<0.000000e+00> : vector<128xf32>
    %reduce_sum3A_108 = vector.multi_reduction <add>, %mul3A_106, %reduce_sum3A_107 [0] : vector<32x128xf32> to vector<128xf32>
    %broadcast_in_dim3A_109 = vector.shape_cast %reduce_sum3A_108 : vector<128xf32> to vector<1x128xf32>
    %sqrt3A_110 = math.sqrt %broadcast_in_dim3A_109 : vector<1x128xf32>
    %max3A_111 = arith.constant 9.99999996E-13 : f32
    %max3A_112 = vector.broadcast %max3A_111 : f32 to vector<1x128xf32>
    %max3A_113 = arith.maximumf %sqrt3A_110, %max3A_112 : vector<1x128xf32>
    %div3A_114 = vector.broadcast %max3A_113 : vector<1x128xf32> to vector<32x128xf32>
    %div3A_115 = arith.divf %add3A_105, %div3A_114 : vector<32x128xf32>
    %swap3A_116 = arith.constant 0 : index
    %swap3A_117 = arith.constant 1 : index
    %swap3A_118 = arith.constant 0 : index
    %swap3A_119 = vector.load %arg11[%swap3A_116, %swap3A_117, %swap3A_118] : memref<32x16x128xf32, #tpu.memory_space<vmem>>, vector<32x1x128xf32>
    %swap3A_120 = vector.shape_cast %swap3A_119 : vector<32x1x128xf32> to vector<32x128xf32>
    %swap3A_121 = vector.shape_cast %div3A_115 : vector<32x128xf32> to vector<32x1x128xf32>
    tpu.vector_store %arg11[%swap3A_116, %swap3A_117, %swap3A_118], %swap3A_121 {strides = array<i32>} : memref<32x16x128xf32, #tpu.memory_space<vmem>>, vector<32x1x128xf32>,
    %get3A_122 = arith.constant 0 : index
    %get3A_123 = arith.constant 1 : index
    %get3A_124 = arith.constant 0 : index
    %get3A_125 = vector.load %arg2[%get3A_122, %get3A_123, %get3A_124] : memref<416x16x128xf32, #tpu.memory_space<vmem>>, vector<416x1x128xf32>
    %get3A_126 = vector.shape_cast %get3A_125 : vector<416x1x128xf32> to vector<416x128xf32>
    %get3A_127 = arith.constant 0 : index
    %get3A_128 = arith.constant 0 : index
    %get3A_129 = vector.load %arg7[%get3A_127, %get3A_128] : memref<32x416xf32, #tpu.memory_space<vmem>>, vector<32x416xf32>
    %get3A_130 = arith.constant 0 : index
    %get3A_131 = arith.constant 0 : index
    %get3A_132 = vector.load %arg8[%get3A_130, %get3A_131] : memref<32x1xf32, #tpu.memory_space<vmem>>, vector<32x1xf32>
    %get3A_133 = arith.constant 0 : index
    %get3A_134 = arith.constant 0 : index
    %get3A_135 = vector.load %arg9[%get3A_133, %get3A_134] : memref<32x32xf32, #tpu.memory_space<vmem>>, vector<32x32xf32>
    %get3A_136 = arith.constant 0 : index
    %get3A_137 = arith.constant 0 : index
    %get3A_138 = vector.load %arg10[%get3A_136, %get3A_137] : memref<32x1xf32, #tpu.memory_space<vmem>>, vector<32x1xf32>
    %dot_general3A_139 = arith.constant dense<0.000000e+00> : vector<32x128xf32>
    %dot_general3A_140 = tpu.matmul %get3A_129, %get3A_126, %dot_general3A_139 {dimension_numbers = #tpu.dot_dimension_numbers<[1], [0], [0], [1], [0, 0, 1, 1], [], []>, transpose_lhs_hint = false} : vector<32x416xf32>, vector<416x128xf32>, vector<32x128xf32> -> vector<32x128xf32>
    %add3A_141 = vector.broadcast %get3A_132 : vector<32x1xf32> to vector<32x128xf32>
    %add3A_142 = arith.addf %dot_general3A_140, %add3A_141 : vector<32x128xf32>
    %max3A_143 = arith.constant 0.000000e+00 : f32
    %max3A_144 = vector.broadcast %max3A_143 : f32 to vector<32x128xf32>
    %max3A_145 = arith.maximumf %add3A_142, %max3A_144 : vector<32x128xf32>
    %dot_general3A_146 = arith.constant dense<0.000000e+00> : vector<32x128xf32>
    %dot_general3A_147 = tpu.matmul %get3A_135, %max3A_145, %dot_general3A_146 {dimension_numbers = #tpu.dot_dimension_numbers<[1], [0], [0], [1], [0, 0, 1, 1], [], []>, transpose_lhs_hint = false} : vector<32x32xf32>, vector<32x128xf32>, vector<32x128xf32> -> vector<32x128xf32>
    %add3A_148 = vector.broadcast %get3A_138 : vector<32x1xf32> to vector<32x128xf32>
    %add3A_149 = arith.addf %dot_general3A_147, %add3A_148 : vector<32x128xf32>
    %mul3A_150 = arith.mulf %add3A_149, %add3A_149 : vector<32x128xf32>
    %reduce_sum3A_151 = arith.constant dense<0.000000e+00> : vector<128xf32>
    %reduce_sum3A_152 = vector.multi_reduction <add>, %mul3A_150, %reduce_sum3A_151 [0] : vector<32x128xf32> to vector<128xf32>
    %broadcast_in_dim3A_153 = vector.shape_cast %reduce_sum3A_152 : vector<128xf32> to vector<1x128xf32>
    %sqrt3A_154 = math.sqrt %broadcast_in_dim3A_153 : vector<1x128xf32>
    %max3A_155 = arith.constant 9.99999996E-13 : f32
    %max3A_156 = vector.broadcast %max3A_155 : f32 to vector<1x128xf32>
    %max3A_157 = arith.maximumf %sqrt3A_154, %max3A_156 : vector<1x128xf32>
    %div3A_158 = vector.broadcast %max3A_157 : vector<1x128xf32> to vector<32x128xf32>
    %div3A_159 = arith.divf %add3A_149, %div3A_158 : vector<32x128xf32>
    %swap3A_160 = arith.constant 0 : index
    %swap3A_161 = arith.constant 1 : index
    %swap3A_162 = arith.constant 0 : index
    %swap3A_163 = vector.load %arg12[%swap3A_160, %swap3A_161, %swap3A_162] : memref<32x16x128xf32, #tpu.memory_space<vmem>>, vector<32x1x128xf32>
    %swap3A_164 = vector.shape_cast %swap3A_163 : vector<32x1x128xf32> to vector<32x128xf32>
    %swap3A_165 = vector.shape_cast %div3A_159 : vector<32x128xf32> to vector<32x1x128xf32>
    tpu.vector_store %arg12[%swap3A_160, %swap3A_161, %swap3A_162], %swap3A_165 {strides = array<i32>} : memref<32x16x128xf32, #tpu.memory_space<vmem>>, vector<32x1x128xf32>,
    %get3A_166 = arith.constant 0 : index
    %get3A_167 = arith.constant 2 : index
    %get3A_168 = arith.constant 0 : index
    %get3A_169 = vector.load %arg1[%get3A_166, %get3A_167, %get3A_168] : memref<448x16x128xf32, #tpu.memory_space<vmem>>, vector<448x1x128xf32>
    %get3A_170 = vector.shape_cast %get3A_169 : vector<448x1x128xf32> to vector<448x128xf32>
    %get3A_171 = arith.constant 0 : index
    %get3A_172 = arith.constant 0 : index
    %get3A_173 = vector.load %arg3[%get3A_171, %get3A_172] : memref<32x448xf32, #tpu.memory_space<vmem>>, vector<32x448xf32>
    %get3A_174 = arith.constant 0 : index
    %get3A_175 = arith.constant 0 : index
    %get3A_176 = vector.load %arg4[%get3A_174, %get3A_175] : memref<32x1xf32, #tpu.memory_space<vmem>>, vector<32x1xf32>
    %get3A_177 = arith.constant 0 : index
    %get3A_178 = arith.constant 0 : index
    %get3A_179 = vector.load %arg5[%get3A_177, %get3A_178] : memref<32x32xf32, #tpu.memory_space<vmem>>, vector<32x32xf32>
    %get3A_180 = arith.constant 0 : index
    %get3A_181 = arith.constant 0 : index
    %get3A_182 = vector.load %arg6[%get3A_180, %get3A_181] : memref<32x1xf32, #tpu.memory_space<vmem>>, vector<32x1xf32>
    %dot_general3A_183 = arith.constant dense<0.000000e+00> : vector<32x128xf32>
    %dot_general3A_184 = tpu.matmul %get3A_173, %get3A_170, %dot_general3A_183 {dimension_numbers = #tpu.dot_dimension_numbers<[1], [0], [0], [1], [0, 0, 1, 1], [], []>, transpose_lhs_hint = false} : vector<32x448xf32>, vector<448x128xf32>, vector<32x128xf32> -> vector<32x128xf32>
    %add3A_185 = vector.broadcast %get3A_176 : vector<32x1xf32> to vector<32x128xf32>
    %add3A_186 = arith.addf %dot_general3A_184, %add3A_185 : vector<32x128xf32>
    %max3A_187 = arith.constant 0.000000e+00 : f32
    %max3A_188 = vector.broadcast %max3A_187 : f32 to vector<32x128xf32>
    %max3A_189 = arith.maximumf %add3A_186, %max3A_188 : vector<32x128xf32>
    %dot_general3A_190 = arith.constant dense<0.000000e+00> : vector<32x128xf32>
    %dot_general3A_191 = tpu.matmul %get3A_179, %max3A_189, %dot_general3A_190 {dimension_numbers = #tpu.dot_dimension_numbers<[1], [0], [0], [1], [0, 0, 1, 1], [], []>, transpose_lhs_hint = false} : vector<32x32xf32>, vector<32x128xf32>, vector<32x128xf32> -> vector<32x128xf32>
    %add3A_192 = vector.broadcast %get3A_182 : vector<32x1xf32> to vector<32x128xf32>
    %add3A_193 = arith.addf %dot_general3A_191, %add3A_192 : vector<32x128xf32>
    %mul3A_194 = arith.mulf %add3A_193, %add3A_193 : vector<32x128xf32>
    %reduce_sum3A_195 = arith.constant dense<0.000000e+00> : vector<128xf32>
    %reduce_sum3A_196 = vector.multi_reduction <add>, %mul3A_194, %reduce_sum3A_195 [0] : vector<32x128xf32> to vector<128xf32>
    %broadcast_in_dim3A_197 = vector.shape_cast %reduce_sum3A_196 : vector<128xf32> to vector<1x128xf32>
    %sqrt3A_198 = math.sqrt %broadcast_in_dim3A_197 : vector<1x128xf32>
    %max3A_199 = arith.constant 9.99999996E-13 : f32
    %max3A_200 = vector.broadcast %max3A_199 : f32 to vector<1x128xf32>
    %max3A_201 = arith.maximumf %sqrt3A_198, %max3A_200 : vector<1x128xf32>
    %div3A_202 = vector.broadcast %max3A_201 : vector<1x128xf32> to vector<32x128xf32>
    %div3A_203 = arith.divf %add3A_193, %div3A_202 : vector<32x128xf32>
    %swap3A_204 = arith.constant 0 : index
    %swap3A_205 = arith.constant 2 : index
    %swap3A_206 = arith.constant 0 : index
    %swap3A_207 = vector.load %arg11[%swap3A_204, %swap3A_205, %swap3A_206] : memref<32x16x128xf32, #tpu.memory_space<vmem>>, vector<32x1x128xf32>
    %swap3A_208 = vector.shape_cast %swap3A_207 : vector<32x1x128xf32> to vector<32x128xf32>
    %swap3A_209 = vector.shape_cast %div3A_203 : vector<32x128xf32> to vector<32x1x128xf32>
    tpu.vector_store %arg11[%swap3A_204, %swap3A_205, %swap3A_206], %swap3A_209 {strides = array<i32>} : memref<32x16x128xf32, #tpu.memory_space<vmem>>, vector<32x1x128xf32>,
    %get3A_210 = arith.constant 0 : index
    %get3A_211 = arith.constant 2 : index
    %get3A_212 = arith.constant 0 : index
    %get3A_213 = vector.load %arg2[%get3A_210, %get3A_211, %get3A_212] : memref<416x16x128xf32, #tpu.memory_space<vmem>>, vector<416x1x128xf32>
    %get3A_214 = vector.shape_cast %get3A_213 : vector<416x1x128xf32> to vector<416x128xf32>
    %get3A_215 = arith.constant 0 : index
    %get3A_216 = arith.constant 0 : index
    %get3A_217 = vector.load %arg7[%get3A_215, %get3A_216] : memref<32x416xf32, #tpu.memory_space<vmem>>, vector<32x416xf32>
    %get3A_218 = arith.constant 0 : index
    %get3A_219 = arith.constant 0 : index
    %get3A_220 = vector.load %arg8[%get3A_218, %get3A_219] : memref<32x1xf32, #tpu.memory_space<vmem>>, vector<32x1xf32>
    %get3A_221 = arith.constant 0 : index
    %get3A_222 = arith.constant 0 : index
    %get3A_223 = vector.load %arg9[%get3A_221, %get3A_222] : memref<32x32xf32, #tpu.memory_space<vmem>>, vector<32x32xf32>
    %get3A_224 = arith.constant 0 : index
    %get3A_225 = arith.constant 0 : index
    %get3A_226 = vector.load %arg10[%get3A_224, %get3A_225] : memref<32x1xf32, #tpu.memory_space<vmem>>, vector<32x1xf32>
    %dot_general3A_227 = arith.constant dense<0.000000e+00> : vector<32x128xf32>
    %dot_general3A_228 = tpu.matmul %get3A_217, %get3A_214, %dot_general3A_227 {dimension_numbers = #tpu.dot_dimension_numbers<[1], [0], [0], [1], [0, 0, 1, 1], [], []>, transpose_lhs_hint = false} : vector<32x416xf32>, vector<416x128xf32>, vector<32x128xf32> -> vector<32x128xf32>
    %add3A_229 = vector.broadcast %get3A_220 : vector<32x1xf32> to vector<32x128xf32>
    %add3A_230 = arith.addf %dot_general3A_228, %add3A_229 : vector<32x128xf32>
    %max3A_231 = arith.constant 0.000000e+00 : f32
    %max3A_232 = vector.broadcast %max3A_231 : f32 to vector<32x128xf32>
    %max3A_233 = arith.maximumf %add3A_230, %max3A_232 : vector<32x128xf32>
    %dot_general3A_234 = arith.constant dense<0.000000e+00> : vector<32x128xf32>
    %dot_general3A_235 = tpu.matmul %get3A_223, %max3A_233, %dot_general3A_234 {dimension_numbers = #tpu.dot_dimension_numbers<[1], [0], [0], [1], [0, 0, 1, 1], [], []>, transpose_lhs_hint = false} : vector<32x32xf32>, vector<32x128xf32>, vector<32x128xf32> -> vector<32x128xf32>
    %add3A_236 = vector.broadcast %get3A_226 : vector<32x1xf32> to vector<32x128xf32>
    %add3A_237 = arith.addf %dot_general3A_235, %add3A_236 : vector<32x128xf32>
    %mul3A_238 = arith.mulf %add3A_237, %add3A_237 : vector<32x128xf32>
    %reduce_sum3A_239 = arith.constant dense<0.000000e+00> : vector<128xf32>
    %reduce_sum3A_240 = vector.multi_reduction <add>, %mul3A_238, %reduce_sum3A_239 [0] : vector<32x128xf32> to vector<128xf32>
    %broadcast_in_dim3A_241 = vector.shape_cast %reduce_sum3A_240 : vector<128xf32> to vector<1x128xf32>
    %sqrt3A_242 = math.sqrt %broadcast_in_dim3A_241 : vector<1x128xf32>
    %max3A_243 = arith.constant 9.99999996E-13 : f32
    %max3A_244 = vector.broadcast %max3A_243 : f32 to vector<1x128xf32>
    %max3A_245 = arith.maximumf %sqrt3A_242, %max3A_244 : vector<1x128xf32>
    %div3A_246 = vector.broadcast %max3A_245 : vector<1x128xf32> to vector<32x128xf32>
    %div3A_247 = arith.divf %add3A_237, %div3A_246 : vector<32x128xf32>
    %swap3A_248 = arith.constant 0 : index
    %swap3A_249 = arith.constant 2 : index
    %swap3A_250 = arith.constant 0 : index
    %swap3A_251 = vector.load %arg12[%swap3A_248, %swap3A_249, %swap3A_250] : memref<32x16x128xf32, #tpu.memory_space<vmem>>, vector<32x1x128xf32>
    %swap3A_252 = vector.shape_cast %swap3A_251 : vector<32x1x128xf32> to vector<32x128xf32>
    %swap3A_253 = vector.shape_cast %div3A_247 : vector<32x128xf32> to vector<32x1x128xf32>
    tpu.vector_store %arg12[%swap3A_248, %swap3A_249, %swap3A_250], %swap3A_253 {strides = array<i32>} : memref<32x16x128xf32, #tpu.memory_space<vmem>>, vector<32x1x128xf32>,
    %get3A_254 = arith.constant 0 : index
    %get3A_255 = arith.constant 3 : index
    %get3A_256 = arith.constant 0 : index
    %get3A_257 = vector.load %arg1[%get3A_254, %get3A_255, %get3A_256] : memref<448x16x128xf32, #tpu.memory_space<vmem>>, vector<448x1x128xf32>
    %get3A_258 = vector.shape_cast %get3A_257 : vector<448x1x128xf32> to vector<448x128xf32>
    %get3A_259 = arith.constant 0 : index
    %get3A_260 = arith.constant 0 : index
    %get3A_261 = vector.load %arg3[%get3A_259, %get3A_260] : memref<32x448xf32, #tpu.memory_space<vmem>>, vector<32x448xf32>
    %get3A_262 = arith.constant 0 : index
    %get3A_263 = arith.constant 0 : index
    %get3A_264 = vector.load %arg4[%get3A_262, %get3A_263] : memref<32x1xf32, #tpu.memory_space<vmem>>, vector<32x1xf32>
    %get3A_265 = arith.constant 0 : index
    %get3A_266 = arith.constant 0 : index
    %get3A_267 = vector.load %arg5[%get3A_265, %get3A_266] : memref<32x32xf32, #tpu.memory_space<vmem>>, vector<32x32xf32>
    %get3A_268 = arith.constant 0 : index
    %get3A_269 = arith.constant 0 : index
    %get3A_270 = vector.load %arg6[%get3A_268, %get3A_269] : memref<32x1xf32, #tpu.memory_space<vmem>>, vector<32x1xf32>
    %dot_general3A_271 = arith.constant dense<0.000000e+00> : vector<32x128xf32>
    %dot_general3A_272 = tpu.matmul %get3A_261, %get3A_258, %dot_general3A_271 {dimension_numbers = #tpu.dot_dimension_numbers<[1], [0], [0], [1], [0, 0, 1, 1], [], []>, transpose_lhs_hint = false} : vector<32x448xf32>, vector<448x128xf32>, vector<32x128xf32> -> vector<32x128xf32>
    %add3A_273 = vector.broadcast %get3A_264 : vector<32x1xf32> to vector<32x128xf32>
    %add3A_274 = arith.addf %dot_general3A_272, %add3A_273 : vector<32x128xf32>
    %max3A_275 = arith.constant 0.000000e+00 : f32
    %max3A_276 = vector.broadcast %max3A_275 : f32 to vector<32x128xf32>
    %max3A_277 = arith.maximumf %add3A_274, %max3A_276 : vector<32x128xf32>
    %dot_general3A_278 = arith.constant dense<0.000000e+00> : vector<32x128xf32>
    %dot_general3A_279 = tpu.matmul %get3A_267, %max3A_277, %dot_general3A_278 {dimension_numbers = #tpu.dot_dimension_numbers<[1], [0], [0], [1], [0, 0, 1, 1], [], []>, transpose_lhs_hint = false} : vector<32x32xf32>, vector<32x128xf32>, vector<32x128xf32> -> vector<32x128xf32>
    %add3A_280 = vector.broadcast %get3A_270 : vector<32x1xf32> to vector<32x128xf32>
    %add3A_281 = arith.addf %dot_general3A_279, %add3A_280 : vector<32x128xf32>
    %mul3A_282 = arith.mulf %add3A_281, %add3A_281 : vector<32x128xf32>
    %reduce_sum3A_283 = arith.constant dense<0.000000e+00> : vector<128xf32>
    %reduce_sum3A_284 = vector.multi_reduction <add>, %mul3A_282, %reduce_sum3A_283 [0] : vector<32x128xf32> to vector<128xf32>
    %broadcast_in_dim3A_285 = vector.shape_cast %reduce_sum3A_284 : vector<128xf32> to vector<1x128xf32>
    %sqrt3A_286 = math.sqrt %broadcast_in_dim3A_285 : vector<1x128xf32>
    %max3A_287 = arith.constant 9.99999996E-13 : f32
    %max3A_288 = vector.broadcast %max3A_287 : f32 to vector<1x128xf32>
    %max3A_289 = arith.maximumf %sqrt3A_286, %max3A_288 : vector<1x128xf32>
    %div3A_290 = vector.broadcast %max3A_289 : vector<1x128xf32> to vector<32x128xf32>
    %div3A_291 = arith.divf %add3A_281, %div3A_290 : vector<32x128xf32>
    %swap3A_292 = arith.constant 0 : index
    %swap3A_293 = arith.constant 3 : index
    %swap3A_294 = arith.constant 0 : index
    %swap3A_295 = vector.load %arg11[%swap3A_292, %swap3A_293, %swap3A_294] : memref<32x16x128xf32, #tpu.memory_space<vmem>>, vector<32x1x128xf32>
    %swap3A_296 = vector.shape_cast %swap3A_295 : vector<32x1x128xf32> to vector<32x128xf32>
    %swap3A_297 = vector.shape_cast %div3A_291 : vector<32x128xf32> to vector<32x1x128xf32>
    tpu.vector_store %arg11[%swap3A_292, %swap3A_293, %swap3A_294], %swap3A_297 {strides = array<i32>} : memref<32x16x128xf32, #tpu.memory_space<vmem>>, vector<32x1x128xf32>,
    %get3A_298 = arith.constant 0 : index
    %get3A_299 = arith.constant 3 : index
    %get3A_300 = arith.constant 0 : index
    %get3A_301 = vector.load %arg2[%get3A_298, %get3A_299, %get3A_300] : memref<416x16x128xf32, #tpu.memory_space<vmem>>, vector<416x1x128xf32>
    %get3A_302 = vector.shape_cast %get3A_301 : vector<416x1x128xf32> to vector<416x128xf32>
    %get3A_303 = arith.constant 0 : index
    %get3A_304 = arith.constant 0 : index
    %get3A_305 = vector.load %arg7[%get3A_303, %get3A_304] : memref<32x416xf32, #tpu.memory_space<vmem>>, vector<32x416xf32>
    %get3A_306 = arith.constant 0 : index
    %get3A_307 = arith.constant 0 : index
    %get3A_308 = vector.load %arg8[%get3A_306, %get3A_307] : memref<32x1xf32, #tpu.memory_space<vmem>>, vector<32x1xf32>
    %get3A_309 = arith.constant 0 : index
    %get3A_310 = arith.constant 0 : index
    %get3A_311 = vector.load %arg9[%get3A_309, %get3A_310] : memref<32x32xf32, #tpu.memory_space<vmem>>, vector<32x32xf32>
    %get3A_312 = arith.constant 0 : index
    %get3A_313 = arith.constant 0 : index
    %get3A_314 = vector.load %arg10[%get3A_312, %get3A_313] : memref<32x1xf32, #tpu.memory_space<vmem>>, vector<32x1xf32>
    %dot_general3A_315 = arith.constant dense<0.000000e+00> : vector<32x128xf32>
    %dot_general3A_316 = tpu.matmul %get3A_305, %get3A_302, %dot_general3A_315 {dimension_numbers = #tpu.dot_dimension_numbers<[1], [0], [0], [1], [0, 0, 1, 1], [], []>, transpose_lhs_hint = false} : vector<32x416xf32>, vector<416x128xf32>, vector<32x128xf32> -> vector<32x128xf32>
    %add3A_317 = vector.broadcast %get3A_308 : vector<32x1xf32> to vector<32x128xf32>
    %add3A_318 = arith.addf %dot_general3A_316, %add3A_317 : vector<32x128xf32>
    %max3A_319 = arith.constant 0.000000e+00 : f32
    %max3A_320 = vector.broadcast %max3A_319 : f32 to vector<32x128xf32>
    %max3A_321 = arith.maximumf %add3A_318, %max3A_320 : vector<32x128xf32>
    %dot_general3A_322 = arith.constant dense<0.000000e+00> : vector<32x128xf32>
    %dot_general3A_323 = tpu.matmul %get3A_311, %max3A_321, %dot_general3A_322 {dimension_numbers = #tpu.dot_dimension_numbers<[1], [0], [0], [1], [0, 0, 1, 1], [], []>, transpose_lhs_hint = false} : vector<32x32xf32>, vector<32x128xf32>, vector<32x128xf32> -> vector<32x128xf32>
    %add3A_324 = vector.broadcast %get3A_314 : vector<32x1xf32> to vector<32x128xf32>
    %add3A_325 = arith.addf %dot_general3A_323, %add3A_324 : vector<32x128xf32>
    %mul3A_326 = arith.mulf %add3A_325, %add3A_325 : vector<32x128xf32>
    %reduce_sum3A_327 = arith.constant dense<0.000000e+00> : vector<128xf32>
    %reduce_sum3A_328 = vector.multi_reduction <add>, %mul3A_326, %reduce_sum3A_327 [0] : vector<32x128xf32> to vector<128xf32>
    %broadcast_in_dim3A_329 = vector.shape_cast %reduce_sum3A_328 : vector<128xf32> to vector<1x128xf32>
    %sqrt3A_330 = math.sqrt %broadcast_in_dim3A_329 : vector<1x128xf32>
    %max3A_331 = arith.constant 9.99999996E-13 : f32
    %max3A_332 = vector.broadcast %max3A_331 : f32 to vector<1x128xf32>
    %max3A_333 = arith.maximumf %sqrt3A_330, %max3A_332 : vector<1x128xf32>
    %div3A_334 = vector.broadcast %max3A_333 : vector<1x128xf32> to vector<32x128xf32>
    %div3A_335 = arith.divf %add3A_325, %div3A_334 : vector<32x128xf32>
    %swap3A_336 = arith.constant 0 : index
    %swap3A_337 = arith.constant 3 : index
    %swap3A_338 = arith.constant 0 : index
    %swap3A_339 = vector.load %arg12[%swap3A_336, %swap3A_337, %swap3A_338] : memref<32x16x128xf32, #tpu.memory_space<vmem>>, vector<32x1x128xf32>
    %swap3A_340 = vector.shape_cast %swap3A_339 : vector<32x1x128xf32> to vector<32x128xf32>
    %swap3A_341 = vector.shape_cast %div3A_335 : vector<32x128xf32> to vector<32x1x128xf32>
    tpu.vector_store %arg12[%swap3A_336, %swap3A_337, %swap3A_338], %swap3A_341 {strides = array<i32>} : memref<32x16x128xf32, #tpu.memory_space<vmem>>, vector<32x1x128xf32>,
    %get3A_342 = arith.constant 0 : index
    %get3A_343 = arith.constant 4 : index
    %get3A_344 = arith.constant 0 : index
    %get3A_345 = vector.load %arg1[%get3A_342, %get3A_343, %get3A_344] : memref<448x16x128xf32, #tpu.memory_space<vmem>>, vector<448x1x128xf32>
    %get3A_346 = vector.shape_cast %get3A_345 : vector<448x1x128xf32> to vector<448x128xf32>
    %get3A_347 = arith.constant 0 : index
    %get3A_348 = arith.constant 0 : index
    %get3A_349 = vector.load %arg3[%get3A_347, %get3A_348] : memref<32x448xf32, #tpu.memory_space<vmem>>, vector<32x448xf32>
    %get3A_350 = arith.constant 0 : index
    %get3A_351 = arith.constant 0 : index
    %get3A_352 = vector.load %arg4[%get3A_350, %get3A_351] : memref<32x1xf32, #tpu.memory_space<vmem>>, vector<32x1xf32>
    %get3A_353 = arith.constant 0 : index
    %get3A_354 = arith.constant 0 : index
    %get3A_355 = vector.load %arg5[%get3A_353, %get3A_354] : memref<32x32xf32, #tpu.memory_space<vmem>>, vector<32x32xf32>
    %get3A_356 = arith.constant 0 : index
    %get3A_357 = arith.constant 0 : index
    %get3A_358 = vector.load %arg6[%get3A_356, %get3A_357] : memref<32x1xf32, #tpu.memory_space<vmem>>, vector<32x1xf32>
    %dot_general3A_359 = arith.constant dense<0.000000e+00> : vector<32x128xf32>
    %dot_general3A_360 = tpu.matmul %get3A_349, %get3A_346, %dot_general3A_359 {dimension_numbers = #tpu.dot_dimension_numbers<[1], [0], [0], [1], [0, 0, 1, 1], [], []>, transpose_lhs_hint = false} : vector<32x448xf32>, vector<448x128xf32>, vector<32x128xf32> -> vector<32x128xf32>
    %add3A_361 = vector.broadcast %get3A_352 : vector<32x1xf32> to vector<32x128xf32>
    %add3A_362 = arith.addf %dot_general3A_360, %add3A_361 : vector<32x128xf32>
    %max3A_363 = arith.constant 0.000000e+00 : f32
    %max3A_364 = vector.broadcast %max3A_363 : f32 to vector<32x128xf32>
    %max3A_365 = arith.maximumf %add3A_362, %max3A_364 : vector<32x128xf32>
    %dot_general3A_366 = arith.constant dense<0.000000e+00> : vector<32x128xf32>
    %dot_general3A_367 = tpu.matmul %get3A_355, %max3A_365, %dot_general3A_366 {dimension_numbers = #tpu.dot_dimension_numbers<[1], [0], [0], [1], [0, 0, 1, 1], [], []>, transpose_lhs_hint = false} : vector<32x32xf32>, vector<32x128xf32>, vector<32x128xf32> -> vector<32x128xf32>
    %add3A_368 = vector.broadcast %get3A_358 : vector<32x1xf32> to vector<32x128xf32>
    %add3A_369 = arith.addf %dot_general3A_367, %add3A_368 : vector<32x128xf32>
    %mul3A_370 = arith.mulf %add3A_369, %add3A_369 : vector<32x128xf32>
    %reduce_sum3A_371 = arith.constant dense<0.000000e+00> : vector<128xf32>
    %reduce_sum3A_372 = vector.multi_reduction <add>, %mul3A_370, %reduce_sum3A_371 [0] : vector<32x128xf32> to vector<128xf32>
    %broadcast_in_dim3A_373 = vector.shape_cast %reduce_sum3A_372 : vector<128xf32> to vector<1x128xf32>
    %sqrt3A_374 = math.sqrt %broadcast_in_dim3A_373 : vector<1x128xf32>
    %max3A_375 = arith.constant 9.99999996E-13 : f32
    %max3A_376 = vector.broadcast %max3A_375 : f32 to vector<1x128xf32>
    %max3A_377 = arith.maximumf %sqrt3A_374, %max3A_376 : vector<1x128xf32>
    %div3A_378 = vector.broadcast %max3A_377 : vector<1x128xf32> to vector<32x128xf32>
    %div3A_379 = arith.divf %add3A_369, %div3A_378 : vector<32x128xf32>
    %swap3A_380 = arith.constant 0 : index
    %swap3A_381 = arith.constant 4 : index
    %swap3A_382 = arith.constant 0 : index
    %swap3A_383 = vector.load %arg11[%swap3A_380, %swap3A_381, %swap3A_382] : memref<32x16x128xf32, #tpu.memory_space<vmem>>, vector<32x1x128xf32>
    %swap3A_384 = vector.shape_cast %swap3A_383 : vector<32x1x128xf32> to vector<32x128xf32>
    %swap3A_385 = vector.shape_cast %div3A_379 : vector<32x128xf32> to vector<32x1x128xf32>
    tpu.vector_store %arg11[%swap3A_380, %swap3A_381, %swap3A_382], %swap3A_385 {strides = array<i32>} : memref<32x16x128xf32, #tpu.memory_space<vmem>>, vector<32x1x128xf32>,
    %get3A_386 = arith.constant 0 : index
    %get3A_387 = arith.constant 4 : index
    %get3A_388 = arith.constant 0 : index
    %get3A_389 = vector.load %arg2[%get3A_386, %get3A_387, %get3A_388] : memref<416x16x128xf32, #tpu.memory_space<vmem>>, vector<416x1x128xf32>
    %get3A_390 = vector.shape_cast %get3A_389 : vector<416x1x128xf32> to vector<416x128xf32>
    %get3A_391 = arith.constant 0 : index
    %get3A_392 = arith.constant 0 : index
    %get3A_393 = vector.load %arg7[%get3A_391, %get3A_392] : memref<32x416xf32, #tpu.memory_space<vmem>>, vector<32x416xf32>
    %get3A_394 = arith.constant 0 : index
    %get3A_395 = arith.constant 0 : index
    %get3A_396 = vector.load %arg8[%get3A_394, %get3A_395] : memref<32x1xf32, #tpu.memory_space<vmem>>, vector<32x1xf32>
    %get3A_397 = arith.constant 0 : index
    %get3A_398 = arith.constant 0 : index
    %get3A_399 = vector.load %arg9[%get3A_397, %get3A_398] : memref<32x32xf32, #tpu.memory_space<vmem>>, vector<32x32xf32>
    %get3A_400 = arith.constant 0 : index
    %get3A_401 = arith.constant 0 : index
    %get3A_402 = vector.load %arg10[%get3A_400, %get3A_401] : memref<32x1xf32, #tpu.memory_space<vmem>>, vector<32x1xf32>
    %dot_general3A_403 = arith.constant dense<0.000000e+00> : vector<32x128xf32>
    %dot_general3A_404 = tpu.matmul %get3A_393, %get3A_390, %dot_general3A_403 {dimension_numbers = #tpu.dot_dimension_numbers<[1], [0], [0], [1], [0, 0, 1, 1], [], []>, transpose_lhs_hint = false} : vector<32x416xf32>, vector<416x128xf32>, vector<32x128xf32> -> vector<32x128xf32>
    %add3A_405 = vector.broadcast %get3A_396 : vector<32x1xf32> to vector<32x128xf32>
    %add3A_406 = arith.addf %dot_general3A_404, %add3A_405 : vector<32x128xf32>
    %max3A_407 = arith.constant 0.000000e+00 : f32
    %max3A_408 = vector.broadcast %max3A_407 : f32 to vector<32x128xf32>
    %max3A_409 = arith.maximumf %add3A_406, %max3A_408 : vector<32x128xf32>
    %dot_general3A_410 = arith.constant dense<0.000000e+00> : vector<32x128xf32>
    %dot_general3A_411 = tpu.matmul %get3A_399, %max3A_409, %dot_general3A_410 {dimension_numbers = #tpu.dot_dimension_numbers<[1], [0], [0], [1], [0, 0, 1, 1], [], []>, transpose_lhs_hint = false} : vector<32x32xf32>, vector<32x128xf32>, vector<32x128xf32> -> vector<32x128xf32>
    %add3A_412 = vector.broadcast %get3A_402 : vector<32x1xf32> to vector<32x128xf32>
    %add3A_413 = arith.addf %dot_general3A_411, %add3A_412 : vector<32x128xf32>
    %mul3A_414 = arith.mulf %add3A_413, %add3A_413 : vector<32x128xf32>
    %reduce_sum3A_415 = arith.constant dense<0.000000e+00> : vector<128xf32>
    %reduce_sum3A_416 = vector.multi_reduction <add>, %mul3A_414, %reduce_sum3A_415 [0] : vector<32x128xf32> to vector<128xf32>
    %broadcast_in_dim3A_417 = vector.shape_cast %reduce_sum3A_416 : vector<128xf32> to vector<1x128xf32>
    %sqrt3A_418 = math.sqrt %broadcast_in_dim3A_417 : vector<1x128xf32>
    %max3A_419 = arith.constant 9.99999996E-13 : f32
    %max3A_420 = vector.broadcast %max3A_419 : f32 to vector<1x128xf32>
    %max3A_421 = arith.maximumf %sqrt3A_418, %max3A_420 : vector<1x128xf32>
    %div3A_422 = vector.broadcast %max3A_421 : vector<1x128xf32> to vector<32x128xf32>
    %div3A_423 = arith.divf %add3A_413, %div3A_422 : vector<32x128xf32>
    %swap3A_424 = arith.constant 0 : index
    %swap3A_425 = arith.constant 4 : index
    %swap3A_426 = arith.constant 0 : index
    %swap3A_427 = vector.load %arg12[%swap3A_424, %swap3A_425, %swap3A_426] : memref<32x16x128xf32, #tpu.memory_space<vmem>>, vector<32x1x128xf32>
    %swap3A_428 = vector.shape_cast %swap3A_427 : vector<32x1x128xf32> to vector<32x128xf32>
    %swap3A_429 = vector.shape_cast %div3A_423 : vector<32x128xf32> to vector<32x1x128xf32>
    tpu.vector_store %arg12[%swap3A_424, %swap3A_425, %swap3A_426], %swap3A_429 {strides = array<i32>} : memref<32x16x128xf32, #tpu.memory_space<vmem>>, vector<32x1x128xf32>,
    %get3A_430 = arith.constant 0 : index
    %get3A_431 = arith.constant 5 : index
    %get3A_432 = arith.constant 0 : index
    %get3A_433 = vector.load %arg1[%get3A_430, %get3A_431, %get3A_432] : memref<448x16x128xf32, #tpu.memory_space<vmem>>, vector<448x1x128xf32>
    %get3A_434 = vector.shape_cast %get3A_433 : vector<448x1x128xf32> to vector<448x128xf32>
    %get3A_435 = arith.constant 0 : index
    %get3A_436 = arith.constant 0 : index
    %get3A_437 = vector.load %arg3[%get3A_435, %get3A_436] : memref<32x448xf32, #tpu.memory_space<vmem>>, vector<32x448xf32>
    %get3A_438 = arith.constant 0 : index
    %get3A_439 = arith.constant 0 : index
    %get3A_440 = vector.load %arg4[%get3A_438, %get3A_439] : memref<32x1xf32, #tpu.memory_space<vmem>>, vector<32x1xf32>
    %get3A_441 = arith.constant 0 : index
    %get3A_442 = arith.constant 0 : index
    %get3A_443 = vector.load %arg5[%get3A_441, %get3A_442] : memref<32x32xf32, #tpu.memory_space<vmem>>, vector<32x32xf32>
    %get3A_444 = arith.constant 0 : index
    %get3A_445 = arith.constant 0 : index
    %get3A_446 = vector.load %arg6[%get3A_444, %get3A_445] : memref<32x1xf32, #tpu.memory_space<vmem>>, vector<32x1xf32>
    %dot_general3A_447 = arith.constant dense<0.000000e+00> : vector<32x128xf32>
    %dot_general3A_448 = tpu.matmul %get3A_437, %get3A_434, %dot_general3A_447 {dimension_numbers = #tpu.dot_dimension_numbers<[1], [0], [0], [1], [0, 0, 1, 1], [], []>, transpose_lhs_hint = false} : vector<32x448xf32>, vector<448x128xf32>, vector<32x128xf32> -> vector<32x128xf32>
    %add3A_449 = vector.broadcast %get3A_440 : vector<32x1xf32> to vector<32x128xf32>
    %add3A_450 = arith.addf %dot_general3A_448, %add3A_449 : vector<32x128xf32>
    %max3A_451 = arith.constant 0.000000e+00 : f32
    %max3A_452 = vector.broadcast %max3A_451 : f32 to vector<32x128xf32>
    %max3A_453 = arith.maximumf %add3A_450, %max3A_452 : vector<32x128xf32>
    %dot_general3A_454 = arith.constant dense<0.000000e+00> : vector<32x128xf32>
    %dot_general3A_455 = tpu.matmul %get3A_443, %max3A_453, %dot_general3A_454 {dimension_numbers = #tpu.dot_dimension_numbers<[1], [0], [0], [1], [0, 0, 1, 1], [], []>, transpose_lhs_hint = false} : vector<32x32xf32>, vector<32x128xf32>, vector<32x128xf32> -> vector<32x128xf32>
    %add3A_456 = vector.broadcast %get3A_446 : vector<32x1xf32> to vector<32x128xf32>
    %add3A_457 = arith.addf %dot_general3A_455, %add3A_456 : vector<32x128xf32>
    %mul3A_458 = arith.mulf %add3A_457, %add3A_457 : vector<32x128xf32>
    %reduce_sum3A_459 = arith.constant dense<0.000000e+00> : vector<128xf32>
    %reduce_sum3A_460 = vector.multi_reduction <add>, %mul3A_458, %reduce_sum3A_459 [0] : vector<32x128xf32> to vector<128xf32>
    %broadcast_in_dim3A_461 = vector.shape_cast %reduce_sum3A_460 : vector<128xf32> to vector<1x128xf32>
    %sqrt3A_462 = math.sqrt %broadcast_in_dim3A_461 : vector<1x128xf32>
    %max3A_463 = arith.constant 9.99999996E-13 : f32
    %max3A_464 = vector.broadcast %max3A_463 : f32 to vector<1x128xf32>
    %max3A_465 = arith.maximumf %sqrt3A_462, %max3A_464 : vector<1x128xf32>
    %div3A_466 = vector.broadcast %max3A_465 : vector<1x128xf32> to vector<32x128xf32>
    %div3A_467 = arith.divf %add3A_457, %div3A_466 : vector<32x128xf32>
    %swap3A_468 = arith.constant 0 : index
    %swap3A_469 = arith.constant 5 : index
    %swap3A_470 = arith.constant 0 : index
    %swap3A_471 = vector.load %arg11[%swap3A_468, %swap3A_469, %swap3A_470] : memref<32x16x128xf32, #tpu.memory_space<vmem>>, vector<32x1x128xf32>
    %swap3A_472 = vector.shape_cast %swap3A_471 : vector<32x1x128xf32> to vector<32x128xf32>
    %swap3A_473 = vector.shape_cast %div3A_467 : vector<32x128xf32> to vector<32x1x128xf32>
    tpu.vector_store %arg11[%swap3A_468, %swap3A_469, %swap3A_470], %swap3A_473 {strides = array<i32>} : memref<32x16x128xf32, #tpu.memory_space<vmem>>, vector<32x1x128xf32>,
    %get3A_474 = arith.constant 0 : index
    %get3A_475 = arith.constant 5 : index
    %get3A_476 = arith.constant 0 : index
    %get3A_477 = vector.load %arg2[%get3A_474, %get3A_475, %get3A_476] : memref<416x16x128xf32, #tpu.memory_space<vmem>>, vector<416x1x128xf32>
    %get3A_478 = vector.shape_cast %get3A_477 : vector<416x1x128xf32> to vector<416x128xf32>
    %get3A_479 = arith.constant 0 : index
    %get3A_480 = arith.constant 0 : index
    %get3A_481 = vector.load %arg7[%get3A_479, %get3A_480] : memref<32x416xf32, #tpu.memory_space<vmem>>, vector<32x416xf32>
    %get3A_482 = arith.constant 0 : index
    %get3A_483 = arith.constant 0 : index
    %get3A_484 = vector.load %arg8[%get3A_482, %get3A_483] : memref<32x1xf32, #tpu.memory_space<vmem>>, vector<32x1xf32>
    %get3A_485 = arith.constant 0 : index
    %get3A_486 = arith.constant 0 : index
    %get3A_487 = vector.load %arg9[%get3A_485, %get3A_486] : memref<32x32xf32, #tpu.memory_space<vmem>>, vector<32x32xf32>
    %get3A_488 = arith.constant 0 : index
    %get3A_489 = arith.constant 0 : index
    %get3A_490 = vector.load %arg10[%get3A_488, %get3A_489] : memref<32x1xf32, #tpu.memory_space<vmem>>, vector<32x1xf32>
    %dot_general3A_491 = arith.constant dense<0.000000e+00> : vector<32x128xf32>
    %dot_general3A_492 = tpu.matmul %get3A_481, %get3A_478, %dot_general3A_491 {dimension_numbers = #tpu.dot_dimension_numbers<[1], [0], [0], [1], [0, 0, 1, 1], [], []>, transpose_lhs_hint = false} : vector<32x416xf32>, vector<416x128xf32>, vector<32x128xf32> -> vector<32x128xf32>
    %add3A_493 = vector.broadcast %get3A_484 : vector<32x1xf32> to vector<32x128xf32>
    %add3A_494 = arith.addf %dot_general3A_492, %add3A_493 : vector<32x128xf32>
    %max3A_495 = arith.constant 0.000000e+00 : f32
    %max3A_496 = vector.broadcast %max3A_495 : f32 to vector<32x128xf32>
    %max3A_497 = arith.maximumf %add3A_494, %max3A_496 : vector<32x128xf32>
    %dot_general3A_498 = arith.constant dense<0.000000e+00> : vector<32x128xf32>
    %dot_general3A_499 = tpu.matmul %get3A_487, %max3A_497, %dot_general3A_498 {dimension_numbers = #tpu.dot_dimension_numbers<[1], [0], [0], [1], [0, 0, 1, 1], [], []>, transpose_lhs_hint = false} : vector<32x32xf32>, vector<32x128xf32>, vector<32x128xf32> -> vector<32x128xf32>
    %add3A_500 = vector.broadcast %get3A_490 : vector<32x1xf32> to vector<32x128xf32>
    %add3A_501 = arith.addf %dot_general3A_499, %add3A_500 : vector<32x128xf32>
    %mul3A_502 = arith.mulf %add3A_501, %add3A_501 : vector<32x128xf32>
    %reduce_sum3A_503 = arith.constant dense<0.000000e+00> : vector<128xf32>
    %reduce_sum3A_504 = vector.multi_reduction <add>, %mul3A_502, %reduce_sum3A_503 [0] : vector<32x128xf32> to vector<128xf32>
    %broadcast_in_dim3A_505 = vector.shape_cast %reduce_sum3A_504 : vector<128xf32> to vector<1x128xf32>
    %sqrt3A_506 = math.sqrt %broadcast_in_dim3A_505 : vector<1x128xf32>
    %max3A_507 = arith.constant 9.99999996E-13 : f32
    %max3A_508 = vector.broadcast %max3A_507 : f32 to vector<1x128xf32>
    %max3A_509 = arith.maximumf %sqrt3A_506, %max3A_508 : vector<1x128xf32>
    %div3A_510 = vector.broadcast %max3A_509 : vector<1x128xf32> to vector<32x128xf32>
    %div3A_511 = arith.divf %add3A_501, %div3A_510 : vector<32x128xf32>
    %swap3A_512 = arith.constant 0 : index
    %swap3A_513 = arith.constant 5 : index
    %swap3A_514 = arith.constant 0 : index
    %swap3A_515 = vector.load %arg12[%swap3A_512, %swap3A_513, %swap3A_514] : memref<32x16x128xf32, #tpu.memory_space<vmem>>, vector<32x1x128xf32>
    %swap3A_516 = vector.shape_cast %swap3A_515 : vector<32x1x128xf32> to vector<32x128xf32>
    %swap3A_517 = vector.shape_cast %div3A_511 : vector<32x128xf32> to vector<32x1x128xf32>
    tpu.vector_store %arg12[%swap3A_512, %swap3A_513, %swap3A_514], %swap3A_517 {strides = array<i32>} : memref<32x16x128xf32, #tpu.memory_space<vmem>>, vector<32x1x128xf32>,
    %get3A_518 = arith.constant 0 : index
    %get3A_519 = arith.constant 6 : index
    %get3A_520 = arith.constant 0 : index
    %get3A_521 = vector.load %arg1[%get3A_518, %get3A_519, %get3A_520] : memref<448x16x128xf32, #tpu.memory_space<vmem>>, vector<448x1x128xf32>
    %get3A_522 = vector.shape_cast %get3A_521 : vector<448x1x128xf32> to vector<448x128xf32>
    %get3A_523 = arith.constant 0 : index
    %get3A_524 = arith.constant 0 : index
    %get3A_525 = vector.load %arg3[%get3A_523, %get3A_524] : memref<32x448xf32, #tpu.memory_space<vmem>>, vector<32x448xf32>
    %get3A_526 = arith.constant 0 : index
    %get3A_527 = arith.constant 0 : index
    %get3A_528 = vector.load %arg4[%get3A_526, %get3A_527] : memref<32x1xf32, #tpu.memory_space<vmem>>, vector<32x1xf32>
    %get3A_529 = arith.constant 0 : index
    %get3A_530 = arith.constant 0 : index
    %get3A_531 = vector.load %arg5[%get3A_529, %get3A_530] : memref<32x32xf32, #tpu.memory_space<vmem>>, vector<32x32xf32>
    %get3A_532 = arith.constant 0 : index
    %get3A_533 = arith.constant 0 : index
    %get3A_534 = vector.load %arg6[%get3A_532, %get3A_533] : memref<32x1xf32, #tpu.memory_space<vmem>>, vector<32x1xf32>
    %dot_general3A_535 = arith.constant dense<0.000000e+00> : vector<32x128xf32>
    %dot_general3A_536 = tpu.matmul %get3A_525, %get3A_522, %dot_general3A_535 {dimension_numbers = #tpu.dot_dimension_numbers<[1], [0], [0], [1], [0, 0, 1, 1], [], []>, transpose_lhs_hint = false} : vector<32x448xf32>, vector<448x128xf32>, vector<32x128xf32> -> vector<32x128xf32>
    %add3A_537 = vector.broadcast %get3A_528 : vector<32x1xf32> to vector<32x128xf32>
    %add3A_538 = arith.addf %dot_general3A_536, %add3A_537 : vector<32x128xf32>
    %max3A_539 = arith.constant 0.000000e+00 : f32
    %max3A_540 = vector.broadcast %max3A_539 : f32 to vector<32x128xf32>
    %max3A_541 = arith.maximumf %add3A_538, %max3A_540 : vector<32x128xf32>
    %dot_general3A_542 = arith.constant dense<0.000000e+00> : vector<32x128xf32>
    %dot_general3A_543 = tpu.matmul %get3A_531, %max3A_541, %dot_general3A_542 {dimension_numbers = #tpu.dot_dimension_numbers<[1], [0], [0], [1], [0, 0, 1, 1], [], []>, transpose_lhs_hint = false} : vector<32x32xf32>, vector<32x128xf32>, vector<32x128xf32> -> vector<32x128xf32>
    %add3A_544 = vector.broadcast %get3A_534 : vector<32x1xf32> to vector<32x128xf32>
    %add3A_545 = arith.addf %dot_general3A_543, %add3A_544 : vector<32x128xf32>
    %mul3A_546 = arith.mulf %add3A_545, %add3A_545 : vector<32x128xf32>
    %reduce_sum3A_547 = arith.constant dense<0.000000e+00> : vector<128xf32>
    %reduce_sum3A_548 = vector.multi_reduction <add>, %mul3A_546, %reduce_sum3A_547 [0] : vector<32x128xf32> to vector<128xf32>
    %broadcast_in_dim3A_549 = vector.shape_cast %reduce_sum3A_548 : vector<128xf32> to vector<1x128xf32>
    %sqrt3A_550 = math.sqrt %broadcast_in_dim3A_549 : vector<1x128xf32>
    %max3A_551 = arith.constant 9.99999996E-13 : f32
    %max3A_552 = vector.broadcast %max3A_551 : f32 to vector<1x128xf32>
    %max3A_553 = arith.maximumf %sqrt3A_550, %max3A_552 : vector<1x128xf32>
    %div3A_554 = vector.broadcast %max3A_553 : vector<1x128xf32> to vector<32x128xf32>
    %div3A_555 = arith.divf %add3A_545, %div3A_554 : vector<32x128xf32>
    %swap3A_556 = arith.constant 0 : index
    %swap3A_557 = arith.constant 6 : index
    %swap3A_558 = arith.constant 0 : index
    %swap3A_559 = vector.load %arg11[%swap3A_556, %swap3A_557, %swap3A_558] : memref<32x16x128xf32, #tpu.memory_space<vmem>>, vector<32x1x128xf32>
    %swap3A_560 = vector.shape_cast %swap3A_559 : vector<32x1x128xf32> to vector<32x128xf32>
    %swap3A_561 = vector.shape_cast %div3A_555 : vector<32x128xf32> to vector<32x1x128xf32>
    tpu.vector_store %arg11[%swap3A_556, %swap3A_557, %swap3A_558], %swap3A_561 {strides = array<i32>} : memref<32x16x128xf32, #tpu.memory_space<vmem>>, vector<32x1x128xf32>,
    %get3A_562 = arith.constant 0 : index
    %get3A_563 = arith.constant 6 : index
    %get3A_564 = arith.constant 0 : index
    %get3A_565 = vector.load %arg2[%get3A_562, %get3A_563, %get3A_564] : memref<416x16x128xf32, #tpu.memory_space<vmem>>, vector<416x1x128xf32>
    %get3A_566 = vector.shape_cast %get3A_565 : vector<416x1x128xf32> to vector<416x128xf32>
    %get3A_567 = arith.constant 0 : index
    %get3A_568 = arith.constant 0 : index
    %get3A_569 = vector.load %arg7[%get3A_567, %get3A_568] : memref<32x416xf32, #tpu.memory_space<vmem>>, vector<32x416xf32>
    %get3A_570 = arith.constant 0 : index
    %get3A_571 = arith.constant 0 : index
    %get3A_572 = vector.load %arg8[%get3A_570, %get3A_571] : memref<32x1xf32, #tpu.memory_space<vmem>>, vector<32x1xf32>
    %get3A_573 = arith.constant 0 : index
    %get3A_574 = arith.constant 0 : index
    %get3A_575 = vector.load %arg9[%get3A_573, %get3A_574] : memref<32x32xf32, #tpu.memory_space<vmem>>, vector<32x32xf32>
    %get3A_576 = arith.constant 0 : index
    %get3A_577 = arith.constant 0 : index
    %get3A_578 = vector.load %arg10[%get3A_576, %get3A_577] : memref<32x1xf32, #tpu.memory_space<vmem>>, vector<32x1xf32>
    %dot_general3A_579 = arith.constant dense<0.000000e+00> : vector<32x128xf32>
    %dot_general3A_580 = tpu.matmul %get3A_569, %get3A_566, %dot_general3A_579 {dimension_numbers = #tpu.dot_dimension_numbers<[1], [0], [0], [1], [0, 0, 1, 1], [], []>, transpose_lhs_hint = false} : vector<32x416xf32>, vector<416x128xf32>, vector<32x128xf32> -> vector<32x128xf32>
    %add3A_581 = vector.broadcast %get3A_572 : vector<32x1xf32> to vector<32x128xf32>
    %add3A_582 = arith.addf %dot_general3A_580, %add3A_581 : vector<32x128xf32>
    %max3A_583 = arith.constant 0.000000e+00 : f32
    %max3A_584 = vector.broadcast %max3A_583 : f32 to vector<32x128xf32>
    %max3A_585 = arith.maximumf %add3A_582, %max3A_584 : vector<32x128xf32>
    %dot_general3A_586 = arith.constant dense<0.000000e+00> : vector<32x128xf32>
    %dot_general3A_587 = tpu.matmul %get3A_575, %max3A_585, %dot_general3A_586 {dimension_numbers = #tpu.dot_dimension_numbers<[1], [0], [0], [1], [0, 0, 1, 1], [], []>, transpose_lhs_hint = false} : vector<32x32xf32>, vector<32x128xf32>, vector<32x128xf32> -> vector<32x128xf32>
    %add3A_588 = vector.broadcast %get3A_578 : vector<32x1xf32> to vector<32x128xf32>
    %add3A_589 = arith.addf %dot_general3A_587, %add3A_588 : vector<32x128xf32>
    %mul3A_590 = arith.mulf %add3A_589, %add3A_589 : vector<32x128xf32>
    %reduce_sum3A_591 = arith.constant dense<0.000000e+00> : vector<128xf32>
    %reduce_sum3A_592 = vector.multi_reduction <add>, %mul3A_590, %reduce_sum3A_591 [0] : vector<32x128xf32> to vector<128xf32>
    %broadcast_in_dim3A_593 = vector.shape_cast %reduce_sum3A_592 : vector<128xf32> to vector<1x128xf32>
    %sqrt3A_594 = math.sqrt %broadcast_in_dim3A_593 : vector<1x128xf32>
    %max3A_595 = arith.constant 9.99999996E-13 : f32
    %max3A_596 = vector.broadcast %max3A_595 : f32 to vector<1x128xf32>
    %max3A_597 = arith.maximumf %sqrt3A_594, %max3A_596 : vector<1x128xf32>
    %div3A_598 = vector.broadcast %max3A_597 : vector<1x128xf32> to vector<32x128xf32>
    %div3A_599 = arith.divf %add3A_589, %div3A_598 : vector<32x128xf32>
    %swap3A_600 = arith.constant 0 : index
    %swap3A_601 = arith.constant 6 : index
    %swap3A_602 = arith.constant 0 : index
    %swap3A_603 = vector.load %arg12[%swap3A_600, %swap3A_601, %swap3A_602] : memref<32x16x128xf32, #tpu.memory_space<vmem>>, vector<32x1x128xf32>
    %swap3A_604 = vector.shape_cast %swap3A_603 : vector<32x1x128xf32> to vector<32x128xf32>
    %swap3A_605 = vector.shape_cast %div3A_599 : vector<32x128xf32> to vector<32x1x128xf32>
    tpu.vector_store %arg12[%swap3A_600, %swap3A_601, %swap3A_602], %swap3A_605 {strides = array<i32>} : memref<32x16x128xf32, #tpu.memory_space<vmem>>, vector<32x1x128xf32>,
    %get3A_606 = arith.constant 0 : index
    %get3A_607 = arith.constant 7 : index
    %get3A_608 = arith.constant 0 : index
    %get3A_609 = vector.load %arg1[%get3A_606, %get3A_607, %get3A_608] : memref<448x16x128xf32, #tpu.memory_space<vmem>>, vector<448x1x128xf32>
    %get3A_610 = vector.shape_cast %get3A_609 : vector<448x1x128xf32> to vector<448x128xf32>
    %get3A_611 = arith.constant 0 : index
    %get3A_612 = arith.constant 0 : index
    %get3A_613 = vector.load %arg3[%get3A_611, %get3A_612] : memref<32x448xf32, #tpu.memory_space<vmem>>, vector<32x448xf32>
    %get3A_614 = arith.constant 0 : index
    %get3A_615 = arith.constant 0 : index
    %get3A_616 = vector.load %arg4[%get3A_614, %get3A_615] : memref<32x1xf32, #tpu.memory_space<vmem>>, vector<32x1xf32>
    %get3A_617 = arith.constant 0 : index
    %get3A_618 = arith.constant 0 : index
    %get3A_619 = vector.load %arg5[%get3A_617, %get3A_618] : memref<32x32xf32, #tpu.memory_space<vmem>>, vector<32x32xf32>
    %get3A_620 = arith.constant 0 : index
    %get3A_621 = arith.constant 0 : index
    %get3A_622 = vector.load %arg6[%get3A_620, %get3A_621] : memref<32x1xf32, #tpu.memory_space<vmem>>, vector<32x1xf32>
    %dot_general3A_623 = arith.constant dense<0.000000e+00> : vector<32x128xf32>
    %dot_general3A_624 = tpu.matmul %get3A_613, %get3A_610, %dot_general3A_623 {dimension_numbers = #tpu.dot_dimension_numbers<[1], [0], [0], [1], [0, 0, 1, 1], [], []>, transpose_lhs_hint = false} : vector<32x448xf32>, vector<448x128xf32>, vector<32x128xf32> -> vector<32x128xf32>
    %add3A_625 = vector.broadcast %get3A_616 : vector<32x1xf32> to vector<32x128xf32>
    %add3A_626 = arith.addf %dot_general3A_624, %add3A_625 : vector<32x128xf32>
    %max3A_627 = arith.constant 0.000000e+00 : f32
    %max3A_628 = vector.broadcast %max3A_627 : f32 to vector<32x128xf32>
    %max3A_629 = arith.maximumf %add3A_626, %max3A_628 : vector<32x128xf32>
    %dot_general3A_630 = arith.constant dense<0.000000e+00> : vector<32x128xf32>
    %dot_general3A_631 = tpu.matmul %get3A_619, %max3A_629, %dot_general3A_630 {dimension_numbers = #tpu.dot_dimension_numbers<[1], [0], [0], [1], [0, 0, 1, 1], [], []>, transpose_lhs_hint = false} : vector<32x32xf32>, vector<32x128xf32>, vector<32x128xf32> -> vector<32x128xf32>
    %add3A_632 = vector.broadcast %get3A_622 : vector<32x1xf32> to vector<32x128xf32>
    %add3A_633 = arith.addf %dot_general3A_631, %add3A_632 : vector<32x128xf32>
    %mul3A_634 = arith.mulf %add3A_633, %add3A_633 : vector<32x128xf32>
    %reduce_sum3A_635 = arith.constant dense<0.000000e+00> : vector<128xf32>
    %reduce_sum3A_636 = vector.multi_reduction <add>, %mul3A_634, %reduce_sum3A_635 [0] : vector<32x128xf32> to vector<128xf32>
    %broadcast_in_dim3A_637 = vector.shape_cast %reduce_sum3A_636 : vector<128xf32> to vector<1x128xf32>
    %sqrt3A_638 = math.sqrt %broadcast_in_dim3A_637 : vector<1x128xf32>
    %max3A_639 = arith.constant 9.99999996E-13 : f32
    %max3A_640 = vector.broadcast %max3A_639 : f32 to vector<1x128xf32>
    %max3A_641 = arith.maximumf %sqrt3A_638, %max3A_640 : vector<1x128xf32>
    %div3A_642 = vector.broadcast %max3A_641 : vector<1x128xf32> to vector<32x128xf32>
    %div3A_643 = arith.divf %add3A_633, %div3A_642 : vector<32x128xf32>
    %swap3A_644 = arith.constant 0 : index
    %swap3A_645 = arith.constant 7 : index
    %swap3A_646 = arith.constant 0 : index
    %swap3A_647 = vector.load %arg11[%swap3A_644, %swap3A_645, %swap3A_646] : memref<32x16x128xf32, #tpu.memory_space<vmem>>, vector<32x1x128xf32>
    %swap3A_648 = vector.shape_cast %swap3A_647 : vector<32x1x128xf32> to vector<32x128xf32>
    %swap3A_649 = vector.shape_cast %div3A_643 : vector<32x128xf32> to vector<32x1x128xf32>
    tpu.vector_store %arg11[%swap3A_644, %swap3A_645, %swap3A_646], %swap3A_649 {strides = array<i32>} : memref<32x16x128xf32, #tpu.memory_space<vmem>>, vector<32x1x128xf32>,
    %get3A_650 = arith.constant 0 : index
    %get3A_651 = arith.constant 7 : index
    %get3A_652 = arith.constant 0 : index
    %get3A_653 = vector.load %arg2[%get3A_650, %get3A_651, %get3A_652] : memref<416x16x128xf32, #tpu.memory_space<vmem>>, vector<416x1x128xf32>
    %get3A_654 = vector.shape_cast %get3A_653 : vector<416x1x128xf32> to vector<416x128xf32>
    %get3A_655 = arith.constant 0 : index
    %get3A_656 = arith.constant 0 : index
    %get3A_657 = vector.load %arg7[%get3A_655, %get3A_656] : memref<32x416xf32, #tpu.memory_space<vmem>>, vector<32x416xf32>
    %get3A_658 = arith.constant 0 : index
    %get3A_659 = arith.constant 0 : index
    %get3A_660 = vector.load %arg8[%get3A_658, %get3A_659] : memref<32x1xf32, #tpu.memory_space<vmem>>, vector<32x1xf32>
    %get3A_661 = arith.constant 0 : index
    %get3A_662 = arith.constant 0 : index
    %get3A_663 = vector.load %arg9[%get3A_661, %get3A_662] : memref<32x32xf32, #tpu.memory_space<vmem>>, vector<32x32xf32>
    %get3A_664 = arith.constant 0 : index
    %get3A_665 = arith.constant 0 : index
    %get3A_666 = vector.load %arg10[%get3A_664, %get3A_665] : memref<32x1xf32, #tpu.memory_space<vmem>>, vector<32x1xf32>
    %dot_general3A_667 = arith.constant dense<0.000000e+00> : vector<32x128xf32>
    %dot_general3A_668 = tpu.matmul %get3A_657, %get3A_654, %dot_general3A_667 {dimension_numbers = #tpu.dot_dimension_numbers<[1], [0], [0], [1], [0, 0, 1, 1], [], []>, transpose_lhs_hint = false} : vector<32x416xf32>, vector<416x128xf32>, vector<32x128xf32> -> vector<32x128xf32>
    %add3A_669 = vector.broadcast %get3A_660 : vector<32x1xf32> to vector<32x128xf32>
    %add3A_670 = arith.addf %dot_general3A_668, %add3A_669 : vector<32x128xf32>
    %max3A_671 = arith.constant 0.000000e+00 : f32
    %max3A_672 = vector.broadcast %max3A_671 : f32 to vector<32x128xf32>
    %max3A_673 = arith.maximumf %add3A_670, %max3A_672 : vector<32x128xf32>
    %dot_general3A_674 = arith.constant dense<0.000000e+00> : vector<32x128xf32>
    %dot_general3A_675 = tpu.matmul %get3A_663, %max3A_673, %dot_general3A_674 {dimension_numbers = #tpu.dot_dimension_numbers<[1], [0], [0], [1], [0, 0, 1, 1], [], []>, transpose_lhs_hint = false} : vector<32x32xf32>, vector<32x128xf32>, vector<32x128xf32> -> vector<32x128xf32>
    %add3A_676 = vector.broadcast %get3A_666 : vector<32x1xf32> to vector<32x128xf32>
    %add3A_677 = arith.addf %dot_general3A_675, %add3A_676 : vector<32x128xf32>
    %mul3A_678 = arith.mulf %add3A_677, %add3A_677 : vector<32x128xf32>
    %reduce_sum3A_679 = arith.constant dense<0.000000e+00> : vector<128xf32>
    %reduce_sum3A_680 = vector.multi_reduction <add>, %mul3A_678, %reduce_sum3A_679 [0] : vector<32x128xf32> to vector<128xf32>
    %broadcast_in_dim3A_681 = vector.shape_cast %reduce_sum3A_680 : vector<128xf32> to vector<1x128xf32>
    %sqrt3A_682 = math.sqrt %broadcast_in_dim3A_681 : vector<1x128xf32>
    %max3A_683 = arith.constant 9.99999996E-13 : f32
    %max3A_684 = vector.broadcast %max3A_683 : f32 to vector<1x128xf32>
    %max3A_685 = arith.maximumf %sqrt3A_682, %max3A_684 : vector<1x128xf32>
    %div3A_686 = vector.broadcast %max3A_685 : vector<1x128xf32> to vector<32x128xf32>
    %div3A_687 = arith.divf %add3A_677, %div3A_686 : vector<32x128xf32>
    %swap3A_688 = arith.constant 0 : index
    %swap3A_689 = arith.constant 7 : index
    %swap3A_690 = arith.constant 0 : index
    %swap3A_691 = vector.load %arg12[%swap3A_688, %swap3A_689, %swap3A_690] : memref<32x16x128xf32, #tpu.memory_space<vmem>>, vector<32x1x128xf32>
    %swap3A_692 = vector.shape_cast %swap3A_691 : vector<32x1x128xf32> to vector<32x128xf32>
    %swap3A_693 = vector.shape_cast %div3A_687 : vector<32x128xf32> to vector<32x1x128xf32>
    tpu.vector_store %arg12[%swap3A_688, %swap3A_689, %swap3A_690], %swap3A_693 {strides = array<i32>} : memref<32x16x128xf32, #tpu.memory_space<vmem>>, vector<32x1x128xf32>,
    %get3A_694 = arith.constant 0 : index
    %get3A_695 = arith.constant 8 : index
    %get3A_696 = arith.constant 0 : index
    %get3A_697 = vector.load %arg1[%get3A_694, %get3A_695, %get3A_696] : memref<448x16x128xf32, #tpu.memory_space<vmem>>, vector<448x1x128xf32>
    %get3A_698 = vector.shape_cast %get3A_697 : vector<448x1x128xf32> to vector<448x128xf32>
    %get3A_699 = arith.constant 0 : index
    %get3A_700 = arith.constant 0 : index
    %get3A_701 = vector.load %arg3[%get3A_699, %get3A_700] : memref<32x448xf32, #tpu.memory_space<vmem>>, vector<32x448xf32>
    %get3A_702 = arith.constant 0 : index
    %get3A_703 = arith.constant 0 : index
    %get3A_704 = vector.load %arg4[%get3A_702, %get3A_703] : memref<32x1xf32, #tpu.memory_space<vmem>>, vector<32x1xf32>
    %get3A_705 = arith.constant 0 : index
    %get3A_706 = arith.constant 0 : index
    %get3A_707 = vector.load %arg5[%get3A_705, %get3A_706] : memref<32x32xf32, #tpu.memory_space<vmem>>, vector<32x32xf32>
    %get3A_708 = arith.constant 0 : index
    %get3A_709 = arith.constant 0 : index
    %get3A_710 = vector.load %arg6[%get3A_708, %get3A_709] : memref<32x1xf32, #tpu.memory_space<vmem>>, vector<32x1xf32>
    %dot_general3A_711 = arith.constant dense<0.000000e+00> : vector<32x128xf32>
    %dot_general3A_712 = tpu.matmul %get3A_701, %get3A_698, %dot_general3A_711 {dimension_numbers = #tpu.dot_dimension_numbers<[1], [0], [0], [1], [0, 0, 1, 1], [], []>, transpose_lhs_hint = false} : vector<32x448xf32>, vector<448x128xf32>, vector<32x128xf32> -> vector<32x128xf32>
    %add3A_713 = vector.broadcast %get3A_704 : vector<32x1xf32> to vector<32x128xf32>
    %add3A_714 = arith.addf %dot_general3A_712, %add3A_713 : vector<32x128xf32>
    %max3A_715 = arith.constant 0.000000e+00 : f32
    %max3A_716 = vector.broadcast %max3A_715 : f32 to vector<32x128xf32>
    %max3A_717 = arith.maximumf %add3A_714, %max3A_716 : vector<32x128xf32>
    %dot_general3A_718 = arith.constant dense<0.000000e+00> : vector<32x128xf32>
    %dot_general3A_719 = tpu.matmul %get3A_707, %max3A_717, %dot_general3A_718 {dimension_numbers = #tpu.dot_dimension_numbers<[1], [0], [0], [1], [0, 0, 1, 1], [], []>, transpose_lhs_hint = false} : vector<32x32xf32>, vector<32x128xf32>, vector<32x128xf32> -> vector<32x128xf32>
    %add3A_720 = vector.broadcast %get3A_710 : vector<32x1xf32> to vector<32x128xf32>
    %add3A_721 = arith.addf %dot_general3A_719, %add3A_720 : vector<32x128xf32>
    %mul3A_722 = arith.mulf %add3A_721, %add3A_721 : vector<32x128xf32>
    %reduce_sum3A_723 = arith.constant dense<0.000000e+00> : vector<128xf32>
    %reduce_sum3A_724 = vector.multi_reduction <add>, %mul3A_722, %reduce_sum3A_723 [0] : vector<32x128xf32> to vector<128xf32>
    %broadcast_in_dim3A_725 = vector.shape_cast %reduce_sum3A_724 : vector<128xf32> to vector<1x128xf32>
    %sqrt3A_726 = math.sqrt %broadcast_in_dim3A_725 : vector<1x128xf32>
    %max3A_727 = arith.constant 9.99999996E-13 : f32
    %max3A_728 = vector.broadcast %max3A_727 : f32 to vector<1x128xf32>
    %max3A_729 = arith.maximumf %sqrt3A_726, %max3A_728 : vector<1x128xf32>
    %div3A_730 = vector.broadcast %max3A_729 : vector<1x128xf32> to vector<32x128xf32>
    %div3A_731 = arith.divf %add3A_721, %div3A_730 : vector<32x128xf32>
    %swap3A_732 = arith.constant 0 : index
    %swap3A_733 = arith.constant 8 : index
    %swap3A_734 = arith.constant 0 : index
    %swap3A_735 = vector.load %arg11[%swap3A_732, %swap3A_733, %swap3A_734] : memref<32x16x128xf32, #tpu.memory_space<vmem>>, vector<32x1x128xf32>
    %swap3A_736 = vector.shape_cast %swap3A_735 : vector<32x1x128xf32> to vector<32x128xf32>
    %swap3A_737 = vector.shape_cast %div3A_731 : vector<32x128xf32> to vector<32x1x128xf32>
    tpu.vector_store %arg11[%swap3A_732, %swap3A_733, %swap3A_734], %swap3A_737 {strides = array<i32>} : memref<32x16x128xf32, #tpu.memory_space<vmem>>, vector<32x1x128xf32>,
    %get3A_738 = arith.constant 0 : index
    %get3A_739 = arith.constant 8 : index
    %get3A_740 = arith.constant 0 : index
    %get3A_741 = vector.load %arg2[%get3A_738, %get3A_739, %get3A_740] : memref<416x16x128xf32, #tpu.memory_space<vmem>>, vector<416x1x128xf32>
    %get3A_742 = vector.shape_cast %get3A_741 : vector<416x1x128xf32> to vector<416x128xf32>
    %get3A_743 = arith.constant 0 : index
    %get3A_744 = arith.constant 0 : index
    %get3A_745 = vector.load %arg7[%get3A_743, %get3A_744] : memref<32x416xf32, #tpu.memory_space<vmem>>, vector<32x416xf32>
    %get3A_746 = arith.constant 0 : index
    %get3A_747 = arith.constant 0 : index
    %get3A_748 = vector.load %arg8[%get3A_746, %get3A_747] : memref<32x1xf32, #tpu.memory_space<vmem>>, vector<32x1xf32>
    %get3A_749 = arith.constant 0 : index
    %get3A_750 = arith.constant 0 : index
    %get3A_751 = vector.load %arg9[%get3A_749, %get3A_750] : memref<32x32xf32, #tpu.memory_space<vmem>>, vector<32x32xf32>
    %get3A_752 = arith.constant 0 : index
    %get3A_753 = arith.constant 0 : index
    %get3A_754 = vector.load %arg10[%get3A_752, %get3A_753] : memref<32x1xf32, #tpu.memory_space<vmem>>, vector<32x1xf32>
    %dot_general3A_755 = arith.constant dense<0.000000e+00> : vector<32x128xf32>
    %dot_general3A_756 = tpu.matmul %get3A_745, %get3A_742, %dot_general3A_755 {dimension_numbers = #tpu.dot_dimension_numbers<[1], [0], [0], [1], [0, 0, 1, 1], [], []>, transpose_lhs_hint = false} : vector<32x416xf32>, vector<416x128xf32>, vector<32x128xf32> -> vector<32x128xf32>
    %add3A_757 = vector.broadcast %get3A_748 : vector<32x1xf32> to vector<32x128xf32>
    %add3A_758 = arith.addf %dot_general3A_756, %add3A_757 : vector<32x128xf32>
    %max3A_759 = arith.constant 0.000000e+00 : f32
    %max3A_760 = vector.broadcast %max3A_759 : f32 to vector<32x128xf32>
    %max3A_761 = arith.maximumf %add3A_758, %max3A_760 : vector<32x128xf32>
    %dot_general3A_762 = arith.constant dense<0.000000e+00> : vector<32x128xf32>
    %dot_general3A_763 = tpu.matmul %get3A_751, %max3A_761, %dot_general3A_762 {dimension_numbers = #tpu.dot_dimension_numbers<[1], [0], [0], [1], [0, 0, 1, 1], [], []>, transpose_lhs_hint = false} : vector<32x32xf32>, vector<32x128xf32>, vector<32x128xf32> -> vector<32x128xf32>
    %add3A_764 = vector.broadcast %get3A_754 : vector<32x1xf32> to vector<32x128xf32>
    %add3A_765 = arith.addf %dot_general3A_763, %add3A_764 : vector<32x128xf32>
    %mul3A_766 = arith.mulf %add3A_765, %add3A_765 : vector<32x128xf32>
    %reduce_sum3A_767 = arith.constant dense<0.000000e+00> : vector<128xf32>
    %reduce_sum3A_768 = vector.multi_reduction <add>, %mul3A_766, %reduce_sum3A_767 [0] : vector<32x128xf32> to vector<128xf32>
    %broadcast_in_dim3A_769 = vector.shape_cast %reduce_sum3A_768 : vector<128xf32> to vector<1x128xf32>
    %sqrt3A_770 = math.sqrt %broadcast_in_dim3A_769 : vector<1x128xf32>
    %max3A_771 = arith.constant 9.99999996E-13 : f32
    %max3A_772 = vector.broadcast %max3A_771 : f32 to vector<1x128xf32>
    %max3A_773 = arith.maximumf %sqrt3A_770, %max3A_772 : vector<1x128xf32>
    %div3A_774 = vector.broadcast %max3A_773 : vector<1x128xf32> to vector<32x128xf32>
    %div3A_775 = arith.divf %add3A_765, %div3A_774 : vector<32x128xf32>
    %swap3A_776 = arith.constant 0 : index
    %swap3A_777 = arith.constant 8 : index
    %swap3A_778 = arith.constant 0 : index
    %swap3A_779 = vector.load %arg12[%swap3A_776, %swap3A_777, %swap3A_778] : memref<32x16x128xf32, #tpu.memory_space<vmem>>, vector<32x1x128xf32>
    %swap3A_780 = vector.shape_cast %swap3A_779 : vector<32x1x128xf32> to vector<32x128xf32>
    %swap3A_781 = vector.shape_cast %div3A_775 : vector<32x128xf32> to vector<32x1x128xf32>
    tpu.vector_store %arg12[%swap3A_776, %swap3A_777, %swap3A_778], %swap3A_781 {strides = array<i32>} : memref<32x16x128xf32, #tpu.memory_space<vmem>>, vector<32x1x128xf32>,
    %get3A_782 = arith.constant 0 : index
    %get3A_783 = arith.constant 9 : index
    %get3A_784 = arith.constant 0 : index
    %get3A_785 = vector.load %arg1[%get3A_782, %get3A_783, %get3A_784] : memref<448x16x128xf32, #tpu.memory_space<vmem>>, vector<448x1x128xf32>
    %get3A_786 = vector.shape_cast %get3A_785 : vector<448x1x128xf32> to vector<448x128xf32>
    %get3A_787 = arith.constant 0 : index
    %get3A_788 = arith.constant 0 : index
    %get3A_789 = vector.load %arg3[%get3A_787, %get3A_788] : memref<32x448xf32, #tpu.memory_space<vmem>>, vector<32x448xf32>
    %get3A_790 = arith.constant 0 : index
    %get3A_791 = arith.constant 0 : index
    %get3A_792 = vector.load %arg4[%get3A_790, %get3A_791] : memref<32x1xf32, #tpu.memory_space<vmem>>, vector<32x1xf32>
    %get3A_793 = arith.constant 0 : index
    %get3A_794 = arith.constant 0 : index
    %get3A_795 = vector.load %arg5[%get3A_793, %get3A_794] : memref<32x32xf32, #tpu.memory_space<vmem>>, vector<32x32xf32>
    %get3A_796 = arith.constant 0 : index
    %get3A_797 = arith.constant 0 : index
    %get3A_798 = vector.load %arg6[%get3A_796, %get3A_797] : memref<32x1xf32, #tpu.memory_space<vmem>>, vector<32x1xf32>
    %dot_general3A_799 = arith.constant dense<0.000000e+00> : vector<32x128xf32>
    %dot_general3A_800 = tpu.matmul %get3A_789, %get3A_786, %dot_general3A_799 {dimension_numbers = #tpu.dot_dimension_numbers<[1], [0], [0], [1], [0, 0, 1, 1], [], []>, transpose_lhs_hint = false} : vector<32x448xf32>, vector<448x128xf32>, vector<32x128xf32> -> vector<32x128xf32>
    %add3A_801 = vector.broadcast %get3A_792 : vector<32x1xf32> to vector<32x128xf32>
    %add3A_802 = arith.addf %dot_general3A_800, %add3A_801 : vector<32x128xf32>
    %max3A_803 = arith.constant 0.000000e+00 : f32
    %max3A_804 = vector.broadcast %max3A_803 : f32 to vector<32x128xf32>
    %max3A_805 = arith.maximumf %add3A_802, %max3A_804 : vector<32x128xf32>
    %dot_general3A_806 = arith.constant dense<0.000000e+00> : vector<32x128xf32>
    %dot_general3A_807 = tpu.matmul %get3A_795, %max3A_805, %dot_general3A_806 {dimension_numbers = #tpu.dot_dimension_numbers<[1], [0], [0], [1], [0, 0, 1, 1], [], []>, transpose_lhs_hint = false} : vector<32x32xf32>, vector<32x128xf32>, vector<32x128xf32> -> vector<32x128xf32>
    %add3A_808 = vector.broadcast %get3A_798 : vector<32x1xf32> to vector<32x128xf32>
    %add3A_809 = arith.addf %dot_general3A_807, %add3A_808 : vector<32x128xf32>
    %mul3A_810 = arith.mulf %add3A_809, %add3A_809 : vector<32x128xf32>
    %reduce_sum3A_811 = arith.constant dense<0.000000e+00> : vector<128xf32>
    %reduce_sum3A_812 = vector.multi_reduction <add>, %mul3A_810, %reduce_sum3A_811 [0] : vector<32x128xf32> to vector<128xf32>
    %broadcast_in_dim3A_813 = vector.shape_cast %reduce_sum3A_812 : vector<128xf32> to vector<1x128xf32>
    %sqrt3A_814 = math.sqrt %broadcast_in_dim3A_813 : vector<1x128xf32>
    %max3A_815 = arith.constant 9.99999996E-13 : f32
    %max3A_816 = vector.broadcast %max3A_815 : f32 to vector<1x128xf32>
    %max3A_817 = arith.maximumf %sqrt3A_814, %max3A_816 : vector<1x128xf32>
    %div3A_818 = vector.broadcast %max3A_817 : vector<1x128xf32> to vector<32x128xf32>
    %div3A_819 = arith.divf %add3A_809, %div3A_818 : vector<32x128xf32>
    %swap3A_820 = arith.constant 0 : index
    %swap3A_821 = arith.constant 9 : index
    %swap3A_822 = arith.constant 0 : index
    %swap3A_823 = vector.load %arg11[%swap3A_820, %swap3A_821, %swap3A_822] : memref<32x16x128xf32, #tpu.memory_space<vmem>>, vector<32x1x128xf32>
    %swap3A_824 = vector.shape_cast %swap3A_823 : vector<32x1x128xf32> to vector<32x128xf32>
    %swap3A_825 = vector.shape_cast %div3A_819 : vector<32x128xf32> to vector<32x1x128xf32>
    tpu.vector_store %arg11[%swap3A_820, %swap3A_821, %swap3A_822], %swap3A_825 {strides = array<i32>} : memref<32x16x128xf32, #tpu.memory_space<vmem>>, vector<32x1x128xf32>,
    %get3A_826 = arith.constant 0 : index
    %get3A_827 = arith.constant 9 : index
    %get3A_828 = arith.constant 0 : index
    %get3A_829 = vector.load %arg2[%get3A_826, %get3A_827, %get3A_828] : memref<416x16x128xf32, #tpu.memory_space<vmem>>, vector<416x1x128xf32>
    %get3A_830 = vector.shape_cast %get3A_829 : vector<416x1x128xf32> to vector<416x128xf32>
    %get3A_831 = arith.constant 0 : index
    %get3A_832 = arith.constant 0 : index
    %get3A_833 = vector.load %arg7[%get3A_831, %get3A_832] : memref<32x416xf32, #tpu.memory_space<vmem>>, vector<32x416xf32>
    %get3A_834 = arith.constant 0 : index
    %get3A_835 = arith.constant 0 : index
    %get3A_836 = vector.load %arg8[%get3A_834, %get3A_835] : memref<32x1xf32, #tpu.memory_space<vmem>>, vector<32x1xf32>
    %get3A_837 = arith.constant 0 : index
    %get3A_838 = arith.constant 0 : index
    %get3A_839 = vector.load %arg9[%get3A_837, %get3A_838] : memref<32x32xf32, #tpu.memory_space<vmem>>, vector<32x32xf32>
    %get3A_840 = arith.constant 0 : index
    %get3A_841 = arith.constant 0 : index
    %get3A_842 = vector.load %arg10[%get3A_840, %get3A_841] : memref<32x1xf32, #tpu.memory_space<vmem>>, vector<32x1xf32>
    %dot_general3A_843 = arith.constant dense<0.000000e+00> : vector<32x128xf32>
    %dot_general3A_844 = tpu.matmul %get3A_833, %get3A_830, %dot_general3A_843 {dimension_numbers = #tpu.dot_dimension_numbers<[1], [0], [0], [1], [0, 0, 1, 1], [], []>, transpose_lhs_hint = false} : vector<32x416xf32>, vector<416x128xf32>, vector<32x128xf32> -> vector<32x128xf32>
    %add3A_845 = vector.broadcast %get3A_836 : vector<32x1xf32> to vector<32x128xf32>
    %add3A_846 = arith.addf %dot_general3A_844, %add3A_845 : vector<32x128xf32>
    %max3A_847 = arith.constant 0.000000e+00 : f32
    %max3A_848 = vector.broadcast %max3A_847 : f32 to vector<32x128xf32>
    %max3A_849 = arith.maximumf %add3A_846, %max3A_848 : vector<32x128xf32>
    %dot_general3A_850 = arith.constant dense<0.000000e+00> : vector<32x128xf32>
    %dot_general3A_851 = tpu.matmul %get3A_839, %max3A_849, %dot_general3A_850 {dimension_numbers = #tpu.dot_dimension_numbers<[1], [0], [0], [1], [0, 0, 1, 1], [], []>, transpose_lhs_hint = false} : vector<32x32xf32>, vector<32x128xf32>, vector<32x128xf32> -> vector<32x128xf32>
    %add3A_852 = vector.broadcast %get3A_842 : vector<32x1xf32> to vector<32x128xf32>
    %add3A_853 = arith.addf %dot_general3A_851, %add3A_852 : vector<32x128xf32>
    %mul3A_854 = arith.mulf %add3A_853, %add3A_853 : vector<32x128xf32>
    %reduce_sum3A_855 = arith.constant dense<0.000000e+00> : vector<128xf32>
    %reduce_sum3A_856 = vector.multi_reduction <add>, %mul3A_854, %reduce_sum3A_855 [0] : vector<32x128xf32> to vector<128xf32>
    %broadcast_in_dim3A_857 = vector.shape_cast %reduce_sum3A_856 : vector<128xf32> to vector<1x128xf32>
    %sqrt3A_858 = math.sqrt %broadcast_in_dim3A_857 : vector<1x128xf32>
    %max3A_859 = arith.constant 9.99999996E-13 : f32
    %max3A_860 = vector.broadcast %max3A_859 : f32 to vector<1x128xf32>
    %max3A_861 = arith.maximumf %sqrt3A_858, %max3A_860 : vector<1x128xf32>
    %div3A_862 = vector.broadcast %max3A_861 : vector<1x128xf32> to vector<32x128xf32>
    %div3A_863 = arith.divf %add3A_853, %div3A_862 : vector<32x128xf32>
    %swap3A_864 = arith.constant 0 : index
    %swap3A_865 = arith.constant 9 : index
    %swap3A_866 = arith.constant 0 : index
    %swap3A_867 = vector.load %arg12[%swap3A_864, %swap3A_865, %swap3A_866] : memref<32x16x128xf32, #tpu.memory_space<vmem>>, vector<32x1x128xf32>
    %swap3A_868 = vector.shape_cast %swap3A_867 : vector<32x1x128xf32> to vector<32x128xf32>
    %swap3A_869 = vector.shape_cast %div3A_863 : vector<32x128xf32> to vector<32x1x128xf32>
    tpu.vector_store %arg12[%swap3A_864, %swap3A_865, %swap3A_866], %swap3A_869 {strides = array<i32>} : memref<32x16x128xf32, #tpu.memory_space<vmem>>, vector<32x1x128xf32>,
    %get3A_870 = arith.constant 0 : index
    %get3A_871 = arith.constant 10 : index
    %get3A_872 = arith.constant 0 : index
    %get3A_873 = vector.load %arg1[%get3A_870, %get3A_871, %get3A_872] : memref<448x16x128xf32, #tpu.memory_space<vmem>>, vector<448x1x128xf32>
    %get3A_874 = vector.shape_cast %get3A_873 : vector<448x1x128xf32> to vector<448x128xf32>
    %get3A_875 = arith.constant 0 : index
    %get3A_876 = arith.constant 0 : index
    %get3A_877 = vector.load %arg3[%get3A_875, %get3A_876] : memref<32x448xf32, #tpu.memory_space<vmem>>, vector<32x448xf32>
    %get3A_878 = arith.constant 0 : index
    %get3A_879 = arith.constant 0 : index
    %get3A_880 = vector.load %arg4[%get3A_878, %get3A_879] : memref<32x1xf32, #tpu.memory_space<vmem>>, vector<32x1xf32>
    %get3A_881 = arith.constant 0 : index
    %get3A_882 = arith.constant 0 : index
    %get3A_883 = vector.load %arg5[%get3A_881, %get3A_882] : memref<32x32xf32, #tpu.memory_space<vmem>>, vector<32x32xf32>
    %get3A_884 = arith.constant 0 : index
    %get3A_885 = arith.constant 0 : index
    %get3A_886 = vector.load %arg6[%get3A_884, %get3A_885] : memref<32x1xf32, #tpu.memory_space<vmem>>, vector<32x1xf32>
    %dot_general3A_887 = arith.constant dense<0.000000e+00> : vector<32x128xf32>
    %dot_general3A_888 = tpu.matmul %get3A_877, %get3A_874, %dot_general3A_887 {dimension_numbers = #tpu.dot_dimension_numbers<[1], [0], [0], [1], [0, 0, 1, 1], [], []>, transpose_lhs_hint = false} : vector<32x448xf32>, vector<448x128xf32>, vector<32x128xf32> -> vector<32x128xf32>
    %add3A_889 = vector.broadcast %get3A_880 : vector<32x1xf32> to vector<32x128xf32>
    %add3A_890 = arith.addf %dot_general3A_888, %add3A_889 : vector<32x128xf32>
    %max3A_891 = arith.constant 0.000000e+00 : f32
    %max3A_892 = vector.broadcast %max3A_891 : f32 to vector<32x128xf32>
    %max3A_893 = arith.maximumf %add3A_890, %max3A_892 : vector<32x128xf32>
    %dot_general3A_894 = arith.constant dense<0.000000e+00> : vector<32x128xf32>
    %dot_general3A_895 = tpu.matmul %get3A_883, %max3A_893, %dot_general3A_894 {dimension_numbers = #tpu.dot_dimension_numbers<[1], [0], [0], [1], [0, 0, 1, 1], [], []>, transpose_lhs_hint = false} : vector<32x32xf32>, vector<32x128xf32>, vector<32x128xf32> -> vector<32x128xf32>
    %add3A_896 = vector.broadcast %get3A_886 : vector<32x1xf32> to vector<32x128xf32>
    %add3A_897 = arith.addf %dot_general3A_895, %add3A_896 : vector<32x128xf32>
    %mul3A_898 = arith.mulf %add3A_897, %add3A_897 : vector<32x128xf32>
    %reduce_sum3A_899 = arith.constant dense<0.000000e+00> : vector<128xf32>
    %reduce_sum3A_900 = vector.multi_reduction <add>, %mul3A_898, %reduce_sum3A_899 [0] : vector<32x128xf32> to vector<128xf32>
    %broadcast_in_dim3A_901 = vector.shape_cast %reduce_sum3A_900 : vector<128xf32> to vector<1x128xf32>
    %sqrt3A_902 = math.sqrt %broadcast_in_dim3A_901 : vector<1x128xf32>
    %max3A_903 = arith.constant 9.99999996E-13 : f32
    %max3A_904 = vector.broadcast %max3A_903 : f32 to vector<1x128xf32>
    %max3A_905 = arith.maximumf %sqrt3A_902, %max3A_904 : vector<1x128xf32>
    %div3A_906 = vector.broadcast %max3A_905 : vector<1x128xf32> to vector<32x128xf32>
    %div3A_907 = arith.divf %add3A_897, %div3A_906 : vector<32x128xf32>
    %swap3A_908 = arith.constant 0 : index
    %swap3A_909 = arith.constant 10 : index
    %swap3A_910 = arith.constant 0 : index
    %swap3A_911 = vector.load %arg11[%swap3A_908, %swap3A_909, %swap3A_910] : memref<32x16x128xf32, #tpu.memory_space<vmem>>, vector<32x1x128xf32>
    %swap3A_912 = vector.shape_cast %swap3A_911 : vector<32x1x128xf32> to vector<32x128xf32>
    %swap3A_913 = vector.shape_cast %div3A_907 : vector<32x128xf32> to vector<32x1x128xf32>
    tpu.vector_store %arg11[%swap3A_908, %swap3A_909, %swap3A_910], %swap3A_913 {strides = array<i32>} : memref<32x16x128xf32, #tpu.memory_space<vmem>>, vector<32x1x128xf32>,
    %get3A_914 = arith.constant 0 : index
    %get3A_915 = arith.constant 10 : index
    %get3A_916 = arith.constant 0 : index
    %get3A_917 = vector.load %arg2[%get3A_914, %get3A_915, %get3A_916] : memref<416x16x128xf32, #tpu.memory_space<vmem>>, vector<416x1x128xf32>
    %get3A_918 = vector.shape_cast %get3A_917 : vector<416x1x128xf32> to vector<416x128xf32>
    %get3A_919 = arith.constant 0 : index
    %get3A_920 = arith.constant 0 : index
    %get3A_921 = vector.load %arg7[%get3A_919, %get3A_920] : memref<32x416xf32, #tpu.memory_space<vmem>>, vector<32x416xf32>
    %get3A_922 = arith.constant 0 : index
    %get3A_923 = arith.constant 0 : index
    %get3A_924 = vector.load %arg8[%get3A_922, %get3A_923] : memref<32x1xf32, #tpu.memory_space<vmem>>, vector<32x1xf32>
    %get3A_925 = arith.constant 0 : index
    %get3A_926 = arith.constant 0 : index
    %get3A_927 = vector.load %arg9[%get3A_925, %get3A_926] : memref<32x32xf32, #tpu.memory_space<vmem>>, vector<32x32xf32>
    %get3A_928 = arith.constant 0 : index
    %get3A_929 = arith.constant 0 : index
    %get3A_930 = vector.load %arg10[%get3A_928, %get3A_929] : memref<32x1xf32, #tpu.memory_space<vmem>>, vector<32x1xf32>
    %dot_general3A_931 = arith.constant dense<0.000000e+00> : vector<32x128xf32>
    %dot_general3A_932 = tpu.matmul %get3A_921, %get3A_918, %dot_general3A_931 {dimension_numbers = #tpu.dot_dimension_numbers<[1], [0], [0], [1], [0, 0, 1, 1], [], []>, transpose_lhs_hint = false} : vector<32x416xf32>, vector<416x128xf32>, vector<32x128xf32> -> vector<32x128xf32>
    %add3A_933 = vector.broadcast %get3A_924 : vector<32x1xf32> to vector<32x128xf32>
    %add3A_934 = arith.addf %dot_general3A_932, %add3A_933 : vector<32x128xf32>
    %max3A_935 = arith.constant 0.000000e+00 : f32
    %max3A_936 = vector.broadcast %max3A_935 : f32 to vector<32x128xf32>
    %max3A_937 = arith.maximumf %add3A_934, %max3A_936 : vector<32x128xf32>
    %dot_general3A_938 = arith.constant dense<0.000000e+00> : vector<32x128xf32>
    %dot_general3A_939 = tpu.matmul %get3A_927, %max3A_937, %dot_general3A_938 {dimension_numbers = #tpu.dot_dimension_numbers<[1], [0], [0], [1], [0, 0, 1, 1], [], []>, transpose_lhs_hint = false} : vector<32x32xf32>, vector<32x128xf32>, vector<32x128xf32> -> vector<32x128xf32>
    %add3A_940 = vector.broadcast %get3A_930 : vector<32x1xf32> to vector<32x128xf32>
    %add3A_941 = arith.addf %dot_general3A_939, %add3A_940 : vector<32x128xf32>
    %mul3A_942 = arith.mulf %add3A_941, %add3A_941 : vector<32x128xf32>
    %reduce_sum3A_943 = arith.constant dense<0.000000e+00> : vector<128xf32>
    %reduce_sum3A_944 = vector.multi_reduction <add>, %mul3A_942, %reduce_sum3A_943 [0] : vector<32x128xf32> to vector<128xf32>
    %broadcast_in_dim3A_945 = vector.shape_cast %reduce_sum3A_944 : vector<128xf32> to vector<1x128xf32>
    %sqrt3A_946 = math.sqrt %broadcast_in_dim3A_945 : vector<1x128xf32>
    %max3A_947 = arith.constant 9.99999996E-13 : f32
    %max3A_948 = vector.broadcast %max3A_947 : f32 to vector<1x128xf32>
    %max3A_949 = arith.maximumf %sqrt3A_946, %max3A_948 : vector<1x128xf32>
    %div3A_950 = vector.broadcast %max3A_949 : vector<1x128xf32> to vector<32x128xf32>
    %div3A_951 = arith.divf %add3A_941, %div3A_950 : vector<32x128xf32>
    %swap3A_952 = arith.constant 0 : index
    %swap3A_953 = arith.constant 10 : index
    %swap3A_954 = arith.constant 0 : index
    %swap3A_955 = vector.load %arg12[%swap3A_952, %swap3A_953, %swap3A_954] : memref<32x16x128xf32, #tpu.memory_space<vmem>>, vector<32x1x128xf32>
    %swap3A_956 = vector.shape_cast %swap3A_955 : vector<32x1x128xf32> to vector<32x128xf32>
    %swap3A_957 = vector.shape_cast %div3A_951 : vector<32x128xf32> to vector<32x1x128xf32>
    tpu.vector_store %arg12[%swap3A_952, %swap3A_953, %swap3A_954], %swap3A_957 {strides = array<i32>} : memref<32x16x128xf32, #tpu.memory_space<vmem>>, vector<32x1x128xf32>,
    %get3A_958 = arith.constant 0 : index
    %get3A_959 = arith.constant 11 : index
    %get3A_960 = arith.constant 0 : index
    %get3A_961 = vector.load %arg1[%get3A_958, %get3A_959, %get3A_960] : memref<448x16x128xf32, #tpu.memory_space<vmem>>, vector<448x1x128xf32>
    %get3A_962 = vector.shape_cast %get3A_961 : vector<448x1x128xf32> to vector<448x128xf32>
    %get3A_963 = arith.constant 0 : index
    %get3A_964 = arith.constant 0 : index
    %get3A_965 = vector.load %arg3[%get3A_963, %get3A_964] : memref<32x448xf32, #tpu.memory_space<vmem>>, vector<32x448xf32>
    %get3A_966 = arith.constant 0 : index
    %get3A_967 = arith.constant 0 : index
    %get3A_968 = vector.load %arg4[%get3A_966, %get3A_967] : memref<32x1xf32, #tpu.memory_space<vmem>>, vector<32x1xf32>
    %get3A_969 = arith.constant 0 : index
    %get3A_970 = arith.constant 0 : index
    %get3A_971 = vector.load %arg5[%get3A_969, %get3A_970] : memref<32x32xf32, #tpu.memory_space<vmem>>, vector<32x32xf32>
    %get3A_972 = arith.constant 0 : index
    %get3A_973 = arith.constant 0 : index
    %get3A_974 = vector.load %arg6[%get3A_972, %get3A_973] : memref<32x1xf32, #tpu.memory_space<vmem>>, vector<32x1xf32>
    %dot_general3A_975 = arith.constant dense<0.000000e+00> : vector<32x128xf32>
    %dot_general3A_976 = tpu.matmul %get3A_965, %get3A_962, %dot_general3A_975 {dimension_numbers = #tpu.dot_dimension_numbers<[1], [0], [0], [1], [0, 0, 1, 1], [], []>, transpose_lhs_hint = false} : vector<32x448xf32>, vector<448x128xf32>, vector<32x128xf32> -> vector<32x128xf32>
    %add3A_977 = vector.broadcast %get3A_968 : vector<32x1xf32> to vector<32x128xf32>
    %add3A_978 = arith.addf %dot_general3A_976, %add3A_977 : vector<32x128xf32>
    %max3A_979 = arith.constant 0.000000e+00 : f32
    %max3A_980 = vector.broadcast %max3A_979 : f32 to vector<32x128xf32>
    %max3A_981 = arith.maximumf %add3A_978, %max3A_980 : vector<32x128xf32>
    %dot_general3A_982 = arith.constant dense<0.000000e+00> : vector<32x128xf32>
    %dot_general3A_983 = tpu.matmul %get3A_971, %max3A_981, %dot_general3A_982 {dimension_numbers = #tpu.dot_dimension_numbers<[1], [0], [0], [1], [0, 0, 1, 1], [], []>, transpose_lhs_hint = false} : vector<32x32xf32>, vector<32x128xf32>, vector<32x128xf32> -> vector<32x128xf32>
    %add3A_984 = vector.broadcast %get3A_974 : vector<32x1xf32> to vector<32x128xf32>
    %add3A_985 = arith.addf %dot_general3A_983, %add3A_984 : vector<32x128xf32>
    %mul3A_986 = arith.mulf %add3A_985, %add3A_985 : vector<32x128xf32>
    %reduce_sum3A_987 = arith.constant dense<0.000000e+00> : vector<128xf32>
    %reduce_sum3A_988 = vector.multi_reduction <add>, %mul3A_986, %reduce_sum3A_987 [0] : vector<32x128xf32> to vector<128xf32>
    %broadcast_in_dim3A_989 = vector.shape_cast %reduce_sum3A_988 : vector<128xf32> to vector<1x128xf32>
    %sqrt3A_990 = math.sqrt %broadcast_in_dim3A_989 : vector<1x128xf32>
    %max3A_991 = arith.constant 9.99999996E-13 : f32
    %max3A_992 = vector.broadcast %max3A_991 : f32 to vector<1x128xf32>
    %max3A_993 = arith.maximumf %sqrt3A_990, %max3A_992 : vector<1x128xf32>
    %div3A_994 = vector.broadcast %max3A_993 : vector<1x128xf32> to vector<32x128xf32>
    %div3A_995 = arith.divf %add3A_985, %div3A_994 : vector<32x128xf32>
    %swap3A_996 = arith.constant 0 : index
    %swap3A_997 = arith.constant 11 : index
    %swap3A_998 = arith.constant 0 : index
    %swap3A_999 = vector.load %arg11[%swap3A_996, %swap3A_997, %swap3A_998] : memref<32x16x128xf32, #tpu.memory_space<vmem>>, vector<32x1x128xf32>
    %swap3A_1000 = vector.shape_cast %swap3A_999 : vector<32x1x128xf32> to vector<32x128xf32>
    %swap3A_1001 = vector.shape_cast %div3A_995 : vector<32x128xf32> to vector<32x1x128xf32>
    tpu.vector_store %arg11[%swap3A_996, %swap3A_997, %swap3A_998], %swap3A_1001 {strides = array<i32>} : memref<32x16x128xf32, #tpu.memory_space<vmem>>, vector<32x1x128xf32>,
    %get3A_1002 = arith.constant 0 : index
    %get3A_1003 = arith.constant 11 : index
    %get3A_1004 = arith.constant 0 : index
    %get3A_1005 = vector.load %arg2[%get3A_1002, %get3A_1003, %get3A_1004] : memref<416x16x128xf32, #tpu.memory_space<vmem>>, vector<416x1x128xf32>
    %get3A_1006 = vector.shape_cast %get3A_1005 : vector<416x1x128xf32> to vector<416x128xf32>
    %get3A_1007 = arith.constant 0 : index
    %get3A_1008 = arith.constant 0 : index
    %get3A_1009 = vector.load %arg7[%get3A_1007, %get3A_1008] : memref<32x416xf32, #tpu.memory_space<vmem>>, vector<32x416xf32>
    %get3A_1010 = arith.constant 0 : index
    %get3A_1011 = arith.constant 0 : index
    %get3A_1012 = vector.load %arg8[%get3A_1010, %get3A_1011] : memref<32x1xf32, #tpu.memory_space<vmem>>, vector<32x1xf32>
    %get3A_1013 = arith.constant 0 : index
    %get3A_1014 = arith.constant 0 : index
    %get3A_1015 = vector.load %arg9[%get3A_1013, %get3A_1014] : memref<32x32xf32, #tpu.memory_space<vmem>>, vector<32x32xf32>
    %get3A_1016 = arith.constant 0 : index
    %get3A_1017 = arith.constant 0 : index
    %get3A_1018 = vector.load %arg10[%get3A_1016, %get3A_1017] : memref<32x1xf32, #tpu.memory_space<vmem>>, vector<32x1xf32>
    %dot_general3A_1019 = arith.constant dense<0.000000e+00> : vector<32x128xf32>
    %dot_general3A_1020 = tpu.matmul %get3A_1009, %get3A_1006, %dot_general3A_1019 {dimension_numbers = #tpu.dot_dimension_numbers<[1], [0], [0], [1], [0, 0, 1, 1], [], []>, transpose_lhs_hint = false} : vector<32x416xf32>, vector<416x128xf32>, vector<32x128xf32> -> vector<32x128xf32>
    %add3A_1021 = vector.broadcast %get3A_1012 : vector<32x1xf32> to vector<32x128xf32>
    %add3A_1022 = arith.addf %dot_general3A_1020, %add3A_1021 : vector<32x128xf32>
    %max3A_1023 = arith.constant 0.000000e+00 : f32
    %max3A_1024 = vector.broadcast %max3A_1023 : f32 to vector<32x128xf32>
    %max3A_1025 = arith.maximumf %add3A_1022, %max3A_1024 : vector<32x128xf32>
    %dot_general3A_1026 = arith.constant dense<0.000000e+00> : vector<32x128xf32>
    %dot_general3A_1027 = tpu.matmul %get3A_1015, %max3A_1025, %dot_general3A_1026 {dimension_numbers = #tpu.dot_dimension_numbers<[1], [0], [0], [1], [0, 0, 1, 1], [], []>, transpose_lhs_hint = false} : vector<32x32xf32>, vector<32x128xf32>, vector<32x128xf32> -> vector<32x128xf32>
    %add3A_1028 = vector.broadcast %get3A_1018 : vector<32x1xf32> to vector<32x128xf32>
    %add3A_1029 = arith.addf %dot_general3A_1027, %add3A_1028 : vector<32x128xf32>
    %mul3A_1030 = arith.mulf %add3A_1029, %add3A_1029 : vector<32x128xf32>
    %reduce_sum3A_1031 = arith.constant dense<0.000000e+00> : vector<128xf32>
    %reduce_sum3A_1032 = vector.multi_reduction <add>, %mul3A_1030, %reduce_sum3A_1031 [0] : vector<32x128xf32> to vector<128xf32>
    %broadcast_in_dim3A_1033 = vector.shape_cast %reduce_sum3A_1032 : vector<128xf32> to vector<1x128xf32>
    %sqrt3A_1034 = math.sqrt %broadcast_in_dim3A_1033 : vector<1x128xf32>
    %max3A_1035 = arith.constant 9.99999996E-13 : f32
    %max3A_1036 = vector.broadcast %max3A_1035 : f32 to vector<1x128xf32>
    %max3A_1037 = arith.maximumf %sqrt3A_1034, %max3A_1036 : vector<1x128xf32>
    %div3A_1038 = vector.broadcast %max3A_1037 : vector<1x128xf32> to vector<32x128xf32>
    %div3A_1039 = arith.divf %add3A_1029, %div3A_1038 : vector<32x128xf32>
    %swap3A_1040 = arith.constant 0 : index
    %swap3A_1041 = arith.constant 11 : index
    %swap3A_1042 = arith.constant 0 : index
    %swap3A_1043 = vector.load %arg12[%swap3A_1040, %swap3A_1041, %swap3A_1042] : memref<32x16x128xf32, #tpu.memory_space<vmem>>, vector<32x1x128xf32>
    %swap3A_1044 = vector.shape_cast %swap3A_1043 : vector<32x1x128xf32> to vector<32x128xf32>
    %swap3A_1045 = vector.shape_cast %div3A_1039 : vector<32x128xf32> to vector<32x1x128xf32>
    tpu.vector_store %arg12[%swap3A_1040, %swap3A_1041, %swap3A_1042], %swap3A_1045 {strides = array<i32>} : memref<32x16x128xf32, #tpu.memory_space<vmem>>, vector<32x1x128xf32>,
    %get3A_1046 = arith.constant 0 : index
    %get3A_1047 = arith.constant 12 : index
    %get3A_1048 = arith.constant 0 : index
    %get3A_1049 = vector.load %arg1[%get3A_1046, %get3A_1047, %get3A_1048] : memref<448x16x128xf32, #tpu.memory_space<vmem>>, vector<448x1x128xf32>
    %get3A_1050 = vector.shape_cast %get3A_1049 : vector<448x1x128xf32> to vector<448x128xf32>
    %get3A_1051 = arith.constant 0 : index
    %get3A_1052 = arith.constant 0 : index
    %get3A_1053 = vector.load %arg3[%get3A_1051, %get3A_1052] : memref<32x448xf32, #tpu.memory_space<vmem>>, vector<32x448xf32>
    %get3A_1054 = arith.constant 0 : index
    %get3A_1055 = arith.constant 0 : index
    %get3A_1056 = vector.load %arg4[%get3A_1054, %get3A_1055] : memref<32x1xf32, #tpu.memory_space<vmem>>, vector<32x1xf32>
    %get3A_1057 = arith.constant 0 : index
    %get3A_1058 = arith.constant 0 : index
    %get3A_1059 = vector.load %arg5[%get3A_1057, %get3A_1058] : memref<32x32xf32, #tpu.memory_space<vmem>>, vector<32x32xf32>
    %get3A_1060 = arith.constant 0 : index
    %get3A_1061 = arith.constant 0 : index
    %get3A_1062 = vector.load %arg6[%get3A_1060, %get3A_1061] : memref<32x1xf32, #tpu.memory_space<vmem>>, vector<32x1xf32>
    %dot_general3A_1063 = arith.constant dense<0.000000e+00> : vector<32x128xf32>
    %dot_general3A_1064 = tpu.matmul %get3A_1053, %get3A_1050, %dot_general3A_1063 {dimension_numbers = #tpu.dot_dimension_numbers<[1], [0], [0], [1], [0, 0, 1, 1], [], []>, transpose_lhs_hint = false} : vector<32x448xf32>, vector<448x128xf32>, vector<32x128xf32> -> vector<32x128xf32>
    %add3A_1065 = vector.broadcast %get3A_1056 : vector<32x1xf32> to vector<32x128xf32>
    %add3A_1066 = arith.addf %dot_general3A_1064, %add3A_1065 : vector<32x128xf32>
    %max3A_1067 = arith.constant 0.000000e+00 : f32
    %max3A_1068 = vector.broadcast %max3A_1067 : f32 to vector<32x128xf32>
    %max3A_1069 = arith.maximumf %add3A_1066, %max3A_1068 : vector<32x128xf32>
    %dot_general3A_1070 = arith.constant dense<0.000000e+00> : vector<32x128xf32>
    %dot_general3A_1071 = tpu.matmul %get3A_1059, %max3A_1069, %dot_general3A_1070 {dimension_numbers = #tpu.dot_dimension_numbers<[1], [0], [0], [1], [0, 0, 1, 1], [], []>, transpose_lhs_hint = false} : vector<32x32xf32>, vector<32x128xf32>, vector<32x128xf32> -> vector<32x128xf32>
    %add3A_1072 = vector.broadcast %get3A_1062 : vector<32x1xf32> to vector<32x128xf32>
    %add3A_1073 = arith.addf %dot_general3A_1071, %add3A_1072 : vector<32x128xf32>
    %mul3A_1074 = arith.mulf %add3A_1073, %add3A_1073 : vector<32x128xf32>
    %reduce_sum3A_1075 = arith.constant dense<0.000000e+00> : vector<128xf32>
    %reduce_sum3A_1076 = vector.multi_reduction <add>, %mul3A_1074, %reduce_sum3A_1075 [0] : vector<32x128xf32> to vector<128xf32>
    %broadcast_in_dim3A_1077 = vector.shape_cast %reduce_sum3A_1076 : vector<128xf32> to vector<1x128xf32>
    %sqrt3A_1078 = math.sqrt %broadcast_in_dim3A_1077 : vector<1x128xf32>
    %max3A_1079 = arith.constant 9.99999996E-13 : f32
    %max3A_1080 = vector.broadcast %max3A_1079 : f32 to vector<1x128xf32>
    %max3A_1081 = arith.maximumf %sqrt3A_1078, %max3A_1080 : vector<1x128xf32>
    %div3A_1082 = vector.broadcast %max3A_1081 : vector<1x128xf32> to vector<32x128xf32>
    %div3A_1083 = arith.divf %add3A_1073, %div3A_1082 : vector<32x128xf32>
    %swap3A_1084 = arith.constant 0 : index
    %swap3A_1085 = arith.constant 12 : index
    %swap3A_1086 = arith.constant 0 : index
    %swap3A_1087 = vector.load %arg11[%swap3A_1084, %swap3A_1085, %swap3A_1086] : memref<32x16x128xf32, #tpu.memory_space<vmem>>, vector<32x1x128xf32>
    %swap3A_1088 = vector.shape_cast %swap3A_1087 : vector<32x1x128xf32> to vector<32x128xf32>
    %swap3A_1089 = vector.shape_cast %div3A_1083 : vector<32x128xf32> to vector<32x1x128xf32>
    tpu.vector_store %arg11[%swap3A_1084, %swap3A_1085, %swap3A_1086], %swap3A_1089 {strides = array<i32>} : memref<32x16x128xf32, #tpu.memory_space<vmem>>, vector<32x1x128xf32>,
    %get3A_1090 = arith.constant 0 : index
    %get3A_1091 = arith.constant 12 : index
    %get3A_1092 = arith.constant 0 : index
    %get3A_1093 = vector.load %arg2[%get3A_1090, %get3A_1091, %get3A_1092] : memref<416x16x128xf32, #tpu.memory_space<vmem>>, vector<416x1x128xf32>
    %get3A_1094 = vector.shape_cast %get3A_1093 : vector<416x1x128xf32> to vector<416x128xf32>
    %get3A_1095 = arith.constant 0 : index
    %get3A_1096 = arith.constant 0 : index
    %get3A_1097 = vector.load %arg7[%get3A_1095, %get3A_1096] : memref<32x416xf32, #tpu.memory_space<vmem>>, vector<32x416xf32>
    %get3A_1098 = arith.constant 0 : index
    %get3A_1099 = arith.constant 0 : index
    %get3A_1100 = vector.load %arg8[%get3A_1098, %get3A_1099] : memref<32x1xf32, #tpu.memory_space<vmem>>, vector<32x1xf32>
    %get3A_1101 = arith.constant 0 : index
    %get3A_1102 = arith.constant 0 : index
    %get3A_1103 = vector.load %arg9[%get3A_1101, %get3A_1102] : memref<32x32xf32, #tpu.memory_space<vmem>>, vector<32x32xf32>
    %get3A_1104 = arith.constant 0 : index
    %get3A_1105 = arith.constant 0 : index
    %get3A_1106 = vector.load %arg10[%get3A_1104, %get3A_1105] : memref<32x1xf32, #tpu.memory_space<vmem>>, vector<32x1xf32>
    %dot_general3A_1107 = arith.constant dense<0.000000e+00> : vector<32x128xf32>
    %dot_general3A_1108 = tpu.matmul %get3A_1097, %get3A_1094, %dot_general3A_1107 {dimension_numbers = #tpu.dot_dimension_numbers<[1], [0], [0], [1], [0, 0, 1, 1], [], []>, transpose_lhs_hint = false} : vector<32x416xf32>, vector<416x128xf32>, vector<32x128xf32> -> vector<32x128xf32>
    %add3A_1109 = vector.broadcast %get3A_1100 : vector<32x1xf32> to vector<32x128xf32>
    %add3A_1110 = arith.addf %dot_general3A_1108, %add3A_1109 : vector<32x128xf32>
    %max3A_1111 = arith.constant 0.000000e+00 : f32
    %max3A_1112 = vector.broadcast %max3A_1111 : f32 to vector<32x128xf32>
    %max3A_1113 = arith.maximumf %add3A_1110, %max3A_1112 : vector<32x128xf32>
    %dot_general3A_1114 = arith.constant dense<0.000000e+00> : vector<32x128xf32>
    %dot_general3A_1115 = tpu.matmul %get3A_1103, %max3A_1113, %dot_general3A_1114 {dimension_numbers = #tpu.dot_dimension_numbers<[1], [0], [0], [1], [0, 0, 1, 1], [], []>, transpose_lhs_hint = false} : vector<32x32xf32>, vector<32x128xf32>, vector<32x128xf32> -> vector<32x128xf32>
    %add3A_1116 = vector.broadcast %get3A_1106 : vector<32x1xf32> to vector<32x128xf32>
    %add3A_1117 = arith.addf %dot_general3A_1115, %add3A_1116 : vector<32x128xf32>
    %mul3A_1118 = arith.mulf %add3A_1117, %add3A_1117 : vector<32x128xf32>
    %reduce_sum3A_1119 = arith.constant dense<0.000000e+00> : vector<128xf32>
    %reduce_sum3A_1120 = vector.multi_reduction <add>, %mul3A_1118, %reduce_sum3A_1119 [0] : vector<32x128xf32> to vector<128xf32>
    %broadcast_in_dim3A_1121 = vector.shape_cast %reduce_sum3A_1120 : vector<128xf32> to vector<1x128xf32>
    %sqrt3A_1122 = math.sqrt %broadcast_in_dim3A_1121 : vector<1x128xf32>
    %max3A_1123 = arith.constant 9.99999996E-13 : f32
    %max3A_1124 = vector.broadcast %max3A_1123 : f32 to vector<1x128xf32>
    %max3A_1125 = arith.maximumf %sqrt3A_1122, %max3A_1124 : vector<1x128xf32>
    %div3A_1126 = vector.broadcast %max3A_1125 : vector<1x128xf32> to vector<32x128xf32>
    %div3A_1127 = arith.divf %add3A_1117, %div3A_1126 : vector<32x128xf32>
    %swap3A_1128 = arith.constant 0 : index
    %swap3A_1129 = arith.constant 12 : index
    %swap3A_1130 = arith.constant 0 : index
    %swap3A_1131 = vector.load %arg12[%swap3A_1128, %swap3A_1129, %swap3A_1130] : memref<32x16x128xf32, #tpu.memory_space<vmem>>, vector<32x1x128xf32>
    %swap3A_1132 = vector.shape_cast %swap3A_1131 : vector<32x1x128xf32> to vector<32x128xf32>
    %swap3A_1133 = vector.shape_cast %div3A_1127 : vector<32x128xf32> to vector<32x1x128xf32>
    tpu.vector_store %arg12[%swap3A_1128, %swap3A_1129, %swap3A_1130], %swap3A_1133 {strides = array<i32>} : memref<32x16x128xf32, #tpu.memory_space<vmem>>, vector<32x1x128xf32>,
    %get3A_1134 = arith.constant 0 : index
    %get3A_1135 = arith.constant 13 : index
    %get3A_1136 = arith.constant 0 : index
    %get3A_1137 = vector.load %arg1[%get3A_1134, %get3A_1135, %get3A_1136] : memref<448x16x128xf32, #tpu.memory_space<vmem>>, vector<448x1x128xf32>
    %get3A_1138 = vector.shape_cast %get3A_1137 : vector<448x1x128xf32> to vector<448x128xf32>
    %get3A_1139 = arith.constant 0 : index
    %get3A_1140 = arith.constant 0 : index
    %get3A_1141 = vector.load %arg3[%get3A_1139, %get3A_1140] : memref<32x448xf32, #tpu.memory_space<vmem>>, vector<32x448xf32>
    %get3A_1142 = arith.constant 0 : index
    %get3A_1143 = arith.constant 0 : index
    %get3A_1144 = vector.load %arg4[%get3A_1142, %get3A_1143] : memref<32x1xf32, #tpu.memory_space<vmem>>, vector<32x1xf32>
    %get3A_1145 = arith.constant 0 : index
    %get3A_1146 = arith.constant 0 : index
    %get3A_1147 = vector.load %arg5[%get3A_1145, %get3A_1146] : memref<32x32xf32, #tpu.memory_space<vmem>>, vector<32x32xf32>
    %get3A_1148 = arith.constant 0 : index
    %get3A_1149 = arith.constant 0 : index
    %get3A_1150 = vector.load %arg6[%get3A_1148, %get3A_1149] : memref<32x1xf32, #tpu.memory_space<vmem>>, vector<32x1xf32>
    %dot_general3A_1151 = arith.constant dense<0.000000e+00> : vector<32x128xf32>
    %dot_general3A_1152 = tpu.matmul %get3A_1141, %get3A_1138, %dot_general3A_1151 {dimension_numbers = #tpu.dot_dimension_numbers<[1], [0], [0], [1], [0, 0, 1, 1], [], []>, transpose_lhs_hint = false} : vector<32x448xf32>, vector<448x128xf32>, vector<32x128xf32> -> vector<32x128xf32>
    %add3A_1153 = vector.broadcast %get3A_1144 : vector<32x1xf32> to vector<32x128xf32>
    %add3A_1154 = arith.addf %dot_general3A_1152, %add3A_1153 : vector<32x128xf32>
    %max3A_1155 = arith.constant 0.000000e+00 : f32
    %max3A_1156 = vector.broadcast %max3A_1155 : f32 to vector<32x128xf32>
    %max3A_1157 = arith.maximumf %add3A_1154, %max3A_1156 : vector<32x128xf32>
    %dot_general3A_1158 = arith.constant dense<0.000000e+00> : vector<32x128xf32>
    %dot_general3A_1159 = tpu.matmul %get3A_1147, %max3A_1157, %dot_general3A_1158 {dimension_numbers = #tpu.dot_dimension_numbers<[1], [0], [0], [1], [0, 0, 1, 1], [], []>, transpose_lhs_hint = false} : vector<32x32xf32>, vector<32x128xf32>, vector<32x128xf32> -> vector<32x128xf32>
    %add3A_1160 = vector.broadcast %get3A_1150 : vector<32x1xf32> to vector<32x128xf32>
    %add3A_1161 = arith.addf %dot_general3A_1159, %add3A_1160 : vector<32x128xf32>
    %mul3A_1162 = arith.mulf %add3A_1161, %add3A_1161 : vector<32x128xf32>
    %reduce_sum3A_1163 = arith.constant dense<0.000000e+00> : vector<128xf32>
    %reduce_sum3A_1164 = vector.multi_reduction <add>, %mul3A_1162, %reduce_sum3A_1163 [0] : vector<32x128xf32> to vector<128xf32>
    %broadcast_in_dim3A_1165 = vector.shape_cast %reduce_sum3A_1164 : vector<128xf32> to vector<1x128xf32>
    %sqrt3A_1166 = math.sqrt %broadcast_in_dim3A_1165 : vector<1x128xf32>
    %max3A_1167 = arith.constant 9.99999996E-13 : f32
    %max3A_1168 = vector.broadcast %max3A_1167 : f32 to vector<1x128xf32>
    %max3A_1169 = arith.maximumf %sqrt3A_1166, %max3A_1168 : vector<1x128xf32>
    %div3A_1170 = vector.broadcast %max3A_1169 : vector<1x128xf32> to vector<32x128xf32>
    %div3A_1171 = arith.divf %add3A_1161, %div3A_1170 : vector<32x128xf32>
    %swap3A_1172 = arith.constant 0 : index
    %swap3A_1173 = arith.constant 13 : index
    %swap3A_1174 = arith.constant 0 : index
    %swap3A_1175 = vector.load %arg11[%swap3A_1172, %swap3A_1173, %swap3A_1174] : memref<32x16x128xf32, #tpu.memory_space<vmem>>, vector<32x1x128xf32>
    %swap3A_1176 = vector.shape_cast %swap3A_1175 : vector<32x1x128xf32> to vector<32x128xf32>
    %swap3A_1177 = vector.shape_cast %div3A_1171 : vector<32x128xf32> to vector<32x1x128xf32>
    tpu.vector_store %arg11[%swap3A_1172, %swap3A_1173, %swap3A_1174], %swap3A_1177 {strides = array<i32>} : memref<32x16x128xf32, #tpu.memory_space<vmem>>, vector<32x1x128xf32>,
    %get3A_1178 = arith.constant 0 : index
    %get3A_1179 = arith.constant 13 : index
    %get3A_1180 = arith.constant 0 : index
    %get3A_1181 = vector.load %arg2[%get3A_1178, %get3A_1179, %get3A_1180] : memref<416x16x128xf32, #tpu.memory_space<vmem>>, vector<416x1x128xf32>
    %get3A_1182 = vector.shape_cast %get3A_1181 : vector<416x1x128xf32> to vector<416x128xf32>
    %get3A_1183 = arith.constant 0 : index
    %get3A_1184 = arith.constant 0 : index
    %get3A_1185 = vector.load %arg7[%get3A_1183, %get3A_1184] : memref<32x416xf32, #tpu.memory_space<vmem>>, vector<32x416xf32>
    %get3A_1186 = arith.constant 0 : index
    %get3A_1187 = arith.constant 0 : index
    %get3A_1188 = vector.load %arg8[%get3A_1186, %get3A_1187] : memref<32x1xf32, #tpu.memory_space<vmem>>, vector<32x1xf32>
    %get3A_1189 = arith.constant 0 : index
    %get3A_1190 = arith.constant 0 : index
    %get3A_1191 = vector.load %arg9[%get3A_1189, %get3A_1190] : memref<32x32xf32, #tpu.memory_space<vmem>>, vector<32x32xf32>
    %get3A_1192 = arith.constant 0 : index
    %get3A_1193 = arith.constant 0 : index
    %get3A_1194 = vector.load %arg10[%get3A_1192, %get3A_1193] : memref<32x1xf32, #tpu.memory_space<vmem>>, vector<32x1xf32>
    %dot_general3A_1195 = arith.constant dense<0.000000e+00> : vector<32x128xf32>
    %dot_general3A_1196 = tpu.matmul %get3A_1185, %get3A_1182, %dot_general3A_1195 {dimension_numbers = #tpu.dot_dimension_numbers<[1], [0], [0], [1], [0, 0, 1, 1], [], []>, transpose_lhs_hint = false} : vector<32x416xf32>, vector<416x128xf32>, vector<32x128xf32> -> vector<32x128xf32>
    %add3A_1197 = vector.broadcast %get3A_1188 : vector<32x1xf32> to vector<32x128xf32>
    %add3A_1198 = arith.addf %dot_general3A_1196, %add3A_1197 : vector<32x128xf32>
    %max3A_1199 = arith.constant 0.000000e+00 : f32
    %max3A_1200 = vector.broadcast %max3A_1199 : f32 to vector<32x128xf32>
    %max3A_1201 = arith.maximumf %add3A_1198, %max3A_1200 : vector<32x128xf32>
    %dot_general3A_1202 = arith.constant dense<0.000000e+00> : vector<32x128xf32>
    %dot_general3A_1203 = tpu.matmul %get3A_1191, %max3A_1201, %dot_general3A_1202 {dimension_numbers = #tpu.dot_dimension_numbers<[1], [0], [0], [1], [0, 0, 1, 1], [], []>, transpose_lhs_hint = false} : vector<32x32xf32>, vector<32x128xf32>, vector<32x128xf32> -> vector<32x128xf32>
    %add3A_1204 = vector.broadcast %get3A_1194 : vector<32x1xf32> to vector<32x128xf32>
    %add3A_1205 = arith.addf %dot_general3A_1203, %add3A_1204 : vector<32x128xf32>
    %mul3A_1206 = arith.mulf %add3A_1205, %add3A_1205 : vector<32x128xf32>
    %reduce_sum3A_1207 = arith.constant dense<0.000000e+00> : vector<128xf32>
    %reduce_sum3A_1208 = vector.multi_reduction <add>, %mul3A_1206, %reduce_sum3A_1207 [0] : vector<32x128xf32> to vector<128xf32>
    %broadcast_in_dim3A_1209 = vector.shape_cast %reduce_sum3A_1208 : vector<128xf32> to vector<1x128xf32>
    %sqrt3A_1210 = math.sqrt %broadcast_in_dim3A_1209 : vector<1x128xf32>
    %max3A_1211 = arith.constant 9.99999996E-13 : f32
    %max3A_1212 = vector.broadcast %max3A_1211 : f32 to vector<1x128xf32>
    %max3A_1213 = arith.maximumf %sqrt3A_1210, %max3A_1212 : vector<1x128xf32>
    %div3A_1214 = vector.broadcast %max3A_1213 : vector<1x128xf32> to vector<32x128xf32>
    %div3A_1215 = arith.divf %add3A_1205, %div3A_1214 : vector<32x128xf32>
    %swap3A_1216 = arith.constant 0 : index
    %swap3A_1217 = arith.constant 13 : index
    %swap3A_1218 = arith.constant 0 : index
    %swap3A_1219 = vector.load %arg12[%swap3A_1216, %swap3A_1217, %swap3A_1218] : memref<32x16x128xf32, #tpu.memory_space<vmem>>, vector<32x1x128xf32>
    %swap3A_1220 = vector.shape_cast %swap3A_1219 : vector<32x1x128xf32> to vector<32x128xf32>
    %swap3A_1221 = vector.shape_cast %div3A_1215 : vector<32x128xf32> to vector<32x1x128xf32>
    tpu.vector_store %arg12[%swap3A_1216, %swap3A_1217, %swap3A_1218], %swap3A_1221 {strides = array<i32>} : memref<32x16x128xf32, #tpu.memory_space<vmem>>, vector<32x1x128xf32>,
    %get3A_1222 = arith.constant 0 : index
    %get3A_1223 = arith.constant 14 : index
    %get3A_1224 = arith.constant 0 : index
    %get3A_1225 = vector.load %arg1[%get3A_1222, %get3A_1223, %get3A_1224] : memref<448x16x128xf32, #tpu.memory_space<vmem>>, vector<448x1x128xf32>
    %get3A_1226 = vector.shape_cast %get3A_1225 : vector<448x1x128xf32> to vector<448x128xf32>
    %get3A_1227 = arith.constant 0 : index
    %get3A_1228 = arith.constant 0 : index
    %get3A_1229 = vector.load %arg3[%get3A_1227, %get3A_1228] : memref<32x448xf32, #tpu.memory_space<vmem>>, vector<32x448xf32>
    %get3A_1230 = arith.constant 0 : index
    %get3A_1231 = arith.constant 0 : index
    %get3A_1232 = vector.load %arg4[%get3A_1230, %get3A_1231] : memref<32x1xf32, #tpu.memory_space<vmem>>, vector<32x1xf32>
    %get3A_1233 = arith.constant 0 : index
    %get3A_1234 = arith.constant 0 : index
    %get3A_1235 = vector.load %arg5[%get3A_1233, %get3A_1234] : memref<32x32xf32, #tpu.memory_space<vmem>>, vector<32x32xf32>
    %get3A_1236 = arith.constant 0 : index
    %get3A_1237 = arith.constant 0 : index
    %get3A_1238 = vector.load %arg6[%get3A_1236, %get3A_1237] : memref<32x1xf32, #tpu.memory_space<vmem>>, vector<32x1xf32>
    %dot_general3A_1239 = arith.constant dense<0.000000e+00> : vector<32x128xf32>
    %dot_general3A_1240 = tpu.matmul %get3A_1229, %get3A_1226, %dot_general3A_1239 {dimension_numbers = #tpu.dot_dimension_numbers<[1], [0], [0], [1], [0, 0, 1, 1], [], []>, transpose_lhs_hint = false} : vector<32x448xf32>, vector<448x128xf32>, vector<32x128xf32> -> vector<32x128xf32>
    %add3A_1241 = vector.broadcast %get3A_1232 : vector<32x1xf32> to vector<32x128xf32>
    %add3A_1242 = arith.addf %dot_general3A_1240, %add3A_1241 : vector<32x128xf32>
    %max3A_1243 = arith.constant 0.000000e+00 : f32
    %max3A_1244 = vector.broadcast %max3A_1243 : f32 to vector<32x128xf32>
    %max3A_1245 = arith.maximumf %add3A_1242, %max3A_1244 : vector<32x128xf32>
    %dot_general3A_1246 = arith.constant dense<0.000000e+00> : vector<32x128xf32>
    %dot_general3A_1247 = tpu.matmul %get3A_1235, %max3A_1245, %dot_general3A_1246 {dimension_numbers = #tpu.dot_dimension_numbers<[1], [0], [0], [1], [0, 0, 1, 1], [], []>, transpose_lhs_hint = false} : vector<32x32xf32>, vector<32x128xf32>, vector<32x128xf32> -> vector<32x128xf32>
    %add3A_1248 = vector.broadcast %get3A_1238 : vector<32x1xf32> to vector<32x128xf32>
    %add3A_1249 = arith.addf %dot_general3A_1247, %add3A_1248 : vector<32x128xf32>
    %mul3A_1250 = arith.mulf %add3A_1249, %add3A_1249 : vector<32x128xf32>
    %reduce_sum3A_1251 = arith.constant dense<0.000000e+00> : vector<128xf32>
    %reduce_sum3A_1252 = vector.multi_reduction <add>, %mul3A_1250, %reduce_sum3A_1251 [0] : vector<32x128xf32> to vector<128xf32>
    %broadcast_in_dim3A_1253 = vector.shape_cast %reduce_sum3A_1252 : vector<128xf32> to vector<1x128xf32>
    %sqrt3A_1254 = math.sqrt %broadcast_in_dim3A_1253 : vector<1x128xf32>
    %max3A_1255 = arith.constant 9.99999996E-13 : f32
    %max3A_1256 = vector.broadcast %max3A_1255 : f32 to vector<1x128xf32>
    %max3A_1257 = arith.maximumf %sqrt3A_1254, %max3A_1256 : vector<1x128xf32>
    %div3A_1258 = vector.broadcast %max3A_1257 : vector<1x128xf32> to vector<32x128xf32>
    %div3A_1259 = arith.divf %add3A_1249, %div3A_1258 : vector<32x128xf32>
    %swap3A_1260 = arith.constant 0 : index
    %swap3A_1261 = arith.constant 14 : index
    %swap3A_1262 = arith.constant 0 : index
    %swap3A_1263 = vector.load %arg11[%swap3A_1260, %swap3A_1261, %swap3A_1262] : memref<32x16x128xf32, #tpu.memory_space<vmem>>, vector<32x1x128xf32>
    %swap3A_1264 = vector.shape_cast %swap3A_1263 : vector<32x1x128xf32> to vector<32x128xf32>
    %swap3A_1265 = vector.shape_cast %div3A_1259 : vector<32x128xf32> to vector<32x1x128xf32>
    tpu.vector_store %arg11[%swap3A_1260, %swap3A_1261, %swap3A_1262], %swap3A_1265 {strides = array<i32>} : memref<32x16x128xf32, #tpu.memory_space<vmem>>, vector<32x1x128xf32>,
    %get3A_1266 = arith.constant 0 : index
    %get3A_1267 = arith.constant 14 : index
    %get3A_1268 = arith.constant 0 : index
    %get3A_1269 = vector.load %arg2[%get3A_1266, %get3A_1267, %get3A_1268] : memref<416x16x128xf32, #tpu.memory_space<vmem>>, vector<416x1x128xf32>
    %get3A_1270 = vector.shape_cast %get3A_1269 : vector<416x1x128xf32> to vector<416x128xf32>
    %get3A_1271 = arith.constant 0 : index
    %get3A_1272 = arith.constant 0 : index
    %get3A_1273 = vector.load %arg7[%get3A_1271, %get3A_1272] : memref<32x416xf32, #tpu.memory_space<vmem>>, vector<32x416xf32>
    %get3A_1274 = arith.constant 0 : index
    %get3A_1275 = arith.constant 0 : index
    %get3A_1276 = vector.load %arg8[%get3A_1274, %get3A_1275] : memref<32x1xf32, #tpu.memory_space<vmem>>, vector<32x1xf32>
    %get3A_1277 = arith.constant 0 : index
    %get3A_1278 = arith.constant 0 : index
    %get3A_1279 = vector.load %arg9[%get3A_1277, %get3A_1278] : memref<32x32xf32, #tpu.memory_space<vmem>>, vector<32x32xf32>
    %get3A_1280 = arith.constant 0 : index
    %get3A_1281 = arith.constant 0 : index
    %get3A_1282 = vector.load %arg10[%get3A_1280, %get3A_1281] : memref<32x1xf32, #tpu.memory_space<vmem>>, vector<32x1xf32>
    %dot_general3A_1283 = arith.constant dense<0.000000e+00> : vector<32x128xf32>
    %dot_general3A_1284 = tpu.matmul %get3A_1273, %get3A_1270, %dot_general3A_1283 {dimension_numbers = #tpu.dot_dimension_numbers<[1], [0], [0], [1], [0, 0, 1, 1], [], []>, transpose_lhs_hint = false} : vector<32x416xf32>, vector<416x128xf32>, vector<32x128xf32> -> vector<32x128xf32>
    %add3A_1285 = vector.broadcast %get3A_1276 : vector<32x1xf32> to vector<32x128xf32>
    %add3A_1286 = arith.addf %dot_general3A_1284, %add3A_1285 : vector<32x128xf32>
    %max3A_1287 = arith.constant 0.000000e+00 : f32
    %max3A_1288 = vector.broadcast %max3A_1287 : f32 to vector<32x128xf32>
    %max3A_1289 = arith.maximumf %add3A_1286, %max3A_1288 : vector<32x128xf32>
    %dot_general3A_1290 = arith.constant dense<0.000000e+00> : vector<32x128xf32>
    %dot_general3A_1291 = tpu.matmul %get3A_1279, %max3A_1289, %dot_general3A_1290 {dimension_numbers = #tpu.dot_dimension_numbers<[1], [0], [0], [1], [0, 0, 1, 1], [], []>, transpose_lhs_hint = false} : vector<32x32xf32>, vector<32x128xf32>, vector<32x128xf32> -> vector<32x128xf32>
    %add3A_1292 = vector.broadcast %get3A_1282 : vector<32x1xf32> to vector<32x128xf32>
    %add3A_1293 = arith.addf %dot_general3A_1291, %add3A_1292 : vector<32x128xf32>
    %mul3A_1294 = arith.mulf %add3A_1293, %add3A_1293 : vector<32x128xf32>
    %reduce_sum3A_1295 = arith.constant dense<0.000000e+00> : vector<128xf32>
    %reduce_sum3A_1296 = vector.multi_reduction <add>, %mul3A_1294, %reduce_sum3A_1295 [0] : vector<32x128xf32> to vector<128xf32>
    %broadcast_in_dim3A_1297 = vector.shape_cast %reduce_sum3A_1296 : vector<128xf32> to vector<1x128xf32>
    %sqrt3A_1298 = math.sqrt %broadcast_in_dim3A_1297 : vector<1x128xf32>
    %max3A_1299 = arith.constant 9.99999996E-13 : f32
    %max3A_1300 = vector.broadcast %max3A_1299 : f32 to vector<1x128xf32>
    %max3A_1301 = arith.maximumf %sqrt3A_1298, %max3A_1300 : vector<1x128xf32>
    %div3A_1302 = vector.broadcast %max3A_1301 : vector<1x128xf32> to vector<32x128xf32>
    %div3A_1303 = arith.divf %add3A_1293, %div3A_1302 : vector<32x128xf32>
    %swap3A_1304 = arith.constant 0 : index
    %swap3A_1305 = arith.constant 14 : index
    %swap3A_1306 = arith.constant 0 : index
    %swap3A_1307 = vector.load %arg12[%swap3A_1304, %swap3A_1305, %swap3A_1306] : memref<32x16x128xf32, #tpu.memory_space<vmem>>, vector<32x1x128xf32>
    %swap3A_1308 = vector.shape_cast %swap3A_1307 : vector<32x1x128xf32> to vector<32x128xf32>
    %swap3A_1309 = vector.shape_cast %div3A_1303 : vector<32x128xf32> to vector<32x1x128xf32>
    tpu.vector_store %arg12[%swap3A_1304, %swap3A_1305, %swap3A_1306], %swap3A_1309 {strides = array<i32>} : memref<32x16x128xf32, #tpu.memory_space<vmem>>, vector<32x1x128xf32>,
    %get3A_1310 = arith.constant 0 : index
    %get3A_1311 = arith.constant 15 : index
    %get3A_1312 = arith.constant 0 : index
    %get3A_1313 = vector.load %arg1[%get3A_1310, %get3A_1311, %get3A_1312] : memref<448x16x128xf32, #tpu.memory_space<vmem>>, vector<448x1x128xf32>
    %get3A_1314 = vector.shape_cast %get3A_1313 : vector<448x1x128xf32> to vector<448x128xf32>
    %get3A_1315 = arith.constant 0 : index
    %get3A_1316 = arith.constant 0 : index
    %get3A_1317 = vector.load %arg3[%get3A_1315, %get3A_1316] : memref<32x448xf32, #tpu.memory_space<vmem>>, vector<32x448xf32>
    %get3A_1318 = arith.constant 0 : index
    %get3A_1319 = arith.constant 0 : index
    %get3A_1320 = vector.load %arg4[%get3A_1318, %get3A_1319] : memref<32x1xf32, #tpu.memory_space<vmem>>, vector<32x1xf32>
    %get3A_1321 = arith.constant 0 : index
    %get3A_1322 = arith.constant 0 : index
    %get3A_1323 = vector.load %arg5[%get3A_1321, %get3A_1322] : memref<32x32xf32, #tpu.memory_space<vmem>>, vector<32x32xf32>
    %get3A_1324 = arith.constant 0 : index
    %get3A_1325 = arith.constant 0 : index
    %get3A_1326 = vector.load %arg6[%get3A_1324, %get3A_1325] : memref<32x1xf32, #tpu.memory_space<vmem>>, vector<32x1xf32>
    %dot_general3A_1327 = arith.constant dense<0.000000e+00> : vector<32x128xf32>
    %dot_general3A_1328 = tpu.matmul %get3A_1317, %get3A_1314, %dot_general3A_1327 {dimension_numbers = #tpu.dot_dimension_numbers<[1], [0], [0], [1], [0, 0, 1, 1], [], []>, transpose_lhs_hint = false} : vector<32x448xf32>, vector<448x128xf32>, vector<32x128xf32> -> vector<32x128xf32>
    %add3A_1329 = vector.broadcast %get3A_1320 : vector<32x1xf32> to vector<32x128xf32>
    %add3A_1330 = arith.addf %dot_general3A_1328, %add3A_1329 : vector<32x128xf32>
    %max3A_1331 = arith.constant 0.000000e+00 : f32
    %max3A_1332 = vector.broadcast %max3A_1331 : f32 to vector<32x128xf32>
    %max3A_1333 = arith.maximumf %add3A_1330, %max3A_1332 : vector<32x128xf32>
    %dot_general3A_1334 = arith.constant dense<0.000000e+00> : vector<32x128xf32>
    %dot_general3A_1335 = tpu.matmul %get3A_1323, %max3A_1333, %dot_general3A_1334 {dimension_numbers = #tpu.dot_dimension_numbers<[1], [0], [0], [1], [0, 0, 1, 1], [], []>, transpose_lhs_hint = false} : vector<32x32xf32>, vector<32x128xf32>, vector<32x128xf32> -> vector<32x128xf32>
    %add3A_1336 = vector.broadcast %get3A_1326 : vector<32x1xf32> to vector<32x128xf32>
    %add3A_1337 = arith.addf %dot_general3A_1335, %add3A_1336 : vector<32x128xf32>
    %mul3A_1338 = arith.mulf %add3A_1337, %add3A_1337 : vector<32x128xf32>
    %reduce_sum3A_1339 = arith.constant dense<0.000000e+00> : vector<128xf32>
    %reduce_sum3A_1340 = vector.multi_reduction <add>, %mul3A_1338, %reduce_sum3A_1339 [0] : vector<32x128xf32> to vector<128xf32>
    %broadcast_in_dim3A_1341 = vector.shape_cast %reduce_sum3A_1340 : vector<128xf32> to vector<1x128xf32>
    %sqrt3A_1342 = math.sqrt %broadcast_in_dim3A_1341 : vector<1x128xf32>
    %max3A_1343 = arith.constant 9.99999996E-13 : f32
    %max3A_1344 = vector.broadcast %max3A_1343 : f32 to vector<1x128xf32>
    %max3A_1345 = arith.maximumf %sqrt3A_1342, %max3A_1344 : vector<1x128xf32>
    %div3A_1346 = vector.broadcast %max3A_1345 : vector<1x128xf32> to vector<32x128xf32>
    %div3A_1347 = arith.divf %add3A_1337, %div3A_1346 : vector<32x128xf32>
    %swap3A_1348 = arith.constant 0 : index
    %swap3A_1349 = arith.constant 15 : index
    %swap3A_1350 = arith.constant 0 : index
    %swap3A_1351 = vector.load %arg11[%swap3A_1348, %swap3A_1349, %swap3A_1350] : memref<32x16x128xf32, #tpu.memory_space<vmem>>, vector<32x1x128xf32>
    %swap3A_1352 = vector.shape_cast %swap3A_1351 : vector<32x1x128xf32> to vector<32x128xf32>
    %swap3A_1353 = vector.shape_cast %div3A_1347 : vector<32x128xf32> to vector<32x1x128xf32>
    tpu.vector_store %arg11[%swap3A_1348, %swap3A_1349, %swap3A_1350], %swap3A_1353 {strides = array<i32>} : memref<32x16x128xf32, #tpu.memory_space<vmem>>, vector<32x1x128xf32>,
    %get3A_1354 = arith.constant 0 : index
    %get3A_1355 = arith.constant 15 : index
    %get3A_1356 = arith.constant 0 : index
    %get3A_1357 = vector.load %arg2[%get3A_1354, %get3A_1355, %get3A_1356] : memref<416x16x128xf32, #tpu.memory_space<vmem>>, vector<416x1x128xf32>
    %get3A_1358 = vector.shape_cast %get3A_1357 : vector<416x1x128xf32> to vector<416x128xf32>
    %get3A_1359 = arith.constant 0 : index
    %get3A_1360 = arith.constant 0 : index
    %get3A_1361 = vector.load %arg7[%get3A_1359, %get3A_1360] : memref<32x416xf32, #tpu.memory_space<vmem>>, vector<32x416xf32>
    %get3A_1362 = arith.constant 0 : index
    %get3A_1363 = arith.constant 0 : index
    %get3A_1364 = vector.load %arg8[%get3A_1362, %get3A_1363] : memref<32x1xf32, #tpu.memory_space<vmem>>, vector<32x1xf32>
    %get3A_1365 = arith.constant 0 : index
    %get3A_1366 = arith.constant 0 : index
    %get3A_1367 = vector.load %arg9[%get3A_1365, %get3A_1366] : memref<32x32xf32, #tpu.memory_space<vmem>>, vector<32x32xf32>
    %get3A_1368 = arith.constant 0 : index
    %get3A_1369 = arith.constant 0 : index
    %get3A_1370 = vector.load %arg10[%get3A_1368, %get3A_1369] : memref<32x1xf32, #tpu.memory_space<vmem>>, vector<32x1xf32>
    %dot_general3A_1371 = arith.constant dense<0.000000e+00> : vector<32x128xf32>
    %dot_general3A_1372 = tpu.matmul %get3A_1361, %get3A_1358, %dot_general3A_1371 {dimension_numbers = #tpu.dot_dimension_numbers<[1], [0], [0], [1], [0, 0, 1, 1], [], []>, transpose_lhs_hint = false} : vector<32x416xf32>, vector<416x128xf32>, vector<32x128xf32> -> vector<32x128xf32>
    %add3A_1373 = vector.broadcast %get3A_1364 : vector<32x1xf32> to vector<32x128xf32>
    %add3A_1374 = arith.addf %dot_general3A_1372, %add3A_1373 : vector<32x128xf32>
    %max3A_1375 = arith.constant 0.000000e+00 : f32
    %max3A_1376 = vector.broadcast %max3A_1375 : f32 to vector<32x128xf32>
    %max3A_1377 = arith.maximumf %add3A_1374, %max3A_1376 : vector<32x128xf32>
    %dot_general3A_1378 = arith.constant dense<0.000000e+00> : vector<32x128xf32>
    %dot_general3A_1379 = tpu.matmul %get3A_1367, %max3A_1377, %dot_general3A_1378 {dimension_numbers = #tpu.dot_dimension_numbers<[1], [0], [0], [1], [0, 0, 1, 1], [], []>, transpose_lhs_hint = false} : vector<32x32xf32>, vector<32x128xf32>, vector<32x128xf32> -> vector<32x128xf32>
    %add3A_1380 = vector.broadcast %get3A_1370 : vector<32x1xf32> to vector<32x128xf32>
    %add3A_1381 = arith.addf %dot_general3A_1379, %add3A_1380 : vector<32x128xf32>
    %mul3A_1382 = arith.mulf %add3A_1381, %add3A_1381 : vector<32x128xf32>
    %reduce_sum3A_1383 = arith.constant dense<0.000000e+00> : vector<128xf32>
    %reduce_sum3A_1384 = vector.multi_reduction <add>, %mul3A_1382, %reduce_sum3A_1383 [0] : vector<32x128xf32> to vector<128xf32>
    %broadcast_in_dim3A_1385 = vector.shape_cast %reduce_sum3A_1384 : vector<128xf32> to vector<1x128xf32>
    %sqrt3A_1386 = math.sqrt %broadcast_in_dim3A_1385 : vector<1x128xf32>
    %max3A_1387 = arith.constant 9.99999996E-13 : f32
    %max3A_1388 = vector.broadcast %max3A_1387 : f32 to vector<1x128xf32>
    %max3A_1389 = arith.maximumf %sqrt3A_1386, %max3A_1388 : vector<1x128xf32>
    %div3A_1390 = vector.broadcast %max3A_1389 : vector<1x128xf32> to vector<32x128xf32>
    %div3A_1391 = arith.divf %add3A_1381, %div3A_1390 : vector<32x128xf32>
    %swap3A_1392 = arith.constant 0 : index
    %swap3A_1393 = arith.constant 15 : index
    %swap3A_1394 = arith.constant 0 : index
    %swap3A_1395 = vector.load %arg12[%swap3A_1392, %swap3A_1393, %swap3A_1394] : memref<32x16x128xf32, #tpu.memory_space<vmem>>, vector<32x1x128xf32>
    %swap3A_1396 = vector.shape_cast %swap3A_1395 : vector<32x1x128xf32> to vector<32x128xf32>
    %swap3A_1397 = vector.shape_cast %div3A_1391 : vector<32x128xf32> to vector<32x1x128xf32>
    tpu.vector_store %arg12[%swap3A_1392, %swap3A_1393, %swap3A_1394], %swap3A_1397 {strides = array<i32>} : memref<32x16x128xf32, #tpu.memory_space<vmem>>, vector<32x1x128xf32>,
    return
  }
  func.func @transform_0(%arg0: i32) -> (i32, i32, i32) {
    %c0_i32 = arith.constant 0 : i32
    %c0_i32_0 = arith.constant 0 : i32
    %c0_i32_1 = arith.constant 0 : i32
    return %c0_i32, %arg0, %c0_i32_0 : i32, i32, i32
  }
  func.func @transform_1(%arg0: i32) -> (i32, i32, i32) {
    %c0_i32 = arith.constant 0 : i32
    %c0_i32_0 = arith.constant 0 : i32
    %c0_i32_1 = arith.constant 0 : i32
    return %c0_i32, %arg0, %c0_i32_0 : i32, i32, i32
  }
  func.func @transform_2(%arg0: i32) -> (i32, i32) {
    %c0_i32 = arith.constant 0 : i32
    %c0_i32_0 = arith.constant 0 : i32
    %c0_i32_1 = arith.constant 0 : i32
    return %c0_i32, %c0_i32_0 : i32, i32
  }
  func.func @transform_3(%arg0: i32) -> (i32, i32) {
    %c0_i32 = arith.constant 0 : i32
    %c0_i32_0 = arith.constant 0 : i32
    %c0_i32_1 = arith.constant 0 : i32
    return %c0_i32, %c0_i32_0 : i32, i32
  }
  func.func @transform_4(%arg0: i32) -> (i32, i32) {
    %c0_i32 = arith.constant 0 : i32
    %c0_i32_0 = arith.constant 0 : i32
    %c0_i32_1 = arith.constant 0 : i32
    return %c0_i32, %c0_i32_0 : i32, i32
  }
  func.func @transform_5(%arg0: i32) -> (i32, i32) {
    %c0_i32 = arith.constant 0 : i32
    %c0_i32_0 = arith.constant 0 : i32
    %c0_i32_1 = arith.constant 0 : i32
    return %c0_i32, %c0_i32_0 : i32, i32
  }
  func.func @transform_6(%arg0: i32) -> (i32, i32) {
    %c0_i32 = arith.constant 0 : i32
    %c0_i32_0 = arith.constant 0 : i32
    %c0_i32_1 = arith.constant 0 : i32
    return %c0_i32, %c0_i32_0 : i32, i32
  }
  func.func @transform_7(%arg0: i32) -> (i32, i32) {
    %c0_i32 = arith.constant 0 : i32
    %c0_i32_0 = arith.constant 0 : i32
    %c0_i32_1 = arith.constant 0 : i32
    return %c0_i32, %c0_i32_0 : i32, i32
  }
  func.func @transform_8(%arg0: i32) -> (i32, i32) {
    %c0_i32 = arith.constant 0 : i32
    %c0_i32_0 = arith.constant 0 : i32
    %c0_i32_1 = arith.constant 0 : i32
    return %c0_i32, %c0_i32_0 : i32, i32
  }
  func.func @transform_9(%arg0: i32) -> (i32, i32) {
    %c0_i32 = arith.constant 0 : i32
    %c0_i32_0 = arith.constant 0 : i32
    %c0_i32_1 = arith.constant 0 : i32
    return %c0_i32, %c0_i32_0 : i32, i32
  }
  func.func @transform_10(%arg0: i32) -> (i32, i32, i32) {
    %c0_i32 = arith.constant 0 : i32
    %c0_i32_0 = arith.constant 0 : i32
    %c0_i32_1 = arith.constant 0 : i32
    return %c0_i32, %arg0, %c0_i32_0 : i32, i32, i32
  }
  func.func @transform_11(%arg0: i32) -> (i32, i32, i32) {
    %c0_i32 = arith.constant 0 : i32
    %c0_i32_0 = arith.constant 0 : i32
    %c0_i32_1 = arith.constant 0 : i32
    return %c0_i32, %arg0, %c0_i32_0 : i32, i32, i32
  }
}

</mosaic_0001>

<sc_bundles>
// kernel: kernel.5.cloned.1.call-start
scs
__scs_entry_jumppad:
0x0: {  	(pc) =	sbr.rel $0x88, $3  }
0x1: {  	(tag) =	ssettag $0x0;
	lr =	simm.s32 $0x1  }
0x2: {  	[smem:$0x3F94] =	sst lr;
	_ =	strace $0xD0000000  }
0x3: {  	_ = 	snop  }
0x4: {  	_ = 	snop  }
0x5: {  	_ = 	snop  }
0x6: {  	_ = 	snop  }
0x7: {  	_ = 	snop  }
__scs_overlays_trampoline_lowered:
0x8: {  	[smem:$0x3FA3] =	sst s0  }
0x9: {  	[smem:$0x3FA4] =	sst s1  }
0xa: {  	[smem:$0x3FA5] =	sst s2  }
0xb: {  	[smem:$0x3FA6] =	sst s3  }
0xc: {  	[smem:$0x3FA7] =	sst s4  }
0xd: {  	[smem:$0x3FA8] =	sst s5  }
0xe: {  	[smem:$0x3FA9] =	sst s6  }
0xf: {  	[smem:$0x3FAA] =	sst s7  }
0x10: {  	[smem:$0x3FAB] =	sst s8  }
0x11: {  	[smem:$0x3FAC] =	sst s9;
	s0 =	simm.s32 @!p0 $0x0  }
0x12: {  	s1 =	sld [smem:$0x3F92];
	s0 =	simm.s32 @p0 $0x1  }
0x13: {  	[smem:$0x3FAD] =	sst s0;
	s0 =	simm.s32 @!p1 $0x0  }
0x14: {  	s2 =	sld [smem:$0x3F91];
	s0 =	simm.s32 @p1 $0x1  }
0x15: {  	[smem:$0x3FAE] =	sst s0;
	s0 =	simm.s32 @!p2 $0x0  }
0x16: {  	s3 =	sld [smem:$0x3FDB];
	s0 =	simm.s32 @p2 $0x1  }
0x17: {  	s4 =	simm.s32 $0x1BF5;
	[smem:$0x3FB0] =	sst s0  }
0x18: {  	s0 =	sld [smem:$0x3F93];
	_ =	swait.ge [sflag:s4], $0x0  }
0x19: {  	s7 =	sld [smem:$0x3F94]  }
0x1a: {  	s8 =	sadd.s32 $0xFFFFE003, lr  }
0x1b: {  	s9 =	sadd.s32 $0xFFFFFEF7, lr;
	s5 =	simm.s32 $0xFFFFFFFF;
	p2 =	slt.u32 s8, $0xFFFFF086  }
0x1c: {  	p1 =	slt.u32 s9, $0xF7A;
	s5 =	simm.s32 @!p2 $0x0  }
0x1d: {  	s5 =	simm.s32 @p1 $0x1;
	p0 =	seq.s32 s7, s2  }
0x1e: {  	s7 =	smul.u32 @!p0 $0xF7A, s2;
	p2 =	seq.s32 @!p0 s5, $0x0  }
0x1f: {  	s9 =	smul.u32 $0xF7A, s1;
	s8 =	simm.s32 @!p0 $0x1BF5;
	p2 =	por !p2, p0  }
0x20: {  	[sflag:s8] =	ssyncset.s32 @!p0 $0xFFFFF086;
	s6 =	sadd.s32 @!p0 s3, s7;
	s7 =	simm.s32 @!p0 $0x108  }
0x21: {  	s3 =	sadd.s32 s3, s9;
	s6 =	sadd.s32 @!p0 $0x88, s6;
	s7 =	simm.s32 @p2 $0x1082  }
0x22: {  	[simem:s7], [sflag:s8] =	dma.local @!p0 [hbm:s6], $0xF7A  }
0x23: {  	s9 =	sor.u32 $0xD0000000, s2;
	s6 =	simm.s32 $0x108;
	_ =	swait.ge @!p0 [sflag:s8], $0x0  }
0x24: {  	s3 =	sadd.s32 $0x88, s3;
	s6 =	simm.s32 @!p1 $0x1082;
	[sflag:s4] =	ssyncset.s32 $0xFFFFF086  }
0x25: {  	[simem:s6], [sflag:s4] =	dma.local [hbm:s3], $0xF7A  }
0x26: {  	[smem:$0x3F94] =	sst s1;
	(tag) =	ssettag s2;
	_ =	strace s9  }
0x27: {  	s1 =	sld [smem:$0x3FA4]  }
0x28: {  	s2 =	sld [smem:$0x3FA5]  }
0x29: {  	s4 =	sld [smem:$0x3FA7]  }
0x2a: {  	p0 =	seq.s32 s5, $0x0;
	s5 =	sld [smem:$0x3FA8]  }
0x2b: {  	s6 =	sld [smem:$0x3FA9]  }
0x2c: {  	s7 =	sld [smem:$0x3FAA]  }
0x2d: {  	s3 =	simm.s32 $0x108;
	s8 =	sld [smem:$0x3FAB]  }
0x2e: {  	s3 =	simm.s32 @!p0 $0x1082;
	s9 =	sld [smem:$0x3FAC]  }
0x2f: {  	lr =	sadd.s32 s0, s3;
	s0 =	sld [smem:$0x3FA3]  }
0x30: {  	s3 =	sld [smem:$0x3FA6]  }
0x31: {  	[smem:$0x3FAF] =	sst s10  }
0x32: {  	s10 =	sld [smem:$0x3FAD];
	_ =	sdelay $0x3  }
0x33: {  	p0 =	seq.s32 s10, $0x1;
	s10 =	sld [smem:$0x3FAF];
	_ =	sdelay $0x3  }
0x34: {  	[smem:$0x3FAF] =	sst s10  }
0x35: {  	s10 =	sld [smem:$0x3FAE];
	_ =	sdelay $0x3  }
0x36: {  	p1 =	seq.s32 s10, $0x1;
	s10 =	sld [smem:$0x3FAF];
	_ =	sdelay $0x3  }
0x37: {  	[smem:$0x3FAF] =	sst s10  }
0x38: {  	s10 =	sld [smem:$0x3FB0]  }
0x39: {  	_ = 	snop;
	(pc) =	sbr.ind lr, $3  }
0x3a: {  	_ = 	snop  }
0x3b: {  	_ = 	snop  }
0x3c: {  	p2 =	seq.s32 s10, $0x1;
	s10 =	sld [smem:$0x3FAF]  }
0x3d: {  	_ =	shalt  }
0x3e: {  	_ =	shalt  }
0x3f: {  	_ =	shalt  }
0x40: {  	_ =	shalt  }
0x41: {  	_ =	shalt  }
0x42: {  	_ =	shalt  }
0x43: {  	_ =	shalt  }
0x44: {  	_ =	shalt  }
0x45: {  	_ =	shalt  }
0x46: {  	_ =	shalt  }
0x47: {  	_ =	shalt  }
0x48: {  	_ =	shalt  }
0x49: {  	_ =	shalt  }
0x4a: {  	_ =	shalt  }
0x4b: {  	_ =	shalt  }
0x4c: {  	_ =	shalt  }
0x4d: {  	_ =	shalt  }
0x4e: {  	_ =	shalt  }
0x4f: {  	_ =	shalt  }
0x50: {  	_ =	shalt  }
0x51: {  	_ =	shalt  }
0x52: {  	_ =	shalt  }
0x53: {  	_ =	shalt  }
0x54: {  	_ =	shalt  }
0x55: {  	_ =	shalt  }
0x56: {  	_ =	shalt  }
0x57: {  	_ =	shalt  }
0x58: {  	_ =	shalt  }
0x59: {  	_ =	shalt  }
0x5a: {  	_ =	shalt  }
0x5b: {  	_ =	shalt  }
0x5c: {  	_ =	shalt  }
0x5d: {  	_ =	shalt  }
0x5e: {  	_ =	shalt  }
0x5f: {  	_ =	shalt  }
0x60: {  	_ =	shalt  }
0x61: {  	_ =	shalt  }
0x62: {  	_ =	shalt  }
0x63: {  	_ =	shalt  }
0x64: {  	_ =	shalt  }
0x65: {  	_ =	shalt  }
0x66: {  	_ =	shalt  }
0x67: {  	_ =	shalt  }
0x68: {  	_ =	shalt  }
0x69: {  	_ =	shalt  }
0x6a: {  	_ =	shalt  }
0x6b: {  	_ =	shalt  }
0x6c: {  	_ =	shalt  }
0x6d: {  	_ =	shalt  }
0x6e: {  	_ =	shalt  }
0x6f: {  	_ =	shalt  }
0x70: {  	_ =	shalt  }
0x71: {  	_ =	shalt  }
0x72: {  	_ =	shalt  }
0x73: {  	_ =	shalt  }
0x74: {  	_ =	shalt  }
0x75: {  	_ =	shalt  }
0x76: {  	_ =	shalt  }
0x77: {  	_ =	shalt  }
0x78: {  	_ =	shalt  }
0x79: {  	_ =	shalt  }
0x7a: {  	_ =	shalt  }
0x7b: {  	_ =	shalt  }
0x7c: {  	_ =	shalt  }
0x7d: {  	_ =	shalt  }
0x7e: {  	_ =	shalt  }
0x7f: {  	_ =	shalt  }
0x80: {  	_ =	shalt  }
0x81: {  	_ =	shalt  }
0x82: {  	_ =	shalt  }
0x83: {  	_ =	shalt  }
0x84: {  	_ =	shalt  }
0x85: {  	_ =	shalt  }
0x86: {  	_ =	shalt  }
0x87: {  	_ =	shalt  }
.Lfunc_end0:
.L_simem_size_0:
called_computation_lowered:
.L_overlay_start_0:
0x88: {  	s2 =	sld [smem:$0x3FD9]  }
0x89: {  	s3 =	sld [smem:$0x3FFE];
	_ =	sdelay $0x1  }
0x8a: {  	s1 =	srdreg.scid  }
0x8b: {  	s0 =	sand.u32 $0x1, s1  }
0x8c: {  	s14 =	sshll.u32 s0, $0xA;
	s2 =	sadd.s32 s3, s2  }
0x8d: {  	s2 =	sadd.s32 s2, s14  }
0x8e: {  	[smem:$0x3FBB] =	sst s2  }
0x8f: {  	_ = 	snop  }
0x90: {  	s2 =	sld [smem:$0x3FD0];
	_ =	sdelay $0x2  }
0x91: {  	s15 =	simm.s32 $0xB;
	s4 =	simm.s32 $0x10  }
0x92: {  	[smem:s4], [sflag:s15] =	dma.local [hbm:s2], $0x1  }
0x93: {  	_ =	swait.eq [sflag:s15], $0x1  }
0x94: {  	[sflag:s15] =	ssyncset.done $0x0  }
0x95: {  	[sflag:s15] =	ssyncadd.s32 $0xFFFFFFFF  }
0x96: {  	s16 =	sld [smem:$0x10];
	(tm) =	ssettm $0x1  }
0x97: {  	s17 =	sld [smem:$0x3FFB];
	_ =	sdelay $0x3  }
0x98: {  	_ =	strace s17  }
0x99: {  	s3 =	sld [smem:$0x3FFC];
	_ =	sdelay $0x3  }
0x9a: {  	_ =	strace s3  }
0x9b: {  	s3 =	sld [smem:$0x3FFD];
	_ =	sdelay $0x3  }
0x9c: {  	_ =	strace s3  }
0x9d: {  	_ =	strace $0x8FFFFFFF  }
0x9e: {  	s18 =	sld [smem:$0x3FDB];
	_ =	sdelay $0x1  }
0x9f: {  	s19 =	simm.s32 $_scs_section_size  }
0xa0: {  	s5 =	simm.s32 $_size__tile_overlayer_lowered;
	s6 =	simm.s32 $_tile_overlayer_lowered  }
0xa1: {  	s22 =	simm.s32 $0x1BFF;
	s21 =	sshll.u32 s6, $0x1;
	s3 =	sadd.s32 s19, s18  }
0xa2: {  	s7 =	simm.s32 $0x0;
	s20 =	sshll.u32 s5, $0x1;
	s5 =	sadd.s32 s21, s3  }
0xa3: {  	[timem:s7], [sflag:s22] =	dma.local [hbm:s5], s20  }
0xa4: {  	_ =	swait.ge [sflag:s22], s20  }
0xa5: {  	s4 =	ssub.s32 $0x0, s20;
	[sflag:s22] =	ssyncset.done $0x0  }
0xa6: {  	[sflag:s22] =	ssyncadd.s32 s4;
	_ =	sdelay $0x1  }
0xa7: {  	s23 =	simm.s32 $0x1B8B  }
0xa8: {  	_ =	swait.ge [sflag:s23], $0x1  }
0xa9: {  	[sflag:s23] =	ssyncset.done $0x0  }
0xaa: {  	s25 =	simm.s32 $0x1B8E;
	s24 =	sld [smem:$0x3FFE];
	[sflag:s23] =	ssyncadd.s32 $0xFFFFFFFF  }
0xab: {  	s26 =	simm.s32 $execute0_lowered;
	[smem:$0x3FD2] =	sst s25  }
0xac: {  	s5 =	sshll.u32 s26, $0x1;
	_ =	strace $0x80000046;
	[dreg:$0x1] =	wrdreg $0xFFFFFFFF  }
0xad: {  	s28 =	simm.s32 $_size_execute0_lowered;
	s3 =	sadd.s32 s3, s5;
	[dreg:$0x0] =	wrdreg $0x0  }
0xae: {  	s5 =	sshll.u32 s28, $0x1;
	[dreg:$0x2] =	wrdreg s3  }
0xaf: {  	[dreg:$0x3] =	wrdreg s5  }
0xb0: {  	[dreg:$0x4] =	wrdreg $0xC0  }
0xb1: {  	_ =	task [dreg:s7], $0x5FFFF  }
0xb2: {  	[dreg:$0x1] =	wrdreg $0xFFFFFFFF  }
0xb3: {  	[dreg:$0x0] =	wrdreg $0x60  }
0xb4: {  	[dreg:$0x2] =	wrdreg s24  }
0xb5: {  	[dreg:$0x3] =	wrdreg s16  }
0xb6: {  	[dreg:$0x4] =	wrdreg $0x9  }
0xb7: {  	_ =	task.clear_ibuf [dreg:s7], $0x5FFFF;
	_ =	strace $0x90000046  }
0xb8: {  	s29 =	simm.s32 $0x9;
	_ =	strace $0x80000048  }
0xb9: {  	_ =	swait.ge [sflag:s29], $0x1  }
0xba: {  	[sflag:s29] =	ssyncadd.s32 $0xFFFFFFFF  }
0xbb: {  	_ =	strace $0x90000048  }
0xbc: {  	_ =	sfence  }
0xbd: {  	s30 =	sld [smem:$0x0];
	_ =	sdelay $0x2  }
0xbe: {  	s31 =	sshll.u32 s1, $0xD;
	s1 =	sshrl.u32 s1, $0x2  }
0xbf: {  	s3 =	sand.u32 $0x4000, s31;
	s1 =	sadd.s32 s1, s30  }
0xc0: {  	s0 =	sor.u32 s3, s0;
	s1 =	sshll.u32 s1, $0x11  }
0xc1: {  	s0 =	sor.u32 s1, s0  }
0xc2: {  	s0 =	sadd.s32 $0x8F2B, s0  }
0xc3: {  	[sflag:s0] =	ssyncadd.remote.s32 $0x1  }
0xc4: {  	_ =	sfence.sel $0xFFFF  }
0xc5: {  	[dreg:$0x0] =	wrdreg $0xFFFFFFFF;
	(pc) =	sbr.abs _section_cstart, $3  }
0xc6: {  	[dreg:$0x1] =	wrdreg $0xFFFFFFFF  }
0xc7: {  	_ =	task.clear_ibuf [dreg:s7], $0x2FFFF;
	_ =	strace $0x9FFFFFFF  }
0xc8: {  	(tm) =	ssettm $0x7FFFFFFF  }
0xc9: {  	_ =	shalt  }
tec
execute0_lowered:
.L_overlay_start_1:
0x0: {  	(tag) =	ssettag $0x1  }
0x1: {  	s0 =	rddreg [dreg:$0x0];
	s1 =	srdreg.scid  }
0x2: {  	s3 =	stileid.u32;
	s2 =	rddreg [dreg:$0x1];
	s28 =	simm.s32 $0x1C6A0  }
0x3: {  	s29 =	simm.s32 $0x1CEA0;
	s30 =	simm.s32 $0x1;
	s31 =	simm.s32 $0x2  }
0x4: {  	s1 =	sand.u32 $0x1, s1;
	s6 =	sadd.s32 $0x559E00, s0;
	s10 =	sadd.s32 $0x559F00, s0  }
0x5: {  	s4 =	sshll.u32 s3, $0x1;
	s12 =	sadd.s32 $0x55A000, s0;
	s13 =	sadd.s32 $0x55A100, s0  }
0x6: {  	s3 =	simm.s32 $0x0;
	s16 =	sadd.s32 $0x55A200, s0;
	s18 =	sadd.s32 $0x55A300, s0  }
0x7: {  	s19 =	sadd.s32 $0x55A400, s0;
	s4 =	sor.u32 s1, s4;
	s1 =	ssub.s32 $0x2, s1  }
0x8: {  	s22 =	sadd.s32 $0x55A500, s0;
	s5 =	smul.u32 $0x30D4, s4;
	s7 =	sshrl.u32 s1, $0x1  }
0x9: {  	[smem:$0x7FF] =	sst s3;
	s1 =	ssub.s32 s1, s7;
	s7 =	sshll.u32 s4, $0xB  }
0xa: {  	_ =	strace $0x80000047;
	s8 =	sadd.s32 s5, s0;
	s23 =	sadd.s32 s6, s7  }
0xb: {  	s5 =	sadd.s32 $0x2800, s0;
	s24 =	sadd.s32 s7, s10;
	[dreg:$0x4] =	wrdreg s23  }
0xc: {  	s25 =	sadd.s32 s7, s12;
	s26 =	sadd.s32 s7, s13;
	[dreg:$0x5] =	wrdreg s24  }
0xd: {  	s17 =	sadd.s32 s7, s16;
	s20 =	sadd.s32 s7, s18;
	[dreg:$0x6] =	wrdreg s25  }
0xe: {  	s21 =	sadd.s32 s7, s19;
	s8 =	sadd.s32 $0x4F8200, s8;
	[dreg:$0x7] =	wrdreg s26  }
0xf: {  	s23 =	sadd.s32 s7, s22;
	s24 =	smax.u32 s1, $0x1;
	s25 =	simm.s32 $0x3  }
0x10: {  	s26 =	simm.s32 $0x186A0;
	s1 =	simm.s32 $0x0;
	[dreg:$0x3] =	wrdreg s8  }
.LBB2_1:
0x11: {  	s0 =	rddreg [dreg:$0x3]  }
0x12: {  	[tilespmem:s3], [sflag:$0x3] =	stream.linear.gather [hbm4b:s0+s3], $0x186A0, $0x38;
	[tilespmem:$0x1D6A0] =	vst v63  }
0x13: {  	_ =	swait.ge [sflag:s25], $0x186A0  }
0x14: {  	[sflag:s25] =	ssyncset.done $0x0  }
0x15: {  	[sflag:s25] =	ssyncadd.s32 $0xFFFE7960  }
0x16: {  	[tilespmem:s26], [sflag:$0x3] =	stream.linear.gather [hbm4b:s2+s3], $0x4000, $0x38;
	[tilespmem:$0x1D6A0] =	vst v63  }
0x17: {  	_ =	swait.ge [sflag:s25], $0x4000  }
0x18: {  	[sflag:s25] =	ssyncset.done $0x0  }
0x19: {  	s15 =	simm.s32 $0x186E0;
	[sflag:s25] =	ssyncadd.s32 $0xFFFFC000  }
0x1a: {  	v0 =	vld [tilespmem:s15+$0x30]  }
0x1b: {  	v1 =	vld [tilespmem:s15+$0xFFFFFFD0]  }
0x1c: {  	v2 =	vld [tilespmem:s15+$0xFFFFFFE0]  }
0x1d: {  	v3 =	vld [tilespmem:s15+$0xFFFFFFF0]  }
0x1e: {  	v4 =	vld [tilespmem:s15+$0x0]  }
0x1f: {  	v6 =	vld [tilespmem:s15+$0x10]  }
0x20: {  	v7 =	vld [tilespmem:s15+$0x20]  }
0x21: {  	v8 =	vld [tilespmem:s15+$0xFFFFFFC0]  }
0x22: {  	v9 =	vld.idx.msk [tilespmem:v0+s3+$0x0], $0xffff  }
0x23: {  	v10 =	vld.idx.msk [tilespmem:v1+s3+$0x0], $0xffff  }
0x24: {  	v5 =	vld.idx.msk [tilespmem:v2+s3+$0x0], $0xffff  }
0x25: {  	v3 =	vld.idx.msk [tilespmem:v3+s3+$0x0], $0xffff  }
0x26: {  	v0 =	vld.idx.msk [tilespmem:v4+s3+$0x0], $0xffff  }
0x27: {  	s0 =	simm.s32 $0x1C6E0;
	v1 =	vld.idx.msk [tilespmem:v6+s3+$0x0], $0xffff  }
0x28: {  	v2 =	vld.idx.msk [tilespmem:v7+s3+$0x0], $0xffff;
	[tilespmem:s0+$0x30] =	vst v9  }
0x29: {  	s8 =	simm.s32 $0x0;
	s9 =	simm.s32 $0x18760;
	v4 =	vld.idx.msk [tilespmem:v8+s3+$0x0], $0xffff;
	[tilespmem:s0+$0xFFFFFFD0] =	vst v10  }
.LBB2_2:
0x2a: {  	v6 =	vld [tilespmem:s9+$0x30];
	s8 =	sadd.s32 $0x8, s8;
	[tilespmem:s0+$0xFFFFFFE0] =	vst v5  }
0x2b: {  	v5 =	vld [tilespmem:s9+$0xFFFFFFD0];
	p0 =	slt.u32 s8, $0x78;
	[tilespmem:s0+$0xFFFFFFF0] =	vst v3  }
0x2c: {  	v3 =	vld [tilespmem:s9+$0xFFFFFFE0];
	[tilespmem:s0+$0x0] =	vst v0  }
0x2d: {  	v0 =	vld [tilespmem:s9+$0xFFFFFFF0];
	[tilespmem:s0+$0x10] =	vst v1  }
0x2e: {  	v1 =	vld [tilespmem:s9+$0x0];
	[tilespmem:s0+$0x20] =	vst v2  }
0x2f: {  	v2 =	vld [tilespmem:s9+$0x10];
	[tilespmem:s0+$0xFFFFFFC0] =	vst v4  }
0x30: {  	v4 =	vld [tilespmem:s9+$0x20]  }
0x31: {  	v7 =	vld [tilespmem:s9+$0xFFFFFFC0]  }
0x32: {  	v6 =	vld.idx.msk [tilespmem:v6+s3+$0x0], $0xffff  }
0x33: {  	v8 =	vld.idx.msk [tilespmem:v5+s3+$0x0], $0xffff  }
0x34: {  	v5 =	vld.idx.msk [tilespmem:v3+s3+$0x0], $0xffff  }
.Ltmp0:
0x35: {  	v3 =	vld.idx.msk [tilespmem:v0+s3+$0x0], $0xffff;
	(pc) =	sbr.rel @p0 .LBB2_2-.Ltmp0, $4  }
0x36: {  	v0 =	vld.idx.msk [tilespmem:v1+s3+$0x0], $0xffff  }
0x37: {  	s0 =	sadd.s32 $0x80, s0;
	v1 =	vld.idx.msk [tilespmem:v2+s3+$0x0], $0xffff  }
0x38: {  	v2 =	vld.idx.msk [tilespmem:v4+s3+$0x0], $0xffff;
	[tilespmem:s0+$0x30] =	vst v6  }
0x39: {  	s9 =	sadd.s32 $0x80, s9;
	v4 =	vld.idx.msk [tilespmem:v7+s3+$0x0], $0xffff;
	[tilespmem:s0+$0xFFFFFFD0] =	vst v8  }
0x3a: {  	[tilespmem:s0+$0xFFFFFFE0] =	vst v5  }
0x3b: {  	[tilespmem:s0+$0xFFFFFFF0] =	vst v3  }
0x3c: {  	[tilespmem:s0+$0x0] =	vst v0  }
0x3d: {  	[tilespmem:s0+$0x10] =	vst v1  }
0x3e: {  	[tilespmem:s0+$0x20] =	vst v2  }
0x3f: {  	[tilespmem:s0+$0xFFFFFFC0] =	vst v4  }
0x40: {  	s15 =	simm.s32 $0x18F10;
	s0 =	rddreg [dreg:$0x4]  }
0x41: {  	[hbm4b:s0+s3] =	stream.linear.scatter [tilespmem:s28], [sflag:$0x1], $0x800, $0x38;
	[tilespmem:$0x1D6A0] =	vst v63  }
0x42: {  	v0 =	vld [tilespmem:s15+$0x0]  }
0x43: {  	v1 =	vld [tilespmem:s15+$0xFFFFFFA0]  }
0x44: {  	v2 =	vld [tilespmem:s15+$0xFFFFFFB0]  }
0x45: {  	v3 =	vld [tilespmem:s15+$0xFFFFFFC0]  }
0x46: {  	v4 =	vld [tilespmem:s15+$0xFFFFFFD0]  }
0x47: {  	v6 =	vld [tilespmem:s15+$0xFFFFFFE0]  }
0x48: {  	v7 =	vld [tilespmem:s15+$0xFFFFFFF0]  }
0x49: {  	v8 =	vld [tilespmem:s15+$0xFFFFFF90]  }
0x4a: {  	v9 =	vld.idx.msk [tilespmem:v0+s3+$0x0], $0xffff  }
0x4b: {  	v10 =	vld.idx.msk [tilespmem:v1+s3+$0x0], $0xffff  }
0x4c: {  	v5 =	vld.idx.msk [tilespmem:v2+s3+$0x0], $0xffff  }
0x4d: {  	v3 =	vld.idx.msk [tilespmem:v3+s3+$0x0], $0xffff  }
0x4e: {  	v0 =	vld.idx.msk [tilespmem:v4+s3+$0x0], $0xffff  }
0x4f: {  	s0 =	simm.s32 $0x1CEE0;
	v1 =	vld.idx.msk [tilespmem:v6+s3+$0x0], $0xffff  }
0x50: {  	v2 =	vld.idx.msk [tilespmem:v7+s3+$0x0], $0xffff;
	[tilespmem:s0+$0x30] =	vst v9  }
0x51: {  	s8 =	simm.s32 $0x0;
	s9 =	simm.s32 $0x18F90;
	v4 =	vld.idx.msk [tilespmem:v8+s3+$0x0], $0xffff;
	[tilespmem:s0+$0xFFFFFFD0] =	vst v10  }
.LBB2_4:
0x52: {  	v6 =	vld [tilespmem:s9+$0x0];
	s8 =	sadd.s32 $0x8, s8;
	[tilespmem:s0+$0xFFFFFFE0] =	vst v5  }
0x53: {  	v5 =	vld [tilespmem:s9+$0xFFFFFFA0];
	p0 =	slt.u32 s8, $0x78;
	[tilespmem:s0+$0xFFFFFFF0] =	vst v3  }
0x54: {  	v3 =	vld [tilespmem:s9+$0xFFFFFFB0];
	[tilespmem:s0+$0x0] =	vst v0  }
0x55: {  	v0 =	vld [tilespmem:s9+$0xFFFFFFC0];
	[tilespmem:s0+$0x10] =	vst v1  }
0x56: {  	v1 =	vld [tilespmem:s9+$0xFFFFFFD0];
	[tilespmem:s0+$0x20] =	vst v2  }
0x57: {  	v2 =	vld [tilespmem:s9+$0xFFFFFFE0];
	[tilespmem:s0+$0xFFFFFFC0] =	vst v4  }
0x58: {  	v4 =	vld [tilespmem:s9+$0xFFFFFFF0]  }
0x59: {  	v7 =	vld [tilespmem:s9+$0xFFFFFF90]  }
0x5a: {  	v6 =	vld.idx.msk [tilespmem:v6+s3+$0x0], $0xffff  }
0x5b: {  	v8 =	vld.idx.msk [tilespmem:v5+s3+$0x0], $0xffff  }
0x5c: {  	v5 =	vld.idx.msk [tilespmem:v3+s3+$0x0], $0xffff  }
.Ltmp1:
0x5d: {  	v3 =	vld.idx.msk [tilespmem:v0+s3+$0x0], $0xffff;
	(pc) =	sbr.rel @p0 .LBB2_4-.Ltmp1, $4  }
0x5e: {  	v0 =	vld.idx.msk [tilespmem:v1+s3+$0x0], $0xffff  }
0x5f: {  	s0 =	sadd.s32 $0x80, s0;
	v1 =	vld.idx.msk [tilespmem:v2+s3+$0x0], $0xffff  }
0x60: {  	v2 =	vld.idx.msk [tilespmem:v4+s3+$0x0], $0xffff;
	[tilespmem:s0+$0x30] =	vst v6  }
0x61: {  	s9 =	sadd.s32 $0x80, s9;
	v4 =	vld.idx.msk [tilespmem:v7+s3+$0x0], $0xffff;
	[tilespmem:s0+$0xFFFFFFD0] =	vst v8  }
0x62: {  	[tilespmem:s0+$0xFFFFFFE0] =	vst v5  }
0x63: {  	[tilespmem:s0+$0xFFFFFFF0] =	vst v3  }
0x64: {  	[tilespmem:s0+$0x0] =	vst v0  }
0x65: {  	[tilespmem:s0+$0x10] =	vst v1  }
0x66: {  	[tilespmem:s0+$0x20] =	vst v2  }
0x67: {  	[tilespmem:s0+$0xFFFFFFC0] =	vst v4  }
0x68: {  	s0 =	rddreg [dreg:$0x5]  }
0x69: {  	[hbm4b:s0+s3] =	stream.linear.scatter [tilespmem:s29], [sflag:$0x2], $0x800, $0x38;
	[tilespmem:$0x1D6A0] =	vst v63  }
0x6a: {  	_ =	swait.ge [sflag:s30], $0x800  }
0x6b: {  	[sflag:s30] =	ssyncset.done $0x0  }
0x6c: {  	s15 =	simm.s32 $0x19710;
	[sflag:s30] =	ssyncadd.s32 $0xFFFFF800  }
0x6d: {  	v0 =	vld [tilespmem:s15+$0x0]  }
0x6e: {  	v1 =	vld [tilespmem:s15+$0xFFFFFFA0]  }
0x6f: {  	v2 =	vld [tilespmem:s15+$0xFFFFFFB0]  }
0x70: {  	v3 =	vld [tilespmem:s15+$0xFFFFFFC0]  }
0x71: {  	v4 =	vld [tilespmem:s15+$0xFFFFFFD0]  }
0x72: {  	v6 =	vld [tilespmem:s15+$0xFFFFFFE0]  }
0x73: {  	v7 =	vld [tilespmem:s15+$0xFFFFFFF0]  }
0x74: {  	v8 =	vld [tilespmem:s15+$0xFFFFFF90]  }
0x75: {  	v9 =	vld.idx.msk [tilespmem:v0+s3+$0x0], $0xffff  }
0x76: {  	v10 =	vld.idx.msk [tilespmem:v1+s3+$0x0], $0xffff  }
0x77: {  	v5 =	vld.idx.msk [tilespmem:v2+s3+$0x0], $0xffff  }
0x78: {  	v3 =	vld.idx.msk [tilespmem:v3+s3+$0x0], $0xffff  }
0x79: {  	v0 =	vld.idx.msk [tilespmem:v4+s3+$0x0], $0xffff  }
0x7a: {  	s0 =	simm.s32 $0x1C6E0;
	v1 =	vld.idx.msk [tilespmem:v6+s3+$0x0], $0xffff  }
0x7b: {  	v2 =	vld.idx.msk [tilespmem:v7+s3+$0x0], $0xffff;
	[tilespmem:s0+$0x30] =	vst v9  }
0x7c: {  	s8 =	simm.s32 $0x0;
	s9 =	simm.s32 $0x19790;
	v4 =	vld.idx.msk [tilespmem:v8+s3+$0x0], $0xffff;
	[tilespmem:s0+$0xFFFFFFD0] =	vst v10  }
.LBB2_6:
0x7d: {  	v6 =	vld [tilespmem:s9+$0x0];
	s8 =	sadd.s32 $0x8, s8;
	[tilespmem:s0+$0xFFFFFFE0] =	vst v5  }
0x7e: {  	v5 =	vld [tilespmem:s9+$0xFFFFFFA0];
	p0 =	slt.u32 s8, $0x78;
	[tilespmem:s0+$0xFFFFFFF0] =	vst v3  }
0x7f: {  	v3 =	vld [tilespmem:s9+$0xFFFFFFB0];
	[tilespmem:s0+$0x0] =	vst v0  }
0x80: {  	v0 =	vld [tilespmem:s9+$0xFFFFFFC0];
	[tilespmem:s0+$0x10] =	vst v1  }
0x81: {  	v1 =	vld [tilespmem:s9+$0xFFFFFFD0];
	[tilespmem:s0+$0x20] =	vst v2  }
0x82: {  	v2 =	vld [tilespmem:s9+$0xFFFFFFE0];
	[tilespmem:s0+$0xFFFFFFC0] =	vst v4  }
0x83: {  	v4 =	vld [tilespmem:s9+$0xFFFFFFF0]  }
0x84: {  	v7 =	vld [tilespmem:s9+$0xFFFFFF90]  }
0x85: {  	v6 =	vld.idx.msk [tilespmem:v6+s3+$0x0], $0xffff  }
0x86: {  	v8 =	vld.idx.msk [tilespmem:v5+s3+$0x0], $0xffff  }
0x87: {  	v5 =	vld.idx.msk [tilespmem:v3+s3+$0x0], $0xffff  }
.Ltmp2:
0x88: {  	v3 =	vld.idx.msk [tilespmem:v0+s3+$0x0], $0xffff;
	(pc) =	sbr.rel @p0 .LBB2_6-.Ltmp2, $4  }
0x89: {  	v0 =	vld.idx.msk [tilespmem:v1+s3+$0x0], $0xffff  }
0x8a: {  	s0 =	sadd.s32 $0x80, s0;
	v1 =	vld.idx.msk [tilespmem:v2+s3+$0x0], $0xffff  }
0x8b: {  	v2 =	vld.idx.msk [tilespmem:v4+s3+$0x0], $0xffff;
	[tilespmem:s0+$0x30] =	vst v6  }
0x8c: {  	s9 =	sadd.s32 $0x80, s9;
	v4 =	vld.idx.msk [tilespmem:v7+s3+$0x0], $0xffff;
	[tilespmem:s0+$0xFFFFFFD0] =	vst v8  }
0x8d: {  	[tilespmem:s0+$0xFFFFFFE0] =	vst v5  }
0x8e: {  	[tilespmem:s0+$0xFFFFFFF0] =	vst v3  }
0x8f: {  	[tilespmem:s0+$0x0] =	vst v0  }
0x90: {  	[tilespmem:s0+$0x10] =	vst v1  }
0x91: {  	[tilespmem:s0+$0x20] =	vst v2  }
0x92: {  	[tilespmem:s0+$0xFFFFFFC0] =	vst v4  }
0x93: {  	s0 =	rddreg [dreg:$0x6]  }
0x94: {  	[hbm4b:s0+s3] =	stream.linear.scatter [tilespmem:s28], [sflag:$0x1], $0x800, $0x38;
	[tilespmem:$0x1D6A0] =	vst v63  }
0x95: {  	_ =	swait.ge [sflag:s31], $0x800  }
0x96: {  	[sflag:s31] =	ssyncset.done $0x0  }
0x97: {  	s15 =	simm.s32 $0x19F10;
	[sflag:s31] =	ssyncadd.s32 $0xFFFFF800  }
0x98: {  	v0 =	vld [tilespmem:s15+$0x0]  }
0x99: {  	v1 =	vld [tilespmem:s15+$0xFFFFFFA0]  }
0x9a: {  	v2 =	vld [tilespmem:s15+$0xFFFFFFB0]  }
0x9b: {  	v3 =	vld [tilespmem:s15+$0xFFFFFFC0]  }
0x9c: {  	v4 =	vld [tilespmem:s15+$0xFFFFFFD0]  }
0x9d: {  	v6 =	vld [tilespmem:s15+$0xFFFFFFE0]  }
0x9e: {  	v7 =	vld [tilespmem:s15+$0xFFFFFFF0]  }
0x9f: {  	v8 =	vld [tilespmem:s15+$0xFFFFFF90]  }
0xa0: {  	v9 =	vld.idx.msk [tilespmem:v0+s3+$0x0], $0xffff  }
0xa1: {  	v10 =	vld.idx.msk [tilespmem:v1+s3+$0x0], $0xffff  }
0xa2: {  	v5 =	vld.idx.msk [tilespmem:v2+s3+$0x0], $0xffff  }
0xa3: {  	v3 =	vld.idx.msk [tilespmem:v3+s3+$0x0], $0xffff  }
0xa4: {  	v0 =	vld.idx.msk [tilespmem:v4+s3+$0x0], $0xffff  }
0xa5: {  	s0 =	simm.s32 $0x1CEE0;
	v1 =	vld.idx.msk [tilespmem:v6+s3+$0x0], $0xffff  }
0xa6: {  	v2 =	vld.idx.msk [tilespmem:v7+s3+$0x0], $0xffff;
	[tilespmem:s0+$0x30] =	vst v9  }
0xa7: {  	s8 =	simm.s32 $0x0;
	s9 =	simm.s32 $0x19F90;
	v4 =	vld.idx.msk [tilespmem:v8+s3+$0x0], $0xffff;
	[tilespmem:s0+$0xFFFFFFD0] =	vst v10  }
.LBB2_8:
0xa8: {  	v6 =	vld [tilespmem:s9+$0x0];
	s8 =	sadd.s32 $0x8, s8;
	[tilespmem:s0+$0xFFFFFFE0] =	vst v5  }
0xa9: {  	v5 =	vld [tilespmem:s9+$0xFFFFFFA0];
	p0 =	slt.u32 s8, $0x78;
	[tilespmem:s0+$0xFFFFFFF0] =	vst v3  }
0xaa: {  	v3 =	vld [tilespmem:s9+$0xFFFFFFB0];
	[tilespmem:s0+$0x0] =	vst v0  }
0xab: {  	v0 =	vld [tilespmem:s9+$0xFFFFFFC0];
	[tilespmem:s0+$0x10] =	vst v1  }
0xac: {  	v1 =	vld [tilespmem:s9+$0xFFFFFFD0];
	[tilespmem:s0+$0x20] =	vst v2  }
0xad: {  	v2 =	vld [tilespmem:s9+$0xFFFFFFE0];
	[tilespmem:s0+$0xFFFFFFC0] =	vst v4  }
0xae: {  	v4 =	vld [tilespmem:s9+$0xFFFFFFF0]  }
0xaf: {  	v7 =	vld [tilespmem:s9+$0xFFFFFF90]  }
0xb0: {  	v6 =	vld.idx.msk [tilespmem:v6+s3+$0x0], $0xffff  }
0xb1: {  	v8 =	vld.idx.msk [tilespmem:v5+s3+$0x0], $0xffff  }
0xb2: {  	v5 =	vld.idx.msk [tilespmem:v3+s3+$0x0], $0xffff  }
.Ltmp3:
0xb3: {  	v3 =	vld.idx.msk [tilespmem:v0+s3+$0x0], $0xffff;
	(pc) =	sbr.rel @p0 .LBB2_8-.Ltmp3, $4  }
0xb4: {  	v0 =	vld.idx.msk [tilespmem:v1+s3+$0x0], $0xffff  }
0xb5: {  	s0 =	sadd.s32 $0x80, s0;
	v1 =	vld.idx.msk [tilespmem:v2+s3+$0x0], $0xffff  }
0xb6: {  	v2 =	vld.idx.msk [tilespmem:v4+s3+$0x0], $0xffff;
	[tilespmem:s0+$0x30] =	vst v6  }
0xb7: {  	s9 =	sadd.s32 $0x80, s9;
	v4 =	vld.idx.msk [tilespmem:v7+s3+$0x0], $0xffff;
	[tilespmem:s0+$0xFFFFFFD0] =	vst v8  }
0xb8: {  	[tilespmem:s0+$0xFFFFFFE0] =	vst v5  }
0xb9: {  	[tilespmem:s0+$0xFFFFFFF0] =	vst v3  }
0xba: {  	[tilespmem:s0+$0x0] =	vst v0  }
0xbb: {  	[tilespmem:s0+$0x10] =	vst v1  }
0xbc: {  	[tilespmem:s0+$0x20] =	vst v2  }
0xbd: {  	[tilespmem:s0+$0xFFFFFFC0] =	vst v4  }
0xbe: {  	s0 =	rddreg [dreg:$0x7]  }
0xbf: {  	[hbm4b:s0+s3] =	stream.linear.scatter [tilespmem:s29], [sflag:$0x2], $0x800, $0x38;
	[tilespmem:$0x1D6A0] =	vst v63  }
0xc0: {  	_ =	swait.ge [sflag:s30], $0x800  }
0xc1: {  	[sflag:s30] =	ssyncset.done $0x0  }
0xc2: {  	s15 =	simm.s32 $0x1A710;
	[sflag:s30] =	ssyncadd.s32 $0xFFFFF800  }
0xc3: {  	v0 =	vld [tilespmem:s15+$0x0]  }
0xc4: {  	v1 =	vld [tilespmem:s15+$0xFFFFFFA0]  }
0xc5: {  	v2 =	vld [tilespmem:s15+$0xFFFFFFB0]  }
0xc6: {  	v3 =	vld [tilespmem:s15+$0xFFFFFFC0]  }
0xc7: {  	v4 =	vld [tilespmem:s15+$0xFFFFFFD0]  }
0xc8: {  	v6 =	vld [tilespmem:s15+$0xFFFFFFE0]  }
0xc9: {  	v7 =	vld [tilespmem:s15+$0xFFFFFFF0]  }
0xca: {  	v8 =	vld [tilespmem:s15+$0xFFFFFF90]  }
0xcb: {  	v9 =	vld.idx.msk [tilespmem:v0+s3+$0x0], $0xffff  }
0xcc: {  	v10 =	vld.idx.msk [tilespmem:v1+s3+$0x0], $0xffff  }
0xcd: {  	v5 =	vld.idx.msk [tilespmem:v2+s3+$0x0], $0xffff  }
0xce: {  	v3 =	vld.idx.msk [tilespmem:v3+s3+$0x0], $0xffff  }
0xcf: {  	v0 =	vld.idx.msk [tilespmem:v4+s3+$0x0], $0xffff  }
0xd0: {  	s0 =	simm.s32 $0x1C6E0;
	v1 =	vld.idx.msk [tilespmem:v6+s3+$0x0], $0xffff  }
0xd1: {  	v2 =	vld.idx.msk [tilespmem:v7+s3+$0x0], $0xffff;
	[tilespmem:s0+$0x30] =	vst v9  }
0xd2: {  	s8 =	simm.s32 $0x0;
	s9 =	simm.s32 $0x1A790;
	v4 =	vld.idx.msk [tilespmem:v8+s3+$0x0], $0xffff;
	[tilespmem:s0+$0xFFFFFFD0] =	vst v10  }
.LBB2_10:
0xd3: {  	v6 =	vld [tilespmem:s9+$0x0];
	s8 =	sadd.s32 $0x8, s8;
	[tilespmem:s0+$0xFFFFFFE0] =	vst v5  }
0xd4: {  	v5 =	vld [tilespmem:s9+$0xFFFFFFA0];
	p0 =	slt.u32 s8, $0x78;
	[tilespmem:s0+$0xFFFFFFF0] =	vst v3  }
0xd5: {  	v3 =	vld [tilespmem:s9+$0xFFFFFFB0];
	[tilespmem:s0+$0x0] =	vst v0  }
0xd6: {  	v0 =	vld [tilespmem:s9+$0xFFFFFFC0];
	[tilespmem:s0+$0x10] =	vst v1  }
0xd7: {  	v1 =	vld [tilespmem:s9+$0xFFFFFFD0];
	[tilespmem:s0+$0x20] =	vst v2  }
0xd8: {  	v2 =	vld [tilespmem:s9+$0xFFFFFFE0];
	[tilespmem:s0+$0xFFFFFFC0] =	vst v4  }
0xd9: {  	v4 =	vld [tilespmem:s9+$0xFFFFFFF0]  }
0xda: {  	v7 =	vld [tilespmem:s9+$0xFFFFFF90]  }
0xdb: {  	v6 =	vld.idx.msk [tilespmem:v6+s3+$0x0], $0xffff  }
0xdc: {  	v8 =	vld.idx.msk [tilespmem:v5+s3+$0x0], $0xffff  }
0xdd: {  	v5 =	vld.idx.msk [tilespmem:v3+s3+$0x0], $0xffff  }
.Ltmp4:
0xde: {  	v3 =	vld.idx.msk [tilespmem:v0+s3+$0x0], $0xffff;
	(pc) =	sbr.rel @p0 .LBB2_10-.Ltmp4, $4  }
0xdf: {  	v0 =	vld.idx.msk [tilespmem:v1+s3+$0x0], $0xffff  }
0xe0: {  	s0 =	sadd.s32 $0x80, s0;
	v1 =	vld.idx.msk [tilespmem:v2+s3+$0x0], $0xffff  }
0xe1: {  	v2 =	vld.idx.msk [tilespmem:v4+s3+$0x0], $0xffff;
	[tilespmem:s0+$0x30] =	vst v6  }
0xe2: {  	s9 =	sadd.s32 $0x80, s9;
	v4 =	vld.idx.msk [tilespmem:v7+s3+$0x0], $0xffff;
	[tilespmem:s0+$0xFFFFFFD0] =	vst v8  }
0xe3: {  	[tilespmem:s0+$0xFFFFFFE0] =	vst v5  }
0xe4: {  	[tilespmem:s0+$0xFFFFFFF0] =	vst v3  }
0xe5: {  	[tilespmem:s0+$0x0] =	vst v0  }
0xe6: {  	[tilespmem:s0+$0x10] =	vst v1  }
0xe7: {  	[tilespmem:s0+$0x20] =	vst v2  }
0xe8: {  	[tilespmem:s0+$0xFFFFFFC0] =	vst v4  }
0xe9: {  	[hbm4b:s17+s3] =	stream.linear.scatter [tilespmem:s28], [sflag:$0x1], $0x800, $0x38;
	[tilespmem:$0x1D6A0] =	vst v63  }
0xea: {  	_ =	swait.ge [sflag:s31], $0x800  }
0xeb: {  	[sflag:s31] =	ssyncset.done $0x0  }
0xec: {  	s15 =	simm.s32 $0x1AF10;
	[sflag:s31] =	ssyncadd.s32 $0xFFFFF800  }
0xed: {  	v0 =	vld [tilespmem:s15+$0x0]  }
0xee: {  	v1 =	vld [tilespmem:s15+$0xFFFFFFA0]  }
0xef: {  	v2 =	vld [tilespmem:s15+$0xFFFFFFB0]  }
0xf0: {  	v3 =	vld [tilespmem:s15+$0xFFFFFFC0]  }
0xf1: {  	v4 =	vld [tilespmem:s15+$0xFFFFFFD0]  }
0xf2: {  	v6 =	vld [tilespmem:s15+$0xFFFFFFE0]  }
0xf3: {  	v7 =	vld [tilespmem:s15+$0xFFFFFFF0]  }
0xf4: {  	v8 =	vld [tilespmem:s15+$0xFFFFFF90]  }
0xf5: {  	v9 =	vld.idx.msk [tilespmem:v0+s3+$0x0], $0xffff  }
0xf6: {  	v10 =	vld.idx.msk [tilespmem:v1+s3+$0x0], $0xffff  }
0xf7: {  	v5 =	vld.idx.msk [tilespmem:v2+s3+$0x0], $0xffff  }
0xf8: {  	v3 =	vld.idx.msk [tilespmem:v3+s3+$0x0], $0xffff  }
0xf9: {  	v0 =	vld.idx.msk [tilespmem:v4+s3+$0x0], $0xffff  }
0xfa: {  	s0 =	simm.s32 $0x1CEE0;
	v1 =	vld.idx.msk [tilespmem:v6+s3+$0x0], $0xffff  }
0xfb: {  	v2 =	vld.idx.msk [tilespmem:v7+s3+$0x0], $0xffff;
	[tilespmem:s0+$0x30] =	vst v9  }
0xfc: {  	s8 =	simm.s32 $0x0;
	s9 =	simm.s32 $0x1AF90;
	v4 =	vld.idx.msk [tilespmem:v8+s3+$0x0], $0xffff;
	[tilespmem:s0+$0xFFFFFFD0] =	vst v10  }
.LBB2_12:
0xfd: {  	v6 =	vld [tilespmem:s9+$0x0];
	s8 =	sadd.s32 $0x8, s8;
	[tilespmem:s0+$0xFFFFFFE0] =	vst v5  }
0xfe: {  	v5 =	vld [tilespmem:s9+$0xFFFFFFA0];
	p0 =	slt.u32 s8, $0x78;
	[tilespmem:s0+$0xFFFFFFF0] =	vst v3  }
0xff: {  	v3 =	vld [tilespmem:s9+$0xFFFFFFB0];
	[tilespmem:s0+$0x0] =	vst v0  }
0x100: {  	v0 =	vld [tilespmem:s9+$0xFFFFFFC0];
	[tilespmem:s0+$0x10] =	vst v1  }
0x101: {  	v1 =	vld [tilespmem:s9+$0xFFFFFFD0];
	[tilespmem:s0+$0x20] =	vst v2  }
0x102: {  	v2 =	vld [tilespmem:s9+$0xFFFFFFE0];
	[tilespmem:s0+$0xFFFFFFC0] =	vst v4  }
0x103: {  	v4 =	vld [tilespmem:s9+$0xFFFFFFF0]  }
0x104: {  	v7 =	vld [tilespmem:s9+$0xFFFFFF90]  }
0x105: {  	v6 =	vld.idx.msk [tilespmem:v6+s3+$0x0], $0xffff  }
0x106: {  	v8 =	vld.idx.msk [tilespmem:v5+s3+$0x0], $0xffff  }
0x107: {  	v5 =	vld.idx.msk [tilespmem:v3+s3+$0x0], $0xffff  }
.Ltmp5:
0x108: {  	v3 =	vld.idx.msk [tilespmem:v0+s3+$0x0], $0xffff;
	(pc) =	sbr.rel @p0 .LBB2_12-.Ltmp5, $4  }
0x109: {  	v0 =	vld.idx.msk [tilespmem:v1+s3+$0x0], $0xffff  }
0x10a: {  	s0 =	sadd.s32 $0x80, s0;
	v1 =	vld.idx.msk [tilespmem:v2+s3+$0x0], $0xffff  }
0x10b: {  	v2 =	vld.idx.msk [tilespmem:v4+s3+$0x0], $0xffff;
	[tilespmem:s0+$0x30] =	vst v6  }
0x10c: {  	s9 =	sadd.s32 $0x80, s9;
	v4 =	vld.idx.msk [tilespmem:v7+s3+$0x0], $0xffff;
	[tilespmem:s0+$0xFFFFFFD0] =	vst v8  }
0x10d: {  	[tilespmem:s0+$0xFFFFFFE0] =	vst v5  }
0x10e: {  	[tilespmem:s0+$0xFFFFFFF0] =	vst v3  }
0x10f: {  	[tilespmem:s0+$0x0] =	vst v0  }
0x110: {  	[tilespmem:s0+$0x10] =	vst v1  }
0x111: {  	[tilespmem:s0+$0x20] =	vst v2  }
0x112: {  	[tilespmem:s0+$0xFFFFFFC0] =	vst v4  }
0x113: {  	[hbm4b:s20+s3] =	stream.linear.scatter [tilespmem:s29], [sflag:$0x2], $0x800, $0x38;
	[tilespmem:$0x1D6A0] =	vst v63  }
0x114: {  	_ =	swait.ge [sflag:s30], $0x800  }
0x115: {  	[sflag:s30] =	ssyncset.done $0x0  }
0x116: {  	s15 =	simm.s32 $0x1B710;
	[sflag:s30] =	ssyncadd.s32 $0xFFFFF800  }
0x117: {  	v0 =	vld [tilespmem:s15+$0x0]  }
0x118: {  	v1 =	vld [tilespmem:s15+$0xFFFFFFA0]  }
0x119: {  	v2 =	vld [tilespmem:s15+$0xFFFFFFB0]  }
0x11a: {  	v3 =	vld [tilespmem:s15+$0xFFFFFFC0]  }
0x11b: {  	v4 =	vld [tilespmem:s15+$0xFFFFFFD0]  }
0x11c: {  	v6 =	vld [tilespmem:s15+$0xFFFFFFE0]  }
0x11d: {  	v7 =	vld [tilespmem:s15+$0xFFFFFFF0]  }
0x11e: {  	v8 =	vld [tilespmem:s15+$0xFFFFFF90]  }
0x11f: {  	v9 =	vld.idx.msk [tilespmem:v0+s3+$0x0], $0xffff  }
0x120: {  	v10 =	vld.idx.msk [tilespmem:v1+s3+$0x0], $0xffff  }
0x121: {  	v5 =	vld.idx.msk [tilespmem:v2+s3+$0x0], $0xffff  }
0x122: {  	v3 =	vld.idx.msk [tilespmem:v3+s3+$0x0], $0xffff  }
0x123: {  	v0 =	vld.idx.msk [tilespmem:v4+s3+$0x0], $0xffff  }
0x124: {  	s0 =	simm.s32 $0x1C6E0;
	v1 =	vld.idx.msk [tilespmem:v6+s3+$0x0], $0xffff  }
0x125: {  	v2 =	vld.idx.msk [tilespmem:v7+s3+$0x0], $0xffff;
	[tilespmem:s0+$0x30] =	vst v9  }
0x126: {  	s8 =	simm.s32 $0x0;
	s9 =	simm.s32 $0x1B790;
	v4 =	vld.idx.msk [tilespmem:v8+s3+$0x0], $0xffff;
	[tilespmem:s0+$0xFFFFFFD0] =	vst v10  }
.LBB2_14:
0x127: {  	v6 =	vld [tilespmem:s9+$0x0];
	s8 =	sadd.s32 $0x8, s8;
	[tilespmem:s0+$0xFFFFFFE0] =	vst v5  }
0x128: {  	v5 =	vld [tilespmem:s9+$0xFFFFFFA0];
	p0 =	slt.u32 s8, $0x78;
	[tilespmem:s0+$0xFFFFFFF0] =	vst v3  }
0x129: {  	v3 =	vld [tilespmem:s9+$0xFFFFFFB0];
	[tilespmem:s0+$0x0] =	vst v0  }
0x12a: {  	v0 =	vld [tilespmem:s9+$0xFFFFFFC0];
	[tilespmem:s0+$0x10] =	vst v1  }
0x12b: {  	v1 =	vld [tilespmem:s9+$0xFFFFFFD0];
	[tilespmem:s0+$0x20] =	vst v2  }
0x12c: {  	v2 =	vld [tilespmem:s9+$0xFFFFFFE0];
	[tilespmem:s0+$0xFFFFFFC0] =	vst v4  }
0x12d: {  	v4 =	vld [tilespmem:s9+$0xFFFFFFF0]  }
0x12e: {  	v7 =	vld [tilespmem:s9+$0xFFFFFF90]  }
0x12f: {  	v6 =	vld.idx.msk [tilespmem:v6+s3+$0x0], $0xffff  }
0x130: {  	v8 =	vld.idx.msk [tilespmem:v5+s3+$0x0], $0xffff  }
0x131: {  	v5 =	vld.idx.msk [tilespmem:v3+s3+$0x0], $0xffff  }
.Ltmp6:
0x132: {  	v3 =	vld.idx.msk [tilespmem:v0+s3+$0x0], $0xffff;
	(pc) =	sbr.rel @p0 .LBB2_14-.Ltmp6, $4  }
0x133: {  	v0 =	vld.idx.msk [tilespmem:v1+s3+$0x0], $0xffff  }
0x134: {  	s0 =	sadd.s32 $0x80, s0;
	v1 =	vld.idx.msk [tilespmem:v2+s3+$0x0], $0xffff  }
0x135: {  	v2 =	vld.idx.msk [tilespmem:v4+s3+$0x0], $0xffff;
	[tilespmem:s0+$0x30] =	vst v6  }
0x136: {  	s9 =	sadd.s32 $0x80, s9;
	v4 =	vld.idx.msk [tilespmem:v7+s3+$0x0], $0xffff;
	[tilespmem:s0+$0xFFFFFFD0] =	vst v8  }
0x137: {  	[tilespmem:s0+$0xFFFFFFE0] =	vst v5  }
0x138: {  	[tilespmem:s0+$0xFFFFFFF0] =	vst v3  }
0x139: {  	[tilespmem:s0+$0x0] =	vst v0  }
0x13a: {  	[tilespmem:s0+$0x10] =	vst v1  }
0x13b: {  	[tilespmem:s0+$0x20] =	vst v2  }
0x13c: {  	[tilespmem:s0+$0xFFFFFFC0] =	vst v4  }
0x13d: {  	[hbm4b:s21+s3] =	stream.linear.scatter [tilespmem:s28], [sflag:$0x1], $0x800, $0x38;
	[tilespmem:$0x1D6A0] =	vst v63  }
0x13e: {  	_ =	swait.ge [sflag:s31], $0x800  }
0x13f: {  	[sflag:s31] =	ssyncset.done $0x0  }
0x140: {  	s15 =	simm.s32 $0x1BF10;
	[sflag:s31] =	ssyncadd.s32 $0xFFFFF800  }
0x141: {  	v0 =	vld [tilespmem:s15+$0x0]  }
0x142: {  	v1 =	vld [tilespmem:s15+$0xFFFFFFA0]  }
0x143: {  	v2 =	vld [tilespmem:s15+$0xFFFFFFB0]  }
0x144: {  	v3 =	vld [tilespmem:s15+$0xFFFFFFC0]  }
0x145: {  	v4 =	vld [tilespmem:s15+$0xFFFFFFD0]  }
0x146: {  	v6 =	vld [tilespmem:s15+$0xFFFFFFE0]  }
0x147: {  	v7 =	vld [tilespmem:s15+$0xFFFFFFF0]  }
0x148: {  	v8 =	vld [tilespmem:s15+$0xFFFFFF90]  }
0x149: {  	v9 =	vld.idx.msk [tilespmem:v0+s3+$0x0], $0xffff  }
0x14a: {  	v10 =	vld.idx.msk [tilespmem:v1+s3+$0x0], $0xffff  }
0x14b: {  	v5 =	vld.idx.msk [tilespmem:v2+s3+$0x0], $0xffff  }
0x14c: {  	v3 =	vld.idx.msk [tilespmem:v3+s3+$0x0], $0xffff  }
0x14d: {  	v0 =	vld.idx.msk [tilespmem:v4+s3+$0x0], $0xffff  }
0x14e: {  	s0 =	simm.s32 $0x1CEE0;
	v1 =	vld.idx.msk [tilespmem:v6+s3+$0x0], $0xffff  }
0x14f: {  	v2 =	vld.idx.msk [tilespmem:v7+s3+$0x0], $0xffff;
	[tilespmem:s0+$0x30] =	vst v9  }
0x150: {  	s8 =	simm.s32 $0x0;
	s9 =	simm.s32 $0x1BF90;
	v4 =	vld.idx.msk [tilespmem:v8+s3+$0x0], $0xffff;
	[tilespmem:s0+$0xFFFFFFD0] =	vst v10  }
.LBB2_16:
0x151: {  	v6 =	vld [tilespmem:s9+$0x0];
	s8 =	sadd.s32 $0x8, s8;
	[tilespmem:s0+$0xFFFFFFE0] =	vst v5  }
0x152: {  	v5 =	vld [tilespmem:s9+$0xFFFFFFA0];
	p0 =	slt.u32 s8, $0x78;
	[tilespmem:s0+$0xFFFFFFF0] =	vst v3  }
0x153: {  	v3 =	vld [tilespmem:s9+$0xFFFFFFB0];
	[tilespmem:s0+$0x0] =	vst v0  }
0x154: {  	v0 =	vld [tilespmem:s9+$0xFFFFFFC0];
	[tilespmem:s0+$0x10] =	vst v1  }
0x155: {  	v1 =	vld [tilespmem:s9+$0xFFFFFFD0];
	[tilespmem:s0+$0x20] =	vst v2  }
0x156: {  	v2 =	vld [tilespmem:s9+$0xFFFFFFE0];
	[tilespmem:s0+$0xFFFFFFC0] =	vst v4  }
0x157: {  	v4 =	vld [tilespmem:s9+$0xFFFFFFF0]  }
0x158: {  	v7 =	vld [tilespmem:s9+$0xFFFFFF90]  }
0x159: {  	v6 =	vld.idx.msk [tilespmem:v6+s3+$0x0], $0xffff  }
0x15a: {  	v8 =	vld.idx.msk [tilespmem:v5+s3+$0x0], $0xffff  }
0x15b: {  	v5 =	vld.idx.msk [tilespmem:v3+s3+$0x0], $0xffff  }
.Ltmp7:
0x15c: {  	v3 =	vld.idx.msk [tilespmem:v0+s3+$0x0], $0xffff;
	(pc) =	sbr.rel @p0 .LBB2_16-.Ltmp7, $4  }
0x15d: {  	v0 =	vld.idx.msk [tilespmem:v1+s3+$0x0], $0xffff  }
0x15e: {  	s0 =	sadd.s32 $0x80, s0;
	v1 =	vld.idx.msk [tilespmem:v2+s3+$0x0], $0xffff  }
0x15f: {  	v2 =	vld.idx.msk [tilespmem:v4+s3+$0x0], $0xffff;
	[tilespmem:s0+$0x30] =	vst v6  }
0x160: {  	s9 =	sadd.s32 $0x80, s9;
	v4 =	vld.idx.msk [tilespmem:v7+s3+$0x0], $0xffff;
	[tilespmem:s0+$0xFFFFFFD0] =	vst v8  }
0x161: {  	[tilespmem:s0+$0xFFFFFFE0] =	vst v5  }
0x162: {  	[tilespmem:s0+$0xFFFFFFF0] =	vst v3  }
0x163: {  	[tilespmem:s0+$0x0] =	vst v0  }
0x164: {  	[tilespmem:s0+$0x10] =	vst v1  }
0x165: {  	[tilespmem:s0+$0x20] =	vst v2  }
0x166: {  	[tilespmem:s0+$0xFFFFFFC0] =	vst v4;
	s0 =	simm.s32 $0x0  }
0x167: {  	[hbm4b:s23+s0] =	stream.linear.scatter [tilespmem:s29], [sflag:$0x2], $0x800, $0x38;
	[tilespmem:$0x1D6A0] =	vst v63  }
.LBB2_18:
0x168: {  	s8 =	sshll.u32 s0, $0x5  }
0x169: {  	s8 =	sor.u32 s4, s8  }
0x16a: {  	s8 =	smul.u32 $0x30D4, s8;
	_ =	sdelay $0x1  }
0x16b: {  	s8 =	sadd.s32 s5, s8  }
0x16c: {  	[tilespmem:s3], [sflag:$0x3] =	stream.linear.gather [hbm4b:s8+s3], $0x186A0, $0x38;
	[tilespmem:$0x1D6A0] =	vst v63  }
0x16d: {  	s0 =	sadd.s32 $0x1, s0;
	_ =	swait.ge [sflag:s25], $0x186A0  }
0x16e: {  	s11 =	sshll.u32 s0, $0xB;
	[sflag:s25] =	ssyncset.done $0x0  }
0x16f: {  	s8 =	sadd.s32 s2, s11;
	[sflag:s25] =	ssyncadd.s32 $0xFFFE7960  }
0x170: {  	[tilespmem:s26], [sflag:$0x3] =	stream.linear.gather [hbm4b:s8+s3], $0x4000, $0x38;
	[tilespmem:$0x1D6A0] =	vst v63  }
0x171: {  	_ =	swait.ge [sflag:s25], $0x4000  }
0x172: {  	[sflag:s25] =	ssyncset.done $0x0  }
0x173: {  	[sflag:s25] =	ssyncadd.s32 $0xFFFFC000  }
0x174: {  	_ =	swait.ge [sflag:s30], $0x800  }
0x175: {  	[sflag:s30] =	ssyncset.done $0x0  }
0x176: {  	s14 =	simm.s32 $0x186E0;
	[sflag:s30] =	ssyncadd.s32 $0xFFFFF800  }
0x177: {  	v0 =	vld [tilespmem:s14+$0x30]  }
0x178: {  	v1 =	vld [tilespmem:s14+$0xFFFFFFD0]  }
0x179: {  	v2 =	vld [tilespmem:s14+$0xFFFFFFE0]  }
0x17a: {  	v3 =	vld [tilespmem:s14+$0xFFFFFFF0]  }
0x17b: {  	v5 =	vld [tilespmem:s14+$0x0]  }
0x17c: {  	v6 =	vld [tilespmem:s14+$0x10]  }
0x17d: {  	v7 =	vld [tilespmem:s14+$0x20]  }
0x17e: {  	v8 =	vld [tilespmem:s14+$0xFFFFFFC0]  }
0x17f: {  	v9 =	vld.idx.msk [tilespmem:v0+s3+$0x0], $0xffff  }
0x180: {  	v10 =	vld.idx.msk [tilespmem:v1+s3+$0x0], $0xffff  }
0x181: {  	v4 =	vld.idx.msk [tilespmem:v2+s3+$0x0], $0xffff  }
0x182: {  	v1 =	vld.idx.msk [tilespmem:v3+s3+$0x0], $0xffff  }
0x183: {  	v0 =	vld.idx.msk [tilespmem:v5+s3+$0x0], $0xffff  }
0x184: {  	s9 =	simm.s32 $0x1C6E0;
	s15 =	sshll.u32 s0, $0x10;
	v2 =	vld.idx.msk [tilespmem:v6+s3+$0x0], $0xffff  }
0x185: {  	s8 =	sor.u32 s7, s15;
	v3 =	vld.idx.msk [tilespmem:v7+s3+$0x0], $0xffff;
	[tilespmem:s9+$0x30] =	vst v9  }
0x186: {  	s15 =	simm.s32 $0x18760;
	s11 =	sadd.s32 s6, s8;
	s14 =	simm.s32 $0x0;
	v5 =	vld.idx.msk [tilespmem:v8+s3+$0x0], $0xffff;
	[tilespmem:s9+$0xFFFFFFD0] =	vst v10  }
.LBB2_19:
0x187: {  	v6 =	vld [tilespmem:s15+$0x30];
	s14 =	sadd.s32 $0x8, s14;
	[tilespmem:s9+$0xFFFFFFE0] =	vst v4  }
0x188: {  	v4 =	vld [tilespmem:s15+$0xFFFFFFD0];
	p0 =	slt.u32 s14, $0x78;
	[tilespmem:s9+$0xFFFFFFF0] =	vst v1  }
0x189: {  	v1 =	vld [tilespmem:s15+$0xFFFFFFE0];
	[tilespmem:s9+$0x0] =	vst v0  }
0x18a: {  	v0 =	vld [tilespmem:s15+$0xFFFFFFF0];
	[tilespmem:s9+$0x10] =	vst v2  }
0x18b: {  	v2 =	vld [tilespmem:s15+$0x0];
	[tilespmem:s9+$0x20] =	vst v3  }
0x18c: {  	v3 =	vld [tilespmem:s15+$0x10];
	[tilespmem:s9+$0xFFFFFFC0] =	vst v5  }
0x18d: {  	v5 =	vld [tilespmem:s15+$0x20]  }
0x18e: {  	v7 =	vld [tilespmem:s15+$0xFFFFFFC0]  }
0x18f: {  	v6 =	vld.idx.msk [tilespmem:v6+s3+$0x0], $0xffff  }
0x190: {  	v8 =	vld.idx.msk [tilespmem:v4+s3+$0x0], $0xffff  }
0x191: {  	v4 =	vld.idx.msk [tilespmem:v1+s3+$0x0], $0xffff  }
.Ltmp8:
0x192: {  	v1 =	vld.idx.msk [tilespmem:v0+s3+$0x0], $0xffff;
	(pc) =	sbr.rel @p0 .LBB2_19-.Ltmp8, $4  }
0x193: {  	v0 =	vld.idx.msk [tilespmem:v2+s3+$0x0], $0xffff  }
0x194: {  	s9 =	sadd.s32 $0x80, s9;
	v2 =	vld.idx.msk [tilespmem:v3+s3+$0x0], $0xffff  }
0x195: {  	v3 =	vld.idx.msk [tilespmem:v5+s3+$0x0], $0xffff;
	[tilespmem:s9+$0x30] =	vst v6  }
0x196: {  	s15 =	sadd.s32 $0x80, s15;
	v5 =	vld.idx.msk [tilespmem:v7+s3+$0x0], $0xffff;
	[tilespmem:s9+$0xFFFFFFD0] =	vst v8  }
0x197: {  	[tilespmem:s9+$0xFFFFFFE0] =	vst v4  }
0x198: {  	[tilespmem:s9+$0xFFFFFFF0] =	vst v1  }
0x199: {  	[tilespmem:s9+$0x0] =	vst v0  }
0x19a: {  	[tilespmem:s9+$0x10] =	vst v2  }
0x19b: {  	[tilespmem:s9+$0x20] =	vst v3  }
0x19c: {  	[tilespmem:s9+$0xFFFFFFC0] =	vst v5  }
0x19d: {  	[hbm4b:s11+s3] =	stream.linear.scatter [tilespmem:s28], [sflag:$0x1], $0x800, $0x38;
	[tilespmem:$0x1D6A0] =	vst v63  }
0x19e: {  	_ =	swait.ge [sflag:s31], $0x800  }
0x19f: {  	[sflag:s31] =	ssyncset.done $0x0  }
0x1a0: {  	s15 =	simm.s32 $0x18F10;
	[sflag:s31] =	ssyncadd.s32 $0xFFFFF800  }
0x1a1: {  	v0 =	vld [tilespmem:s15+$0x0]  }
0x1a2: {  	v1 =	vld [tilespmem:s15+$0xFFFFFFA0]  }
0x1a3: {  	v2 =	vld [tilespmem:s15+$0xFFFFFFB0]  }
0x1a4: {  	v3 =	vld [tilespmem:s15+$0xFFFFFFC0]  }
0x1a5: {  	v4 =	vld [tilespmem:s15+$0xFFFFFFD0]  }
0x1a6: {  	v6 =	vld [tilespmem:s15+$0xFFFFFFE0]  }
0x1a7: {  	v7 =	vld [tilespmem:s15+$0xFFFFFFF0]  }
0x1a8: {  	v8 =	vld [tilespmem:s15+$0xFFFFFF90]  }
0x1a9: {  	v9 =	vld.idx.msk [tilespmem:v0+s3+$0x0], $0xffff  }
0x1aa: {  	v10 =	vld.idx.msk [tilespmem:v1+s3+$0x0], $0xffff  }
0x1ab: {  	v5 =	vld.idx.msk [tilespmem:v2+s3+$0x0], $0xffff  }
0x1ac: {  	v3 =	vld.idx.msk [tilespmem:v3+s3+$0x0], $0xffff  }
0x1ad: {  	v0 =	vld.idx.msk [tilespmem:v4+s3+$0x0], $0xffff  }
0x1ae: {  	s9 =	simm.s32 $0x1CEE0;
	v1 =	vld.idx.msk [tilespmem:v6+s3+$0x0], $0xffff  }
0x1af: {  	v2 =	vld.idx.msk [tilespmem:v7+s3+$0x0], $0xffff;
	[tilespmem:s9+$0x30] =	vst v9  }
0x1b0: {  	s14 =	simm.s32 $0x18F90;
	s11 =	simm.s32 $0x0;
	v4 =	vld.idx.msk [tilespmem:v8+s3+$0x0], $0xffff;
	[tilespmem:s9+$0xFFFFFFD0] =	vst v10  }
.LBB2_21:
0x1b1: {  	v6 =	vld [tilespmem:s14+$0x0];
	s11 =	sadd.s32 $0x8, s11;
	[tilespmem:s9+$0xFFFFFFE0] =	vst v5  }
0x1b2: {  	v5 =	vld [tilespmem:s14+$0xFFFFFFA0];
	p0 =	slt.u32 s11, $0x78;
	[tilespmem:s9+$0xFFFFFFF0] =	vst v3  }
0x1b3: {  	v3 =	vld [tilespmem:s14+$0xFFFFFFB0];
	[tilespmem:s9+$0x0] =	vst v0  }
0x1b4: {  	v0 =	vld [tilespmem:s14+$0xFFFFFFC0];
	[tilespmem:s9+$0x10] =	vst v1  }
0x1b5: {  	v1 =	vld [tilespmem:s14+$0xFFFFFFD0];
	[tilespmem:s9+$0x20] =	vst v2  }
0x1b6: {  	v2 =	vld [tilespmem:s14+$0xFFFFFFE0];
	[tilespmem:s9+$0xFFFFFFC0] =	vst v4  }
0x1b7: {  	v4 =	vld [tilespmem:s14+$0xFFFFFFF0]  }
0x1b8: {  	v7 =	vld [tilespmem:s14+$0xFFFFFF90]  }
0x1b9: {  	v6 =	vld.idx.msk [tilespmem:v6+s3+$0x0], $0xffff  }
0x1ba: {  	v8 =	vld.idx.msk [tilespmem:v5+s3+$0x0], $0xffff  }
0x1bb: {  	v5 =	vld.idx.msk [tilespmem:v3+s3+$0x0], $0xffff  }
.Ltmp9:
0x1bc: {  	v3 =	vld.idx.msk [tilespmem:v0+s3+$0x0], $0xffff;
	(pc) =	sbr.rel @p0 .LBB2_21-.Ltmp9, $4  }
0x1bd: {  	v0 =	vld.idx.msk [tilespmem:v1+s3+$0x0], $0xffff  }
0x1be: {  	s9 =	sadd.s32 $0x80, s9;
	v1 =	vld.idx.msk [tilespmem:v2+s3+$0x0], $0xffff  }
0x1bf: {  	v2 =	vld.idx.msk [tilespmem:v4+s3+$0x0], $0xffff;
	[tilespmem:s9+$0x30] =	vst v6  }
0x1c0: {  	s14 =	sadd.s32 $0x80, s14;
	v4 =	vld.idx.msk [tilespmem:v7+s3+$0x0], $0xffff;
	[tilespmem:s9+$0xFFFFFFD0] =	vst v8  }
0x1c1: {  	[tilespmem:s9+$0xFFFFFFE0] =	vst v5  }
0x1c2: {  	[tilespmem:s9+$0xFFFFFFF0] =	vst v3  }
0x1c3: {  	[tilespmem:s9+$0x0] =	vst v0  }
0x1c4: {  	[tilespmem:s9+$0x10] =	vst v1  }
0x1c5: {  	[tilespmem:s9+$0x20] =	vst v2  }
0x1c6: {  	s14 =	sadd.s32 s8, s10;
	[tilespmem:s9+$0xFFFFFFC0] =	vst v4  }
0x1c7: {  	[hbm4b:s14+s3] =	stream.linear.scatter [tilespmem:s29], [sflag:$0x2], $0x800, $0x38;
	[tilespmem:$0x1D6A0] =	vst v63  }
0x1c8: {  	_ =	swait.ge [sflag:s30], $0x800  }
0x1c9: {  	[sflag:s30] =	ssyncset.done $0x0  }
0x1ca: {  	s15 =	simm.s32 $0x19710;
	[sflag:s30] =	ssyncadd.s32 $0xFFFFF800  }
0x1cb: {  	v0 =	vld [tilespmem:s15+$0x0]  }
0x1cc: {  	v1 =	vld [tilespmem:s15+$0xFFFFFFA0]  }
0x1cd: {  	v2 =	vld [tilespmem:s15+$0xFFFFFFB0]  }
0x1ce: {  	v3 =	vld [tilespmem:s15+$0xFFFFFFC0]  }
0x1cf: {  	v4 =	vld [tilespmem:s15+$0xFFFFFFD0]  }
0x1d0: {  	v6 =	vld [tilespmem:s15+$0xFFFFFFE0]  }
0x1d1: {  	v7 =	vld [tilespmem:s15+$0xFFFFFFF0]  }
0x1d2: {  	v8 =	vld [tilespmem:s15+$0xFFFFFF90]  }
0x1d3: {  	v9 =	vld.idx.msk [tilespmem:v0+s3+$0x0], $0xffff  }
0x1d4: {  	v10 =	vld.idx.msk [tilespmem:v1+s3+$0x0], $0xffff  }
0x1d5: {  	v5 =	vld.idx.msk [tilespmem:v2+s3+$0x0], $0xffff  }
0x1d6: {  	v3 =	vld.idx.msk [tilespmem:v3+s3+$0x0], $0xffff  }
0x1d7: {  	v0 =	vld.idx.msk [tilespmem:v4+s3+$0x0], $0xffff  }
0x1d8: {  	s9 =	simm.s32 $0x1C6E0;
	v1 =	vld.idx.msk [tilespmem:v6+s3+$0x0], $0xffff  }
0x1d9: {  	v2 =	vld.idx.msk [tilespmem:v7+s3+$0x0], $0xffff;
	[tilespmem:s9+$0x30] =	vst v9  }
0x1da: {  	s11 =	simm.s32 $0x0;
	s14 =	simm.s32 $0x19790;
	v4 =	vld.idx.msk [tilespmem:v8+s3+$0x0], $0xffff;
	[tilespmem:s9+$0xFFFFFFD0] =	vst v10  }
.LBB2_23:
0x1db: {  	v6 =	vld [tilespmem:s14+$0x0];
	s11 =	sadd.s32 $0x8, s11;
	[tilespmem:s9+$0xFFFFFFE0] =	vst v5  }
0x1dc: {  	v5 =	vld [tilespmem:s14+$0xFFFFFFA0];
	p0 =	slt.u32 s11, $0x78;
	[tilespmem:s9+$0xFFFFFFF0] =	vst v3  }
0x1dd: {  	v3 =	vld [tilespmem:s14+$0xFFFFFFB0];
	[tilespmem:s9+$0x0] =	vst v0  }
0x1de: {  	v0 =	vld [tilespmem:s14+$0xFFFFFFC0];
	[tilespmem:s9+$0x10] =	vst v1  }
0x1df: {  	v1 =	vld [tilespmem:s14+$0xFFFFFFD0];
	[tilespmem:s9+$0x20] =	vst v2  }
0x1e0: {  	v2 =	vld [tilespmem:s14+$0xFFFFFFE0];
	[tilespmem:s9+$0xFFFFFFC0] =	vst v4  }
0x1e1: {  	v4 =	vld [tilespmem:s14+$0xFFFFFFF0]  }
0x1e2: {  	v7 =	vld [tilespmem:s14+$0xFFFFFF90]  }
0x1e3: {  	v6 =	vld.idx.msk [tilespmem:v6+s3+$0x0], $0xffff  }
0x1e4: {  	v8 =	vld.idx.msk [tilespmem:v5+s3+$0x0], $0xffff  }
0x1e5: {  	v5 =	vld.idx.msk [tilespmem:v3+s3+$0x0], $0xffff  }
.Ltmp10:
0x1e6: {  	v3 =	vld.idx.msk [tilespmem:v0+s3+$0x0], $0xffff;
	(pc) =	sbr.rel @p0 .LBB2_23-.Ltmp10, $4  }
0x1e7: {  	v0 =	vld.idx.msk [tilespmem:v1+s3+$0x0], $0xffff  }
0x1e8: {  	s9 =	sadd.s32 $0x80, s9;
	v1 =	vld.idx.msk [tilespmem:v2+s3+$0x0], $0xffff  }
0x1e9: {  	v2 =	vld.idx.msk [tilespmem:v4+s3+$0x0], $0xffff;
	[tilespmem:s9+$0x30] =	vst v6  }
0x1ea: {  	s14 =	sadd.s32 $0x80, s14;
	v4 =	vld.idx.msk [tilespmem:v7+s3+$0x0], $0xffff;
	[tilespmem:s9+$0xFFFFFFD0] =	vst v8  }
0x1eb: {  	[tilespmem:s9+$0xFFFFFFE0] =	vst v5  }
0x1ec: {  	[tilespmem:s9+$0xFFFFFFF0] =	vst v3  }
0x1ed: {  	[tilespmem:s9+$0x0] =	vst v0  }
0x1ee: {  	[tilespmem:s9+$0x10] =	vst v1  }
0x1ef: {  	[tilespmem:s9+$0x20] =	vst v2  }
0x1f0: {  	s14 =	sadd.s32 s8, s12;
	[tilespmem:s9+$0xFFFFFFC0] =	vst v4  }
0x1f1: {  	[hbm4b:s14+s3] =	stream.linear.scatter [tilespmem:s28], [sflag:$0x1], $0x800, $0x38;
	[tilespmem:$0x1D6A0] =	vst v63  }
0x1f2: {  	_ =	swait.ge [sflag:s31], $0x800  }
0x1f3: {  	[sflag:s31] =	ssyncset.done $0x0  }
0x1f4: {  	s15 =	simm.s32 $0x19F10;
	[sflag:s31] =	ssyncadd.s32 $0xFFFFF800  }
0x1f5: {  	v0 =	vld [tilespmem:s15+$0x0]  }
0x1f6: {  	v1 =	vld [tilespmem:s15+$0xFFFFFFA0]  }
0x1f7: {  	v2 =	vld [tilespmem:s15+$0xFFFFFFB0]  }
0x1f8: {  	v3 =	vld [tilespmem:s15+$0xFFFFFFC0]  }
0x1f9: {  	v4 =	vld [tilespmem:s15+$0xFFFFFFD0]  }
0x1fa: {  	v6 =	vld [tilespmem:s15+$0xFFFFFFE0]  }
0x1fb: {  	v7 =	vld [tilespmem:s15+$0xFFFFFFF0]  }
0x1fc: {  	v8 =	vld [tilespmem:s15+$0xFFFFFF90]  }
0x1fd: {  	v9 =	vld.idx.msk [tilespmem:v0+s3+$0x0], $0xffff  }
0x1fe: {  	v10 =	vld.idx.msk [tilespmem:v1+s3+$0x0], $0xffff  }
0x1ff: {  	v5 =	vld.idx.msk [tilespmem:v2+s3+$0x0], $0xffff  }
0x200: {  	v3 =	vld.idx.msk [tilespmem:v3+s3+$0x0], $0xffff  }
0x201: {  	v0 =	vld.idx.msk [tilespmem:v4+s3+$0x0], $0xffff  }
0x202: {  	s9 =	simm.s32 $0x1CEE0;
	v1 =	vld.idx.msk [tilespmem:v6+s3+$0x0], $0xffff  }
0x203: {  	v2 =	vld.idx.msk [tilespmem:v7+s3+$0x0], $0xffff;
	[tilespmem:s9+$0x30] =	vst v9  }
0x204: {  	s11 =	simm.s32 $0x0;
	s14 =	simm.s32 $0x19F90;
	v4 =	vld.idx.msk [tilespmem:v8+s3+$0x0], $0xffff;
	[tilespmem:s9+$0xFFFFFFD0] =	vst v10  }
.LBB2_25:
0x205: {  	v6 =	vld [tilespmem:s14+$0x0];
	s11 =	sadd.s32 $0x8, s11;
	[tilespmem:s9+$0xFFFFFFE0] =	vst v5  }
0x206: {  	v5 =	vld [tilespmem:s14+$0xFFFFFFA0];
	p0 =	slt.u32 s11, $0x78;
	[tilespmem:s9+$0xFFFFFFF0] =	vst v3  }
0x207: {  	v3 =	vld [tilespmem:s14+$0xFFFFFFB0];
	[tilespmem:s9+$0x0] =	vst v0  }
0x208: {  	v0 =	vld [tilespmem:s14+$0xFFFFFFC0];
	[tilespmem:s9+$0x10] =	vst v1  }
0x209: {  	v1 =	vld [tilespmem:s14+$0xFFFFFFD0];
	[tilespmem:s9+$0x20] =	vst v2  }
0x20a: {  	v2 =	vld [tilespmem:s14+$0xFFFFFFE0];
	[tilespmem:s9+$0xFFFFFFC0] =	vst v4  }
0x20b: {  	v4 =	vld [tilespmem:s14+$0xFFFFFFF0]  }
0x20c: {  	v7 =	vld [tilespmem:s14+$0xFFFFFF90]  }
0x20d: {  	v6 =	vld.idx.msk [tilespmem:v6+s3+$0x0], $0xffff  }
0x20e: {  	v8 =	vld.idx.msk [tilespmem:v5+s3+$0x0], $0xffff  }
0x20f: {  	v5 =	vld.idx.msk [tilespmem:v3+s3+$0x0], $0xffff  }
.Ltmp11:
0x210: {  	v3 =	vld.idx.msk [tilespmem:v0+s3+$0x0], $0xffff;
	(pc) =	sbr.rel @p0 .LBB2_25-.Ltmp11, $4  }
0x211: {  	v0 =	vld.idx.msk [tilespmem:v1+s3+$0x0], $0xffff  }
0x212: {  	s9 =	sadd.s32 $0x80, s9;
	v1 =	vld.idx.msk [tilespmem:v2+s3+$0x0], $0xffff  }
0x213: {  	v2 =	vld.idx.msk [tilespmem:v4+s3+$0x0], $0xffff;
	[tilespmem:s9+$0x30] =	vst v6  }
0x214: {  	s14 =	sadd.s32 $0x80, s14;
	v4 =	vld.idx.msk [tilespmem:v7+s3+$0x0], $0xffff;
	[tilespmem:s9+$0xFFFFFFD0] =	vst v8  }
0x215: {  	[tilespmem:s9+$0xFFFFFFE0] =	vst v5  }
0x216: {  	[tilespmem:s9+$0xFFFFFFF0] =	vst v3  }
0x217: {  	[tilespmem:s9+$0x0] =	vst v0  }
0x218: {  	[tilespmem:s9+$0x10] =	vst v1  }
0x219: {  	[tilespmem:s9+$0x20] =	vst v2  }
0x21a: {  	s14 =	sadd.s32 s8, s13;
	[tilespmem:s9+$0xFFFFFFC0] =	vst v4  }
0x21b: {  	[hbm4b:s14+s3] =	stream.linear.scatter [tilespmem:s29], [sflag:$0x2], $0x800, $0x38;
	[tilespmem:$0x1D6A0] =	vst v63  }
0x21c: {  	_ =	swait.ge [sflag:s30], $0x800  }
0x21d: {  	[sflag:s30] =	ssyncset.done $0x0  }
0x21e: {  	s15 =	simm.s32 $0x1A710;
	[sflag:s30] =	ssyncadd.s32 $0xFFFFF800  }
0x21f: {  	v0 =	vld [tilespmem:s15+$0x0]  }
0x220: {  	v1 =	vld [tilespmem:s15+$0xFFFFFFA0]  }
0x221: {  	v2 =	vld [tilespmem:s15+$0xFFFFFFB0]  }
0x222: {  	v3 =	vld [tilespmem:s15+$0xFFFFFFC0]  }
0x223: {  	v4 =	vld [tilespmem:s15+$0xFFFFFFD0]  }
0x224: {  	v6 =	vld [tilespmem:s15+$0xFFFFFFE0]  }
0x225: {  	v7 =	vld [tilespmem:s15+$0xFFFFFFF0]  }
0x226: {  	v8 =	vld [tilespmem:s15+$0xFFFFFF90]  }
0x227: {  	v9 =	vld.idx.msk [tilespmem:v0+s3+$0x0], $0xffff  }
0x228: {  	v10 =	vld.idx.msk [tilespmem:v1+s3+$0x0], $0xffff  }
0x229: {  	v5 =	vld.idx.msk [tilespmem:v2+s3+$0x0], $0xffff  }
0x22a: {  	v3 =	vld.idx.msk [tilespmem:v3+s3+$0x0], $0xffff  }
0x22b: {  	v0 =	vld.idx.msk [tilespmem:v4+s3+$0x0], $0xffff  }
0x22c: {  	s9 =	simm.s32 $0x1C6E0;
	v1 =	vld.idx.msk [tilespmem:v6+s3+$0x0], $0xffff  }
0x22d: {  	v2 =	vld.idx.msk [tilespmem:v7+s3+$0x0], $0xffff;
	[tilespmem:s9+$0x30] =	vst v9  }
0x22e: {  	s11 =	simm.s32 $0x0;
	s14 =	simm.s32 $0x1A790;
	v4 =	vld.idx.msk [tilespmem:v8+s3+$0x0], $0xffff;
	[tilespmem:s9+$0xFFFFFFD0] =	vst v10  }
.LBB2_27:
0x22f: {  	v6 =	vld [tilespmem:s14+$0x0];
	s11 =	sadd.s32 $0x8, s11;
	[tilespmem:s9+$0xFFFFFFE0] =	vst v5  }
0x230: {  	v5 =	vld [tilespmem:s14+$0xFFFFFFA0];
	p0 =	slt.u32 s11, $0x78;
	[tilespmem:s9+$0xFFFFFFF0] =	vst v3  }
0x231: {  	v3 =	vld [tilespmem:s14+$0xFFFFFFB0];
	[tilespmem:s9+$0x0] =	vst v0  }
0x232: {  	v0 =	vld [tilespmem:s14+$0xFFFFFFC0];
	[tilespmem:s9+$0x10] =	vst v1  }
0x233: {  	v1 =	vld [tilespmem:s14+$0xFFFFFFD0];
	[tilespmem:s9+$0x20] =	vst v2  }
0x234: {  	v2 =	vld [tilespmem:s14+$0xFFFFFFE0];
	[tilespmem:s9+$0xFFFFFFC0] =	vst v4  }
0x235: {  	v4 =	vld [tilespmem:s14+$0xFFFFFFF0]  }
0x236: {  	v7 =	vld [tilespmem:s14+$0xFFFFFF90]  }
0x237: {  	v6 =	vld.idx.msk [tilespmem:v6+s3+$0x0], $0xffff  }
0x238: {  	v8 =	vld.idx.msk [tilespmem:v5+s3+$0x0], $0xffff  }
0x239: {  	v5 =	vld.idx.msk [tilespmem:v3+s3+$0x0], $0xffff  }
.Ltmp12:
0x23a: {  	v3 =	vld.idx.msk [tilespmem:v0+s3+$0x0], $0xffff;
	(pc) =	sbr.rel @p0 .LBB2_27-.Ltmp12, $4  }
0x23b: {  	v0 =	vld.idx.msk [tilespmem:v1+s3+$0x0], $0xffff  }
0x23c: {  	s9 =	sadd.s32 $0x80, s9;
	v1 =	vld.idx.msk [tilespmem:v2+s3+$0x0], $0xffff  }
0x23d: {  	v2 =	vld.idx.msk [tilespmem:v4+s3+$0x0], $0xffff;
	[tilespmem:s9+$0x30] =	vst v6  }
0x23e: {  	s14 =	sadd.s32 $0x80, s14;
	v4 =	vld.idx.msk [tilespmem:v7+s3+$0x0], $0xffff;
	[tilespmem:s9+$0xFFFFFFD0] =	vst v8  }
0x23f: {  	[tilespmem:s9+$0xFFFFFFE0] =	vst v5  }
0x240: {  	[tilespmem:s9+$0xFFFFFFF0] =	vst v3  }
0x241: {  	[tilespmem:s9+$0x0] =	vst v0  }
0x242: {  	[tilespmem:s9+$0x10] =	vst v1  }
0x243: {  	[tilespmem:s9+$0x20] =	vst v2  }
0x244: {  	s14 =	sadd.s32 s8, s16;
	[tilespmem:s9+$0xFFFFFFC0] =	vst v4  }
0x245: {  	[hbm4b:s14+s3] =	stream.linear.scatter [tilespmem:s28], [sflag:$0x1], $0x800, $0x38;
	[tilespmem:$0x1D6A0] =	vst v63  }
0x246: {  	_ =	swait.ge [sflag:s31], $0x800  }
0x247: {  	[sflag:s31] =	ssyncset.done $0x0  }
0x248: {  	s15 =	simm.s32 $0x1AF10;
	[sflag:s31] =	ssyncadd.s32 $0xFFFFF800  }
0x249: {  	v0 =	vld [tilespmem:s15+$0x0]  }
0x24a: {  	v1 =	vld [tilespmem:s15+$0xFFFFFFA0]  }
0x24b: {  	v2 =	vld [tilespmem:s15+$0xFFFFFFB0]  }
0x24c: {  	v3 =	vld [tilespmem:s15+$0xFFFFFFC0]  }
0x24d: {  	v4 =	vld [tilespmem:s15+$0xFFFFFFD0]  }
0x24e: {  	v6 =	vld [tilespmem:s15+$0xFFFFFFE0]  }
0x24f: {  	v7 =	vld [tilespmem:s15+$0xFFFFFFF0]  }
0x250: {  	v8 =	vld [tilespmem:s15+$0xFFFFFF90]  }
0x251: {  	v9 =	vld.idx.msk [tilespmem:v0+s3+$0x0], $0xffff  }
0x252: {  	v10 =	vld.idx.msk [tilespmem:v1+s3+$0x0], $0xffff  }
0x253: {  	v5 =	vld.idx.msk [tilespmem:v2+s3+$0x0], $0xffff  }
0x254: {  	v3 =	vld.idx.msk [tilespmem:v3+s3+$0x0], $0xffff  }
0x255: {  	v0 =	vld.idx.msk [tilespmem:v4+s3+$0x0], $0xffff  }
0x256: {  	s9 =	simm.s32 $0x1CEE0;
	v1 =	vld.idx.msk [tilespmem:v6+s3+$0x0], $0xffff  }
0x257: {  	v2 =	vld.idx.msk [tilespmem:v7+s3+$0x0], $0xffff;
	[tilespmem:s9+$0x30] =	vst v9  }
0x258: {  	s11 =	simm.s32 $0x0;
	s14 =	simm.s32 $0x1AF90;
	v4 =	vld.idx.msk [tilespmem:v8+s3+$0x0], $0xffff;
	[tilespmem:s9+$0xFFFFFFD0] =	vst v10  }
.LBB2_29:
0x259: {  	v6 =	vld [tilespmem:s14+$0x0];
	s11 =	sadd.s32 $0x8, s11;
	[tilespmem:s9+$0xFFFFFFE0] =	vst v5  }
0x25a: {  	v5 =	vld [tilespmem:s14+$0xFFFFFFA0];
	p0 =	slt.u32 s11, $0x78;
	[tilespmem:s9+$0xFFFFFFF0] =	vst v3  }
0x25b: {  	v3 =	vld [tilespmem:s14+$0xFFFFFFB0];
	[tilespmem:s9+$0x0] =	vst v0  }
0x25c: {  	v0 =	vld [tilespmem:s14+$0xFFFFFFC0];
	[tilespmem:s9+$0x10] =	vst v1  }
0x25d: {  	v1 =	vld [tilespmem:s14+$0xFFFFFFD0];
	[tilespmem:s9+$0x20] =	vst v2  }
0x25e: {  	v2 =	vld [tilespmem:s14+$0xFFFFFFE0];
	[tilespmem:s9+$0xFFFFFFC0] =	vst v4  }
0x25f: {  	v4 =	vld [tilespmem:s14+$0xFFFFFFF0]  }
0x260: {  	v7 =	vld [tilespmem:s14+$0xFFFFFF90]  }
0x261: {  	v6 =	vld.idx.msk [tilespmem:v6+s3+$0x0], $0xffff  }
0x262: {  	v8 =	vld.idx.msk [tilespmem:v5+s3+$0x0], $0xffff  }
0x263: {  	v5 =	vld.idx.msk [tilespmem:v3+s3+$0x0], $0xffff  }
.Ltmp13:
0x264: {  	v3 =	vld.idx.msk [tilespmem:v0+s3+$0x0], $0xffff;
	(pc) =	sbr.rel @p0 .LBB2_29-.Ltmp13, $4  }
0x265: {  	v0 =	vld.idx.msk [tilespmem:v1+s3+$0x0], $0xffff  }
0x266: {  	s9 =	sadd.s32 $0x80, s9;
	v1 =	vld.idx.msk [tilespmem:v2+s3+$0x0], $0xffff  }
0x267: {  	v2 =	vld.idx.msk [tilespmem:v4+s3+$0x0], $0xffff;
	[tilespmem:s9+$0x30] =	vst v6  }
0x268: {  	s14 =	sadd.s32 $0x80, s14;
	v4 =	vld.idx.msk [tilespmem:v7+s3+$0x0], $0xffff;
	[tilespmem:s9+$0xFFFFFFD0] =	vst v8  }
0x269: {  	[tilespmem:s9+$0xFFFFFFE0] =	vst v5  }
0x26a: {  	[tilespmem:s9+$0xFFFFFFF0] =	vst v3  }
0x26b: {  	[tilespmem:s9+$0x0] =	vst v0  }
0x26c: {  	[tilespmem:s9+$0x10] =	vst v1  }
0x26d: {  	[tilespmem:s9+$0x20] =	vst v2  }
0x26e: {  	s14 =	sadd.s32 s8, s18;
	[tilespmem:s9+$0xFFFFFFC0] =	vst v4  }
0x26f: {  	[hbm4b:s14+s3] =	stream.linear.scatter [tilespmem:s29], [sflag:$0x2], $0x800, $0x38;
	[tilespmem:$0x1D6A0] =	vst v63  }
0x270: {  	_ =	swait.ge [sflag:s30], $0x800  }
0x271: {  	[sflag:s30] =	ssyncset.done $0x0  }
0x272: {  	s15 =	simm.s32 $0x1B710;
	[sflag:s30] =	ssyncadd.s32 $0xFFFFF800  }
0x273: {  	v0 =	vld [tilespmem:s15+$0x0]  }
0x274: {  	v1 =	vld [tilespmem:s15+$0xFFFFFFA0]  }
0x275: {  	v2 =	vld [tilespmem:s15+$0xFFFFFFB0]  }
0x276: {  	v3 =	vld [tilespmem:s15+$0xFFFFFFC0]  }
0x277: {  	v4 =	vld [tilespmem:s15+$0xFFFFFFD0]  }
0x278: {  	v6 =	vld [tilespmem:s15+$0xFFFFFFE0]  }
0x279: {  	v7 =	vld [tilespmem:s15+$0xFFFFFFF0]  }
0x27a: {  	v8 =	vld [tilespmem:s15+$0xFFFFFF90]  }
0x27b: {  	v9 =	vld.idx.msk [tilespmem:v0+s3+$0x0], $0xffff  }
0x27c: {  	v10 =	vld.idx.msk [tilespmem:v1+s3+$0x0], $0xffff  }
0x27d: {  	v5 =	vld.idx.msk [tilespmem:v2+s3+$0x0], $0xffff  }
0x27e: {  	v3 =	vld.idx.msk [tilespmem:v3+s3+$0x0], $0xffff  }
0x27f: {  	v0 =	vld.idx.msk [tilespmem:v4+s3+$0x0], $0xffff  }
0x280: {  	s9 =	simm.s32 $0x1C6E0;
	v1 =	vld.idx.msk [tilespmem:v6+s3+$0x0], $0xffff  }
0x281: {  	v2 =	vld.idx.msk [tilespmem:v7+s3+$0x0], $0xffff;
	[tilespmem:s9+$0x30] =	vst v9  }
0x282: {  	s11 =	simm.s32 $0x0;
	s14 =	simm.s32 $0x1B790;
	v4 =	vld.idx.msk [tilespmem:v8+s3+$0x0], $0xffff;
	[tilespmem:s9+$0xFFFFFFD0] =	vst v10  }
.LBB2_31:
0x283: {  	v6 =	vld [tilespmem:s14+$0x0];
	s11 =	sadd.s32 $0x8, s11;
	[tilespmem:s9+$0xFFFFFFE0] =	vst v5  }
0x284: {  	v5 =	vld [tilespmem:s14+$0xFFFFFFA0];
	p0 =	slt.u32 s11, $0x78;
	[tilespmem:s9+$0xFFFFFFF0] =	vst v3  }
0x285: {  	v3 =	vld [tilespmem:s14+$0xFFFFFFB0];
	[tilespmem:s9+$0x0] =	vst v0  }
0x286: {  	v0 =	vld [tilespmem:s14+$0xFFFFFFC0];
	[tilespmem:s9+$0x10] =	vst v1  }
0x287: {  	v1 =	vld [tilespmem:s14+$0xFFFFFFD0];
	[tilespmem:s9+$0x20] =	vst v2  }
0x288: {  	v2 =	vld [tilespmem:s14+$0xFFFFFFE0];
	[tilespmem:s9+$0xFFFFFFC0] =	vst v4  }
0x289: {  	v4 =	vld [tilespmem:s14+$0xFFFFFFF0]  }
0x28a: {  	v7 =	vld [tilespmem:s14+$0xFFFFFF90]  }
0x28b: {  	v6 =	vld.idx.msk [tilespmem:v6+s3+$0x0], $0xffff  }
0x28c: {  	v8 =	vld.idx.msk [tilespmem:v5+s3+$0x0], $0xffff  }
0x28d: {  	v5 =	vld.idx.msk [tilespmem:v3+s3+$0x0], $0xffff  }
.Ltmp14:
0x28e: {  	v3 =	vld.idx.msk [tilespmem:v0+s3+$0x0], $0xffff;
	(pc) =	sbr.rel @p0 .LBB2_31-.Ltmp14, $4  }
0x28f: {  	v0 =	vld.idx.msk [tilespmem:v1+s3+$0x0], $0xffff  }
0x290: {  	s9 =	sadd.s32 $0x80, s9;
	v1 =	vld.idx.msk [tilespmem:v2+s3+$0x0], $0xffff  }
0x291: {  	v2 =	vld.idx.msk [tilespmem:v4+s3+$0x0], $0xffff;
	[tilespmem:s9+$0x30] =	vst v6  }
0x292: {  	s14 =	sadd.s32 $0x80, s14;
	v4 =	vld.idx.msk [tilespmem:v7+s3+$0x0], $0xffff;
	[tilespmem:s9+$0xFFFFFFD0] =	vst v8  }
0x293: {  	[tilespmem:s9+$0xFFFFFFE0] =	vst v5  }
0x294: {  	[tilespmem:s9+$0xFFFFFFF0] =	vst v3  }
0x295: {  	[tilespmem:s9+$0x0] =	vst v0  }
0x296: {  	[tilespmem:s9+$0x10] =	vst v1  }
0x297: {  	[tilespmem:s9+$0x20] =	vst v2  }
0x298: {  	s14 =	sadd.s32 s8, s19;
	[tilespmem:s9+$0xFFFFFFC0] =	vst v4  }
0x299: {  	[hbm4b:s14+s3] =	stream.linear.scatter [tilespmem:s28], [sflag:$0x1], $0x800, $0x38;
	[tilespmem:$0x1D6A0] =	vst v63  }
0x29a: {  	_ =	swait.ge [sflag:s31], $0x800  }
0x29b: {  	[sflag:s31] =	ssyncset.done $0x0  }
0x29c: {  	s15 =	simm.s32 $0x1BF10;
	[sflag:s31] =	ssyncadd.s32 $0xFFFFF800  }
0x29d: {  	v0 =	vld [tilespmem:s15+$0x0]  }
0x29e: {  	v1 =	vld [tilespmem:s15+$0xFFFFFFA0]  }
0x29f: {  	v2 =	vld [tilespmem:s15+$0xFFFFFFB0]  }
0x2a0: {  	v3 =	vld [tilespmem:s15+$0xFFFFFFC0]  }
0x2a1: {  	v4 =	vld [tilespmem:s15+$0xFFFFFFD0]  }
0x2a2: {  	v6 =	vld [tilespmem:s15+$0xFFFFFFE0]  }
0x2a3: {  	v7 =	vld [tilespmem:s15+$0xFFFFFFF0]  }
0x2a4: {  	v8 =	vld [tilespmem:s15+$0xFFFFFF90]  }
0x2a5: {  	v9 =	vld.idx.msk [tilespmem:v0+s3+$0x0], $0xffff  }
0x2a6: {  	v10 =	vld.idx.msk [tilespmem:v1+s3+$0x0], $0xffff  }
0x2a7: {  	v5 =	vld.idx.msk [tilespmem:v2+s3+$0x0], $0xffff  }
0x2a8: {  	v3 =	vld.idx.msk [tilespmem:v3+s3+$0x0], $0xffff  }
0x2a9: {  	v0 =	vld.idx.msk [tilespmem:v4+s3+$0x0], $0xffff  }
0x2aa: {  	s9 =	simm.s32 $0x1CEE0;
	v1 =	vld.idx.msk [tilespmem:v6+s3+$0x0], $0xffff  }
0x2ab: {  	v2 =	vld.idx.msk [tilespmem:v7+s3+$0x0], $0xffff;
	[tilespmem:s9+$0x30] =	vst v9  }
0x2ac: {  	s11 =	simm.s32 $0x0;
	s14 =	simm.s32 $0x1BF90;
	v4 =	vld.idx.msk [tilespmem:v8+s3+$0x0], $0xffff;
	[tilespmem:s9+$0xFFFFFFD0] =	vst v10  }
.LBB2_33:
0x2ad: {  	v6 =	vld [tilespmem:s14+$0x0];
	s11 =	sadd.s32 $0x8, s11;
	[tilespmem:s9+$0xFFFFFFE0] =	vst v5  }
0x2ae: {  	v5 =	vld [tilespmem:s14+$0xFFFFFFA0];
	p0 =	slt.u32 s11, $0x78;
	[tilespmem:s9+$0xFFFFFFF0] =	vst v3  }
0x2af: {  	v3 =	vld [tilespmem:s14+$0xFFFFFFB0];
	[tilespmem:s9+$0x0] =	vst v0  }
0x2b0: {  	v0 =	vld [tilespmem:s14+$0xFFFFFFC0];
	[tilespmem:s9+$0x10] =	vst v1  }
0x2b1: {  	v1 =	vld [tilespmem:s14+$0xFFFFFFD0];
	[tilespmem:s9+$0x20] =	vst v2  }
0x2b2: {  	v2 =	vld [tilespmem:s14+$0xFFFFFFE0];
	[tilespmem:s9+$0xFFFFFFC0] =	vst v4  }
0x2b3: {  	v4 =	vld [tilespmem:s14+$0xFFFFFFF0]  }
0x2b4: {  	v7 =	vld [tilespmem:s14+$0xFFFFFF90]  }
0x2b5: {  	v6 =	vld.idx.msk [tilespmem:v6+s3+$0x0], $0xffff  }
0x2b6: {  	v8 =	vld.idx.msk [tilespmem:v5+s3+$0x0], $0xffff  }
0x2b7: {  	v5 =	vld.idx.msk [tilespmem:v3+s3+$0x0], $0xffff  }
.Ltmp15:
0x2b8: {  	v3 =	vld.idx.msk [tilespmem:v0+s3+$0x0], $0xffff;
	(pc) =	sbr.rel @p0 .LBB2_33-.Ltmp15, $4  }
0x2b9: {  	v0 =	vld.idx.msk [tilespmem:v1+s3+$0x0], $0xffff  }
0x2ba: {  	s9 =	sadd.s32 $0x80, s9;
	v1 =	vld.idx.msk [tilespmem:v2+s3+$0x0], $0xffff  }
0x2bb: {  	v2 =	vld.idx.msk [tilespmem:v4+s3+$0x0], $0xffff;
	[tilespmem:s9+$0x30] =	vst v6  }
0x2bc: {  	s14 =	sadd.s32 $0x80, s14;
	v4 =	vld.idx.msk [tilespmem:v7+s3+$0x0], $0xffff;
	[tilespmem:s9+$0xFFFFFFD0] =	vst v8  }
0x2bd: {  	[tilespmem:s9+$0xFFFFFFE0] =	vst v5  }
0x2be: {  	[tilespmem:s9+$0xFFFFFFF0] =	vst v3;
	p0 =	sne.s32 s0, $0xD  }
.Ltmp16:
0x2bf: {  	[tilespmem:s9+$0x0] =	vst v0;
	(pc) =	sbr.rel @p0 .LBB2_18-.Ltmp16, $4  }
0x2c0: {  	[tilespmem:s9+$0x10] =	vst v1  }
0x2c1: {  	[tilespmem:s9+$0x20] =	vst v2  }
0x2c2: {  	s8 =	sadd.s32 s8, s22;
	[tilespmem:s9+$0xFFFFFFC0] =	vst v4  }
0x2c3: {  	[hbm4b:s8+s3] =	stream.linear.scatter [tilespmem:s29], [sflag:$0x2], $0x800, $0x38;
	[tilespmem:$0x1D6A0] =	vst v63  }
0x2c4: {  	s1 =	sadd.s32 $0x1, s1  }
0x2c5: {  	_ =	swait.ge [sflag:s30], $0x800;
	p0 =	sne.s32 s1, s24  }
.Ltmp17:
0x2c6: {  	[sflag:s30] =	ssyncset.done $0x0;
	(pc) =	sbr.rel @p0 .LBB2_1-.Ltmp17, $4  }
0x2c7: {  	[sflag:s30] =	ssyncadd.s32 $0xFFFFF800  }
0x2c8: {  	_ =	swait.ge [sflag:s31], $0x800  }
0x2c9: {  	[sflag:s31] =	ssyncset.done $0x0  }
0x2ca: {  	[sflag:s31] =	ssyncadd.s32 $0xFFFFF800  }
0x2cb: {  	_ =	sfence.sel $0x180000  }
0x2cc: {  	[bflag:$0x0] =	sbarrier.arrive $0xFFFF  }
0x2cd: {  	_ =	strace $0x90000047  }
0x2ce: {  	s0 =	stileid.u32;
	[bflag:$0x2] =	sbarrier.arrive $0xFFFF  }
0x2cf: {  	p0 =	sne.s32 s0, $0x0;
	s0 =	rddreg [dreg:$0x2]  }
0x2d0: {  	s0 =	sadd.s32 @!p0 $0x100000, s0  }
0x2d1: {  	[sflag:s0] =	ssyncadd.tile.s32 @!p0 $0x1;
	_ =	shalt  }
.Lfunc_end2:
_tile_overlayer_lowered:
.L_overlay_start_2:
0x2d2: {  	(tag) =	ssettag $0x2  }
0x2d3: {  	s0 =	rddreg [dreg:$0x0];
	s2 =	stileid.u32  }
0x2d4: {  	s1 =	rddreg [dreg:$0x1];
	p0 =	sne.s32 s2, $0x0  }
0x2d5: {  	s3 =	rddreg [dreg:$0x2];
	[bflag:$0x3] =	sbarrier.arrive $0xFFFF;
	s2 =	simm.s32 @!p0 $0x1C03  }
0x2d6: {  	[timem:s3], [sflag:s2] =	dma.local @!p0 [hbm:s0], s1  }
0x2d7: {  	s0 =	simm.s32 @!p0 $0x3  }
0x2d8: {  	_ =	swait.ge @!p0 [sflag:s0], s1  }
0x2d9: {  	s1 =	ssub.s32 @!p0 $0x0, s1;
	[sflag:s0] =	ssyncset.done @!p0 $0x0  }
0x2da: {  	[sflag:s0] =	ssyncadd.s32 @!p0 s1  }
0x2db: {  	[bflag:$0x3] =	sbarrier.arrive $0xFFFF  }
0x2dc: {  	_ =	shalt  }

// kernel: kernel.8.cloned.1.call-start
scs
__scs_entry_jumppad:
0x0: {  	(pc) =	sbr.rel $0x88, $3  }
0x1: {  	(tag) =	ssettag $0x0;
	lr =	simm.s32 $0x1  }
0x2: {  	[smem:$0x3F94] =	sst lr;
	_ =	strace $0xD0000000  }
0x3: {  	_ = 	snop  }
0x4: {  	_ = 	snop  }
0x5: {  	_ = 	snop  }
0x6: {  	_ = 	snop  }
0x7: {  	_ = 	snop  }
__scs_overlays_trampoline_lowered:
0x8: {  	[smem:$0x3FA3] =	sst s0  }
0x9: {  	[smem:$0x3FA4] =	sst s1  }
0xa: {  	[smem:$0x3FA5] =	sst s2  }
0xb: {  	[smem:$0x3FA6] =	sst s3  }
0xc: {  	[smem:$0x3FA7] =	sst s4  }
0xd: {  	[smem:$0x3FA8] =	sst s5  }
0xe: {  	[smem:$0x3FA9] =	sst s6  }
0xf: {  	[smem:$0x3FAA] =	sst s7  }
0x10: {  	[smem:$0x3FAB] =	sst s8  }
0x11: {  	[smem:$0x3FAC] =	sst s9;
	s0 =	simm.s32 @!p0 $0x0  }
0x12: {  	s1 =	sld [smem:$0x3F92];
	s0 =	simm.s32 @p0 $0x1  }
0x13: {  	[smem:$0x3FAD] =	sst s0;
	s0 =	simm.s32 @!p1 $0x0  }
0x14: {  	s2 =	sld [smem:$0x3F91];
	s0 =	simm.s32 @p1 $0x1  }
0x15: {  	[smem:$0x3FAE] =	sst s0;
	s0 =	simm.s32 @!p2 $0x0  }
0x16: {  	s3 =	sld [smem:$0x3FDB];
	s0 =	simm.s32 @p2 $0x1  }
0x17: {  	s4 =	simm.s32 $0x1BF5;
	[smem:$0x3FB0] =	sst s0  }
0x18: {  	s0 =	sld [smem:$0x3F93];
	_ =	swait.ge [sflag:s4], $0x0  }
0x19: {  	s7 =	sld [smem:$0x3F94]  }
0x1a: {  	s8 =	sadd.s32 $0xFFFFE003, lr  }
0x1b: {  	s9 =	sadd.s32 $0xFFFFFEF7, lr;
	s5 =	simm.s32 $0xFFFFFFFF;
	p2 =	slt.u32 s8, $0xFFFFF086  }
0x1c: {  	p1 =	slt.u32 s9, $0xF7A;
	s5 =	simm.s32 @!p2 $0x0  }
0x1d: {  	s5 =	simm.s32 @p1 $0x1;
	p0 =	seq.s32 s7, s2  }
0x1e: {  	s7 =	smul.u32 @!p0 $0xF7A, s2;
	p2 =	seq.s32 @!p0 s5, $0x0  }
0x1f: {  	s9 =	smul.u32 $0xF7A, s1;
	s8 =	simm.s32 @!p0 $0x1BF5;
	p2 =	por !p2, p0  }
0x20: {  	[sflag:s8] =	ssyncset.s32 @!p0 $0xFFFFF086;
	s6 =	sadd.s32 @!p0 s3, s7;
	s7 =	simm.s32 @!p0 $0x108  }
0x21: {  	s3 =	sadd.s32 s3, s9;
	s6 =	sadd.s32 @!p0 $0x88, s6;
	s7 =	simm.s32 @p2 $0x1082  }
0x22: {  	[simem:s7], [sflag:s8] =	dma.local @!p0 [hbm:s6], $0xF7A  }
0x23: {  	s9 =	sor.u32 $0xD0000000, s2;
	s6 =	simm.s32 $0x108;
	_ =	swait.ge @!p0 [sflag:s8], $0x0  }
0x24: {  	s3 =	sadd.s32 $0x88, s3;
	s6 =	simm.s32 @!p1 $0x1082;
	[sflag:s4] =	ssyncset.s32 $0xFFFFF086  }
0x25: {  	[simem:s6], [sflag:s4] =	dma.local [hbm:s3], $0xF7A  }
0x26: {  	[smem:$0x3F94] =	sst s1;
	(tag) =	ssettag s2;
	_ =	strace s9  }
0x27: {  	s1 =	sld [smem:$0x3FA4]  }
0x28: {  	s2 =	sld [smem:$0x3FA5]  }
0x29: {  	s4 =	sld [smem:$0x3FA7]  }
0x2a: {  	p0 =	seq.s32 s5, $0x0;
	s5 =	sld [smem:$0x3FA8]  }
0x2b: {  	s6 =	sld [smem:$0x3FA9]  }
0x2c: {  	s7 =	sld [smem:$0x3FAA]  }
0x2d: {  	s3 =	simm.s32 $0x108;
	s8 =	sld [smem:$0x3FAB]  }
0x2e: {  	s3 =	simm.s32 @!p0 $0x1082;
	s9 =	sld [smem:$0x3FAC]  }
0x2f: {  	lr =	sadd.s32 s0, s3;
	s0 =	sld [smem:$0x3FA3]  }
0x30: {  	s3 =	sld [smem:$0x3FA6]  }
0x31: {  	[smem:$0x3FAF] =	sst s10  }
0x32: {  	s10 =	sld [smem:$0x3FAD];
	_ =	sdelay $0x3  }
0x33: {  	p0 =	seq.s32 s10, $0x1;
	s10 =	sld [smem:$0x3FAF];
	_ =	sdelay $0x3  }
0x34: {  	[smem:$0x3FAF] =	sst s10  }
0x35: {  	s10 =	sld [smem:$0x3FAE];
	_ =	sdelay $0x3  }
0x36: {  	p1 =	seq.s32 s10, $0x1;
	s10 =	sld [smem:$0x3FAF];
	_ =	sdelay $0x3  }
0x37: {  	[smem:$0x3FAF] =	sst s10  }
0x38: {  	s10 =	sld [smem:$0x3FB0]  }
0x39: {  	_ = 	snop;
	(pc) =	sbr.ind lr, $3  }
0x3a: {  	_ = 	snop  }
0x3b: {  	_ = 	snop  }
0x3c: {  	p2 =	seq.s32 s10, $0x1;
	s10 =	sld [smem:$0x3FAF]  }
0x3d: {  	_ =	shalt  }
0x3e: {  	_ =	shalt  }
0x3f: {  	_ =	shalt  }
0x40: {  	_ =	shalt  }
0x41: {  	_ =	shalt  }
0x42: {  	_ =	shalt  }
0x43: {  	_ =	shalt  }
0x44: {  	_ =	shalt  }
0x45: {  	_ =	shalt  }
0x46: {  	_ =	shalt  }
0x47: {  	_ =	shalt  }
0x48: {  	_ =	shalt  }
0x49: {  	_ =	shalt  }
0x4a: {  	_ =	shalt  }
0x4b: {  	_ =	shalt  }
0x4c: {  	_ =	shalt  }
0x4d: {  	_ =	shalt  }
0x4e: {  	_ =	shalt  }
0x4f: {  	_ =	shalt  }
0x50: {  	_ =	shalt  }
0x51: {  	_ =	shalt  }
0x52: {  	_ =	shalt  }
0x53: {  	_ =	shalt  }
0x54: {  	_ =	shalt  }
0x55: {  	_ =	shalt  }
0x56: {  	_ =	shalt  }
0x57: {  	_ =	shalt  }
0x58: {  	_ =	shalt  }
0x59: {  	_ =	shalt  }
0x5a: {  	_ =	shalt  }
0x5b: {  	_ =	shalt  }
0x5c: {  	_ =	shalt  }
0x5d: {  	_ =	shalt  }
0x5e: {  	_ =	shalt  }
0x5f: {  	_ =	shalt  }
0x60: {  	_ =	shalt  }
0x61: {  	_ =	shalt  }
0x62: {  	_ =	shalt  }
0x63: {  	_ =	shalt  }
0x64: {  	_ =	shalt  }
0x65: {  	_ =	shalt  }
0x66: {  	_ =	shalt  }
0x67: {  	_ =	shalt  }
0x68: {  	_ =	shalt  }
0x69: {  	_ =	shalt  }
0x6a: {  	_ =	shalt  }
0x6b: {  	_ =	shalt  }
0x6c: {  	_ =	shalt  }
0x6d: {  	_ =	shalt  }
0x6e: {  	_ =	shalt  }
0x6f: {  	_ =	shalt  }
0x70: {  	_ =	shalt  }
0x71: {  	_ =	shalt  }
0x72: {  	_ =	shalt  }
0x73: {  	_ =	shalt  }
0x74: {  	_ =	shalt  }
0x75: {  	_ =	shalt  }
0x76: {  	_ =	shalt  }
0x77: {  	_ =	shalt  }
0x78: {  	_ =	shalt  }
0x79: {  	_ =	shalt  }
0x7a: {  	_ =	shalt  }
0x7b: {  	_ =	shalt  }
0x7c: {  	_ =	shalt  }
0x7d: {  	_ =	shalt  }
0x7e: {  	_ =	shalt  }
0x7f: {  	_ =	shalt  }
0x80: {  	_ =	shalt  }
0x81: {  	_ =	shalt  }
0x82: {  	_ =	shalt  }
0x83: {  	_ =	shalt  }
0x84: {  	_ =	shalt  }
0x85: {  	_ =	shalt  }
0x86: {  	_ =	shalt  }
0x87: {  	_ =	shalt  }
.Lfunc_end0:
.L_simem_size_0:
called_computation.1_lowered:
.L_overlay_start_0:
0x88: {  	s2 =	sld [smem:$0x3FD9]  }
0x89: {  	s3 =	sld [smem:$0x3FFE];
	_ =	sdelay $0x1  }
0x8a: {  	s1 =	srdreg.scid  }
0x8b: {  	s0 =	sand.u32 $0x1, s1  }
0x8c: {  	s15 =	sshll.u32 s0, $0xA;
	s2 =	sadd.s32 s3, s2  }
0x8d: {  	s2 =	sadd.s32 s2, s15  }
0x8e: {  	[smem:$0x3FBB] =	sst s2  }
0x8f: {  	_ = 	snop  }
0x90: {  	s2 =	sld [smem:$0x3FD0];
	_ =	sdelay $0x2  }
0x91: {  	s16 =	simm.s32 $0xB;
	s4 =	simm.s32 $0x10  }
0x92: {  	[smem:s4], [sflag:s16] =	dma.local [hbm:s2], $0x1  }
0x93: {  	_ =	swait.eq [sflag:s16], $0x1  }
0x94: {  	[sflag:s16] =	ssyncset.done $0x0  }
0x95: {  	[sflag:s16] =	ssyncadd.s32 $0xFFFFFFFF  }
0x96: {  	s17 =	sld [smem:$0x10];
	(tm) =	ssettm $0x1  }
0x97: {  	s18 =	sld [smem:$0x3FFB];
	_ =	sdelay $0x3  }
0x98: {  	_ =	strace s18  }
0x99: {  	s2 =	sld [smem:$0x3FFC];
	_ =	sdelay $0x3  }
0x9a: {  	_ =	strace s2  }
0x9b: {  	s2 =	sld [smem:$0x3FFD];
	_ =	sdelay $0x3  }
0x9c: {  	_ =	strace s2  }
0x9d: {  	_ =	strace $0x8FFFFFFF  }
0x9e: {  	s19 =	sld [smem:$0x3FDB];
	_ =	sdelay $0x1  }
0x9f: {  	s20 =	simm.s32 $_scs_section_size  }
0xa0: {  	s5 =	simm.s32 $_size__tile_overlayer_lowered;
	s6 =	simm.s32 $_tile_overlayer_lowered  }
0xa1: {  	s7 =	simm.s32 $0x1BFF;
	s21 =	sshll.u32 s6, $0x1;
	s4 =	sadd.s32 s20, s19  }
0xa2: {  	s22 =	simm.s32 $0x0;
	s5 =	sshll.u32 s5, $0x1;
	s6 =	sadd.s32 s21, s4  }
0xa3: {  	[timem:s22], [sflag:s7] =	dma.local [hbm:s6], s5  }
0xa4: {  	_ =	swait.ge [sflag:s7], s5  }
0xa5: {  	s5 =	ssub.s32 $0x0, s5;
	[sflag:s7] =	ssyncset.done $0x0  }
0xa6: {  	[sflag:s7] =	ssyncadd.s32 s5;
	_ =	sdelay $0x1  }
0xa7: {  	s23 =	simm.s32 $0x1B8B  }
0xa8: {  	_ =	swait.ge [sflag:s23], $0x1  }
0xa9: {  	[sflag:s23] =	ssyncset.done $0x0  }
0xaa: {  	[sflag:s23] =	ssyncadd.s32 $0xFFFFFFFF  }
0xab: {  	s5 =	sld [smem:$0x0]  }
0xac: {  	s6 =	sand.u32 $0xFFFFFFFE, s1  }
0xad: {  	p0 =	sne.s32 s1, s6  }
0xae: {  	s6 =	sshll.u32 @p0 s6, $0xE  }
0xaf: {  	s6 =	sadd.s32 @p0 $0x11B8D, s6;
	s7 =	sshll.u32 @p0 s5, $0x11  }
0xb0: {  	s6 =	sor.u32 @p0 s7, s6  }
0xb1: {  	[sflag:s6] =	ssyncadd.remote.s32 @p0 $0x1;
	_ =	sdelay $0x1  }
0xb2: {  	s6 =	simm.s32 @p0 $0x1B8D  }
0xb3: {  	_ =	swait.eq @p0 [sflag:s6], $0x1  }
0xb4: {  	[sflag:s6] =	ssyncadd.s32 @p0 $0xFFFFFFFF  }
0xb5: {  	s7 =	sshll.u32 @!p0 s1, $0xE  }
0xb6: {  	s7 =	sor.u32 @!p0 $0x4000, s7;
	s6 =	simm.s32 @!p0 $0x1B8D  }
0xb7: {  	s5 =	sshll.u32 @!p0 s5, $0x11;
	s7 =	sadd.s32 @!p0 $0x11B8D, s7;
	_ =	swait.eq @!p0 [sflag:s6], $0x1  }
0xb8: {  	s5 =	sor.u32 @!p0 s5, s7;
	[sflag:s6] =	ssyncadd.s32 @!p0 $0xFFFFFFFF  }
0xb9: {  	s25 =	simm.s32 $0x1B8E;
	s24 =	sld [smem:$0x3FFE];
	[sflag:s5] =	ssyncadd.remote.s32 @!p0 $0x1  }
0xba: {  	s26 =	simm.s32 $execute0_lowered;
	[smem:$0x3FD2] =	sst s25  }
0xbb: {  	s6 =	sshll.u32 s26, $0x1;
	_ =	strace $0x80000049;
	[dreg:$0x1] =	wrdreg $0xFFFFFFFF  }
0xbc: {  	s28 =	simm.s32 $_size_execute0_lowered;
	s4 =	sadd.s32 s4, s6;
	[dreg:$0x0] =	wrdreg $0x0  }
0xbd: {  	s6 =	sshll.u32 s28, $0x1;
	[dreg:$0x2] =	wrdreg s4  }
0xbe: {  	[dreg:$0x3] =	wrdreg s6  }
0xbf: {  	[dreg:$0x4] =	wrdreg $0xC0  }
0xc0: {  	_ =	task [dreg:s22], $0x5FFFF  }
0xc1: {  	[dreg:$0x1] =	wrdreg $0xFFFFFFFF  }
0xc2: {  	[dreg:$0x0] =	wrdreg $0x60  }
0xc3: {  	[dreg:$0x2] =	wrdreg s24  }
0xc4: {  	[dreg:$0x3] =	wrdreg s17  }
0xc5: {  	[dreg:$0x4] =	wrdreg $0xA  }
0xc6: {  	_ =	task.clear_ibuf [dreg:s22], $0x5FFFF;
	_ =	strace $0x90000049  }
0xc7: {  	s29 =	simm.s32 $0xA;
	_ =	strace $0x8000004B  }
0xc8: {  	_ =	swait.ge [sflag:s29], $0x1  }
0xc9: {  	[sflag:s29] =	ssyncadd.s32 $0xFFFFFFFF  }
0xca: {  	_ =	strace $0x9000004B  }
0xcb: {  	_ =	sfence  }
0xcc: {  	s30 =	sld [smem:$0x0];
	_ =	sdelay $0x2  }
0xcd: {  	s31 =	sshll.u32 s1, $0xD;
	s1 =	sshrl.u32 s1, $0x2  }
0xce: {  	s4 =	sand.u32 $0x4000, s31;
	s1 =	sadd.s32 s1, s30  }
0xcf: {  	s0 =	sor.u32 s4, s0;
	s1 =	sshll.u32 s1, $0x11  }
0xd0: {  	s0 =	sor.u32 s1, s0  }
0xd1: {  	s0 =	sadd.s32 $0x8F2B, s0  }
0xd2: {  	[sflag:s0] =	ssyncadd.remote.s32 $0x1  }
0xd3: {  	_ =	sfence.sel $0xFFFF  }
0xd4: {  	[dreg:$0x0] =	wrdreg $0xFFFFFFFF;
	(pc) =	sbr.abs _section_cstart, $3  }
0xd5: {  	[dreg:$0x1] =	wrdreg $0xFFFFFFFF  }
0xd6: {  	_ =	task.clear_ibuf [dreg:s22], $0x2FFFF;
	_ =	strace $0x9FFFFFFF  }
0xd7: {  	(tm) =	ssettm $0x7FFFFFFF  }
tec
execute0_lowered:
.L_overlay_start_1:
0x0: {  	(tag) =	ssettag $0x1  }
0x1: {  	s0 =	rddreg [dreg:$0x0]  }
0x2: {  	s1 =	rddreg [dreg:$0x1]  }
0x3: {  	s3 =	srdreg.scid;
	s5 =	stileid.u32  }
0x4: {  	s2 =	simm.s32 $0x0;
	s28 =	simm.s32 $0x1CEA0;
	s29 =	simm.s32 $0x1  }
0x5: {  	s22 =	sshll.u32 s5, $0x1;
	[smem:$0x7FF] =	sst s2;
	s5 =	sadd.s32 $0xB2F800, s0  }
0x6: {  	s30 =	simm.s32 $0x2;
	s9 =	sadd.s32 $0xB2F900, s0;
	s11 =	sadd.s32 $0xB2FA00, s0  }
0x7: {  	s31 =	simm.s32 $0x0;
	s12 =	sadd.s32 $0xB2FB00, s0;
	s15 =	sadd.s32 $0xB2FC00, s0  }
0x8: {  	s4 =	sand.u32 $0x1, s3;
	s17 =	sadd.s32 $0xB2FD00, s0;
	s18 =	sadd.s32 $0xB2FE00, s0  }
0x9: {  	s21 =	sadd.s32 $0xB2FF00, s0;
	s3 =	sor.u32 s4, s22;
	s6 =	ssub.s32 $0x2, s4  }
0xa: {  	_ =	strace $0x8000004A;
	s4 =	sadd.s32 $0x639E00, s0;
	s8 =	sshrl.u32 s6, $0x1  }
0xb: {  	s7 =	smul.u32 $0x30D4, s3;
	s23 =	sshll.u32 s3, $0xB;
	s6 =	ssub.s32 s6, s8  }
0xc: {  	s24 =	sadd.s32 s5, s23;
	s25 =	sadd.s32 s23, s9;
	s26 =	sadd.s32 s23, s11  }
0xd: {  	s14 =	sadd.s32 s23, s12;
	s16 =	sadd.s32 s23, s15;
	[dreg:$0x4] =	wrdreg s24  }
0xe: {  	s19 =	sadd.s32 s23, s17;
	s20 =	sadd.s32 s23, s18;
	[dreg:$0x5] =	wrdreg s25  }
0xf: {  	s22 =	sadd.s32 s23, s21;
	s7 =	sadd.s32 s4, s7;
	[dreg:$0x6] =	wrdreg s26  }
0x10: {  	s23 =	smax.u32 s6, $0x1;
	s24 =	simm.s32 $0x3;
	s25 =	simm.s32 $0x186A0  }
0x11: {  	s26 =	simm.s32 $0x1C6A0;
	[dreg:$0x3] =	wrdreg s7;
	s7 =	sadd.s32 $0x7000, s1  }
.LBB2_1:
0x12: {  	s0 =	rddreg [dreg:$0x3]  }
0x13: {  	[tilespmem:s2], [sflag:$0x3] =	stream.linear.gather [hbm4b:s0+s2], $0x186A0, $0x38;
	[tilespmem:$0x1D6A0] =	vst v63  }
0x14: {  	_ =	swait.ge [sflag:s24], $0x186A0  }
0x15: {  	[sflag:s24] =	ssyncset.done $0x0  }
0x16: {  	[sflag:s24] =	ssyncadd.s32 $0xFFFE7960  }
0x17: {  	[tilespmem:s25], [sflag:$0x3] =	stream.linear.gather [hbm4b:s7+s2], $0x4000, $0x38;
	[tilespmem:$0x1D6A0] =	vst v63  }
0x18: {  	_ =	swait.ge [sflag:s24], $0x4000  }
0x19: {  	[sflag:s24] =	ssyncset.done $0x0  }
0x1a: {  	s13 =	simm.s32 $0x186E0;
	[sflag:s24] =	ssyncadd.s32 $0xFFFFC000  }
0x1b: {  	v0 =	vld [tilespmem:s13+$0x30]  }
0x1c: {  	v1 =	vld [tilespmem:s13+$0xFFFFFFD0]  }
0x1d: {  	v2 =	vld [tilespmem:s13+$0xFFFFFFE0]  }
0x1e: {  	v3 =	vld [tilespmem:s13+$0xFFFFFFF0]  }
0x1f: {  	v4 =	vld [tilespmem:s13+$0x0]  }
0x20: {  	v6 =	vld [tilespmem:s13+$0x10]  }
0x21: {  	v7 =	vld [tilespmem:s13+$0x20]  }
0x22: {  	v8 =	vld [tilespmem:s13+$0xFFFFFFC0]  }
0x23: {  	v9 =	vld.idx.msk [tilespmem:v0+s2+$0x0], $0xffff  }
0x24: {  	v10 =	vld.idx.msk [tilespmem:v1+s2+$0x0], $0xffff  }
0x25: {  	v5 =	vld.idx.msk [tilespmem:v2+s2+$0x0], $0xffff  }
0x26: {  	v3 =	vld.idx.msk [tilespmem:v3+s2+$0x0], $0xffff  }
0x27: {  	v0 =	vld.idx.msk [tilespmem:v4+s2+$0x0], $0xffff  }
0x28: {  	s0 =	simm.s32 $0x1C6E0;
	v1 =	vld.idx.msk [tilespmem:v6+s2+$0x0], $0xffff  }
0x29: {  	v2 =	vld.idx.msk [tilespmem:v7+s2+$0x0], $0xffff;
	[tilespmem:s0+$0x30] =	vst v9  }
0x2a: {  	s1 =	simm.s32 $0x0;
	s6 =	simm.s32 $0x18760;
	v4 =	vld.idx.msk [tilespmem:v8+s2+$0x0], $0xffff;
	[tilespmem:s0+$0xFFFFFFD0] =	vst v10  }
.LBB2_2:
0x2b: {  	v6 =	vld [tilespmem:s6+$0x30];
	s1 =	sadd.s32 $0x8, s1;
	[tilespmem:s0+$0xFFFFFFE0] =	vst v5  }
0x2c: {  	v5 =	vld [tilespmem:s6+$0xFFFFFFD0];
	p0 =	slt.u32 s1, $0x78;
	[tilespmem:s0+$0xFFFFFFF0] =	vst v3  }
0x2d: {  	v3 =	vld [tilespmem:s6+$0xFFFFFFE0];
	[tilespmem:s0+$0x0] =	vst v0  }
0x2e: {  	v0 =	vld [tilespmem:s6+$0xFFFFFFF0];
	[tilespmem:s0+$0x10] =	vst v1  }
0x2f: {  	v1 =	vld [tilespmem:s6+$0x0];
	[tilespmem:s0+$0x20] =	vst v2  }
0x30: {  	v2 =	vld [tilespmem:s6+$0x10];
	[tilespmem:s0+$0xFFFFFFC0] =	vst v4  }
0x31: {  	v4 =	vld [tilespmem:s6+$0x20]  }
0x32: {  	v7 =	vld [tilespmem:s6+$0xFFFFFFC0]  }
0x33: {  	v6 =	vld.idx.msk [tilespmem:v6+s2+$0x0], $0xffff  }
0x34: {  	v8 =	vld.idx.msk [tilespmem:v5+s2+$0x0], $0xffff  }
0x35: {  	v5 =	vld.idx.msk [tilespmem:v3+s2+$0x0], $0xffff  }
.Ltmp0:
0x36: {  	v3 =	vld.idx.msk [tilespmem:v0+s2+$0x0], $0xffff;
	(pc) =	sbr.rel @p0 .LBB2_2-.Ltmp0, $4  }
0x37: {  	v0 =	vld.idx.msk [tilespmem:v1+s2+$0x0], $0xffff  }
0x38: {  	s0 =	sadd.s32 $0x80, s0;
	v1 =	vld.idx.msk [tilespmem:v2+s2+$0x0], $0xffff  }
0x39: {  	v2 =	vld.idx.msk [tilespmem:v4+s2+$0x0], $0xffff;
	[tilespmem:s0+$0x30] =	vst v6  }
0x3a: {  	s6 =	sadd.s32 $0x80, s6;
	v4 =	vld.idx.msk [tilespmem:v7+s2+$0x0], $0xffff;
	[tilespmem:s0+$0xFFFFFFD0] =	vst v8  }
0x3b: {  	[tilespmem:s0+$0xFFFFFFE0] =	vst v5  }
0x3c: {  	[tilespmem:s0+$0xFFFFFFF0] =	vst v3  }
0x3d: {  	[tilespmem:s0+$0x0] =	vst v0  }
0x3e: {  	[tilespmem:s0+$0x10] =	vst v1  }
0x3f: {  	[tilespmem:s0+$0x20] =	vst v2  }
0x40: {  	[tilespmem:s0+$0xFFFFFFC0] =	vst v4  }
0x41: {  	s13 =	simm.s32 $0x18F10;
	s0 =	rddreg [dreg:$0x4]  }
0x42: {  	[hbm4b:s0+s2] =	stream.linear.scatter [tilespmem:s26], [sflag:$0x1], $0x800, $0x38;
	[tilespmem:$0x1D6A0] =	vst v63  }
0x43: {  	v0 =	vld [tilespmem:s13+$0x0]  }
0x44: {  	v1 =	vld [tilespmem:s13+$0xFFFFFFA0]  }
0x45: {  	v2 =	vld [tilespmem:s13+$0xFFFFFFB0]  }
0x46: {  	v3 =	vld [tilespmem:s13+$0xFFFFFFC0]  }
0x47: {  	v4 =	vld [tilespmem:s13+$0xFFFFFFD0]  }
0x48: {  	v6 =	vld [tilespmem:s13+$0xFFFFFFE0]  }
0x49: {  	v7 =	vld [tilespmem:s13+$0xFFFFFFF0]  }
0x4a: {  	v8 =	vld [tilespmem:s13+$0xFFFFFF90]  }
0x4b: {  	v9 =	vld.idx.msk [tilespmem:v0+s2+$0x0], $0xffff  }
0x4c: {  	v10 =	vld.idx.msk [tilespmem:v1+s2+$0x0], $0xffff  }
0x4d: {  	v5 =	vld.idx.msk [tilespmem:v2+s2+$0x0], $0xffff  }
0x4e: {  	v3 =	vld.idx.msk [tilespmem:v3+s2+$0x0], $0xffff  }
0x4f: {  	v0 =	vld.idx.msk [tilespmem:v4+s2+$0x0], $0xffff  }
0x50: {  	s0 =	simm.s32 $0x1CEE0;
	v1 =	vld.idx.msk [tilespmem:v6+s2+$0x0], $0xffff  }
0x51: {  	v2 =	vld.idx.msk [tilespmem:v7+s2+$0x0], $0xffff;
	[tilespmem:s0+$0x30] =	vst v9  }
0x52: {  	s1 =	simm.s32 $0x0;
	s6 =	simm.s32 $0x18F90;
	v4 =	vld.idx.msk [tilespmem:v8+s2+$0x0], $0xffff;
	[tilespmem:s0+$0xFFFFFFD0] =	vst v10  }
.LBB2_4:
0x53: {  	v6 =	vld [tilespmem:s6+$0x0];
	s1 =	sadd.s32 $0x8, s1;
	[tilespmem:s0+$0xFFFFFFE0] =	vst v5  }
0x54: {  	v5 =	vld [tilespmem:s6+$0xFFFFFFA0];
	p0 =	slt.u32 s1, $0x78;
	[tilespmem:s0+$0xFFFFFFF0] =	vst v3  }
0x55: {  	v3 =	vld [tilespmem:s6+$0xFFFFFFB0];
	[tilespmem:s0+$0x0] =	vst v0  }
0x56: {  	v0 =	vld [tilespmem:s6+$0xFFFFFFC0];
	[tilespmem:s0+$0x10] =	vst v1  }
0x57: {  	v1 =	vld [tilespmem:s6+$0xFFFFFFD0];
	[tilespmem:s0+$0x20] =	vst v2  }
0x58: {  	v2 =	vld [tilespmem:s6+$0xFFFFFFE0];
	[tilespmem:s0+$0xFFFFFFC0] =	vst v4  }
0x59: {  	v4 =	vld [tilespmem:s6+$0xFFFFFFF0]  }
0x5a: {  	v7 =	vld [tilespmem:s6+$0xFFFFFF90]  }
0x5b: {  	v6 =	vld.idx.msk [tilespmem:v6+s2+$0x0], $0xffff  }
0x5c: {  	v8 =	vld.idx.msk [tilespmem:v5+s2+$0x0], $0xffff  }
0x5d: {  	v5 =	vld.idx.msk [tilespmem:v3+s2+$0x0], $0xffff  }
.Ltmp1:
0x5e: {  	v3 =	vld.idx.msk [tilespmem:v0+s2+$0x0], $0xffff;
	(pc) =	sbr.rel @p0 .LBB2_4-.Ltmp1, $4  }
0x5f: {  	v0 =	vld.idx.msk [tilespmem:v1+s2+$0x0], $0xffff  }
0x60: {  	s0 =	sadd.s32 $0x80, s0;
	v1 =	vld.idx.msk [tilespmem:v2+s2+$0x0], $0xffff  }
0x61: {  	v2 =	vld.idx.msk [tilespmem:v4+s2+$0x0], $0xffff;
	[tilespmem:s0+$0x30] =	vst v6  }
0x62: {  	s6 =	sadd.s32 $0x80, s6;
	v4 =	vld.idx.msk [tilespmem:v7+s2+$0x0], $0xffff;
	[tilespmem:s0+$0xFFFFFFD0] =	vst v8  }
0x63: {  	[tilespmem:s0+$0xFFFFFFE0] =	vst v5  }
0x64: {  	[tilespmem:s0+$0xFFFFFFF0] =	vst v3  }
0x65: {  	[tilespmem:s0+$0x0] =	vst v0  }
0x66: {  	[tilespmem:s0+$0x10] =	vst v1  }
0x67: {  	[tilespmem:s0+$0x20] =	vst v2  }
0x68: {  	[tilespmem:s0+$0xFFFFFFC0] =	vst v4  }
0x69: {  	s0 =	rddreg [dreg:$0x5]  }
0x6a: {  	[hbm4b:s0+s2] =	stream.linear.scatter [tilespmem:s28], [sflag:$0x2], $0x800, $0x38;
	[tilespmem:$0x1D6A0] =	vst v63  }
0x6b: {  	_ =	swait.ge [sflag:s29], $0x800  }
0x6c: {  	[sflag:s29] =	ssyncset.done $0x0  }
0x6d: {  	s13 =	simm.s32 $0x19710;
	[sflag:s29] =	ssyncadd.s32 $0xFFFFF800  }
0x6e: {  	v0 =	vld [tilespmem:s13+$0x0]  }
0x6f: {  	v1 =	vld [tilespmem:s13+$0xFFFFFFA0]  }
0x70: {  	v2 =	vld [tilespmem:s13+$0xFFFFFFB0]  }
0x71: {  	v3 =	vld [tilespmem:s13+$0xFFFFFFC0]  }
0x72: {  	v4 =	vld [tilespmem:s13+$0xFFFFFFD0]  }
0x73: {  	v6 =	vld [tilespmem:s13+$0xFFFFFFE0]  }
0x74: {  	v7 =	vld [tilespmem:s13+$0xFFFFFFF0]  }
0x75: {  	v8 =	vld [tilespmem:s13+$0xFFFFFF90]  }
0x76: {  	v9 =	vld.idx.msk [tilespmem:v0+s2+$0x0], $0xffff  }
0x77: {  	v10 =	vld.idx.msk [tilespmem:v1+s2+$0x0], $0xffff  }
0x78: {  	v5 =	vld.idx.msk [tilespmem:v2+s2+$0x0], $0xffff  }
0x79: {  	v3 =	vld.idx.msk [tilespmem:v3+s2+$0x0], $0xffff  }
0x7a: {  	v0 =	vld.idx.msk [tilespmem:v4+s2+$0x0], $0xffff  }
0x7b: {  	s0 =	simm.s32 $0x1C6E0;
	v1 =	vld.idx.msk [tilespmem:v6+s2+$0x0], $0xffff  }
0x7c: {  	v2 =	vld.idx.msk [tilespmem:v7+s2+$0x0], $0xffff;
	[tilespmem:s0+$0x30] =	vst v9  }
0x7d: {  	s1 =	simm.s32 $0x0;
	s6 =	simm.s32 $0x19790;
	v4 =	vld.idx.msk [tilespmem:v8+s2+$0x0], $0xffff;
	[tilespmem:s0+$0xFFFFFFD0] =	vst v10  }
.LBB2_6:
0x7e: {  	v6 =	vld [tilespmem:s6+$0x0];
	s1 =	sadd.s32 $0x8, s1;
	[tilespmem:s0+$0xFFFFFFE0] =	vst v5  }
0x7f: {  	v5 =	vld [tilespmem:s6+$0xFFFFFFA0];
	p0 =	slt.u32 s1, $0x78;
	[tilespmem:s0+$0xFFFFFFF0] =	vst v3  }
0x80: {  	v3 =	vld [tilespmem:s6+$0xFFFFFFB0];
	[tilespmem:s0+$0x0] =	vst v0  }
0x81: {  	v0 =	vld [tilespmem:s6+$0xFFFFFFC0];
	[tilespmem:s0+$0x10] =	vst v1  }
0x82: {  	v1 =	vld [tilespmem:s6+$0xFFFFFFD0];
	[tilespmem:s0+$0x20] =	vst v2  }
0x83: {  	v2 =	vld [tilespmem:s6+$0xFFFFFFE0];
	[tilespmem:s0+$0xFFFFFFC0] =	vst v4  }
0x84: {  	v4 =	vld [tilespmem:s6+$0xFFFFFFF0]  }
0x85: {  	v7 =	vld [tilespmem:s6+$0xFFFFFF90]  }
0x86: {  	v6 =	vld.idx.msk [tilespmem:v6+s2+$0x0], $0xffff  }
0x87: {  	v8 =	vld.idx.msk [tilespmem:v5+s2+$0x0], $0xffff  }
0x88: {  	v5 =	vld.idx.msk [tilespmem:v3+s2+$0x0], $0xffff  }
.Ltmp2:
0x89: {  	v3 =	vld.idx.msk [tilespmem:v0+s2+$0x0], $0xffff;
	(pc) =	sbr.rel @p0 .LBB2_6-.Ltmp2, $4  }
0x8a: {  	v0 =	vld.idx.msk [tilespmem:v1+s2+$0x0], $0xffff  }
0x8b: {  	s0 =	sadd.s32 $0x80, s0;
	v1 =	vld.idx.msk [tilespmem:v2+s2+$0x0], $0xffff  }
0x8c: {  	v2 =	vld.idx.msk [tilespmem:v4+s2+$0x0], $0xffff;
	[tilespmem:s0+$0x30] =	vst v6  }
0x8d: {  	s6 =	sadd.s32 $0x80, s6;
	v4 =	vld.idx.msk [tilespmem:v7+s2+$0x0], $0xffff;
	[tilespmem:s0+$0xFFFFFFD0] =	vst v8  }
0x8e: {  	[tilespmem:s0+$0xFFFFFFE0] =	vst v5  }
0x8f: {  	[tilespmem:s0+$0xFFFFFFF0] =	vst v3  }
0x90: {  	[tilespmem:s0+$0x0] =	vst v0  }
0x91: {  	[tilespmem:s0+$0x10] =	vst v1  }
0x92: {  	[tilespmem:s0+$0x20] =	vst v2  }
0x93: {  	[tilespmem:s0+$0xFFFFFFC0] =	vst v4  }
0x94: {  	s0 =	rddreg [dreg:$0x6]  }
0x95: {  	[hbm4b:s0+s2] =	stream.linear.scatter [tilespmem:s26], [sflag:$0x1], $0x800, $0x38;
	[tilespmem:$0x1D6A0] =	vst v63  }
0x96: {  	_ =	swait.ge [sflag:s30], $0x800  }
0x97: {  	[sflag:s30] =	ssyncset.done $0x0  }
0x98: {  	s13 =	simm.s32 $0x19F10;
	[sflag:s30] =	ssyncadd.s32 $0xFFFFF800  }
0x99: {  	v0 =	vld [tilespmem:s13+$0x0]  }
0x9a: {  	v1 =	vld [tilespmem:s13+$0xFFFFFFA0]  }
0x9b: {  	v2 =	vld [tilespmem:s13+$0xFFFFFFB0]  }
0x9c: {  	v3 =	vld [tilespmem:s13+$0xFFFFFFC0]  }
0x9d: {  	v4 =	vld [tilespmem:s13+$0xFFFFFFD0]  }
0x9e: {  	v6 =	vld [tilespmem:s13+$0xFFFFFFE0]  }
0x9f: {  	v7 =	vld [tilespmem:s13+$0xFFFFFFF0]  }
0xa0: {  	v8 =	vld [tilespmem:s13+$0xFFFFFF90]  }
0xa1: {  	v9 =	vld.idx.msk [tilespmem:v0+s2+$0x0], $0xffff  }
0xa2: {  	v10 =	vld.idx.msk [tilespmem:v1+s2+$0x0], $0xffff  }
0xa3: {  	v5 =	vld.idx.msk [tilespmem:v2+s2+$0x0], $0xffff  }
0xa4: {  	v3 =	vld.idx.msk [tilespmem:v3+s2+$0x0], $0xffff  }
0xa5: {  	v0 =	vld.idx.msk [tilespmem:v4+s2+$0x0], $0xffff  }
0xa6: {  	s0 =	simm.s32 $0x1CEE0;
	v1 =	vld.idx.msk [tilespmem:v6+s2+$0x0], $0xffff  }
0xa7: {  	v2 =	vld.idx.msk [tilespmem:v7+s2+$0x0], $0xffff;
	[tilespmem:s0+$0x30] =	vst v9  }
0xa8: {  	s1 =	simm.s32 $0x0;
	s6 =	simm.s32 $0x19F90;
	v4 =	vld.idx.msk [tilespmem:v8+s2+$0x0], $0xffff;
	[tilespmem:s0+$0xFFFFFFD0] =	vst v10  }
.LBB2_8:
0xa9: {  	v6 =	vld [tilespmem:s6+$0x0];
	s1 =	sadd.s32 $0x8, s1;
	[tilespmem:s0+$0xFFFFFFE0] =	vst v5  }
0xaa: {  	v5 =	vld [tilespmem:s6+$0xFFFFFFA0];
	p0 =	slt.u32 s1, $0x78;
	[tilespmem:s0+$0xFFFFFFF0] =	vst v3  }
0xab: {  	v3 =	vld [tilespmem:s6+$0xFFFFFFB0];
	[tilespmem:s0+$0x0] =	vst v0  }
0xac: {  	v0 =	vld [tilespmem:s6+$0xFFFFFFC0];
	[tilespmem:s0+$0x10] =	vst v1  }
0xad: {  	v1 =	vld [tilespmem:s6+$0xFFFFFFD0];
	[tilespmem:s0+$0x20] =	vst v2  }
0xae: {  	v2 =	vld [tilespmem:s6+$0xFFFFFFE0];
	[tilespmem:s0+$0xFFFFFFC0] =	vst v4  }
0xaf: {  	v4 =	vld [tilespmem:s6+$0xFFFFFFF0]  }
0xb0: {  	v7 =	vld [tilespmem:s6+$0xFFFFFF90]  }
0xb1: {  	v6 =	vld.idx.msk [tilespmem:v6+s2+$0x0], $0xffff  }
0xb2: {  	v8 =	vld.idx.msk [tilespmem:v5+s2+$0x0], $0xffff  }
0xb3: {  	v5 =	vld.idx.msk [tilespmem:v3+s2+$0x0], $0xffff  }
.Ltmp3:
0xb4: {  	v3 =	vld.idx.msk [tilespmem:v0+s2+$0x0], $0xffff;
	(pc) =	sbr.rel @p0 .LBB2_8-.Ltmp3, $4  }
0xb5: {  	v0 =	vld.idx.msk [tilespmem:v1+s2+$0x0], $0xffff  }
0xb6: {  	s0 =	sadd.s32 $0x80, s0;
	v1 =	vld.idx.msk [tilespmem:v2+s2+$0x0], $0xffff  }
0xb7: {  	v2 =	vld.idx.msk [tilespmem:v4+s2+$0x0], $0xffff;
	[tilespmem:s0+$0x30] =	vst v6  }
0xb8: {  	s6 =	sadd.s32 $0x80, s6;
	v4 =	vld.idx.msk [tilespmem:v7+s2+$0x0], $0xffff;
	[tilespmem:s0+$0xFFFFFFD0] =	vst v8  }
0xb9: {  	[tilespmem:s0+$0xFFFFFFE0] =	vst v5  }
0xba: {  	[tilespmem:s0+$0xFFFFFFF0] =	vst v3  }
0xbb: {  	[tilespmem:s0+$0x0] =	vst v0  }
0xbc: {  	[tilespmem:s0+$0x10] =	vst v1  }
0xbd: {  	[tilespmem:s0+$0x20] =	vst v2  }
0xbe: {  	[tilespmem:s0+$0xFFFFFFC0] =	vst v4  }
0xbf: {  	[hbm4b:s14+s2] =	stream.linear.scatter [tilespmem:s28], [sflag:$0x2], $0x800, $0x38;
	[tilespmem:$0x1D6A0] =	vst v63  }
0xc0: {  	_ =	swait.ge [sflag:s29], $0x800  }
0xc1: {  	[sflag:s29] =	ssyncset.done $0x0  }
0xc2: {  	s13 =	simm.s32 $0x1A710;
	[sflag:s29] =	ssyncadd.s32 $0xFFFFF800  }
0xc3: {  	v0 =	vld [tilespmem:s13+$0x0]  }
0xc4: {  	v1 =	vld [tilespmem:s13+$0xFFFFFFA0]  }
0xc5: {  	v2 =	vld [tilespmem:s13+$0xFFFFFFB0]  }
0xc6: {  	v3 =	vld [tilespmem:s13+$0xFFFFFFC0]  }
0xc7: {  	v4 =	vld [tilespmem:s13+$0xFFFFFFD0]  }
0xc8: {  	v6 =	vld [tilespmem:s13+$0xFFFFFFE0]  }
0xc9: {  	v7 =	vld [tilespmem:s13+$0xFFFFFFF0]  }
0xca: {  	v8 =	vld [tilespmem:s13+$0xFFFFFF90]  }
0xcb: {  	v9 =	vld.idx.msk [tilespmem:v0+s2+$0x0], $0xffff  }
0xcc: {  	v10 =	vld.idx.msk [tilespmem:v1+s2+$0x0], $0xffff  }
0xcd: {  	v5 =	vld.idx.msk [tilespmem:v2+s2+$0x0], $0xffff  }
0xce: {  	v3 =	vld.idx.msk [tilespmem:v3+s2+$0x0], $0xffff  }
0xcf: {  	v0 =	vld.idx.msk [tilespmem:v4+s2+$0x0], $0xffff  }
0xd0: {  	s0 =	simm.s32 $0x1C6E0;
	v1 =	vld.idx.msk [tilespmem:v6+s2+$0x0], $0xffff  }
0xd1: {  	v2 =	vld.idx.msk [tilespmem:v7+s2+$0x0], $0xffff;
	[tilespmem:s0+$0x30] =	vst v9  }
0xd2: {  	s1 =	simm.s32 $0x0;
	s6 =	simm.s32 $0x1A790;
	v4 =	vld.idx.msk [tilespmem:v8+s2+$0x0], $0xffff;
	[tilespmem:s0+$0xFFFFFFD0] =	vst v10  }
.LBB2_10:
0xd3: {  	v6 =	vld [tilespmem:s6+$0x0];
	s1 =	sadd.s32 $0x8, s1;
	[tilespmem:s0+$0xFFFFFFE0] =	vst v5  }
0xd4: {  	v5 =	vld [tilespmem:s6+$0xFFFFFFA0];
	p0 =	slt.u32 s1, $0x78;
	[tilespmem:s0+$0xFFFFFFF0] =	vst v3  }
0xd5: {  	v3 =	vld [tilespmem:s6+$0xFFFFFFB0];
	[tilespmem:s0+$0x0] =	vst v0  }
0xd6: {  	v0 =	vld [tilespmem:s6+$0xFFFFFFC0];
	[tilespmem:s0+$0x10] =	vst v1  }
0xd7: {  	v1 =	vld [tilespmem:s6+$0xFFFFFFD0];
	[tilespmem:s0+$0x20] =	vst v2  }
0xd8: {  	v2 =	vld [tilespmem:s6+$0xFFFFFFE0];
	[tilespmem:s0+$0xFFFFFFC0] =	vst v4  }
0xd9: {  	v4 =	vld [tilespmem:s6+$0xFFFFFFF0]  }
0xda: {  	v7 =	vld [tilespmem:s6+$0xFFFFFF90]  }
0xdb: {  	v6 =	vld.idx.msk [tilespmem:v6+s2+$0x0], $0xffff  }
0xdc: {  	v8 =	vld.idx.msk [tilespmem:v5+s2+$0x0], $0xffff  }
0xdd: {  	v5 =	vld.idx.msk [tilespmem:v3+s2+$0x0], $0xffff  }
.Ltmp4:
0xde: {  	v3 =	vld.idx.msk [tilespmem:v0+s2+$0x0], $0xffff;
	(pc) =	sbr.rel @p0 .LBB2_10-.Ltmp4, $4  }
0xdf: {  	v0 =	vld.idx.msk [tilespmem:v1+s2+$0x0], $0xffff  }
0xe0: {  	s0 =	sadd.s32 $0x80, s0;
	v1 =	vld.idx.msk [tilespmem:v2+s2+$0x0], $0xffff  }
0xe1: {  	v2 =	vld.idx.msk [tilespmem:v4+s2+$0x0], $0xffff;
	[tilespmem:s0+$0x30] =	vst v6  }
0xe2: {  	s6 =	sadd.s32 $0x80, s6;
	v4 =	vld.idx.msk [tilespmem:v7+s2+$0x0], $0xffff;
	[tilespmem:s0+$0xFFFFFFD0] =	vst v8  }
0xe3: {  	[tilespmem:s0+$0xFFFFFFE0] =	vst v5  }
0xe4: {  	[tilespmem:s0+$0xFFFFFFF0] =	vst v3  }
0xe5: {  	[tilespmem:s0+$0x0] =	vst v0  }
0xe6: {  	[tilespmem:s0+$0x10] =	vst v1  }
0xe7: {  	[tilespmem:s0+$0x20] =	vst v2  }
0xe8: {  	[tilespmem:s0+$0xFFFFFFC0] =	vst v4  }
0xe9: {  	[hbm4b:s16+s2] =	stream.linear.scatter [tilespmem:s26], [sflag:$0x1], $0x800, $0x38;
	[tilespmem:$0x1D6A0] =	vst v63  }
0xea: {  	_ =	swait.ge [sflag:s30], $0x800  }
0xeb: {  	[sflag:s30] =	ssyncset.done $0x0  }
0xec: {  	s13 =	simm.s32 $0x1AF10;
	[sflag:s30] =	ssyncadd.s32 $0xFFFFF800  }
0xed: {  	v0 =	vld [tilespmem:s13+$0x0]  }
0xee: {  	v1 =	vld [tilespmem:s13+$0xFFFFFFA0]  }
0xef: {  	v2 =	vld [tilespmem:s13+$0xFFFFFFB0]  }
0xf0: {  	v3 =	vld [tilespmem:s13+$0xFFFFFFC0]  }
0xf1: {  	v4 =	vld [tilespmem:s13+$0xFFFFFFD0]  }
0xf2: {  	v6 =	vld [tilespmem:s13+$0xFFFFFFE0]  }
0xf3: {  	v7 =	vld [tilespmem:s13+$0xFFFFFFF0]  }
0xf4: {  	v8 =	vld [tilespmem:s13+$0xFFFFFF90]  }
0xf5: {  	v9 =	vld.idx.msk [tilespmem:v0+s2+$0x0], $0xffff  }
0xf6: {  	v10 =	vld.idx.msk [tilespmem:v1+s2+$0x0], $0xffff  }
0xf7: {  	v5 =	vld.idx.msk [tilespmem:v2+s2+$0x0], $0xffff  }
0xf8: {  	v3 =	vld.idx.msk [tilespmem:v3+s2+$0x0], $0xffff  }
0xf9: {  	v0 =	vld.idx.msk [tilespmem:v4+s2+$0x0], $0xffff  }
0xfa: {  	s0 =	simm.s32 $0x1CEE0;
	v1 =	vld.idx.msk [tilespmem:v6+s2+$0x0], $0xffff  }
0xfb: {  	v2 =	vld.idx.msk [tilespmem:v7+s2+$0x0], $0xffff;
	[tilespmem:s0+$0x30] =	vst v9  }
0xfc: {  	s1 =	simm.s32 $0x0;
	s6 =	simm.s32 $0x1AF90;
	v4 =	vld.idx.msk [tilespmem:v8+s2+$0x0], $0xffff;
	[tilespmem:s0+$0xFFFFFFD0] =	vst v10  }
.LBB2_12:
0xfd: {  	v6 =	vld [tilespmem:s6+$0x0];
	s1 =	sadd.s32 $0x8, s1;
	[tilespmem:s0+$0xFFFFFFE0] =	vst v5  }
0xfe: {  	v5 =	vld [tilespmem:s6+$0xFFFFFFA0];
	p0 =	slt.u32 s1, $0x78;
	[tilespmem:s0+$0xFFFFFFF0] =	vst v3  }
0xff: {  	v3 =	vld [tilespmem:s6+$0xFFFFFFB0];
	[tilespmem:s0+$0x0] =	vst v0  }
0x100: {  	v0 =	vld [tilespmem:s6+$0xFFFFFFC0];
	[tilespmem:s0+$0x10] =	vst v1  }
0x101: {  	v1 =	vld [tilespmem:s6+$0xFFFFFFD0];
	[tilespmem:s0+$0x20] =	vst v2  }
0x102: {  	v2 =	vld [tilespmem:s6+$0xFFFFFFE0];
	[tilespmem:s0+$0xFFFFFFC0] =	vst v4  }
0x103: {  	v4 =	vld [tilespmem:s6+$0xFFFFFFF0]  }
0x104: {  	v7 =	vld [tilespmem:s6+$0xFFFFFF90]  }
0x105: {  	v6 =	vld.idx.msk [tilespmem:v6+s2+$0x0], $0xffff  }
0x106: {  	v8 =	vld.idx.msk [tilespmem:v5+s2+$0x0], $0xffff  }
0x107: {  	v5 =	vld.idx.msk [tilespmem:v3+s2+$0x0], $0xffff  }
.Ltmp5:
0x108: {  	v3 =	vld.idx.msk [tilespmem:v0+s2+$0x0], $0xffff;
	(pc) =	sbr.rel @p0 .LBB2_12-.Ltmp5, $4  }
0x109: {  	v0 =	vld.idx.msk [tilespmem:v1+s2+$0x0], $0xffff  }
0x10a: {  	s0 =	sadd.s32 $0x80, s0;
	v1 =	vld.idx.msk [tilespmem:v2+s2+$0x0], $0xffff  }
0x10b: {  	v2 =	vld.idx.msk [tilespmem:v4+s2+$0x0], $0xffff;
	[tilespmem:s0+$0x30] =	vst v6  }
0x10c: {  	s6 =	sadd.s32 $0x80, s6;
	v4 =	vld.idx.msk [tilespmem:v7+s2+$0x0], $0xffff;
	[tilespmem:s0+$0xFFFFFFD0] =	vst v8  }
0x10d: {  	[tilespmem:s0+$0xFFFFFFE0] =	vst v5  }
0x10e: {  	[tilespmem:s0+$0xFFFFFFF0] =	vst v3  }
0x10f: {  	[tilespmem:s0+$0x0] =	vst v0  }
0x110: {  	[tilespmem:s0+$0x10] =	vst v1  }
0x111: {  	[tilespmem:s0+$0x20] =	vst v2  }
0x112: {  	[tilespmem:s0+$0xFFFFFFC0] =	vst v4  }
0x113: {  	[hbm4b:s19+s2] =	stream.linear.scatter [tilespmem:s28], [sflag:$0x2], $0x800, $0x38;
	[tilespmem:$0x1D6A0] =	vst v63  }
0x114: {  	_ =	swait.ge [sflag:s29], $0x800  }
0x115: {  	[sflag:s29] =	ssyncset.done $0x0  }
0x116: {  	s13 =	simm.s32 $0x1B710;
	[sflag:s29] =	ssyncadd.s32 $0xFFFFF800  }
0x117: {  	v0 =	vld [tilespmem:s13+$0x0]  }
0x118: {  	v1 =	vld [tilespmem:s13+$0xFFFFFFA0]  }
0x119: {  	v2 =	vld [tilespmem:s13+$0xFFFFFFB0]  }
0x11a: {  	v3 =	vld [tilespmem:s13+$0xFFFFFFC0]  }
0x11b: {  	v4 =	vld [tilespmem:s13+$0xFFFFFFD0]  }
0x11c: {  	v6 =	vld [tilespmem:s13+$0xFFFFFFE0]  }
0x11d: {  	v7 =	vld [tilespmem:s13+$0xFFFFFFF0]  }
0x11e: {  	v8 =	vld [tilespmem:s13+$0xFFFFFF90]  }
0x11f: {  	v9 =	vld.idx.msk [tilespmem:v0+s2+$0x0], $0xffff  }
0x120: {  	v10 =	vld.idx.msk [tilespmem:v1+s2+$0x0], $0xffff  }
0x121: {  	v5 =	vld.idx.msk [tilespmem:v2+s2+$0x0], $0xffff  }
0x122: {  	v3 =	vld.idx.msk [tilespmem:v3+s2+$0x0], $0xffff  }
0x123: {  	v0 =	vld.idx.msk [tilespmem:v4+s2+$0x0], $0xffff  }
0x124: {  	s0 =	simm.s32 $0x1C6E0;
	v1 =	vld.idx.msk [tilespmem:v6+s2+$0x0], $0xffff  }
0x125: {  	v2 =	vld.idx.msk [tilespmem:v7+s2+$0x0], $0xffff;
	[tilespmem:s0+$0x30] =	vst v9  }
0x126: {  	s1 =	simm.s32 $0x0;
	s6 =	simm.s32 $0x1B790;
	v4 =	vld.idx.msk [tilespmem:v8+s2+$0x0], $0xffff;
	[tilespmem:s0+$0xFFFFFFD0] =	vst v10  }
.LBB2_14:
0x127: {  	v6 =	vld [tilespmem:s6+$0x0];
	s1 =	sadd.s32 $0x8, s1;
	[tilespmem:s0+$0xFFFFFFE0] =	vst v5  }
0x128: {  	v5 =	vld [tilespmem:s6+$0xFFFFFFA0];
	p0 =	slt.u32 s1, $0x78;
	[tilespmem:s0+$0xFFFFFFF0] =	vst v3  }
0x129: {  	v3 =	vld [tilespmem:s6+$0xFFFFFFB0];
	[tilespmem:s0+$0x0] =	vst v0  }
0x12a: {  	v0 =	vld [tilespmem:s6+$0xFFFFFFC0];
	[tilespmem:s0+$0x10] =	vst v1  }
0x12b: {  	v1 =	vld [tilespmem:s6+$0xFFFFFFD0];
	[tilespmem:s0+$0x20] =	vst v2  }
0x12c: {  	v2 =	vld [tilespmem:s6+$0xFFFFFFE0];
	[tilespmem:s0+$0xFFFFFFC0] =	vst v4  }
0x12d: {  	v4 =	vld [tilespmem:s6+$0xFFFFFFF0]  }
0x12e: {  	v7 =	vld [tilespmem:s6+$0xFFFFFF90]  }
0x12f: {  	v6 =	vld.idx.msk [tilespmem:v6+s2+$0x0], $0xffff  }
0x130: {  	v8 =	vld.idx.msk [tilespmem:v5+s2+$0x0], $0xffff  }
0x131: {  	v5 =	vld.idx.msk [tilespmem:v3+s2+$0x0], $0xffff  }
.Ltmp6:
0x132: {  	v3 =	vld.idx.msk [tilespmem:v0+s2+$0x0], $0xffff;
	(pc) =	sbr.rel @p0 .LBB2_14-.Ltmp6, $4  }
0x133: {  	v0 =	vld.idx.msk [tilespmem:v1+s2+$0x0], $0xffff  }
0x134: {  	s0 =	sadd.s32 $0x80, s0;
	v1 =	vld.idx.msk [tilespmem:v2+s2+$0x0], $0xffff  }
0x135: {  	v2 =	vld.idx.msk [tilespmem:v4+s2+$0x0], $0xffff;
	[tilespmem:s0+$0x30] =	vst v6  }
0x136: {  	s6 =	sadd.s32 $0x80, s6;
	v4 =	vld.idx.msk [tilespmem:v7+s2+$0x0], $0xffff;
	[tilespmem:s0+$0xFFFFFFD0] =	vst v8  }
0x137: {  	[tilespmem:s0+$0xFFFFFFE0] =	vst v5  }
0x138: {  	[tilespmem:s0+$0xFFFFFFF0] =	vst v3  }
0x139: {  	[tilespmem:s0+$0x0] =	vst v0  }
0x13a: {  	[tilespmem:s0+$0x10] =	vst v1  }
0x13b: {  	[tilespmem:s0+$0x20] =	vst v2  }
0x13c: {  	[tilespmem:s0+$0xFFFFFFC0] =	vst v4  }
0x13d: {  	[hbm4b:s20+s2] =	stream.linear.scatter [tilespmem:s26], [sflag:$0x1], $0x800, $0x38;
	[tilespmem:$0x1D6A0] =	vst v63  }
0x13e: {  	_ =	swait.ge [sflag:s30], $0x800  }
0x13f: {  	[sflag:s30] =	ssyncset.done $0x0  }
0x140: {  	s13 =	simm.s32 $0x1BF10;
	[sflag:s30] =	ssyncadd.s32 $0xFFFFF800  }
0x141: {  	v0 =	vld [tilespmem:s13+$0x0]  }
0x142: {  	v1 =	vld [tilespmem:s13+$0xFFFFFFA0]  }
0x143: {  	v2 =	vld [tilespmem:s13+$0xFFFFFFB0]  }
0x144: {  	v3 =	vld [tilespmem:s13+$0xFFFFFFC0]  }
0x145: {  	v4 =	vld [tilespmem:s13+$0xFFFFFFD0]  }
0x146: {  	v6 =	vld [tilespmem:s13+$0xFFFFFFE0]  }
0x147: {  	v7 =	vld [tilespmem:s13+$0xFFFFFFF0]  }
0x148: {  	v8 =	vld [tilespmem:s13+$0xFFFFFF90]  }
0x149: {  	v9 =	vld.idx.msk [tilespmem:v0+s2+$0x0], $0xffff  }
0x14a: {  	v10 =	vld.idx.msk [tilespmem:v1+s2+$0x0], $0xffff  }
0x14b: {  	v5 =	vld.idx.msk [tilespmem:v2+s2+$0x0], $0xffff  }
0x14c: {  	v3 =	vld.idx.msk [tilespmem:v3+s2+$0x0], $0xffff  }
0x14d: {  	v0 =	vld.idx.msk [tilespmem:v4+s2+$0x0], $0xffff  }
0x14e: {  	s0 =	simm.s32 $0x1CEE0;
	v1 =	vld.idx.msk [tilespmem:v6+s2+$0x0], $0xffff  }
0x14f: {  	v2 =	vld.idx.msk [tilespmem:v7+s2+$0x0], $0xffff;
	[tilespmem:s0+$0x30] =	vst v9  }
0x150: {  	s1 =	simm.s32 $0x0;
	s6 =	simm.s32 $0x1BF90;
	v4 =	vld.idx.msk [tilespmem:v8+s2+$0x0], $0xffff;
	[tilespmem:s0+$0xFFFFFFD0] =	vst v10  }
.LBB2_16:
0x151: {  	v6 =	vld [tilespmem:s6+$0x0];
	s1 =	sadd.s32 $0x8, s1;
	[tilespmem:s0+$0xFFFFFFE0] =	vst v5  }
0x152: {  	v5 =	vld [tilespmem:s6+$0xFFFFFFA0];
	p0 =	slt.u32 s1, $0x78;
	[tilespmem:s0+$0xFFFFFFF0] =	vst v3  }
0x153: {  	v3 =	vld [tilespmem:s6+$0xFFFFFFB0];
	[tilespmem:s0+$0x0] =	vst v0  }
0x154: {  	v0 =	vld [tilespmem:s6+$0xFFFFFFC0];
	[tilespmem:s0+$0x10] =	vst v1  }
0x155: {  	v1 =	vld [tilespmem:s6+$0xFFFFFFD0];
	[tilespmem:s0+$0x20] =	vst v2  }
0x156: {  	v2 =	vld [tilespmem:s6+$0xFFFFFFE0];
	[tilespmem:s0+$0xFFFFFFC0] =	vst v4  }
0x157: {  	v4 =	vld [tilespmem:s6+$0xFFFFFFF0]  }
0x158: {  	v7 =	vld [tilespmem:s6+$0xFFFFFF90]  }
0x159: {  	v6 =	vld.idx.msk [tilespmem:v6+s2+$0x0], $0xffff  }
0x15a: {  	v8 =	vld.idx.msk [tilespmem:v5+s2+$0x0], $0xffff  }
0x15b: {  	v5 =	vld.idx.msk [tilespmem:v3+s2+$0x0], $0xffff  }
.Ltmp7:
0x15c: {  	v3 =	vld.idx.msk [tilespmem:v0+s2+$0x0], $0xffff;
	(pc) =	sbr.rel @p0 .LBB2_16-.Ltmp7, $4  }
0x15d: {  	v0 =	vld.idx.msk [tilespmem:v1+s2+$0x0], $0xffff  }
0x15e: {  	s0 =	sadd.s32 $0x80, s0;
	v1 =	vld.idx.msk [tilespmem:v2+s2+$0x0], $0xffff  }
0x15f: {  	v2 =	vld.idx.msk [tilespmem:v4+s2+$0x0], $0xffff;
	[tilespmem:s0+$0x30] =	vst v6  }
0x160: {  	s6 =	sadd.s32 $0x80, s6;
	v4 =	vld.idx.msk [tilespmem:v7+s2+$0x0], $0xffff;
	[tilespmem:s0+$0xFFFFFFD0] =	vst v8  }
0x161: {  	[tilespmem:s0+$0xFFFFFFE0] =	vst v5  }
0x162: {  	[tilespmem:s0+$0xFFFFFFF0] =	vst v3  }
0x163: {  	[tilespmem:s0+$0x0] =	vst v0  }
0x164: {  	[tilespmem:s0+$0x10] =	vst v1  }
0x165: {  	[tilespmem:s0+$0x20] =	vst v2  }
0x166: {  	[tilespmem:s0+$0xFFFFFFC0] =	vst v4;
	s0 =	simm.s32 $0x1  }
0x167: {  	[hbm4b:s22+s2] =	stream.linear.scatter [tilespmem:s28], [sflag:$0x2], $0x800, $0x38;
	[tilespmem:$0x1D6A0] =	vst v63  }
.LBB2_18:
0x168: {  	s1 =	sshll.u32 s0, $0x5  }
0x169: {  	s1 =	sor.u32 s3, s1  }
0x16a: {  	s6 =	smul.u32 $0x30D4, s1;
	_ =	sdelay $0x1  }
0x16b: {  	s6 =	sadd.s32 s4, s6  }
0x16c: {  	[tilespmem:s2], [sflag:$0x3] =	stream.linear.gather [hbm4b:s6+s2], $0x186A0, $0x38;
	[tilespmem:$0x1D6A0] =	vst v63  }
0x16d: {  	_ =	swait.ge [sflag:s24], $0x186A0  }
0x16e: {  	s10 =	sshll.u32 s0, $0xB;
	[sflag:s24] =	ssyncset.done $0x0  }
0x16f: {  	s6 =	sadd.s32 s10, s7;
	[sflag:s24] =	ssyncadd.s32 $0xFFFE7960  }
0x170: {  	[tilespmem:s25], [sflag:$0x3] =	stream.linear.gather [hbm4b:s6+s2], $0x4000, $0x38;
	[tilespmem:$0x1D6A0] =	vst v63  }
0x171: {  	_ =	swait.ge [sflag:s24], $0x4000  }
0x172: {  	[sflag:s24] =	ssyncset.done $0x0  }
0x173: {  	[sflag:s24] =	ssyncadd.s32 $0xFFFFC000  }
0x174: {  	_ =	swait.ge [sflag:s29], $0x800  }
0x175: {  	[sflag:s29] =	ssyncset.done $0x0  }
0x176: {  	s13 =	simm.s32 $0x186E0;
	[sflag:s29] =	ssyncadd.s32 $0xFFFFF800  }
0x177: {  	v0 =	vld [tilespmem:s13+$0x30]  }
0x178: {  	v1 =	vld [tilespmem:s13+$0xFFFFFFD0]  }
0x179: {  	v2 =	vld [tilespmem:s13+$0xFFFFFFE0]  }
0x17a: {  	v3 =	vld [tilespmem:s13+$0xFFFFFFF0]  }
0x17b: {  	v5 =	vld [tilespmem:s13+$0x0]  }
0x17c: {  	v6 =	vld [tilespmem:s13+$0x10]  }
0x17d: {  	v7 =	vld [tilespmem:s13+$0x20]  }
0x17e: {  	v8 =	vld [tilespmem:s13+$0xFFFFFFC0]  }
0x17f: {  	v9 =	vld.idx.msk [tilespmem:v0+s2+$0x0], $0xffff  }
0x180: {  	v10 =	vld.idx.msk [tilespmem:v1+s2+$0x0], $0xffff  }
0x181: {  	v4 =	vld.idx.msk [tilespmem:v2+s2+$0x0], $0xffff  }
0x182: {  	v2 =	vld.idx.msk [tilespmem:v3+s2+$0x0], $0xffff  }
0x183: {  	v0 =	vld.idx.msk [tilespmem:v5+s2+$0x0], $0xffff  }
0x184: {  	s6 =	simm.s32 $0x1C6E0;
	v1 =	vld.idx.msk [tilespmem:v6+s2+$0x0], $0xffff  }
0x185: {  	s1 =	sshll.u32 s1, $0xB;
	v3 =	vld.idx.msk [tilespmem:v7+s2+$0x0], $0xffff;
	[tilespmem:s6+$0x30] =	vst v9  }
0x186: {  	s8 =	sadd.s32 s5, s1;
	s10 =	simm.s32 $0x0;
	s13 =	simm.s32 $0x18760;
	v5 =	vld.idx.msk [tilespmem:v8+s2+$0x0], $0xffff;
	[tilespmem:s6+$0xFFFFFFD0] =	vst v10  }
.LBB2_19:
0x187: {  	v6 =	vld [tilespmem:s13+$0x30];
	s10 =	sadd.s32 $0x8, s10;
	[tilespmem:s6+$0xFFFFFFE0] =	vst v4  }
0x188: {  	v4 =	vld [tilespmem:s13+$0xFFFFFFD0];
	p0 =	slt.u32 s10, $0x78;
	[tilespmem:s6+$0xFFFFFFF0] =	vst v2  }
0x189: {  	v2 =	vld [tilespmem:s13+$0xFFFFFFE0];
	[tilespmem:s6+$0x0] =	vst v0  }
0x18a: {  	v0 =	vld [tilespmem:s13+$0xFFFFFFF0];
	[tilespmem:s6+$0x10] =	vst v1  }
0x18b: {  	v1 =	vld [tilespmem:s13+$0x0];
	[tilespmem:s6+$0x20] =	vst v3  }
0x18c: {  	v3 =	vld [tilespmem:s13+$0x10];
	[tilespmem:s6+$0xFFFFFFC0] =	vst v5  }
0x18d: {  	v5 =	vld [tilespmem:s13+$0x20]  }
0x18e: {  	v7 =	vld [tilespmem:s13+$0xFFFFFFC0]  }
0x18f: {  	v6 =	vld.idx.msk [tilespmem:v6+s2+$0x0], $0xffff  }
0x190: {  	v8 =	vld.idx.msk [tilespmem:v4+s2+$0x0], $0xffff  }
0x191: {  	v4 =	vld.idx.msk [tilespmem:v2+s2+$0x0], $0xffff  }
.Ltmp8:
0x192: {  	v2 =	vld.idx.msk [tilespmem:v0+s2+$0x0], $0xffff;
	(pc) =	sbr.rel @p0 .LBB2_19-.Ltmp8, $4  }
0x193: {  	v0 =	vld.idx.msk [tilespmem:v1+s2+$0x0], $0xffff  }
0x194: {  	s6 =	sadd.s32 $0x80, s6;
	v1 =	vld.idx.msk [tilespmem:v3+s2+$0x0], $0xffff  }
0x195: {  	v3 =	vld.idx.msk [tilespmem:v5+s2+$0x0], $0xffff;
	[tilespmem:s6+$0x30] =	vst v6  }
0x196: {  	s13 =	sadd.s32 $0x80, s13;
	v5 =	vld.idx.msk [tilespmem:v7+s2+$0x0], $0xffff;
	[tilespmem:s6+$0xFFFFFFD0] =	vst v8  }
0x197: {  	[tilespmem:s6+$0xFFFFFFE0] =	vst v4  }
0x198: {  	[tilespmem:s6+$0xFFFFFFF0] =	vst v2  }
0x199: {  	[tilespmem:s6+$0x0] =	vst v0  }
0x19a: {  	[tilespmem:s6+$0x10] =	vst v1  }
0x19b: {  	[tilespmem:s6+$0x20] =	vst v3  }
0x19c: {  	[tilespmem:s6+$0xFFFFFFC0] =	vst v5  }
0x19d: {  	[hbm4b:s8+s2] =	stream.linear.scatter [tilespmem:s26], [sflag:$0x1], $0x800, $0x38;
	[tilespmem:$0x1D6A0] =	vst v63  }
0x19e: {  	_ =	swait.ge [sflag:s30], $0x800  }
0x19f: {  	[sflag:s30] =	ssyncset.done $0x0  }
0x1a0: {  	s13 =	simm.s32 $0x18F10;
	[sflag:s30] =	ssyncadd.s32 $0xFFFFF800  }
0x1a1: {  	v0 =	vld [tilespmem:s13+$0x0]  }
0x1a2: {  	v1 =	vld [tilespmem:s13+$0xFFFFFFA0]  }
0x1a3: {  	v2 =	vld [tilespmem:s13+$0xFFFFFFB0]  }
0x1a4: {  	v3 =	vld [tilespmem:s13+$0xFFFFFFC0]  }
0x1a5: {  	v4 =	vld [tilespmem:s13+$0xFFFFFFD0]  }
0x1a6: {  	v6 =	vld [tilespmem:s13+$0xFFFFFFE0]  }
0x1a7: {  	v7 =	vld [tilespmem:s13+$0xFFFFFFF0]  }
0x1a8: {  	v8 =	vld [tilespmem:s13+$0xFFFFFF90]  }
0x1a9: {  	v9 =	vld.idx.msk [tilespmem:v0+s2+$0x0], $0xffff  }
0x1aa: {  	v10 =	vld.idx.msk [tilespmem:v1+s2+$0x0], $0xffff  }
0x1ab: {  	v5 =	vld.idx.msk [tilespmem:v2+s2+$0x0], $0xffff  }
0x1ac: {  	v3 =	vld.idx.msk [tilespmem:v3+s2+$0x0], $0xffff  }
0x1ad: {  	v0 =	vld.idx.msk [tilespmem:v4+s2+$0x0], $0xffff  }
0x1ae: {  	s6 =	simm.s32 $0x1CEE0;
	v1 =	vld.idx.msk [tilespmem:v6+s2+$0x0], $0xffff  }
0x1af: {  	v2 =	vld.idx.msk [tilespmem:v7+s2+$0x0], $0xffff;
	[tilespmem:s6+$0x30] =	vst v9  }
0x1b0: {  	s10 =	simm.s32 $0x18F90;
	s8 =	simm.s32 $0x0;
	v4 =	vld.idx.msk [tilespmem:v8+s2+$0x0], $0xffff;
	[tilespmem:s6+$0xFFFFFFD0] =	vst v10  }
.LBB2_21:
0x1b1: {  	v6 =	vld [tilespmem:s10+$0x0];
	s8 =	sadd.s32 $0x8, s8;
	[tilespmem:s6+$0xFFFFFFE0] =	vst v5  }
0x1b2: {  	v5 =	vld [tilespmem:s10+$0xFFFFFFA0];
	p0 =	slt.u32 s8, $0x78;
	[tilespmem:s6+$0xFFFFFFF0] =	vst v3  }
0x1b3: {  	v3 =	vld [tilespmem:s10+$0xFFFFFFB0];
	[tilespmem:s6+$0x0] =	vst v0  }
0x1b4: {  	v0 =	vld [tilespmem:s10+$0xFFFFFFC0];
	[tilespmem:s6+$0x10] =	vst v1  }
0x1b5: {  	v1 =	vld [tilespmem:s10+$0xFFFFFFD0];
	[tilespmem:s6+$0x20] =	vst v2  }
0x1b6: {  	v2 =	vld [tilespmem:s10+$0xFFFFFFE0];
	[tilespmem:s6+$0xFFFFFFC0] =	vst v4  }
0x1b7: {  	v4 =	vld [tilespmem:s10+$0xFFFFFFF0]  }
0x1b8: {  	v7 =	vld [tilespmem:s10+$0xFFFFFF90]  }
0x1b9: {  	v6 =	vld.idx.msk [tilespmem:v6+s2+$0x0], $0xffff  }
0x1ba: {  	v8 =	vld.idx.msk [tilespmem:v5+s2+$0x0], $0xffff  }
0x1bb: {  	v5 =	vld.idx.msk [tilespmem:v3+s2+$0x0], $0xffff  }
.Ltmp9:
0x1bc: {  	v3 =	vld.idx.msk [tilespmem:v0+s2+$0x0], $0xffff;
	(pc) =	sbr.rel @p0 .LBB2_21-.Ltmp9, $4  }
0x1bd: {  	v0 =	vld.idx.msk [tilespmem:v1+s2+$0x0], $0xffff  }
0x1be: {  	s6 =	sadd.s32 $0x80, s6;
	v1 =	vld.idx.msk [tilespmem:v2+s2+$0x0], $0xffff  }
0x1bf: {  	v2 =	vld.idx.msk [tilespmem:v4+s2+$0x0], $0xffff;
	[tilespmem:s6+$0x30] =	vst v6  }
0x1c0: {  	s10 =	sadd.s32 $0x80, s10;
	v4 =	vld.idx.msk [tilespmem:v7+s2+$0x0], $0xffff;
	[tilespmem:s6+$0xFFFFFFD0] =	vst v8  }
0x1c1: {  	[tilespmem:s6+$0xFFFFFFE0] =	vst v5  }
0x1c2: {  	[tilespmem:s6+$0xFFFFFFF0] =	vst v3  }
0x1c3: {  	[tilespmem:s6+$0x0] =	vst v0  }
0x1c4: {  	[tilespmem:s6+$0x10] =	vst v1  }
0x1c5: {  	[tilespmem:s6+$0x20] =	vst v2  }
0x1c6: {  	s10 =	sadd.s32 s1, s9;
	[tilespmem:s6+$0xFFFFFFC0] =	vst v4  }
0x1c7: {  	[hbm4b:s10+s2] =	stream.linear.scatter [tilespmem:s28], [sflag:$0x2], $0x800, $0x38;
	[tilespmem:$0x1D6A0] =	vst v63  }
0x1c8: {  	_ =	swait.ge [sflag:s29], $0x800  }
0x1c9: {  	[sflag:s29] =	ssyncset.done $0x0  }
0x1ca: {  	s13 =	simm.s32 $0x19710;
	[sflag:s29] =	ssyncadd.s32 $0xFFFFF800  }
0x1cb: {  	v0 =	vld [tilespmem:s13+$0x0]  }
0x1cc: {  	v1 =	vld [tilespmem:s13+$0xFFFFFFA0]  }
0x1cd: {  	v2 =	vld [tilespmem:s13+$0xFFFFFFB0]  }
0x1ce: {  	v3 =	vld [tilespmem:s13+$0xFFFFFFC0]  }
0x1cf: {  	v4 =	vld [tilespmem:s13+$0xFFFFFFD0]  }
0x1d0: {  	v6 =	vld [tilespmem:s13+$0xFFFFFFE0]  }
0x1d1: {  	v7 =	vld [tilespmem:s13+$0xFFFFFFF0]  }
0x1d2: {  	v8 =	vld [tilespmem:s13+$0xFFFFFF90]  }
0x1d3: {  	v9 =	vld.idx.msk [tilespmem:v0+s2+$0x0], $0xffff  }
0x1d4: {  	v10 =	vld.idx.msk [tilespmem:v1+s2+$0x0], $0xffff  }
0x1d5: {  	v5 =	vld.idx.msk [tilespmem:v2+s2+$0x0], $0xffff  }
0x1d6: {  	v3 =	vld.idx.msk [tilespmem:v3+s2+$0x0], $0xffff  }
0x1d7: {  	v0 =	vld.idx.msk [tilespmem:v4+s2+$0x0], $0xffff  }
0x1d8: {  	s6 =	simm.s32 $0x1C6E0;
	v1 =	vld.idx.msk [tilespmem:v6+s2+$0x0], $0xffff  }
0x1d9: {  	v2 =	vld.idx.msk [tilespmem:v7+s2+$0x0], $0xffff;
	[tilespmem:s6+$0x30] =	vst v9  }
0x1da: {  	s8 =	simm.s32 $0x0;
	s10 =	simm.s32 $0x19790;
	v4 =	vld.idx.msk [tilespmem:v8+s2+$0x0], $0xffff;
	[tilespmem:s6+$0xFFFFFFD0] =	vst v10  }
.LBB2_23:
0x1db: {  	v6 =	vld [tilespmem:s10+$0x0];
	s8 =	sadd.s32 $0x8, s8;
	[tilespmem:s6+$0xFFFFFFE0] =	vst v5  }
0x1dc: {  	v5 =	vld [tilespmem:s10+$0xFFFFFFA0];
	p0 =	slt.u32 s8, $0x78;
	[tilespmem:s6+$0xFFFFFFF0] =	vst v3  }
0x1dd: {  	v3 =	vld [tilespmem:s10+$0xFFFFFFB0];
	[tilespmem:s6+$0x0] =	vst v0  }
0x1de: {  	v0 =	vld [tilespmem:s10+$0xFFFFFFC0];
	[tilespmem:s6+$0x10] =	vst v1  }
0x1df: {  	v1 =	vld [tilespmem:s10+$0xFFFFFFD0];
	[tilespmem:s6+$0x20] =	vst v2  }
0x1e0: {  	v2 =	vld [tilespmem:s10+$0xFFFFFFE0];
	[tilespmem:s6+$0xFFFFFFC0] =	vst v4  }
0x1e1: {  	v4 =	vld [tilespmem:s10+$0xFFFFFFF0]  }
0x1e2: {  	v7 =	vld [tilespmem:s10+$0xFFFFFF90]  }
0x1e3: {  	v6 =	vld.idx.msk [tilespmem:v6+s2+$0x0], $0xffff  }
0x1e4: {  	v8 =	vld.idx.msk [tilespmem:v5+s2+$0x0], $0xffff  }
0x1e5: {  	v5 =	vld.idx.msk [tilespmem:v3+s2+$0x0], $0xffff  }
.Ltmp10:
0x1e6: {  	v3 =	vld.idx.msk [tilespmem:v0+s2+$0x0], $0xffff;
	(pc) =	sbr.rel @p0 .LBB2_23-.Ltmp10, $4  }
0x1e7: {  	v0 =	vld.idx.msk [tilespmem:v1+s2+$0x0], $0xffff  }
0x1e8: {  	s6 =	sadd.s32 $0x80, s6;
	v1 =	vld.idx.msk [tilespmem:v2+s2+$0x0], $0xffff  }
0x1e9: {  	v2 =	vld.idx.msk [tilespmem:v4+s2+$0x0], $0xffff;
	[tilespmem:s6+$0x30] =	vst v6  }
0x1ea: {  	s10 =	sadd.s32 $0x80, s10;
	v4 =	vld.idx.msk [tilespmem:v7+s2+$0x0], $0xffff;
	[tilespmem:s6+$0xFFFFFFD0] =	vst v8  }
0x1eb: {  	[tilespmem:s6+$0xFFFFFFE0] =	vst v5  }
0x1ec: {  	[tilespmem:s6+$0xFFFFFFF0] =	vst v3  }
0x1ed: {  	[tilespmem:s6+$0x0] =	vst v0  }
0x1ee: {  	[tilespmem:s6+$0x10] =	vst v1  }
0x1ef: {  	[tilespmem:s6+$0x20] =	vst v2  }
0x1f0: {  	s10 =	sadd.s32 s1, s11;
	[tilespmem:s6+$0xFFFFFFC0] =	vst v4  }
0x1f1: {  	[hbm4b:s10+s2] =	stream.linear.scatter [tilespmem:s26], [sflag:$0x1], $0x800, $0x38;
	[tilespmem:$0x1D6A0] =	vst v63  }
0x1f2: {  	_ =	swait.ge [sflag:s30], $0x800  }
0x1f3: {  	[sflag:s30] =	ssyncset.done $0x0  }
0x1f4: {  	s13 =	simm.s32 $0x19F10;
	[sflag:s30] =	ssyncadd.s32 $0xFFFFF800  }
0x1f5: {  	v0 =	vld [tilespmem:s13+$0x0]  }
0x1f6: {  	v1 =	vld [tilespmem:s13+$0xFFFFFFA0]  }
0x1f7: {  	v2 =	vld [tilespmem:s13+$0xFFFFFFB0]  }
0x1f8: {  	v3 =	vld [tilespmem:s13+$0xFFFFFFC0]  }
0x1f9: {  	v4 =	vld [tilespmem:s13+$0xFFFFFFD0]  }
0x1fa: {  	v6 =	vld [tilespmem:s13+$0xFFFFFFE0]  }
0x1fb: {  	v7 =	vld [tilespmem:s13+$0xFFFFFFF0]  }
0x1fc: {  	v8 =	vld [tilespmem:s13+$0xFFFFFF90]  }
0x1fd: {  	v9 =	vld.idx.msk [tilespmem:v0+s2+$0x0], $0xffff  }
0x1fe: {  	v10 =	vld.idx.msk [tilespmem:v1+s2+$0x0], $0xffff  }
0x1ff: {  	v5 =	vld.idx.msk [tilespmem:v2+s2+$0x0], $0xffff  }
0x200: {  	v3 =	vld.idx.msk [tilespmem:v3+s2+$0x0], $0xffff  }
0x201: {  	v0 =	vld.idx.msk [tilespmem:v4+s2+$0x0], $0xffff  }
0x202: {  	s6 =	simm.s32 $0x1CEE0;
	v1 =	vld.idx.msk [tilespmem:v6+s2+$0x0], $0xffff  }
0x203: {  	v2 =	vld.idx.msk [tilespmem:v7+s2+$0x0], $0xffff;
	[tilespmem:s6+$0x30] =	vst v9  }
0x204: {  	s8 =	simm.s32 $0x0;
	s10 =	simm.s32 $0x19F90;
	v4 =	vld.idx.msk [tilespmem:v8+s2+$0x0], $0xffff;
	[tilespmem:s6+$0xFFFFFFD0] =	vst v10  }
.LBB2_25:
0x205: {  	v6 =	vld [tilespmem:s10+$0x0];
	s8 =	sadd.s32 $0x8, s8;
	[tilespmem:s6+$0xFFFFFFE0] =	vst v5  }
0x206: {  	v5 =	vld [tilespmem:s10+$0xFFFFFFA0];
	p0 =	slt.u32 s8, $0x78;
	[tilespmem:s6+$0xFFFFFFF0] =	vst v3  }
0x207: {  	v3 =	vld [tilespmem:s10+$0xFFFFFFB0];
	[tilespmem:s6+$0x0] =	vst v0  }
0x208: {  	v0 =	vld [tilespmem:s10+$0xFFFFFFC0];
	[tilespmem:s6+$0x10] =	vst v1  }
0x209: {  	v1 =	vld [tilespmem:s10+$0xFFFFFFD0];
	[tilespmem:s6+$0x20] =	vst v2  }
0x20a: {  	v2 =	vld [tilespmem:s10+$0xFFFFFFE0];
	[tilespmem:s6+$0xFFFFFFC0] =	vst v4  }
0x20b: {  	v4 =	vld [tilespmem:s10+$0xFFFFFFF0]  }
0x20c: {  	v7 =	vld [tilespmem:s10+$0xFFFFFF90]  }
0x20d: {  	v6 =	vld.idx.msk [tilespmem:v6+s2+$0x0], $0xffff  }
0x20e: {  	v8 =	vld.idx.msk [tilespmem:v5+s2+$0x0], $0xffff  }
0x20f: {  	v5 =	vld.idx.msk [tilespmem:v3+s2+$0x0], $0xffff  }
.Ltmp11:
0x210: {  	v3 =	vld.idx.msk [tilespmem:v0+s2+$0x0], $0xffff;
	(pc) =	sbr.rel @p0 .LBB2_25-.Ltmp11, $4  }
0x211: {  	v0 =	vld.idx.msk [tilespmem:v1+s2+$0x0], $0xffff  }
0x212: {  	s6 =	sadd.s32 $0x80, s6;
	v1 =	vld.idx.msk [tilespmem:v2+s2+$0x0], $0xffff  }
0x213: {  	v2 =	vld.idx.msk [tilespmem:v4+s2+$0x0], $0xffff;
	[tilespmem:s6+$0x30] =	vst v6  }
0x214: {  	s10 =	sadd.s32 $0x80, s10;
	v4 =	vld.idx.msk [tilespmem:v7+s2+$0x0], $0xffff;
	[tilespmem:s6+$0xFFFFFFD0] =	vst v8  }
0x215: {  	[tilespmem:s6+$0xFFFFFFE0] =	vst v5  }
0x216: {  	[tilespmem:s6+$0xFFFFFFF0] =	vst v3  }
0x217: {  	[tilespmem:s6+$0x0] =	vst v0  }
0x218: {  	[tilespmem:s6+$0x10] =	vst v1  }
0x219: {  	[tilespmem:s6+$0x20] =	vst v2  }
0x21a: {  	s10 =	sadd.s32 s1, s12;
	[tilespmem:s6+$0xFFFFFFC0] =	vst v4  }
0x21b: {  	[hbm4b:s10+s2] =	stream.linear.scatter [tilespmem:s28], [sflag:$0x2], $0x800, $0x38;
	[tilespmem:$0x1D6A0] =	vst v63  }
0x21c: {  	_ =	swait.ge [sflag:s29], $0x800  }
0x21d: {  	[sflag:s29] =	ssyncset.done $0x0  }
0x21e: {  	s13 =	simm.s32 $0x1A710;
	[sflag:s29] =	ssyncadd.s32 $0xFFFFF800  }
0x21f: {  	v0 =	vld [tilespmem:s13+$0x0]  }
0x220: {  	v1 =	vld [tilespmem:s13+$0xFFFFFFA0]  }
0x221: {  	v2 =	vld [tilespmem:s13+$0xFFFFFFB0]  }
0x222: {  	v3 =	vld [tilespmem:s13+$0xFFFFFFC0]  }
0x223: {  	v4 =	vld [tilespmem:s13+$0xFFFFFFD0]  }
0x224: {  	v6 =	vld [tilespmem:s13+$0xFFFFFFE0]  }
0x225: {  	v7 =	vld [tilespmem:s13+$0xFFFFFFF0]  }
0x226: {  	v8 =	vld [tilespmem:s13+$0xFFFFFF90]  }
0x227: {  	v9 =	vld.idx.msk [tilespmem:v0+s2+$0x0], $0xffff  }
0x228: {  	v10 =	vld.idx.msk [tilespmem:v1+s2+$0x0], $0xffff  }
0x229: {  	v5 =	vld.idx.msk [tilespmem:v2+s2+$0x0], $0xffff  }
0x22a: {  	v3 =	vld.idx.msk [tilespmem:v3+s2+$0x0], $0xffff  }
0x22b: {  	v0 =	vld.idx.msk [tilespmem:v4+s2+$0x0], $0xffff  }
0x22c: {  	s6 =	simm.s32 $0x1C6E0;
	v1 =	vld.idx.msk [tilespmem:v6+s2+$0x0], $0xffff  }
0x22d: {  	v2 =	vld.idx.msk [tilespmem:v7+s2+$0x0], $0xffff;
	[tilespmem:s6+$0x30] =	vst v9  }
0x22e: {  	s8 =	simm.s32 $0x0;
	s10 =	simm.s32 $0x1A790;
	v4 =	vld.idx.msk [tilespmem:v8+s2+$0x0], $0xffff;
	[tilespmem:s6+$0xFFFFFFD0] =	vst v10  }
.LBB2_27:
0x22f: {  	v6 =	vld [tilespmem:s10+$0x0];
	s8 =	sadd.s32 $0x8, s8;
	[tilespmem:s6+$0xFFFFFFE0] =	vst v5  }
0x230: {  	v5 =	vld [tilespmem:s10+$0xFFFFFFA0];
	p0 =	slt.u32 s8, $0x78;
	[tilespmem:s6+$0xFFFFFFF0] =	vst v3  }
0x231: {  	v3 =	vld [tilespmem:s10+$0xFFFFFFB0];
	[tilespmem:s6+$0x0] =	vst v0  }
0x232: {  	v0 =	vld [tilespmem:s10+$0xFFFFFFC0];
	[tilespmem:s6+$0x10] =	vst v1  }
0x233: {  	v1 =	vld [tilespmem:s10+$0xFFFFFFD0];
	[tilespmem:s6+$0x20] =	vst v2  }
0x234: {  	v2 =	vld [tilespmem:s10+$0xFFFFFFE0];
	[tilespmem:s6+$0xFFFFFFC0] =	vst v4  }
0x235: {  	v4 =	vld [tilespmem:s10+$0xFFFFFFF0]  }
0x236: {  	v7 =	vld [tilespmem:s10+$0xFFFFFF90]  }
0x237: {  	v6 =	vld.idx.msk [tilespmem:v6+s2+$0x0], $0xffff  }
0x238: {  	v8 =	vld.idx.msk [tilespmem:v5+s2+$0x0], $0xffff  }
0x239: {  	v5 =	vld.idx.msk [tilespmem:v3+s2+$0x0], $0xffff  }
.Ltmp12:
0x23a: {  	v3 =	vld.idx.msk [tilespmem:v0+s2+$0x0], $0xffff;
	(pc) =	sbr.rel @p0 .LBB2_27-.Ltmp12, $4  }
0x23b: {  	v0 =	vld.idx.msk [tilespmem:v1+s2+$0x0], $0xffff  }
0x23c: {  	s6 =	sadd.s32 $0x80, s6;
	v1 =	vld.idx.msk [tilespmem:v2+s2+$0x0], $0xffff  }
0x23d: {  	v2 =	vld.idx.msk [tilespmem:v4+s2+$0x0], $0xffff;
	[tilespmem:s6+$0x30] =	vst v6  }
0x23e: {  	s10 =	sadd.s32 $0x80, s10;
	v4 =	vld.idx.msk [tilespmem:v7+s2+$0x0], $0xffff;
	[tilespmem:s6+$0xFFFFFFD0] =	vst v8  }
0x23f: {  	[tilespmem:s6+$0xFFFFFFE0] =	vst v5  }
0x240: {  	[tilespmem:s6+$0xFFFFFFF0] =	vst v3  }
0x241: {  	[tilespmem:s6+$0x0] =	vst v0  }
0x242: {  	[tilespmem:s6+$0x10] =	vst v1  }
0x243: {  	[tilespmem:s6+$0x20] =	vst v2  }
0x244: {  	s10 =	sadd.s32 s1, s15;
	[tilespmem:s6+$0xFFFFFFC0] =	vst v4  }
0x245: {  	[hbm4b:s10+s2] =	stream.linear.scatter [tilespmem:s26], [sflag:$0x1], $0x800, $0x38;
	[tilespmem:$0x1D6A0] =	vst v63  }
0x246: {  	_ =	swait.ge [sflag:s30], $0x800  }
0x247: {  	[sflag:s30] =	ssyncset.done $0x0  }
0x248: {  	s13 =	simm.s32 $0x1AF10;
	[sflag:s30] =	ssyncadd.s32 $0xFFFFF800  }
0x249: {  	v0 =	vld [tilespmem:s13+$0x0]  }
0x24a: {  	v1 =	vld [tilespmem:s13+$0xFFFFFFA0]  }
0x24b: {  	v2 =	vld [tilespmem:s13+$0xFFFFFFB0]  }
0x24c: {  	v3 =	vld [tilespmem:s13+$0xFFFFFFC0]  }
0x24d: {  	v4 =	vld [tilespmem:s13+$0xFFFFFFD0]  }
0x24e: {  	v6 =	vld [tilespmem:s13+$0xFFFFFFE0]  }
0x24f: {  	v7 =	vld [tilespmem:s13+$0xFFFFFFF0]  }
0x250: {  	v8 =	vld [tilespmem:s13+$0xFFFFFF90]  }
0x251: {  	v9 =	vld.idx.msk [tilespmem:v0+s2+$0x0], $0xffff  }
0x252: {  	v10 =	vld.idx.msk [tilespmem:v1+s2+$0x0], $0xffff  }
0x253: {  	v5 =	vld.idx.msk [tilespmem:v2+s2+$0x0], $0xffff  }
0x254: {  	v3 =	vld.idx.msk [tilespmem:v3+s2+$0x0], $0xffff  }
0x255: {  	v0 =	vld.idx.msk [tilespmem:v4+s2+$0x0], $0xffff  }
0x256: {  	s6 =	simm.s32 $0x1CEE0;
	v1 =	vld.idx.msk [tilespmem:v6+s2+$0x0], $0xffff  }
0x257: {  	v2 =	vld.idx.msk [tilespmem:v7+s2+$0x0], $0xffff;
	[tilespmem:s6+$0x30] =	vst v9  }
0x258: {  	s8 =	simm.s32 $0x0;
	s10 =	simm.s32 $0x1AF90;
	v4 =	vld.idx.msk [tilespmem:v8+s2+$0x0], $0xffff;
	[tilespmem:s6+$0xFFFFFFD0] =	vst v10  }
.LBB2_29:
0x259: {  	v6 =	vld [tilespmem:s10+$0x0];
	s8 =	sadd.s32 $0x8, s8;
	[tilespmem:s6+$0xFFFFFFE0] =	vst v5  }
0x25a: {  	v5 =	vld [tilespmem:s10+$0xFFFFFFA0];
	p0 =	slt.u32 s8, $0x78;
	[tilespmem:s6+$0xFFFFFFF0] =	vst v3  }
0x25b: {  	v3 =	vld [tilespmem:s10+$0xFFFFFFB0];
	[tilespmem:s6+$0x0] =	vst v0  }
0x25c: {  	v0 =	vld [tilespmem:s10+$0xFFFFFFC0];
	[tilespmem:s6+$0x10] =	vst v1  }
0x25d: {  	v1 =	vld [tilespmem:s10+$0xFFFFFFD0];
	[tilespmem:s6+$0x20] =	vst v2  }
0x25e: {  	v2 =	vld [tilespmem:s10+$0xFFFFFFE0];
	[tilespmem:s6+$0xFFFFFFC0] =	vst v4  }
0x25f: {  	v4 =	vld [tilespmem:s10+$0xFFFFFFF0]  }
0x260: {  	v7 =	vld [tilespmem:s10+$0xFFFFFF90]  }
0x261: {  	v6 =	vld.idx.msk [tilespmem:v6+s2+$0x0], $0xffff  }
0x262: {  	v8 =	vld.idx.msk [tilespmem:v5+s2+$0x0], $0xffff  }
0x263: {  	v5 =	vld.idx.msk [tilespmem:v3+s2+$0x0], $0xffff  }
.Ltmp13:
0x264: {  	v3 =	vld.idx.msk [tilespmem:v0+s2+$0x0], $0xffff;
	(pc) =	sbr.rel @p0 .LBB2_29-.Ltmp13, $4  }
0x265: {  	v0 =	vld.idx.msk [tilespmem:v1+s2+$0x0], $0xffff  }
0x266: {  	s6 =	sadd.s32 $0x80, s6;
	v1 =	vld.idx.msk [tilespmem:v2+s2+$0x0], $0xffff  }
0x267: {  	v2 =	vld.idx.msk [tilespmem:v4+s2+$0x0], $0xffff;
	[tilespmem:s6+$0x30] =	vst v6  }
0x268: {  	s10 =	sadd.s32 $0x80, s10;
	v4 =	vld.idx.msk [tilespmem:v7+s2+$0x0], $0xffff;
	[tilespmem:s6+$0xFFFFFFD0] =	vst v8  }
0x269: {  	[tilespmem:s6+$0xFFFFFFE0] =	vst v5  }
0x26a: {  	[tilespmem:s6+$0xFFFFFFF0] =	vst v3  }
0x26b: {  	[tilespmem:s6+$0x0] =	vst v0  }
0x26c: {  	[tilespmem:s6+$0x10] =	vst v1  }
0x26d: {  	[tilespmem:s6+$0x20] =	vst v2  }
0x26e: {  	s10 =	sadd.s32 s1, s17;
	[tilespmem:s6+$0xFFFFFFC0] =	vst v4  }
0x26f: {  	[hbm4b:s10+s2] =	stream.linear.scatter [tilespmem:s28], [sflag:$0x2], $0x800, $0x38;
	[tilespmem:$0x1D6A0] =	vst v63  }
0x270: {  	_ =	swait.ge [sflag:s29], $0x800  }
0x271: {  	[sflag:s29] =	ssyncset.done $0x0  }
0x272: {  	s13 =	simm.s32 $0x1B710;
	[sflag:s29] =	ssyncadd.s32 $0xFFFFF800  }
0x273: {  	v0 =	vld [tilespmem:s13+$0x0]  }
0x274: {  	v1 =	vld [tilespmem:s13+$0xFFFFFFA0]  }
0x275: {  	v2 =	vld [tilespmem:s13+$0xFFFFFFB0]  }
0x276: {  	v3 =	vld [tilespmem:s13+$0xFFFFFFC0]  }
0x277: {  	v4 =	vld [tilespmem:s13+$0xFFFFFFD0]  }
0x278: {  	v6 =	vld [tilespmem:s13+$0xFFFFFFE0]  }
0x279: {  	v7 =	vld [tilespmem:s13+$0xFFFFFFF0]  }
0x27a: {  	v8 =	vld [tilespmem:s13+$0xFFFFFF90]  }
0x27b: {  	v9 =	vld.idx.msk [tilespmem:v0+s2+$0x0], $0xffff  }
0x27c: {  	v10 =	vld.idx.msk [tilespmem:v1+s2+$0x0], $0xffff  }
0x27d: {  	v5 =	vld.idx.msk [tilespmem:v2+s2+$0x0], $0xffff  }
0x27e: {  	v3 =	vld.idx.msk [tilespmem:v3+s2+$0x0], $0xffff  }
0x27f: {  	v0 =	vld.idx.msk [tilespmem:v4+s2+$0x0], $0xffff  }
0x280: {  	s6 =	simm.s32 $0x1C6E0;
	v1 =	vld.idx.msk [tilespmem:v6+s2+$0x0], $0xffff  }
0x281: {  	v2 =	vld.idx.msk [tilespmem:v7+s2+$0x0], $0xffff;
	[tilespmem:s6+$0x30] =	vst v9  }
0x282: {  	s8 =	simm.s32 $0x0;
	s10 =	simm.s32 $0x1B790;
	v4 =	vld.idx.msk [tilespmem:v8+s2+$0x0], $0xffff;
	[tilespmem:s6+$0xFFFFFFD0] =	vst v10  }
.LBB2_31:
0x283: {  	v6 =	vld [tilespmem:s10+$0x0];
	s8 =	sadd.s32 $0x8, s8;
	[tilespmem:s6+$0xFFFFFFE0] =	vst v5  }
0x284: {  	v5 =	vld [tilespmem:s10+$0xFFFFFFA0];
	p0 =	slt.u32 s8, $0x78;
	[tilespmem:s6+$0xFFFFFFF0] =	vst v3  }
0x285: {  	v3 =	vld [tilespmem:s10+$0xFFFFFFB0];
	[tilespmem:s6+$0x0] =	vst v0  }
0x286: {  	v0 =	vld [tilespmem:s10+$0xFFFFFFC0];
	[tilespmem:s6+$0x10] =	vst v1  }
0x287: {  	v1 =	vld [tilespmem:s10+$0xFFFFFFD0];
	[tilespmem:s6+$0x20] =	vst v2  }
0x288: {  	v2 =	vld [tilespmem:s10+$0xFFFFFFE0];
	[tilespmem:s6+$0xFFFFFFC0] =	vst v4  }
0x289: {  	v4 =	vld [tilespmem:s10+$0xFFFFFFF0]  }
0x28a: {  	v7 =	vld [tilespmem:s10+$0xFFFFFF90]  }
0x28b: {  	v6 =	vld.idx.msk [tilespmem:v6+s2+$0x0], $0xffff  }
0x28c: {  	v8 =	vld.idx.msk [tilespmem:v5+s2+$0x0], $0xffff  }
0x28d: {  	v5 =	vld.idx.msk [tilespmem:v3+s2+$0x0], $0xffff  }
.Ltmp14:
0x28e: {  	v3 =	vld.idx.msk [tilespmem:v0+s2+$0x0], $0xffff;
	(pc) =	sbr.rel @p0 .LBB2_31-.Ltmp14, $4  }
0x28f: {  	v0 =	vld.idx.msk [tilespmem:v1+s2+$0x0], $0xffff  }
0x290: {  	s6 =	sadd.s32 $0x80, s6;
	v1 =	vld.idx.msk [tilespmem:v2+s2+$0x0], $0xffff  }
0x291: {  	v2 =	vld.idx.msk [tilespmem:v4+s2+$0x0], $0xffff;
	[tilespmem:s6+$0x30] =	vst v6  }
0x292: {  	s10 =	sadd.s32 $0x80, s10;
	v4 =	vld.idx.msk [tilespmem:v7+s2+$0x0], $0xffff;
	[tilespmem:s6+$0xFFFFFFD0] =	vst v8  }
0x293: {  	[tilespmem:s6+$0xFFFFFFE0] =	vst v5  }
0x294: {  	[tilespmem:s6+$0xFFFFFFF0] =	vst v3  }
0x295: {  	[tilespmem:s6+$0x0] =	vst v0  }
0x296: {  	[tilespmem:s6+$0x10] =	vst v1  }
0x297: {  	[tilespmem:s6+$0x20] =	vst v2  }
0x298: {  	s10 =	sadd.s32 s1, s18;
	[tilespmem:s6+$0xFFFFFFC0] =	vst v4  }
0x299: {  	[hbm4b:s10+s2] =	stream.linear.scatter [tilespmem:s26], [sflag:$0x1], $0x800, $0x38;
	[tilespmem:$0x1D6A0] =	vst v63  }
0x29a: {  	_ =	swait.ge [sflag:s30], $0x800  }
0x29b: {  	[sflag:s30] =	ssyncset.done $0x0  }
0x29c: {  	s13 =	simm.s32 $0x1BF10;
	[sflag:s30] =	ssyncadd.s32 $0xFFFFF800  }
0x29d: {  	v0 =	vld [tilespmem:s13+$0x0]  }
0x29e: {  	v1 =	vld [tilespmem:s13+$0xFFFFFFA0]  }
0x29f: {  	v2 =	vld [tilespmem:s13+$0xFFFFFFB0]  }
0x2a0: {  	v3 =	vld [tilespmem:s13+$0xFFFFFFC0]  }
0x2a1: {  	v4 =	vld [tilespmem:s13+$0xFFFFFFD0]  }
0x2a2: {  	v6 =	vld [tilespmem:s13+$0xFFFFFFE0]  }
0x2a3: {  	v7 =	vld [tilespmem:s13+$0xFFFFFFF0]  }
0x2a4: {  	v8 =	vld [tilespmem:s13+$0xFFFFFF90]  }
0x2a5: {  	v9 =	vld.idx.msk [tilespmem:v0+s2+$0x0], $0xffff  }
0x2a6: {  	v10 =	vld.idx.msk [tilespmem:v1+s2+$0x0], $0xffff  }
0x2a7: {  	v5 =	vld.idx.msk [tilespmem:v2+s2+$0x0], $0xffff  }
0x2a8: {  	v3 =	vld.idx.msk [tilespmem:v3+s2+$0x0], $0xffff  }
0x2a9: {  	v0 =	vld.idx.msk [tilespmem:v4+s2+$0x0], $0xffff  }
0x2aa: {  	s6 =	simm.s32 $0x1CEE0;
	v1 =	vld.idx.msk [tilespmem:v6+s2+$0x0], $0xffff  }
0x2ab: {  	v2 =	vld.idx.msk [tilespmem:v7+s2+$0x0], $0xffff;
	[tilespmem:s6+$0x30] =	vst v9  }
0x2ac: {  	s8 =	simm.s32 $0x0;
	s10 =	simm.s32 $0x1BF90;
	v4 =	vld.idx.msk [tilespmem:v8+s2+$0x0], $0xffff;
	[tilespmem:s6+$0xFFFFFFD0] =	vst v10  }
.LBB2_33:
0x2ad: {  	v6 =	vld [tilespmem:s10+$0x0];
	s8 =	sadd.s32 $0x8, s8;
	[tilespmem:s6+$0xFFFFFFE0] =	vst v5  }
0x2ae: {  	v5 =	vld [tilespmem:s10+$0xFFFFFFA0];
	p0 =	slt.u32 s8, $0x78;
	[tilespmem:s6+$0xFFFFFFF0] =	vst v3  }
0x2af: {  	v3 =	vld [tilespmem:s10+$0xFFFFFFB0];
	[tilespmem:s6+$0x0] =	vst v0  }
0x2b0: {  	v0 =	vld [tilespmem:s10+$0xFFFFFFC0];
	[tilespmem:s6+$0x10] =	vst v1  }
0x2b1: {  	v1 =	vld [tilespmem:s10+$0xFFFFFFD0];
	[tilespmem:s6+$0x20] =	vst v2  }
0x2b2: {  	v2 =	vld [tilespmem:s10+$0xFFFFFFE0];
	[tilespmem:s6+$0xFFFFFFC0] =	vst v4  }
0x2b3: {  	v4 =	vld [tilespmem:s10+$0xFFFFFFF0]  }
0x2b4: {  	v7 =	vld [tilespmem:s10+$0xFFFFFF90]  }
0x2b5: {  	v6 =	vld.idx.msk [tilespmem:v6+s2+$0x0], $0xffff  }
0x2b6: {  	v8 =	vld.idx.msk [tilespmem:v5+s2+$0x0], $0xffff  }
0x2b7: {  	v5 =	vld.idx.msk [tilespmem:v3+s2+$0x0], $0xffff  }
.Ltmp15:
0x2b8: {  	v3 =	vld.idx.msk [tilespmem:v0+s2+$0x0], $0xffff;
	(pc) =	sbr.rel @p0 .LBB2_33-.Ltmp15, $4  }
0x2b9: {  	v0 =	vld.idx.msk [tilespmem:v1+s2+$0x0], $0xffff  }
0x2ba: {  	s6 =	sadd.s32 $0x80, s6;
	v1 =	vld.idx.msk [tilespmem:v2+s2+$0x0], $0xffff  }
0x2bb: {  	v2 =	vld.idx.msk [tilespmem:v4+s2+$0x0], $0xffff;
	[tilespmem:s6+$0x30] =	vst v6  }
0x2bc: {  	s10 =	sadd.s32 $0x80, s10;
	v4 =	vld.idx.msk [tilespmem:v7+s2+$0x0], $0xffff;
	[tilespmem:s6+$0xFFFFFFD0] =	vst v8  }
0x2bd: {  	[tilespmem:s6+$0xFFFFFFE0] =	vst v5;
	s0 =	sadd.s32 $0x1, s0  }
0x2be: {  	[tilespmem:s6+$0xFFFFFFF0] =	vst v3;
	p0 =	sne.s32 s0, $0xD  }
.Ltmp16:
0x2bf: {  	[tilespmem:s6+$0x0] =	vst v0;
	(pc) =	sbr.rel @p0 .LBB2_18-.Ltmp16, $4  }
0x2c0: {  	[tilespmem:s6+$0x10] =	vst v1  }
0x2c1: {  	[tilespmem:s6+$0x20] =	vst v2  }
0x2c2: {  	s1 =	sadd.s32 s1, s21;
	[tilespmem:s6+$0xFFFFFFC0] =	vst v4  }
0x2c3: {  	[hbm4b:s1+s2] =	stream.linear.scatter [tilespmem:s28], [sflag:$0x2], $0x800, $0x38;
	[tilespmem:$0x1D6A0] =	vst v63  }
0x2c4: {  	s31 =	sadd.s32 $0x1, s31  }
0x2c5: {  	_ =	swait.ge [sflag:s29], $0x800;
	p0 =	sne.s32 s31, s23  }
.Ltmp17:
0x2c6: {  	[sflag:s29] =	ssyncset.done $0x0;
	(pc) =	sbr.rel @p0 .LBB2_1-.Ltmp17, $4  }
0x2c7: {  	[sflag:s29] =	ssyncadd.s32 $0xFFFFF800  }
0x2c8: {  	_ =	swait.ge [sflag:s30], $0x800  }
0x2c9: {  	[sflag:s30] =	ssyncset.done $0x0  }
0x2ca: {  	[sflag:s30] =	ssyncadd.s32 $0xFFFFF800  }
0x2cb: {  	_ =	sfence.sel $0x180000  }
0x2cc: {  	[bflag:$0x0] =	sbarrier.arrive $0xFFFF  }
0x2cd: {  	_ =	strace $0x9000004A  }
0x2ce: {  	s0 =	stileid.u32;
	[bflag:$0x2] =	sbarrier.arrive $0xFFFF  }
0x2cf: {  	p0 =	sne.s32 s0, $0x0;
	s0 =	rddreg [dreg:$0x2]  }
0x2d0: {  	s0 =	sadd.s32 @!p0 $0x100000, s0  }
0x2d1: {  	[sflag:s0] =	ssyncadd.tile.s32 @!p0 $0x1;
	_ =	shalt  }
.Lfunc_end2:
_tile_overlayer_lowered:
.L_overlay_start_2:
0x2d2: {  	(tag) =	ssettag $0x2  }
0x2d3: {  	s0 =	rddreg [dreg:$0x0];
	s2 =	stileid.u32  }
0x2d4: {  	s1 =	rddreg [dreg:$0x1];
	p0 =	sne.s32 s2, $0x0  }
0x2d5: {  	s3 =	rddreg [dreg:$0x2];
	[bflag:$0x3] =	sbarrier.arrive $0xFFFF;
	s2 =	simm.s32 @!p0 $0x1C03  }
0x2d6: {  	[timem:s3], [sflag:s2] =	dma.local @!p0 [hbm:s0], s1  }
0x2d7: {  	s0 =	simm.s32 @!p0 $0x3  }
0x2d8: {  	_ =	swait.ge @!p0 [sflag:s0], s1  }
0x2d9: {  	s1 =	ssub.s32 @!p0 $0x0, s1;
	[sflag:s0] =	ssyncset.done @!p0 $0x0  }
0x2da: {  	[sflag:s0] =	ssyncadd.s32 @!p0 s1  }
0x2db: {  	[bflag:$0x3] =	sbarrier.arrive $0xFFFF  }
0x2dc: {  	_ =	shalt  }

</sc_bundles>
